<compile_context>
chip_gen: v7x
topology: tpu7x:2x2x1
jax: 0.10.2.dev20260603
libtpu: 0.0.44.dev20260713+nightly
codegen_flags: <defaults>
</compile_context>

<pallas_src>
import jax
import jax.numpy as jnp
from jax import lax
from jax.experimental import pallas as pl
from jax.experimental.pallas import tpu as pltpu
import jax.experimental.pallas.tpu_sc as plsc

NC = 2
NS = 16
NW = NC * NS
L = 16


def _worker_id():
    return lax.axis_index("c") * NS + lax.axis_index("s")


def kernel(h, action, policy, edge_index, W_fc, W_attn):
    N, IN_DIM = h.shape
    D = action.shape[1]
    E = edge_index.shape[1]
    f32 = jnp.float32

    src = edge_index[0].astype(jnp.int32)
    dst = edge_index[1].astype(jnp.int32)

    EPW = E // NW
    CHA = 2000
    DSPAN = 1000
    ZCH = 40
    assert E % NW == 0 and EPW % CHA == 0
    assert N % DSPAN == 0 and DSPAN % ZCH == 0 and N // DSPAN <= NS and N % L == 0

    a1 = W_attn[0, :D]
    a2 = W_attn[0, D:]
    Ap = jnp.zeros((D, 128), f32).at[:, 0].set(a1).at[:, 1].set(a2)
    Wt = W_fc.T

    BLK = 1000

    def _pre(h_ref, act_ref, pol_ref, Wt_ref, Ap_ref, S_ref, T_ref):
        U = jnp.dot(Wt_ref[...], Ap_ref[...], preferred_element_type=f32)
        S_ref[...] = jnp.dot(h_ref[...], U, preferred_element_type=f32)
        p = pol_ref[...]
        d = act_ref[...] - p
        pu = lax.convert_element_type(
            lax.bitcast_convert_type(p.astype(jnp.bfloat16), jnp.uint16), jnp.uint32)
        du = lax.convert_element_type(
            lax.bitcast_convert_type(d.astype(jnp.bfloat16), jnp.uint16), jnp.uint32)
        T_ref[...] = (du << 16) | pu

    S_pad, T = pl.pallas_call(
        _pre,
        grid=(N // BLK,),
        in_specs=[
            pl.BlockSpec((BLK, IN_DIM), lambda i: (i, 0)),
            pl.BlockSpec((BLK, D), lambda i: (i, 0)),
            pl.BlockSpec((BLK, D), lambda i: (i, 0)),
            pl.BlockSpec((IN_DIM, 128), lambda i: (0, 0)),
            pl.BlockSpec((128, 128), lambda i: (0, 0)),
        ],
        out_specs=[
            pl.BlockSpec((BLK, 128), lambda i: (i, 0)),
            pl.BlockSpec((BLK, D), lambda i: (i, 0)),
        ],
        out_shape=[
            jax.ShapeDtypeStruct((N, 128), f32),
            jax.ShapeDtypeStruct((N, D), jnp.uint32),
        ],
    )(h, action, policy, Wt, Ap)
    s1 = S_pad[:, 0]
    s2 = S_pad[:, 1]

    mesh = plsc.VectorSubcoreMesh(core_axis_name="c", subcore_axis_name="s")

    WMAX = 5
    assert (CHA // L) % WMAX == 0

    def _edge_stats(src_hbm, dst_hbm, s1_hbm, s2_hbm, e_hbm, parts_hbm,
                    s1_v, s2_v, t0, t1, t2, t3, t4, src_c, dst_c, e_c):
        tabs = [t0, t1, t2, t3, t4]
        wid = _worker_id()
        base = wid * EPW
        pltpu.sync_copy(s1_hbm, s1_v)
        pltpu.sync_copy(s2_hbm, s2_v)

        @plsc.parallel_loop(0, N // L, unroll=4)
        def init(i):
            for t in range(WMAX):
                tabs[t][pl.ds(i * L, L)] = jnp.full((L,), -1e30, f32)

        def chunk(k, _):
            off = base + k * CHA
            pltpu.sync_copy(src_hbm.at[pl.ds(off, CHA)], src_c)
            pltpu.sync_copy(dst_hbm.at[pl.ds(off, CHA)], dst_c)

            @plsc.parallel_loop(0, CHA // L, unroll=4)
            def egrp(j):
                s16 = src_c[pl.ds(j * L, L)]
                d16 = dst_c[pl.ds(j * L, L)]
                e16 = plsc.load_gather(s1_v, [s16]) + plsc.load_gather(s2_v, [d16])
                e16 = jnp.where(e16 >= 0, e16, e16 * f32(0.01))
                e_c[pl.ds(j * L, L)] = e16

            def sgrp(g, _):
                ds_ = [dst_c[pl.ds((g * WMAX + t) * L, L)] for t in range(WMAX)]
                es = [e_c[pl.ds((g * WMAX + t) * L, L)] for t in range(WMAX)]

                def cond(pend):
                    m = pend[0]
                    for t in range(1, WMAX):
                        m = m | pend[t]
                    return jnp.any(m)

                def body(pend):
                    out = []
                    for t in range(WMAX):
                        cur = plsc.load_gather(tabs[t], [ds_[t]])
                        p = pend[t] & (es[t] > cur)
                        plsc.store_scatter(tabs[t], [ds_[t]], es[t], mask=p)
                        out.append(p)
                    return tuple(out)
                lax.while_loop(cond, body, (jnp.ones((L,), jnp.bool_),) * WMAX)
                return 0
            lax.fori_loop(0, CHA // (L * WMAX), sgrp, 0)
            pltpu.sync_copy(e_c, e_hbm.at[pl.ds(off, CHA)])
            return 0
        lax.fori_loop(0, EPW // CHA, chunk, 0)

        @plsc.parallel_loop(0, N // L, unroll=4)
        def merge(i):
            m = tabs[0][pl.ds(i * L, L)]
            for t in range(1, WMAX):
                m = jnp.maximum(m, tabs[t][pl.ds(i * L, L)])
            tabs[0][pl.ds(i * L, L)] = m
        pltpu.sync_copy(t0, parts_hbm.at[wid])

    e_arr, emax_parts = pl.kernel(
        _edge_stats,
        out_type=[
            jax.ShapeDtypeStruct((E,), f32),
            jax.ShapeDtypeStruct((NW, N), f32),
        ],
        mesh=mesh,
        compiler_params=pltpu.CompilerParams(needs_layout_passes=False),
        scratch_types=[
            pltpu.VMEM((N,), f32),
            pltpu.VMEM((N,), f32),
            pltpu.VMEM((N,), f32),
            pltpu.VMEM((N,), f32),
            pltpu.VMEM((N,), f32),
            pltpu.VMEM((N,), f32),
            pltpu.VMEM((N,), f32),
            pltpu.VMEM((CHA,), jnp.int32),
            pltpu.VMEM((CHA,), jnp.int32),
            pltpu.VMEM((CHA,), f32),
        ],
    )(src, dst, s1, s2)

    emax = pl.pallas_call(
        lambda p_ref, o_ref: o_ref.__setitem__(..., jnp.max(p_ref[...], axis=0)),
        out_shape=jax.ShapeDtypeStruct((N,), f32),
    )(emax_parts)

    def _edge_exp(dst_hbm, e_hbm, emax_hbm, ex_hbm, parts_hbm,
                  emax_v, den_v, dst_c, e_c, ex_c):
        wid = _worker_id()
        base = wid * EPW
        pltpu.sync_copy(emax_hbm, emax_v)

        def init(i, _):
            den_v[pl.ds(i * L, L)] = jnp.zeros((L,), f32)
            return 0
        lax.fori_loop(0, N // L, init, 0)

        def chunk(k, _):
            off = base + k * CHA
            pltpu.sync_copy(dst_hbm.at[pl.ds(off, CHA)], dst_c)
            pltpu.sync_copy(e_hbm.at[pl.ds(off, CHA)], e_c)

            @plsc.parallel_loop(0, CHA // L, unroll=4)
            def grp(j):
                d16 = dst_c[pl.ds(j * L, L)]
                e16 = e_c[pl.ds(j * L, L)]
                m16 = plsc.load_gather(emax_v, [d16])
                ex16 = jnp.exp(e16 - m16)
                ex_c[pl.ds(j * L, L)] = ex16
                plsc.addupdate_scatter(den_v, [d16], ex16)
            pltpu.sync_copy(ex_c, ex_hbm.at[pl.ds(off, CHA)])
            return 0
        lax.fori_loop(0, EPW // CHA, chunk, 0)
        pltpu.sync_copy(den_v, parts_hbm.at[wid])

    ex_arr, den_parts = pl.kernel(
        _edge_exp,
        out_type=[
            jax.ShapeDtypeStruct((E,), f32),
            jax.ShapeDtypeStruct((NW, N), f32),
        ],
        mesh=mesh,
        compiler_params=pltpu.CompilerParams(needs_layout_passes=False),
        scratch_types=[
            pltpu.VMEM((N,), f32),
            pltpu.VMEM((N,), f32),
            pltpu.VMEM((CHA,), jnp.int32),
            pltpu.VMEM((CHA,), f32),
            pltpu.VMEM((CHA,), f32),
        ],
    )(dst, e_arr, emax)

    denom = pl.pallas_call(
        lambda p_ref, o_ref: o_ref.__setitem__(..., jnp.sum(p_ref[...], axis=0)),
        out_shape=jax.ShapeDtypeStruct((N,), f32),
    )(den_parts)

    def _alpha(dst_hbm, ex_hbm, den_hbm, al_hbm, den_v, dst_c, ex_c, al_c):
        wid = _worker_id()
        base = wid * EPW
        pltpu.sync_copy(den_hbm, den_v)

        def chunk(k, _):
            off = base + k * CHA
            pltpu.sync_copy(dst_hbm.at[pl.ds(off, CHA)], dst_c)
            pltpu.sync_copy(ex_hbm.at[pl.ds(off, CHA)], ex_c)

            @plsc.parallel_loop(0, CHA // L, unroll=4)
            def grp(j):
                d16 = dst_c[pl.ds(j * L, L)]
                ex16 = ex_c[pl.ds(j * L, L)]
                dn16 = plsc.load_gather(den_v, [d16])
                al_c[pl.ds(j * L, L)] = ex16 / (dn16 + f32(1e-9))
            pltpu.sync_copy(al_c, al_hbm.at[pl.ds(off, CHA)])
            return 0
        lax.fori_loop(0, EPW // CHA, chunk, 0)

    alpha = pl.kernel(
        _alpha,
        out_type=jax.ShapeDtypeStruct((E,), f32),
        mesh=mesh,
        compiler_params=pltpu.CompilerParams(needs_layout_passes=False),
        scratch_types=[
            pltpu.VMEM((N,), f32),
            pltpu.VMEM((CHA,), jnp.int32),
            pltpu.VMEM((CHA,), f32),
            pltpu.VMEM((CHA,), f32),
        ],
    )(dst, ex_arr, denom)

    HC = 80
    BLKE = 2000
    UPB = BLKE // HC
    assert BLKE % HC == 0 and UPB % 2 == 1 and EPW % BLKE == 0
    dst3 = dst.reshape(E // BLKE, UPB, HC)

    def _aggregate(src_hbm, dst3_hbm, al_hbm, T_hbm, out_hbm,
                   src_b, dst_b, al_b, rows0, rows1, m0, m1, acc,
                   sem0, sem1, sems0, sems1):
        cid = lax.axis_index("c")
        sid = lax.axis_index("s")
        wid = cid * NS + sid
        base = wid * EPW

        def zinit(i, _):
            for b in range(D // L):
                m0[i, pl.ds(b * L, L)] = jnp.zeros((L,), f32)
            return 0
        lax.fori_loop(0, HC, zinit, 0)

        @pl.when(sid < N // DSPAN)
        def _zero():
            for k in range(DSPAN // ZCH):
                r0 = pl.multiple_of(sid * DSPAN + k * ZCH, 8)
                pltpu.sync_copy(m0.at[pl.ds(0, ZCH)], acc.at[pl.ds(r0, ZCH)])
        plsc.subcore_barrier()

        def _gather(u, rows, sem):
            off = pl.multiple_of(u * HC, 8)
            return pltpu.async_copy(T_hbm.at[src_b.at[pl.ds(off, HC)]], rows, sem)

        def _drain(u, rows, sem):
            off = pl.multiple_of(u * HC, 8)
            pltpu.make_async_copy(T_hbm.at[src_b.at[pl.ds(off, HC)]], rows, sem).wait()

        def _consume(u, rows, m_v, sems, first):
            jbase = u * HC

            @pl.when(jnp.logical_not(first))
            def _wait_prev():
                pltpu.make_async_copy(m_v, acc.at[dst_b.at[u]], sems).wait()

            @plsc.parallel_loop(0, HC, unroll=4)
            def _edges(i):
                al = plsc.load_gather(al_b, [jnp.broadcast_to(jbase + i, (L,))])
                for b in range(D // L):
                    pd = plsc.bitcast(rows[i, pl.ds(b * L, L)], jnp.bfloat16)
                    p16, d16 = plsc.unpack(pd, format=plsc.PackFormat.INTERLEAVED,
                                           preferred_element_type=f32)
                    m_v[i, pl.ds(b * L, L)] = p16 + al * d16
            pltpu.async_copy(m_v, acc.at[dst_b.at[u]], sems, add=True)

        def block(bk, _):
            eoff = base + bk * BLKE
            gblk = wid * (EPW // BLKE) + bk
            pltpu.sync_copy(src_hbm.at[pl.ds(eoff, BLKE)], src_b)
            pltpu.sync_copy(dst3_hbm.at[gblk], dst_b)
            pltpu.sync_copy(al_hbm.at[pl.ds(eoff, BLKE)], al_b)
            _gather(0, rows0, sem0)

            def pair(k, _):
                first = jnp.logical_and(bk == 0, k == 0)
                _gather(2 * k + 1, rows1, sem1)
                _drain(2 * k, rows0, sem0)
                _consume(2 * k, rows0, m0, sems0, first)
                _gather(2 * k + 2, rows0, sem0)
                _drain(2 * k + 1, rows1, sem1)
                _consume(2 * k + 1, rows1, m1, sems1, first)
                return 0
            lax.fori_loop(0, (UPB - 1) // 2, pair, 0)
            _drain(UPB - 1, rows0, sem0)
            _consume(UPB - 1, rows0, m0, sems0, jnp.bool_(False))
            return 0
        lax.fori_loop(0, EPW // BLKE, block, 0)
        pltpu.make_async_copy(m0, acc.at[dst_b.at[0]], sems0).wait()
        pltpu.make_async_copy(m1, acc.at[dst_b.at[0]], sems1).wait()
        plsc.subcore_barrier()

        @pl.when(sid < N // DSPAN)
        def _dump():
            r0 = pl.multiple_of(sid * DSPAN, 8)
            pltpu.sync_copy(acc.at[pl.ds(r0, DSPAN)], out_hbm.at[cid, pl.ds(r0, DSPAN)])

    out_parts = pl.kernel(
        _aggregate,
        out_type=jax.ShapeDtypeStruct((NC, N, D), f32),
        mesh=mesh,
        compiler_params=pltpu.CompilerParams(needs_layout_passes=False),
        scratch_types=[
            pltpu.VMEM((BLKE,), jnp.int32),
            pltpu.VMEM((UPB, HC), jnp.int32),
            pltpu.VMEM((BLKE,), f32),
            pltpu.VMEM((HC, D), jnp.uint32),
            pltpu.VMEM((HC, D), jnp.uint32),
            pltpu.VMEM((HC, D), f32),
            pltpu.VMEM((HC, D), f32),
            pltpu.VMEM_SHARED((N, D), f32),
            pltpu.SemaphoreType.DMA,
            pltpu.SemaphoreType.DMA,
            pltpu.SemaphoreType.DMA,
            pltpu.SemaphoreType.DMA,
        ],
    )(src, dst3, alpha, T)

    out = pl.pallas_call(
        lambda p_ref, o_ref: o_ref.__setitem__(..., p_ref[0] + p_ref[1]),
        out_shape=jax.ShapeDtypeStruct((N, D), f32),
    )(out_parts)
    return out

# --- scband reference (transcript-rebuilt; emitter-appended) ---
"""Pipeline reference for scband-gatlayer-82970178224598 (READ-ONLY COPY).

The authoritative reference and input builder live on the scoring server;
editing this copy changes nothing except your own understanding.
"""

import jax, jax.numpy as jnp
import numpy as np

N_NODES = 10000
N_EDGES = 320000
IN_DIM = 128
OUT_DIM = 128


def setup_inputs(seed: int = 0) -> dict:
    key = jax.random.key(seed)
    k1, k2, k3, k4, k5, k6 = jax.random.split(key, 6)
    h = jax.random.normal(k1, (N_NODES, IN_DIM), dtype=jnp.float32)
    action = jax.random.normal(k2, (N_NODES, OUT_DIM), dtype=jnp.float32)
    policy = jax.random.normal(k3, (N_NODES, OUT_DIM), dtype=jnp.float32)
    edge_index = jax.random.randint(k4, (2, N_EDGES), 0, N_NODES, dtype=jnp.int64 if jax.config.read('jax_enable_x64') else jnp.int32)
    # learned params (xavier-normal with relu gain, matching reset_parameters)
    gain = float(np.sqrt(2.0))
    std_fc = gain * np.sqrt(2.0 / (IN_DIM + OUT_DIM))
    std_attn = gain * np.sqrt(2.0 / (2 * OUT_DIM + 1))
    W_fc = jax.random.normal(k5, (OUT_DIM, IN_DIM), dtype=jnp.float32) * std_fc
    W_attn = jax.random.normal(k6, (1, 2 * OUT_DIM), dtype=jnp.float32) * std_attn
    return {"h": h, "action": action, "policy": policy, "edge_index": edge_index,
            "W_fc": W_fc, "W_attn": W_attn}


def reference(h, action, policy, edge_index, W_fc, W_attn):
    src = edge_index[0]
    dst = edge_index[1]
    n = h.shape[0]
    # z = self.fc(h)
    z = h @ W_fc.T
    # edge_attention: e = leaky_relu(attn_fc(cat([z_src, z_dst], dim=1)))
    feat = jnp.concatenate([jnp.take(z, src, axis=0), jnp.take(z, dst, axis=0)], axis=1)
    e = jax.nn.leaky_relu(feat @ W_attn.T)  # [E, 1], slope 0.01 like torch default
    # reduce: alpha = softmax(mailbox e, over incoming edges per dst node)
    e_max = jax.ops.segment_max(e, dst, num_segments=n)
    e_max = jnp.where(jnp.isfinite(e_max), e_max, 0.0)
    e_exp = jnp.exp(e - jnp.take(e_max, dst, axis=0))
    denom = jax.ops.segment_sum(e_exp, dst, num_segments=n)
    alpha = e_exp / (jnp.take(denom, dst, axis=0) + 1e-9)  # [E, 1]
    # z = alpha * action + (1 - alpha) * policy, aggregated per dst node
    m = alpha * jnp.take(action, src, axis=0) + (1.0 - alpha) * jnp.take(policy, src, axis=0)
    out = jax.ops.segment_sum(m, dst, num_segments=n)  # [N, OUT_DIM]
    return out

if __name__ == "__main__":
    import jax
    _d = setup_inputs()
    print(jax.jit(kernel)(*tuple(_d.values())))

</pallas_src>

<mosaic_0001>
#map = affine_map<(d0, d1) -> (0)>
#map1 = affine_map<(d0, d1) -> (0, 0)>
module attributes {stable_mosaic.version = 14 : i64} {
  func.func @_edge_stats(%arg0: i32, %arg1: i32, %arg2: memref<320000xi32, #tpu.memory_space<hbm>>, %arg3: memref<320000xi32, #tpu.memory_space<hbm>>, %arg4: memref<10000xf32, #tpu.memory_space<hbm>>, %arg5: memref<10000xf32, #tpu.memory_space<hbm>>, %arg6: memref<320000xf32, #tpu.memory_space<hbm>>, %arg7: memref<32x10000xf32, #tpu.memory_space<hbm>>, %arg8: memref<10000xf32, #tpu.memory_space<vmem>>, %arg9: memref<10000xf32, #tpu.memory_space<vmem>>, %arg10: memref<10000xf32, #tpu.memory_space<vmem>>, %arg11: memref<10000xf32, #tpu.memory_space<vmem>>, %arg12: memref<10000xf32, #tpu.memory_space<vmem>>, %arg13: memref<10000xf32, #tpu.memory_space<vmem>>, %arg14: memref<10000xf32, #tpu.memory_space<vmem>>, %arg15: memref<2000xi32, #tpu.memory_space<vmem>>, %arg16: memref<2000xi32, #tpu.memory_space<vmem>>, %arg17: memref<2000xf32, #tpu.memory_space<vmem>>) attributes {dimension_semantics = [#tpu.dimension_semantics<core_parallel>, #tpu.dimension_semantics<subcore_parallel>], iteration_bounds = array<i64: 2, 16>, scalar_prefetch = 0 : i64, scratch_operands = 10 : i64, tpu.core_type = #tpu.core_type<sc_vector_subcore>, window_params = [{transform_indices = #map}, {transform_indices = #map}, {transform_indices = #map}, {transform_indices = #map}, {transform_indices = #map}, {transform_indices = #map1}]} {
    %mul3A = arith.constant 16 : i32
    %mul3A_0 = arith.muli %arg0, %mul3A : i32
    %add3A = arith.addi %mul3A_0, %arg1 : i32
    %mul3A_1 = arith.constant 10000 : i32
    %mul3A_2 = arith.muli %add3A, %mul3A_1 : i32
    "tpu.region"() ({
      %run_scoped3A = tpu.sem_alloc : memref<!tpu.dma_semaphore, #tpu.memory_space<semaphore_mem>>
      tpu.enqueue_dma source(%arg4 : memref<10000xf32, #tpu.memory_space<hbm>>) target(%arg8 : memref<10000xf32, #tpu.memory_space<vmem>>) target_semaphore(%run_scoped3A : memref<!tpu.dma_semaphore, #tpu.memory_space<semaphore_mem>>)
      tpu.wait_dma2 semaphore(%run_scoped3A : memref<!tpu.dma_semaphore, #tpu.memory_space<semaphore_mem>>) src(%arg4 : memref<10000xf32, #tpu.memory_space<hbm>>) dst(%arg8 : memref<10000xf32, #tpu.memory_space<vmem>>)
      tpu.yield
    }) : () -> ()
    "tpu.region"() ({
      %run_scoped3A = tpu.sem_alloc : memref<!tpu.dma_semaphore, #tpu.memory_space<semaphore_mem>>
      tpu.enqueue_dma source(%arg5 : memref<10000xf32, #tpu.memory_space<hbm>>) target(%arg9 : memref<10000xf32, #tpu.memory_space<vmem>>) target_semaphore(%run_scoped3A : memref<!tpu.dma_semaphore, #tpu.memory_space<semaphore_mem>>)
      tpu.wait_dma2 semaphore(%run_scoped3A : memref<!tpu.dma_semaphore, #tpu.memory_space<semaphore_mem>>) src(%arg5 : memref<10000xf32, #tpu.memory_space<hbm>>) dst(%arg9 : memref<10000xf32, #tpu.memory_space<vmem>>)
      tpu.yield
    }) : () -> ()
    %parallel_loop3A = arith.constant 0 : i32
    %parallel_loop3A_3 = arith.constant 625 : i32
    %parallel_loop3A_4 = arith.constant 1 : i32
    scf.for %parallel_loop3A_14 = %parallel_loop3A to %parallel_loop3A_3 step %parallel_loop3A_4  : i32 {
      %parallel_loop3A_15 = arith.constant -1.000000e+30 : f32
      %parallel_loop3A_16 = vector.broadcast %parallel_loop3A_15 : f32 to vector<16xf32>
      %parallel_loop3A_17 = arith.constant 16 : i32
      %parallel_loop3A_18 = arith.muli %parallel_loop3A_14, %parallel_loop3A_17 : i32
      %parallel_loop3A_19 = arith.index_cast %parallel_loop3A_18 : i32 to index
      %parallel_loop3A_20 = tpu.vector_load %arg10[%parallel_loop3A_19] {strides = array<i32>} : memref<10000xf32, #tpu.memory_space<vmem>>, vector<16xf32>,
      tpu.vector_store %arg10[%parallel_loop3A_19], %parallel_loop3A_16 {strides = array<i32>} : memref<10000xf32, #tpu.memory_space<vmem>>, vector<16xf32>,
      %parallel_loop3A_21 = arith.constant -1.000000e+30 : f32
      %parallel_loop3A_22 = vector.broadcast %parallel_loop3A_21 : f32 to vector<16xf32>
      %parallel_loop3A_23 = arith.constant 16 : i32
      %parallel_loop3A_24 = arith.muli %parallel_loop3A_14, %parallel_loop3A_23 : i32
      %parallel_loop3A_25 = arith.index_cast %parallel_loop3A_24 : i32 to index
      %parallel_loop3A_26 = tpu.vector_load %arg11[%parallel_loop3A_25] {strides = array<i32>} : memref<10000xf32, #tpu.memory_space<vmem>>, vector<16xf32>,
      tpu.vector_store %arg11[%parallel_loop3A_25], %parallel_loop3A_22 {strides = array<i32>} : memref<10000xf32, #tpu.memory_space<vmem>>, vector<16xf32>,
      %parallel_loop3A_27 = arith.constant -1.000000e+30 : f32
      %parallel_loop3A_28 = vector.broadcast %parallel_loop3A_27 : f32 to vector<16xf32>
      %parallel_loop3A_29 = arith.constant 16 : i32
      %parallel_loop3A_30 = arith.muli %parallel_loop3A_14, %parallel_loop3A_29 : i32
      %parallel_loop3A_31 = arith.index_cast %parallel_loop3A_30 : i32 to index
      %parallel_loop3A_32 = tpu.vector_load %arg12[%parallel_loop3A_31] {strides = array<i32>} : memref<10000xf32, #tpu.memory_space<vmem>>, vector<16xf32>,
      tpu.vector_store %arg12[%parallel_loop3A_31], %parallel_loop3A_28 {strides = array<i32>} : memref<10000xf32, #tpu.memory_space<vmem>>, vector<16xf32>,
      %parallel_loop3A_33 = arith.constant -1.000000e+30 : f32
      %parallel_loop3A_34 = vector.broadcast %parallel_loop3A_33 : f32 to vector<16xf32>
      %parallel_loop3A_35 = arith.constant 16 : i32
      %parallel_loop3A_36 = arith.muli %parallel_loop3A_14, %parallel_loop3A_35 : i32
      %parallel_loop3A_37 = arith.index_cast %parallel_loop3A_36 : i32 to index
      %parallel_loop3A_38 = tpu.vector_load %arg13[%parallel_loop3A_37] {strides = array<i32>} : memref<10000xf32, #tpu.memory_space<vmem>>, vector<16xf32>,
      tpu.vector_store %arg13[%parallel_loop3A_37], %parallel_loop3A_34 {strides = array<i32>} : memref<10000xf32, #tpu.memory_space<vmem>>, vector<16xf32>,
      %parallel_loop3A_39 = arith.constant -1.000000e+30 : f32
      %parallel_loop3A_40 = vector.broadcast %parallel_loop3A_39 : f32 to vector<16xf32>
      %parallel_loop3A_41 = arith.constant 16 : i32
      %parallel_loop3A_42 = arith.muli %parallel_loop3A_14, %parallel_loop3A_41 : i32
      %parallel_loop3A_43 = arith.index_cast %parallel_loop3A_42 : i32 to index
      %parallel_loop3A_44 = tpu.vector_load %arg14[%parallel_loop3A_43] {strides = array<i32>} : memref<10000xf32, #tpu.memory_space<vmem>>, vector<16xf32>,
      tpu.vector_store %arg14[%parallel_loop3A_43], %parallel_loop3A_40 {strides = array<i32>} : memref<10000xf32, #tpu.memory_space<vmem>>, vector<16xf32>,
    } {sc.loop_unroll_factor = 4 : i64, sc.parallel_access}
    %scan3A = arith.constant 0 : i32
    %scan3A_5 = arith.constant 0 : i32
    %scan3A_6 = arith.constant 5 : i32
    %scan3A_7 = arith.addi %scan3A_5, %scan3A_6 : i32
    %scan3A_8 = arith.constant 1 : i32
    %scan3A_9 = scf.for %scan3A_14 = %scan3A_5 to %scan3A_7 step %scan3A_8 iter_args(%scan3A_15 = %scan3A) -> (i32)  : i32 {
      %mul3A_16 = arith.constant 2000 : i32
      %mul3A_17 = arith.muli %scan3A_14, %mul3A_16 : i32
      %add3A_18 = arith.addi %mul3A_2, %mul3A_17 : i32
      "tpu.region"() ({
        %run_scoped3A = tpu.sem_alloc : memref<!tpu.dma_semaphore, #tpu.memory_space<semaphore_mem>>
        %dma_start3A = tpu.memref_slice %arg2[%add3A_18] : memref<320000xi32, #tpu.memory_space<hbm>> -> memref<2000xi32, #tpu.memory_space<hbm>>
        %dma_start3A_30 = tpu.memref_slice %arg2[%add3A_18] : memref<320000xi32, #tpu.memory_space<hbm>> -> memref<2000xi32, #tpu.memory_space<hbm>>
        tpu.enqueue_dma source(%dma_start3A_30 : memref<2000xi32, #tpu.memory_space<hbm>>) target(%arg15 : memref<2000xi32, #tpu.memory_space<vmem>>) target_semaphore(%run_scoped3A : memref<!tpu.dma_semaphore, #tpu.memory_space<semaphore_mem>>)
        %dma_wait3A = tpu.memref_slice %arg2[%add3A_18] : memref<320000xi32, #tpu.memory_space<hbm>> -> memref<2000xi32, #tpu.memory_space<hbm>>
        %dma_wait3A_31 = tpu.memref_slice %arg2[%add3A_18] : memref<320000xi32, #tpu.memory_space<hbm>> -> memref<2000xi32, #tpu.memory_space<hbm>>
        tpu.wait_dma2 semaphore(%run_scoped3A : memref<!tpu.dma_semaphore, #tpu.memory_space<semaphore_mem>>) src(%dma_wait3A_31 : memref<2000xi32, #tpu.memory_space<hbm>>) dst(%arg15 : memref<2000xi32, #tpu.memory_space<vmem>>)
        tpu.yield
      }) : () -> ()
      "tpu.region"() ({
        %run_scoped3A = tpu.sem_alloc : memref<!tpu.dma_semaphore, #tpu.memory_space<semaphore_mem>>
        %dma_start3A = tpu.memref_slice %arg3[%add3A_18] : memref<320000xi32, #tpu.memory_space<hbm>> -> memref<2000xi32, #tpu.memory_space<hbm>>
        %dma_start3A_30 = tpu.memref_slice %arg3[%add3A_18] : memref<320000xi32, #tpu.memory_space<hbm>> -> memref<2000xi32, #tpu.memory_space<hbm>>
        tpu.enqueue_dma source(%dma_start3A_30 : memref<2000xi32, #tpu.memory_space<hbm>>) target(%arg16 : memref<2000xi32, #tpu.memory_space<vmem>>) target_semaphore(%run_scoped3A : memref<!tpu.dma_semaphore, #tpu.memory_space<semaphore_mem>>)
        %dma_wait3A = tpu.memref_slice %arg3[%add3A_18] : memref<320000xi32, #tpu.memory_space<hbm>> -> memref<2000xi32, #tpu.memory_space<hbm>>
        %dma_wait3A_31 = tpu.memref_slice %arg3[%add3A_18] : memref<320000xi32, #tpu.memory_space<hbm>> -> memref<2000xi32, #tpu.memory_space<hbm>>
        tpu.wait_dma2 semaphore(%run_scoped3A : memref<!tpu.dma_semaphore, #tpu.memory_space<semaphore_mem>>) src(%dma_wait3A_31 : memref<2000xi32, #tpu.memory_space<hbm>>) dst(%arg16 : memref<2000xi32, #tpu.memory_space<vmem>>)
        tpu.yield
      }) : () -> ()
      %parallel_loop3A_19 = arith.constant 0 : i32
      %parallel_loop3A_20 = arith.constant 125 : i32
      %parallel_loop3A_21 = arith.constant 1 : i32
      scf.for %parallel_loop3A_30 = %parallel_loop3A_19 to %parallel_loop3A_20 step %parallel_loop3A_21  : i32 {
        %parallel_loop3A_31 = arith.constant 16 : i32
        %parallel_loop3A_32 = arith.muli %parallel_loop3A_30, %parallel_loop3A_31 : i32
        %parallel_loop3A_33 = arith.index_cast %parallel_loop3A_32 : i32 to index
        %parallel_loop3A_34 = tpu.vector_load %arg15[%parallel_loop3A_33] {strides = array<i32>} : memref<2000xi32, #tpu.memory_space<vmem>>, vector<16xi32>,
        %parallel_loop3A_35 = arith.constant 16 : i32
        %parallel_loop3A_36 = arith.muli %parallel_loop3A_30, %parallel_loop3A_35 : i32
        %parallel_loop3A_37 = arith.index_cast %parallel_loop3A_36 : i32 to index
        %parallel_loop3A_38 = tpu.vector_load %arg16[%parallel_loop3A_37] {strides = array<i32>} : memref<2000xi32, #tpu.memory_space<vmem>>, vector<16xi32>,
        %parallel_loop3A_39 = tpu.vector_load_idx %arg8[%parallel_loop3A_34] : memref<10000xf32, #tpu.memory_space<vmem>>[vector<16xi32>], vector<16xf32>,
        %parallel_loop3A_40 = tpu.vector_load_idx %arg9[%parallel_loop3A_38] : memref<10000xf32, #tpu.memory_space<vmem>>[vector<16xi32>], vector<16xf32>,
        %parallel_loop3A_41 = arith.addf %parallel_loop3A_39, %parallel_loop3A_40 : vector<16xf32>
        %parallel_loop3A_42 = arith.constant 0.000000e+00 : f32
        %parallel_loop3A_43 = vector.broadcast %parallel_loop3A_42 : f32 to vector<16xf32>
        %parallel_loop3A_44 = arith.cmpf oge, %parallel_loop3A_41, %parallel_loop3A_43 : vector<16xf32>
        %parallel_loop3A_45 = arith.constant 0.00999999977 : f32
        %parallel_loop3A_46 = vector.broadcast %parallel_loop3A_45 : f32 to vector<16xf32>
        %parallel_loop3A_47 = arith.mulf %parallel_loop3A_41, %parallel_loop3A_46 : vector<16xf32>
        %parallel_loop3A_48 = arith.select %parallel_loop3A_44, %parallel_loop3A_41, %parallel_loop3A_47 : vector<16xi1>, vector<16xf32>
        %parallel_loop3A_49 = arith.constant 16 : i32
        %parallel_loop3A_50 = arith.muli %parallel_loop3A_30, %parallel_loop3A_49 : i32
        %parallel_loop3A_51 = arith.index_cast %parallel_loop3A_50 : i32 to index
        %parallel_loop3A_52 = tpu.vector_load %arg17[%parallel_loop3A_51] {strides = array<i32>} : memref<2000xf32, #tpu.memory_space<vmem>>, vector<16xf32>,
        tpu.vector_store %arg17[%parallel_loop3A_51], %parallel_loop3A_48 {strides = array<i32>} : memref<2000xf32, #tpu.memory_space<vmem>>, vector<16xf32>,
      } {sc.loop_unroll_factor = 4 : i64, sc.parallel_access}
      %scan3A_22 = arith.constant 0 : i32
      %scan3A_23 = arith.constant 0 : i32
      %scan3A_24 = arith.constant 25 : i32
      %scan3A_25 = arith.addi %scan3A_23, %scan3A_24 : i32
      %scan3A_26 = arith.constant 1 : i32
      %scan3A_27 = scf.for %scan3A_30 = %scan3A_23 to %scan3A_25 step %scan3A_26 iter_args(%scan3A_31 = %scan3A_22) -> (i32)  : i32 {
        %mul3A_32 = arith.constant 5 : i32
        %mul3A_33 = arith.muli %scan3A_30, %mul3A_32 : i32
        %add3A_34 = arith.constant 0 : i32
        %add3A_35 = arith.addi %mul3A_33, %add3A_34 : i32
        %mul3A_36 = arith.constant 16 : i32
        %mul3A_37 = arith.muli %add3A_35, %mul3A_36 : i32
        %get3A = arith.index_cast %mul3A_37 : i32 to index
        %get3A_38 = tpu.vector_load %arg16[%get3A] {strides = array<i32>} : memref<2000xi32, #tpu.memory_space<vmem>>, vector<16xi32>,
        %mul3A_39 = arith.constant 5 : i32
        %mul3A_40 = arith.muli %scan3A_30, %mul3A_39 : i32
        %add3A_41 = arith.constant 1 : i32
        %add3A_42 = arith.addi %mul3A_40, %add3A_41 : i32
        %mul3A_43 = arith.constant 16 : i32
        %mul3A_44 = arith.muli %add3A_42, %mul3A_43 : i32
        %get3A_45 = arith.index_cast %mul3A_44 : i32 to index
        %get3A_46 = tpu.vector_load %arg16[%get3A_45] {strides = array<i32>} : memref<2000xi32, #tpu.memory_space<vmem>>, vector<16xi32>,
        %mul3A_47 = arith.constant 5 : i32
        %mul3A_48 = arith.muli %scan3A_30, %mul3A_47 : i32
        %add3A_49 = arith.constant 2 : i32
        %add3A_50 = arith.addi %mul3A_48, %add3A_49 : i32
        %mul3A_51 = arith.constant 16 : i32
        %mul3A_52 = arith.muli %add3A_50, %mul3A_51 : i32
        %get3A_53 = arith.index_cast %mul3A_52 : i32 to index
        %get3A_54 = tpu.vector_load %arg16[%get3A_53] {strides = array<i32>} : memref<2000xi32, #tpu.memory_space<vmem>>, vector<16xi32>,
        %mul3A_55 = arith.constant 5 : i32
        %mul3A_56 = arith.muli %scan3A_30, %mul3A_55 : i32
        %add3A_57 = arith.constant 3 : i32
        %add3A_58 = arith.addi %mul3A_56, %add3A_57 : i32
        %mul3A_59 = arith.constant 16 : i32
        %mul3A_60 = arith.muli %add3A_58, %mul3A_59 : i32
        %get3A_61 = arith.index_cast %mul3A_60 : i32 to index
        %get3A_62 = tpu.vector_load %arg16[%get3A_61] {strides = array<i32>} : memref<2000xi32, #tpu.memory_space<vmem>>, vector<16xi32>,
        %mul3A_63 = arith.constant 5 : i32
        %mul3A_64 = arith.muli %scan3A_30, %mul3A_63 : i32
        %add3A_65 = arith.constant 4 : i32
        %add3A_66 = arith.addi %mul3A_64, %add3A_65 : i32
        %mul3A_67 = arith.constant 16 : i32
        %mul3A_68 = arith.muli %add3A_66, %mul3A_67 : i32
        %get3A_69 = arith.index_cast %mul3A_68 : i32 to index
        %get3A_70 = tpu.vector_load %arg16[%get3A_69] {strides = array<i32>} : memref<2000xi32, #tpu.memory_space<vmem>>, vector<16xi32>,
        %mul3A_71 = arith.constant 5 : i32
        %mul3A_72 = arith.muli %scan3A_30, %mul3A_71 : i32
        %add3A_73 = arith.constant 0 : i32
        %add3A_74 = arith.addi %mul3A_72, %add3A_73 : i32
        %mul3A_75 = arith.constant 16 : i32
        %mul3A_76 = arith.muli %add3A_74, %mul3A_75 : i32
        %get3A_77 = arith.index_cast %mul3A_76 : i32 to index
        %get3A_78 = tpu.vector_load %arg17[%get3A_77] {strides = array<i32>} : memref<2000xf32, #tpu.memory_space<vmem>>, vector<16xf32>,
        %mul3A_79 = arith.constant 5 : i32
        %mul3A_80 = arith.muli %scan3A_30, %mul3A_79 : i32
        %add3A_81 = arith.constant 1 : i32
        %add3A_82 = arith.addi %mul3A_80, %add3A_81 : i32
        %mul3A_83 = arith.constant 16 : i32
        %mul3A_84 = arith.muli %add3A_82, %mul3A_83 : i32
        %get3A_85 = arith.index_cast %mul3A_84 : i32 to index
        %get3A_86 = tpu.vector_load %arg17[%get3A_85] {strides = array<i32>} : memref<2000xf32, #tpu.memory_space<vmem>>, vector<16xf32>,
        %mul3A_87 = arith.constant 5 : i32
        %mul3A_88 = arith.muli %scan3A_30, %mul3A_87 : i32
        %add3A_89 = arith.constant 2 : i32
        %add3A_90 = arith.addi %mul3A_88, %add3A_89 : i32
        %mul3A_91 = arith.constant 16 : i32
        %mul3A_92 = arith.muli %add3A_90, %mul3A_91 : i32
        %get3A_93 = arith.index_cast %mul3A_92 : i32 to index
        %get3A_94 = tpu.vector_load %arg17[%get3A_93] {strides = array<i32>} : memref<2000xf32, #tpu.memory_space<vmem>>, vector<16xf32>,
        %mul3A_95 = arith.constant 5 : i32
        %mul3A_96 = arith.muli %scan3A_30, %mul3A_95 : i32
        %add3A_97 = arith.constant 3 : i32
        %add3A_98 = arith.addi %mul3A_96, %add3A_97 : i32
        %mul3A_99 = arith.constant 16 : i32
        %mul3A_100 = arith.muli %add3A_98, %mul3A_99 : i32
        %get3A_101 = arith.index_cast %mul3A_100 : i32 to index
        %get3A_102 = tpu.vector_load %arg17[%get3A_101] {strides = array<i32>} : memref<2000xf32, #tpu.memory_space<vmem>>, vector<16xf32>,
        %mul3A_103 = arith.constant 5 : i32
        %mul3A_104 = arith.muli %scan3A_30, %mul3A_103 : i32
        %add3A_105 = arith.constant 4 : i32
        %add3A_106 = arith.addi %mul3A_104, %add3A_105 : i32
        %mul3A_107 = arith.constant 16 : i32
        %mul3A_108 = arith.muli %add3A_106, %mul3A_107 : i32
        %get3A_109 = arith.index_cast %mul3A_108 : i32 to index
        %get3A_110 = tpu.vector_load %arg17[%get3A_109] {strides = array<i32>} : memref<2000xf32, #tpu.memory_space<vmem>>, vector<16xf32>,
        %broadcast_in_dim3A = arith.constant true
        %broadcast_in_dim3A_111 = vector.broadcast %broadcast_in_dim3A : i1 to vector<16xi1>
        %while3A:5 = scf.while (%while3A_113 = %broadcast_in_dim3A_111, %while3A_114 = %broadcast_in_dim3A_111, %while3A_115 = %broadcast_in_dim3A_111, %while3A_116 = %broadcast_in_dim3A_111, %while3A_117 = %broadcast_in_dim3A_111) : (vector<16xi1>, vector<16xi1>, vector<16xi1>, vector<16xi1>, vector<16xi1>) -> (vector<16xi1>, vector<16xi1>, vector<16xi1>, vector<16xi1>, vector<16xi1>) {
          %or3A = arith.ori %while3A_113, %while3A_114 : vector<16xi1>
          %or3A_118 = arith.ori %or3A, %while3A_115 : vector<16xi1>
          %or3A_119 = arith.ori %or3A_118, %while3A_116 : vector<16xi1>
          %or3A_120 = arith.ori %or3A_119, %while3A_117 : vector<16xi1>
          %reduce_or3A = arith.constant 1.000000e+00 : f32
          %reduce_or3A_121 = arith.constant 0.000000e+00 : f32
          %reduce_or3A_122 = vector.broadcast %reduce_or3A : f32 to vector<16xf32>
          %reduce_or3A_123 = vector.broadcast %reduce_or3A_121 : f32 to vector<16xf32>
          %reduce_or3A_124 = arith.select %or3A_120, %reduce_or3A_122, %reduce_or3A_123 : vector<16xi1>, vector<16xf32>
          %reduce_or3A_125 = arith.constant true
          %reduce_or3A_126 = vector.broadcast %reduce_or3A_125 : i1 to vector<16xi1>
          %reduce_or3A_127 = tpu.scan <max>, %reduce_or3A_124 masked %reduce_or3A_126 : vector<16xf32>, vector<16xi1> -> vector<16xf32>
          %reduce_or3A_128 = vector.extract %reduce_or3A_127[15] : f32 from vector<16xf32>
          %reduce_or3A_129 = arith.constant 0.000000e+00 : f32
          %reduce_or3A_130 = arith.cmpf ogt, %reduce_or3A_128, %reduce_or3A_129 : f32
          scf.condition(%reduce_or3A_130) %while3A_113, %while3A_114, %while3A_115, %while3A_116, %while3A_117 : vector<16xi1>, vector<16xi1>, vector<16xi1>, vector<16xi1>, vector<16xi1>
        } do {
        ^bb0(%while3A_113: vector<16xi1>, %while3A_114: vector<16xi1>, %while3A_115: vector<16xi1>, %while3A_116: vector<16xi1>, %while3A_117: vector<16xi1>):
          %gather3A = tpu.vector_load_idx %arg10[%get3A_38] : memref<10000xf32, #tpu.memory_space<vmem>>[vector<16xi32>], vector<16xf32>,
          %gt3A = arith.cmpf ogt, %get3A_78, %gather3A : vector<16xf32>
          %and3A = arith.andi %while3A_113, %gt3A : vector<16xi1>
          tpu.vector_store_idx %arg10[%get3A_38], %get3A_78 masked %and3A : memref<10000xf32, #tpu.memory_space<vmem>>[vector<16xi32>], vector<16xf32>, vector<16xi1>
          %gather3A_118 = tpu.vector_load_idx %arg11[%get3A_46] : memref<10000xf32, #tpu.memory_space<vmem>>[vector<16xi32>], vector<16xf32>,
          %gt3A_119 = arith.cmpf ogt, %get3A_86, %gather3A_118 : vector<16xf32>
          %and3A_120 = arith.andi %while3A_114, %gt3A_119 : vector<16xi1>
          tpu.vector_store_idx %arg11[%get3A_46], %get3A_86 masked %and3A_120 : memref<10000xf32, #tpu.memory_space<vmem>>[vector<16xi32>], vector<16xf32>, vector<16xi1>
          %gather3A_121 = tpu.vector_load_idx %arg12[%get3A_54] : memref<10000xf32, #tpu.memory_space<vmem>>[vector<16xi32>], vector<16xf32>,
          %gt3A_122 = arith.cmpf ogt, %get3A_94, %gather3A_121 : vector<16xf32>
          %and3A_123 = arith.andi %while3A_115, %gt3A_122 : vector<16xi1>
          tpu.vector_store_idx %arg12[%get3A_54], %get3A_94 masked %and3A_123 : memref<10000xf32, #tpu.memory_space<vmem>>[vector<16xi32>], vector<16xf32>, vector<16xi1>
          %gather3A_124 = tpu.vector_load_idx %arg13[%get3A_62] : memref<10000xf32, #tpu.memory_space<vmem>>[vector<16xi32>], vector<16xf32>,
          %gt3A_125 = arith.cmpf ogt, %get3A_102, %gather3A_124 : vector<16xf32>
          %and3A_126 = arith.andi %while3A_116, %gt3A_125 : vector<16xi1>
          tpu.vector_store_idx %arg13[%get3A_62], %get3A_102 masked %and3A_126 : memref<10000xf32, #tpu.memory_space<vmem>>[vector<16xi32>], vector<16xf32>, vector<16xi1>
          %gather3A_127 = tpu.vector_load_idx %arg14[%get3A_70] : memref<10000xf32, #tpu.memory_space<vmem>>[vector<16xi32>], vector<16xf32>,
          %gt3A_128 = arith.cmpf ogt, %get3A_110, %gather3A_127 : vector<16xf32>
          %and3A_129 = arith.andi %while3A_117, %gt3A_128 : vector<16xi1>
          tpu.vector_store_idx %arg14[%get3A_70], %get3A_110 masked %and3A_129 : memref<10000xf32, #tpu.memory_space<vmem>>[vector<16xi32>], vector<16xf32>, vector<16xi1>
          scf.yield %and3A, %and3A_120, %and3A_123, %and3A_126, %and3A_129 : vector<16xi1>, vector<16xi1>, vector<16xi1>, vector<16xi1>, vector<16xi1>
        }
        %scan3A_112 = arith.constant 0 : i32
        scf.yield %scan3A_112 : i32
      }
      %scan3A_28 = arith.constant 25 : i32
      "tpu.region"() ({
        %run_scoped3A = tpu.sem_alloc : memref<!tpu.dma_semaphore, #tpu.memory_space<semaphore_mem>>
        %dma_start3A = tpu.memref_slice %arg6[%add3A_18] : memref<320000xf32, #tpu.memory_space<hbm>> -> memref<2000xf32, #tpu.memory_space<hbm>>
        %dma_start3A_30 = tpu.memref_slice %arg6[%add3A_18] : memref<320000xf32, #tpu.memory_space<hbm>> -> memref<2000xf32, #tpu.memory_space<hbm>>
        tpu.enqueue_dma source(%arg17 : memref<2000xf32, #tpu.memory_space<vmem>>) target(%dma_start3A_30 : memref<2000xf32, #tpu.memory_space<hbm>>) target_semaphore(%run_scoped3A : memref<!tpu.dma_semaphore, #tpu.memory_space<semaphore_mem>>)
        %dma_wait3A = tpu.memref_slice %arg6[%add3A_18] : memref<320000xf32, #tpu.memory_space<hbm>> -> memref<2000xf32, #tpu.memory_space<hbm>>
        %dma_wait3A_31 = tpu.memref_slice %arg6[%add3A_18] : memref<320000xf32, #tpu.memory_space<hbm>> -> memref<2000xf32, #tpu.memory_space<hbm>>
        tpu.wait_dma2 semaphore(%run_scoped3A : memref<!tpu.dma_semaphore, #tpu.memory_space<semaphore_mem>>) src(%arg17 : memref<2000xf32, #tpu.memory_space<vmem>>) dst(%dma_wait3A_31 : memref<2000xf32, #tpu.memory_space<hbm>>)
        tpu.yield
      }) : () -> ()
      %scan3A_29 = arith.constant 0 : i32
      scf.yield %scan3A_29 : i32
    }
    %scan3A_10 = arith.constant 5 : i32
    %parallel_loop3A_11 = arith.constant 0 : i32
    %parallel_loop3A_12 = arith.constant 625 : i32
    %parallel_loop3A_13 = arith.constant 1 : i32
    scf.for %parallel_loop3A_14 = %parallel_loop3A_11 to %parallel_loop3A_12 step %parallel_loop3A_13  : i32 {
      %parallel_loop3A_15 = arith.constant 16 : i32
      %parallel_loop3A_16 = arith.muli %parallel_loop3A_14, %parallel_loop3A_15 : i32
      %parallel_loop3A_17 = arith.index_cast %parallel_loop3A_16 : i32 to index
      %parallel_loop3A_18 = tpu.vector_load %arg10[%parallel_loop3A_17] {strides = array<i32>} : memref<10000xf32, #tpu.memory_space<vmem>>, vector<16xf32>,
      %parallel_loop3A_19 = arith.constant 16 : i32
      %parallel_loop3A_20 = arith.muli %parallel_loop3A_14, %parallel_loop3A_19 : i32
      %parallel_loop3A_21 = arith.index_cast %parallel_loop3A_20 : i32 to index
      %parallel_loop3A_22 = tpu.vector_load %arg11[%parallel_loop3A_21] {strides = array<i32>} : memref<10000xf32, #tpu.memory_space<vmem>>, vector<16xf32>,
      %parallel_loop3A_23 = arith.maximumf %parallel_loop3A_18, %parallel_loop3A_22 : vector<16xf32>
      %parallel_loop3A_24 = arith.constant 16 : i32
      %parallel_loop3A_25 = arith.muli %parallel_loop3A_14, %parallel_loop3A_24 : i32
      %parallel_loop3A_26 = arith.index_cast %parallel_loop3A_25 : i32 to index
      %parallel_loop3A_27 = tpu.vector_load %arg12[%parallel_loop3A_26] {strides = array<i32>} : memref<10000xf32, #tpu.memory_space<vmem>>, vector<16xf32>,
      %parallel_loop3A_28 = arith.maximumf %parallel_loop3A_23, %parallel_loop3A_27 : vector<16xf32>
      %parallel_loop3A_29 = arith.constant 16 : i32
      %parallel_loop3A_30 = arith.muli %parallel_loop3A_14, %parallel_loop3A_29 : i32
      %parallel_loop3A_31 = arith.index_cast %parallel_loop3A_30 : i32 to index
      %parallel_loop3A_32 = tpu.vector_load %arg13[%parallel_loop3A_31] {strides = array<i32>} : memref<10000xf32, #tpu.memory_space<vmem>>, vector<16xf32>,
      %parallel_loop3A_33 = arith.maximumf %parallel_loop3A_28, %parallel_loop3A_32 : vector<16xf32>
      %parallel_loop3A_34 = arith.constant 16 : i32
      %parallel_loop3A_35 = arith.muli %parallel_loop3A_14, %parallel_loop3A_34 : i32
      %parallel_loop3A_36 = arith.index_cast %parallel_loop3A_35 : i32 to index
      %parallel_loop3A_37 = tpu.vector_load %arg14[%parallel_loop3A_36] {strides = array<i32>} : memref<10000xf32, #tpu.memory_space<vmem>>, vector<16xf32>,
      %parallel_loop3A_38 = arith.maximumf %parallel_loop3A_33, %parallel_loop3A_37 : vector<16xf32>
      %parallel_loop3A_39 = arith.constant 16 : i32
      %parallel_loop3A_40 = arith.muli %parallel_loop3A_14, %parallel_loop3A_39 : i32
      %parallel_loop3A_41 = arith.index_cast %parallel_loop3A_40 : i32 to index
      %parallel_loop3A_42 = tpu.vector_load %arg10[%parallel_loop3A_41] {strides = array<i32>} : memref<10000xf32, #tpu.memory_space<vmem>>, vector<16xf32>,
      tpu.vector_store %arg10[%parallel_loop3A_41], %parallel_loop3A_38 {strides = array<i32>} : memref<10000xf32, #tpu.memory_space<vmem>>, vector<16xf32>,
    } {sc.loop_unroll_factor = 4 : i64, sc.parallel_access}
    "tpu.region"() ({
      %run_scoped3A = tpu.sem_alloc : memref<!tpu.dma_semaphore, #tpu.memory_space<semaphore_mem>>
      %dma_start3A = arith.constant 0 : i32
      %dma_start3A_14 = tpu.memref_slice %arg7[%add3A, %dma_start3A] : memref<32x10000xf32, #tpu.memory_space<hbm>> -> memref<1x10000xf32, #tpu.memory_space<hbm>>
      %dma_start3A_15 = tpu.memref_squeeze %dma_start3A_14 : memref<1x10000xf32, #tpu.memory_space<hbm>> -> memref<10000xf32, #tpu.memory_space<hbm>>
      %dma_start3A_16 = arith.constant 0 : i32
      %dma_start3A_17 = tpu.memref_slice %arg7[%add3A, %dma_start3A_16] : memref<32x10000xf32, #tpu.memory_space<hbm>> -> memref<1x10000xf32, #tpu.memory_space<hbm>>
      %dma_start3A_18 = tpu.memref_squeeze %dma_start3A_17 : memref<1x10000xf32, #tpu.memory_space<hbm>> -> memref<10000xf32, #tpu.memory_space<hbm>>
      tpu.enqueue_dma source(%arg10 : memref<10000xf32, #tpu.memory_space<vmem>>) target(%dma_start3A_18 : memref<10000xf32, #tpu.memory_space<hbm>>) target_semaphore(%run_scoped3A : memref<!tpu.dma_semaphore, #tpu.memory_space<semaphore_mem>>)
      %dma_wait3A = arith.constant 0 : i32
      %dma_wait3A_19 = tpu.memref_slice %arg7[%add3A, %dma_wait3A] : memref<32x10000xf32, #tpu.memory_space<hbm>> -> memref<1x10000xf32, #tpu.memory_space<hbm>>
      %dma_wait3A_20 = tpu.memref_squeeze %dma_wait3A_19 : memref<1x10000xf32, #tpu.memory_space<hbm>> -> memref<10000xf32, #tpu.memory_space<hbm>>
      %dma_wait3A_21 = arith.constant 0 : i32
      %dma_wait3A_22 = tpu.memref_slice %arg7[%add3A, %dma_wait3A_21] : memref<32x10000xf32, #tpu.memory_space<hbm>> -> memref<1x10000xf32, #tpu.memory_space<hbm>>
      %dma_wait3A_23 = tpu.memref_squeeze %dma_wait3A_22 : memref<1x10000xf32, #tpu.memory_space<hbm>> -> memref<10000xf32, #tpu.memory_space<hbm>>
      tpu.wait_dma2 semaphore(%run_scoped3A : memref<!tpu.dma_semaphore, #tpu.memory_space<semaphore_mem>>) src(%arg10 : memref<10000xf32, #tpu.memory_space<vmem>>) dst(%dma_wait3A_23 : memref<10000xf32, #tpu.memory_space<hbm>>)
      tpu.yield
    }) : () -> ()
    return
  }
}

#map = affine_map<(d0, d1) -> (0)>
module attributes {stable_mosaic.version = 14 : i64} {
  func.func @_alpha(%arg0: i32, %arg1: i32, %arg2: memref<320000xi32, #tpu.memory_space<hbm>>, %arg3: memref<320000xf32, #tpu.memory_space<hbm>>, %arg4: memref<10000xf32, #tpu.memory_space<hbm>>, %arg5: memref<320000xf32, #tpu.memory_space<hbm>>, %arg6: memref<10000xf32, #tpu.memory_space<vmem>>, %arg7: memref<2000xi32, #tpu.memory_space<vmem>>, %arg8: memref<2000xf32, #tpu.memory_space<vmem>>, %arg9: memref<2000xf32, #tpu.memory_space<vmem>>) attributes {dimension_semantics = [#tpu.dimension_semantics<core_parallel>, #tpu.dimension_semantics<subcore_parallel>], iteration_bounds = array<i64: 2, 16>, scalar_prefetch = 0 : i64, scratch_operands = 4 : i64, tpu.core_type = #tpu.core_type<sc_vector_subcore>, window_params = [{transform_indices = #map}, {transform_indices = #map}, {transform_indices = #map}, {transform_indices = #map}]} {
    %mul3A = arith.constant 16 : i32
    %mul3A_0 = arith.muli %arg0, %mul3A : i32
    %add3A = arith.addi %mul3A_0, %arg1 : i32
    %mul3A_1 = arith.constant 10000 : i32
    %mul3A_2 = arith.muli %add3A, %mul3A_1 : i32
    "tpu.region"() ({
      %run_scoped3A = tpu.sem_alloc : memref<!tpu.dma_semaphore, #tpu.memory_space<semaphore_mem>>
      tpu.enqueue_dma source(%arg4 : memref<10000xf32, #tpu.memory_space<hbm>>) target(%arg6 : memref<10000xf32, #tpu.memory_space<vmem>>) target_semaphore(%run_scoped3A : memref<!tpu.dma_semaphore, #tpu.memory_space<semaphore_mem>>)
      tpu.wait_dma2 semaphore(%run_scoped3A : memref<!tpu.dma_semaphore, #tpu.memory_space<semaphore_mem>>) src(%arg4 : memref<10000xf32, #tpu.memory_space<hbm>>) dst(%arg6 : memref<10000xf32, #tpu.memory_space<vmem>>)
      tpu.yield
    }) : () -> ()
    %scan3A = arith.constant 0 : i32
    %scan3A_3 = arith.constant 0 : i32
    %scan3A_4 = arith.constant 5 : i32
    %scan3A_5 = arith.addi %scan3A_3, %scan3A_4 : i32
    %scan3A_6 = arith.constant 1 : i32
    %scan3A_7 = scf.for %scan3A_9 = %scan3A_3 to %scan3A_5 step %scan3A_6 iter_args(%scan3A_10 = %scan3A) -> (i32)  : i32 {
      %mul3A_11 = arith.constant 2000 : i32
      %mul3A_12 = arith.muli %scan3A_9, %mul3A_11 : i32
      %add3A_13 = arith.addi %mul3A_2, %mul3A_12 : i32
      "tpu.region"() ({
        %run_scoped3A = tpu.sem_alloc : memref<!tpu.dma_semaphore, #tpu.memory_space<semaphore_mem>>
        %dma_start3A = tpu.memref_slice %arg2[%add3A_13] : memref<320000xi32, #tpu.memory_space<hbm>> -> memref<2000xi32, #tpu.memory_space<hbm>>
        %dma_start3A_17 = tpu.memref_slice %arg2[%add3A_13] : memref<320000xi32, #tpu.memory_space<hbm>> -> memref<2000xi32, #tpu.memory_space<hbm>>
        tpu.enqueue_dma source(%dma_start3A_17 : memref<2000xi32, #tpu.memory_space<hbm>>) target(%arg7 : memref<2000xi32, #tpu.memory_space<vmem>>) target_semaphore(%run_scoped3A : memref<!tpu.dma_semaphore, #tpu.memory_space<semaphore_mem>>)
        %dma_wait3A = tpu.memref_slice %arg2[%add3A_13] : memref<320000xi32, #tpu.memory_space<hbm>> -> memref<2000xi32, #tpu.memory_space<hbm>>
        %dma_wait3A_18 = tpu.memref_slice %arg2[%add3A_13] : memref<320000xi32, #tpu.memory_space<hbm>> -> memref<2000xi32, #tpu.memory_space<hbm>>
        tpu.wait_dma2 semaphore(%run_scoped3A : memref<!tpu.dma_semaphore, #tpu.memory_space<semaphore_mem>>) src(%dma_wait3A_18 : memref<2000xi32, #tpu.memory_space<hbm>>) dst(%arg7 : memref<2000xi32, #tpu.memory_space<vmem>>)
        tpu.yield
      }) : () -> ()
      "tpu.region"() ({
        %run_scoped3A = tpu.sem_alloc : memref<!tpu.dma_semaphore, #tpu.memory_space<semaphore_mem>>
        %dma_start3A = tpu.memref_slice %arg3[%add3A_13] : memref<320000xf32, #tpu.memory_space<hbm>> -> memref<2000xf32, #tpu.memory_space<hbm>>
        %dma_start3A_17 = tpu.memref_slice %arg3[%add3A_13] : memref<320000xf32, #tpu.memory_space<hbm>> -> memref<2000xf32, #tpu.memory_space<hbm>>
        tpu.enqueue_dma source(%dma_start3A_17 : memref<2000xf32, #tpu.memory_space<hbm>>) target(%arg8 : memref<2000xf32, #tpu.memory_space<vmem>>) target_semaphore(%run_scoped3A : memref<!tpu.dma_semaphore, #tpu.memory_space<semaphore_mem>>)
        %dma_wait3A = tpu.memref_slice %arg3[%add3A_13] : memref<320000xf32, #tpu.memory_space<hbm>> -> memref<2000xf32, #tpu.memory_space<hbm>>
        %dma_wait3A_18 = tpu.memref_slice %arg3[%add3A_13] : memref<320000xf32, #tpu.memory_space<hbm>> -> memref<2000xf32, #tpu.memory_space<hbm>>
        tpu.wait_dma2 semaphore(%run_scoped3A : memref<!tpu.dma_semaphore, #tpu.memory_space<semaphore_mem>>) src(%dma_wait3A_18 : memref<2000xf32, #tpu.memory_space<hbm>>) dst(%arg8 : memref<2000xf32, #tpu.memory_space<vmem>>)
        tpu.yield
      }) : () -> ()
      %parallel_loop3A = arith.constant 0 : i32
      %parallel_loop3A_14 = arith.constant 125 : i32
      %parallel_loop3A_15 = arith.constant 1 : i32
      scf.for %parallel_loop3A_17 = %parallel_loop3A to %parallel_loop3A_14 step %parallel_loop3A_15  : i32 {
        %parallel_loop3A_18 = arith.constant 16 : i32
        %parallel_loop3A_19 = arith.muli %parallel_loop3A_17, %parallel_loop3A_18 : i32
        %parallel_loop3A_20 = arith.index_cast %parallel_loop3A_19 : i32 to index
        %parallel_loop3A_21 = tpu.vector_load %arg7[%parallel_loop3A_20] {strides = array<i32>} : memref<2000xi32, #tpu.memory_space<vmem>>, vector<16xi32>,
        %parallel_loop3A_22 = arith.constant 16 : i32
        %parallel_loop3A_23 = arith.muli %parallel_loop3A_17, %parallel_loop3A_22 : i32
        %parallel_loop3A_24 = arith.index_cast %parallel_loop3A_23 : i32 to index
        %parallel_loop3A_25 = tpu.vector_load %arg8[%parallel_loop3A_24] {strides = array<i32>} : memref<2000xf32, #tpu.memory_space<vmem>>, vector<16xf32>,
        %parallel_loop3A_26 = tpu.vector_load_idx %arg6[%parallel_loop3A_21] : memref<10000xf32, #tpu.memory_space<vmem>>[vector<16xi32>], vector<16xf32>,
        %parallel_loop3A_27 = arith.constant 9.99999971E-10 : f32
        %parallel_loop3A_28 = vector.broadcast %parallel_loop3A_27 : f32 to vector<16xf32>
        %parallel_loop3A_29 = arith.addf %parallel_loop3A_26, %parallel_loop3A_28 : vector<16xf32>
        %parallel_loop3A_30 = arith.divf %parallel_loop3A_25, %parallel_loop3A_29 : vector<16xf32>
        %parallel_loop3A_31 = arith.constant 16 : i32
        %parallel_loop3A_32 = arith.muli %parallel_loop3A_17, %parallel_loop3A_31 : i32
        %parallel_loop3A_33 = arith.index_cast %parallel_loop3A_32 : i32 to index
        %parallel_loop3A_34 = tpu.vector_load %arg9[%parallel_loop3A_33] {strides = array<i32>} : memref<2000xf32, #tpu.memory_space<vmem>>, vector<16xf32>,
        tpu.vector_store %arg9[%parallel_loop3A_33], %parallel_loop3A_30 {strides = array<i32>} : memref<2000xf32, #tpu.memory_space<vmem>>, vector<16xf32>,
      } {sc.loop_unroll_factor = 4 : i64, sc.parallel_access}
      "tpu.region"() ({
        %run_scoped3A = tpu.sem_alloc : memref<!tpu.dma_semaphore, #tpu.memory_space<semaphore_mem>>
        %dma_start3A = tpu.memref_slice %arg5[%add3A_13] : memref<320000xf32, #tpu.memory_space<hbm>> -> memref<2000xf32, #tpu.memory_space<hbm>>
        %dma_start3A_17 = tpu.memref_slice %arg5[%add3A_13] : memref<320000xf32, #tpu.memory_space<hbm>> -> memref<2000xf32, #tpu.memory_space<hbm>>
        tpu.enqueue_dma source(%arg9 : memref<2000xf32, #tpu.memory_space<vmem>>) target(%dma_start3A_17 : memref<2000xf32, #tpu.memory_space<hbm>>) target_semaphore(%run_scoped3A : memref<!tpu.dma_semaphore, #tpu.memory_space<semaphore_mem>>)
        %dma_wait3A = tpu.memref_slice %arg5[%add3A_13] : memref<320000xf32, #tpu.memory_space<hbm>> -> memref<2000xf32, #tpu.memory_space<hbm>>
        %dma_wait3A_18 = tpu.memref_slice %arg5[%add3A_13] : memref<320000xf32, #tpu.memory_space<hbm>> -> memref<2000xf32, #tpu.memory_space<hbm>>
        tpu.wait_dma2 semaphore(%run_scoped3A : memref<!tpu.dma_semaphore, #tpu.memory_space<semaphore_mem>>) src(%arg9 : memref<2000xf32, #tpu.memory_space<vmem>>) dst(%dma_wait3A_18 : memref<2000xf32, #tpu.memory_space<hbm>>)
        tpu.yield
      }) : () -> ()
      %scan3A_16 = arith.constant 0 : i32
      scf.yield %scan3A_16 : i32
    }
    %scan3A_8 = arith.constant 5 : i32
    return
  }
}

#map = affine_map<(d0, d1) -> (0)>
#map1 = affine_map<(d0, d1) -> (0, 0)>
module attributes {stable_mosaic.version = 14 : i64} {
  func.func @_edge_exp(%arg0: i32, %arg1: i32, %arg2: memref<320000xi32, #tpu.memory_space<hbm>>, %arg3: memref<320000xf32, #tpu.memory_space<hbm>>, %arg4: memref<10000xf32, #tpu.memory_space<hbm>>, %arg5: memref<320000xf32, #tpu.memory_space<hbm>>, %arg6: memref<32x10000xf32, #tpu.memory_space<hbm>>, %arg7: memref<10000xf32, #tpu.memory_space<vmem>>, %arg8: memref<10000xf32, #tpu.memory_space<vmem>>, %arg9: memref<2000xi32, #tpu.memory_space<vmem>>, %arg10: memref<2000xf32, #tpu.memory_space<vmem>>, %arg11: memref<2000xf32, #tpu.memory_space<vmem>>) attributes {dimension_semantics = [#tpu.dimension_semantics<core_parallel>, #tpu.dimension_semantics<subcore_parallel>], iteration_bounds = array<i64: 2, 16>, scalar_prefetch = 0 : i64, scratch_operands = 5 : i64, tpu.core_type = #tpu.core_type<sc_vector_subcore>, window_params = [{transform_indices = #map}, {transform_indices = #map}, {transform_indices = #map}, {transform_indices = #map}, {transform_indices = #map1}]} {
    %mul3A = arith.constant 16 : i32
    %mul3A_0 = arith.muli %arg0, %mul3A : i32
    %add3A = arith.addi %mul3A_0, %arg1 : i32
    %mul3A_1 = arith.constant 10000 : i32
    %mul3A_2 = arith.muli %add3A, %mul3A_1 : i32
    "tpu.region"() ({
      %run_scoped3A = tpu.sem_alloc : memref<!tpu.dma_semaphore, #tpu.memory_space<semaphore_mem>>
      tpu.enqueue_dma source(%arg4 : memref<10000xf32, #tpu.memory_space<hbm>>) target(%arg7 : memref<10000xf32, #tpu.memory_space<vmem>>) target_semaphore(%run_scoped3A : memref<!tpu.dma_semaphore, #tpu.memory_space<semaphore_mem>>)
      tpu.wait_dma2 semaphore(%run_scoped3A : memref<!tpu.dma_semaphore, #tpu.memory_space<semaphore_mem>>) src(%arg4 : memref<10000xf32, #tpu.memory_space<hbm>>) dst(%arg7 : memref<10000xf32, #tpu.memory_space<vmem>>)
      tpu.yield
    }) : () -> ()
    %scan3A = arith.constant 0 : i32
    %scan3A_3 = arith.constant 0 : i32
    %scan3A_4 = arith.constant 625 : i32
    %scan3A_5 = arith.addi %scan3A_3, %scan3A_4 : i32
    %scan3A_6 = arith.constant 1 : i32
    %scan3A_7 = scf.for %scan3A_16 = %scan3A_3 to %scan3A_5 step %scan3A_6 iter_args(%scan3A_17 = %scan3A) -> (i32)  : i32 {
      %broadcast_in_dim3A = arith.constant 0.000000e+00 : f32
      %broadcast_in_dim3A_18 = vector.broadcast %broadcast_in_dim3A : f32 to vector<16xf32>
      %mul3A_19 = arith.constant 16 : i32
      %mul3A_20 = arith.muli %scan3A_16, %mul3A_19 : i32
      %swap3A = arith.index_cast %mul3A_20 : i32 to index
      %swap3A_21 = tpu.vector_load %arg8[%swap3A] {strides = array<i32>} : memref<10000xf32, #tpu.memory_space<vmem>>, vector<16xf32>,
      tpu.vector_store %arg8[%swap3A], %broadcast_in_dim3A_18 {strides = array<i32>} : memref<10000xf32, #tpu.memory_space<vmem>>, vector<16xf32>,
      %scan3A_22 = arith.constant 0 : i32
      scf.yield %scan3A_22 : i32
    }
    %scan3A_8 = arith.constant 625 : i32
    %scan3A_9 = arith.constant 0 : i32
    %scan3A_10 = arith.constant 0 : i32
    %scan3A_11 = arith.constant 5 : i32
    %scan3A_12 = arith.addi %scan3A_10, %scan3A_11 : i32
    %scan3A_13 = arith.constant 1 : i32
    %scan3A_14 = scf.for %scan3A_16 = %scan3A_10 to %scan3A_12 step %scan3A_13 iter_args(%scan3A_17 = %scan3A_9) -> (i32)  : i32 {
      %mul3A_18 = arith.constant 2000 : i32
      %mul3A_19 = arith.muli %scan3A_16, %mul3A_18 : i32
      %add3A_20 = arith.addi %mul3A_2, %mul3A_19 : i32
      "tpu.region"() ({
        %run_scoped3A = tpu.sem_alloc : memref<!tpu.dma_semaphore, #tpu.memory_space<semaphore_mem>>
        %dma_start3A = tpu.memref_slice %arg2[%add3A_20] : memref<320000xi32, #tpu.memory_space<hbm>> -> memref<2000xi32, #tpu.memory_space<hbm>>
        %dma_start3A_24 = tpu.memref_slice %arg2[%add3A_20] : memref<320000xi32, #tpu.memory_space<hbm>> -> memref<2000xi32, #tpu.memory_space<hbm>>
        tpu.enqueue_dma source(%dma_start3A_24 : memref<2000xi32, #tpu.memory_space<hbm>>) target(%arg9 : memref<2000xi32, #tpu.memory_space<vmem>>) target_semaphore(%run_scoped3A : memref<!tpu.dma_semaphore, #tpu.memory_space<semaphore_mem>>)
        %dma_wait3A = tpu.memref_slice %arg2[%add3A_20] : memref<320000xi32, #tpu.memory_space<hbm>> -> memref<2000xi32, #tpu.memory_space<hbm>>
        %dma_wait3A_25 = tpu.memref_slice %arg2[%add3A_20] : memref<320000xi32, #tpu.memory_space<hbm>> -> memref<2000xi32, #tpu.memory_space<hbm>>
        tpu.wait_dma2 semaphore(%run_scoped3A : memref<!tpu.dma_semaphore, #tpu.memory_space<semaphore_mem>>) src(%dma_wait3A_25 : memref<2000xi32, #tpu.memory_space<hbm>>) dst(%arg9 : memref<2000xi32, #tpu.memory_space<vmem>>)
        tpu.yield
      }) : () -> ()
      "tpu.region"() ({
        %run_scoped3A = tpu.sem_alloc : memref<!tpu.dma_semaphore, #tpu.memory_space<semaphore_mem>>
        %dma_start3A = tpu.memref_slice %arg3[%add3A_20] : memref<320000xf32, #tpu.memory_space<hbm>> -> memref<2000xf32, #tpu.memory_space<hbm>>
        %dma_start3A_24 = tpu.memref_slice %arg3[%add3A_20] : memref<320000xf32, #tpu.memory_space<hbm>> -> memref<2000xf32, #tpu.memory_space<hbm>>
        tpu.enqueue_dma source(%dma_start3A_24 : memref<2000xf32, #tpu.memory_space<hbm>>) target(%arg10 : memref<2000xf32, #tpu.memory_space<vmem>>) target_semaphore(%run_scoped3A : memref<!tpu.dma_semaphore, #tpu.memory_space<semaphore_mem>>)
        %dma_wait3A = tpu.memref_slice %arg3[%add3A_20] : memref<320000xf32, #tpu.memory_space<hbm>> -> memref<2000xf32, #tpu.memory_space<hbm>>
        %dma_wait3A_25 = tpu.memref_slice %arg3[%add3A_20] : memref<320000xf32, #tpu.memory_space<hbm>> -> memref<2000xf32, #tpu.memory_space<hbm>>
        tpu.wait_dma2 semaphore(%run_scoped3A : memref<!tpu.dma_semaphore, #tpu.memory_space<semaphore_mem>>) src(%dma_wait3A_25 : memref<2000xf32, #tpu.memory_space<hbm>>) dst(%arg10 : memref<2000xf32, #tpu.memory_space<vmem>>)
        tpu.yield
      }) : () -> ()
      %parallel_loop3A = arith.constant 0 : i32
      %parallel_loop3A_21 = arith.constant 125 : i32
      %parallel_loop3A_22 = arith.constant 1 : i32
      scf.for %parallel_loop3A_24 = %parallel_loop3A to %parallel_loop3A_21 step %parallel_loop3A_22  : i32 {
        %parallel_loop3A_25 = arith.constant 16 : i32
        %parallel_loop3A_26 = arith.muli %parallel_loop3A_24, %parallel_loop3A_25 : i32
        %parallel_loop3A_27 = arith.index_cast %parallel_loop3A_26 : i32 to index
        %parallel_loop3A_28 = tpu.vector_load %arg9[%parallel_loop3A_27] {strides = array<i32>} : memref<2000xi32, #tpu.memory_space<vmem>>, vector<16xi32>,
        %parallel_loop3A_29 = arith.constant 16 : i32
        %parallel_loop3A_30 = arith.muli %parallel_loop3A_24, %parallel_loop3A_29 : i32
        %parallel_loop3A_31 = arith.index_cast %parallel_loop3A_30 : i32 to index
        %parallel_loop3A_32 = tpu.vector_load %arg10[%parallel_loop3A_31] {strides = array<i32>} : memref<2000xf32, #tpu.memory_space<vmem>>, vector<16xf32>,
        %parallel_loop3A_33 = tpu.vector_load_idx %arg7[%parallel_loop3A_28] : memref<10000xf32, #tpu.memory_space<vmem>>[vector<16xi32>], vector<16xf32>,
        %parallel_loop3A_34 = arith.subf %parallel_loop3A_32, %parallel_loop3A_33 : vector<16xf32>
        %parallel_loop3A_35 = math.exp %parallel_loop3A_34 : vector<16xf32>
        %parallel_loop3A_36 = arith.constant 16 : i32
        %parallel_loop3A_37 = arith.muli %parallel_loop3A_24, %parallel_loop3A_36 : i32
        %parallel_loop3A_38 = arith.index_cast %parallel_loop3A_37 : i32 to index
        %parallel_loop3A_39 = tpu.vector_load %arg11[%parallel_loop3A_38] {strides = array<i32>} : memref<2000xf32, #tpu.memory_space<vmem>>, vector<16xf32>,
        tpu.vector_store %arg11[%parallel_loop3A_38], %parallel_loop3A_35 {strides = array<i32>} : memref<2000xf32, #tpu.memory_space<vmem>>, vector<16xf32>,
        tpu.vector_store_idx %arg8[%parallel_loop3A_28], %parallel_loop3A_35 {add = true} : memref<10000xf32, #tpu.memory_space<vmem>>[vector<16xi32>], vector<16xf32>,
      } {sc.loop_unroll_factor = 4 : i64, sc.parallel_access}
      "tpu.region"() ({
        %run_scoped3A = tpu.sem_alloc : memref<!tpu.dma_semaphore, #tpu.memory_space<semaphore_mem>>
        %dma_start3A = tpu.memref_slice %arg5[%add3A_20] : memref<320000xf32, #tpu.memory_space<hbm>> -> memref<2000xf32, #tpu.memory_space<hbm>>
        %dma_start3A_24 = tpu.memref_slice %arg5[%add3A_20] : memref<320000xf32, #tpu.memory_space<hbm>> -> memref<2000xf32, #tpu.memory_space<hbm>>
        tpu.enqueue_dma source(%arg11 : memref<2000xf32, #tpu.memory_space<vmem>>) target(%dma_start3A_24 : memref<2000xf32, #tpu.memory_space<hbm>>) target_semaphore(%run_scoped3A : memref<!tpu.dma_semaphore, #tpu.memory_space<semaphore_mem>>)
        %dma_wait3A = tpu.memref_slice %arg5[%add3A_20] : memref<320000xf32, #tpu.memory_space<hbm>> -> memref<2000xf32, #tpu.memory_space<hbm>>
        %dma_wait3A_25 = tpu.memref_slice %arg5[%add3A_20] : memref<320000xf32, #tpu.memory_space<hbm>> -> memref<2000xf32, #tpu.memory_space<hbm>>
        tpu.wait_dma2 semaphore(%run_scoped3A : memref<!tpu.dma_semaphore, #tpu.memory_space<semaphore_mem>>) src(%arg11 : memref<2000xf32, #tpu.memory_space<vmem>>) dst(%dma_wait3A_25 : memref<2000xf32, #tpu.memory_space<hbm>>)
        tpu.yield
      }) : () -> ()
      %scan3A_23 = arith.constant 0 : i32
      scf.yield %scan3A_23 : i32
    }
    %scan3A_15 = arith.constant 5 : i32
    "tpu.region"() ({
      %run_scoped3A = tpu.sem_alloc : memref<!tpu.dma_semaphore, #tpu.memory_space<semaphore_mem>>
      %dma_start3A = arith.constant 0 : i32
      %dma_start3A_16 = tpu.memref_slice %arg6[%add3A, %dma_start3A] : memref<32x10000xf32, #tpu.memory_space<hbm>> -> memref<1x10000xf32, #tpu.memory_space<hbm>>
      %dma_start3A_17 = tpu.memref_squeeze %dma_start3A_16 : memref<1x10000xf32, #tpu.memory_space<hbm>> -> memref<10000xf32, #tpu.memory_space<hbm>>
      %dma_start3A_18 = arith.constant 0 : i32
      %dma_start3A_19 = tpu.memref_slice %arg6[%add3A, %dma_start3A_18] : memref<32x10000xf32, #tpu.memory_space<hbm>> -> memref<1x10000xf32, #tpu.memory_space<hbm>>
      %dma_start3A_20 = tpu.memref_squeeze %dma_start3A_19 : memref<1x10000xf32, #tpu.memory_space<hbm>> -> memref<10000xf32, #tpu.memory_space<hbm>>
      tpu.enqueue_dma source(%arg8 : memref<10000xf32, #tpu.memory_space<vmem>>) target(%dma_start3A_20 : memref<10000xf32, #tpu.memory_space<hbm>>) target_semaphore(%run_scoped3A : memref<!tpu.dma_semaphore, #tpu.memory_space<semaphore_mem>>)
      %dma_wait3A = arith.constant 0 : i32
      %dma_wait3A_21 = tpu.memref_slice %arg6[%add3A, %dma_wait3A] : memref<32x10000xf32, #tpu.memory_space<hbm>> -> memref<1x10000xf32, #tpu.memory_space<hbm>>
      %dma_wait3A_22 = tpu.memref_squeeze %dma_wait3A_21 : memref<1x10000xf32, #tpu.memory_space<hbm>> -> memref<10000xf32, #tpu.memory_space<hbm>>
      %dma_wait3A_23 = arith.constant 0 : i32
      %dma_wait3A_24 = tpu.memref_slice %arg6[%add3A, %dma_wait3A_23] : memref<32x10000xf32, #tpu.memory_space<hbm>> -> memref<1x10000xf32, #tpu.memory_space<hbm>>
      %dma_wait3A_25 = tpu.memref_squeeze %dma_wait3A_24 : memref<1x10000xf32, #tpu.memory_space<hbm>> -> memref<10000xf32, #tpu.memory_space<hbm>>
      tpu.wait_dma2 semaphore(%run_scoped3A : memref<!tpu.dma_semaphore, #tpu.memory_space<semaphore_mem>>) src(%arg8 : memref<10000xf32, #tpu.memory_space<vmem>>) dst(%dma_wait3A_25 : memref<10000xf32, #tpu.memory_space<hbm>>)
      tpu.yield
    }) : () -> ()
    return
  }
}

#map = affine_map<(d0, d1) -> (0)>
#map1 = affine_map<(d0, d1) -> (0, 0, 0)>
#map2 = affine_map<(d0, d1) -> (0, 0)>
module attributes {stable_mosaic.version = 14 : i64} {
  func.func @_aggregate(%arg0: i32, %arg1: i32, %arg2: memref<320000xi32, #tpu.memory_space<hbm>>, %arg3: memref<160x25x80xi32, #tpu.memory_space<hbm>>, %arg4: memref<320000xf32, #tpu.memory_space<hbm>>, %arg5: memref<10000x128xi32, #tpu.memory_space<hbm>>, %arg6: memref<2x10000x128xf32, #tpu.memory_space<hbm>>, %arg7: memref<2000xi32, #tpu.memory_space<vmem>>, %arg8: memref<25x80xi32, #tpu.memory_space<vmem>>, %arg9: memref<2000xf32, #tpu.memory_space<vmem>>, %arg10: memref<80x128xi32, #tpu.memory_space<vmem>>, %arg11: memref<80x128xi32, #tpu.memory_space<vmem>>, %arg12: memref<80x128xf32, #tpu.memory_space<vmem>>, %arg13: memref<80x128xf32, #tpu.memory_space<vmem>>, %arg14: memref<10000x128xf32, #tpu.memory_space<vmem_shared>>, %arg15: memref<!tpu.dma_semaphore, #tpu.memory_space<semaphore_mem>>, %arg16: memref<!tpu.dma_semaphore, #tpu.memory_space<semaphore_mem>>, %arg17: memref<!tpu.dma_semaphore, #tpu.memory_space<semaphore_mem>>, %arg18: memref<!tpu.dma_semaphore, #tpu.memory_space<semaphore_mem>>) attributes {dimension_semantics = [#tpu.dimension_semantics<core_parallel>, #tpu.dimension_semantics<subcore_parallel>], iteration_bounds = array<i64: 2, 16>, scalar_prefetch = 0 : i64, scratch_operands = 12 : i64, tpu.core_type = #tpu.core_type<sc_vector_subcore>, window_params = [{transform_indices = #map}, {transform_indices = #map1}, {transform_indices = #map}, {transform_indices = #map2}, {transform_indices = #map1}]} {
    %mul3A = arith.constant 16 : i32
    %mul3A_0 = arith.muli %arg0, %mul3A : i32
    %add3A = arith.addi %mul3A_0, %arg1 : i32
    %mul3A_1 = arith.constant 10000 : i32
    %mul3A_2 = arith.muli %add3A, %mul3A_1 : i32
    %scan3A = arith.constant 0 : i32
    %scan3A_3 = arith.constant 0 : i32
    %scan3A_4 = arith.constant 80 : i32
    %scan3A_5 = arith.addi %scan3A_3, %scan3A_4 : i32
    %scan3A_6 = arith.constant 1 : i32
    %scan3A_7 = scf.for %scan3A_37 = %scan3A_3 to %scan3A_5 step %scan3A_6 iter_args(%scan3A_38 = %scan3A) -> (i32)  : i32 {
      %broadcast_in_dim3A = arith.constant 0.000000e+00 : f32
      %broadcast_in_dim3A_39 = vector.broadcast %broadcast_in_dim3A : f32 to vector<16xf32>
      %swap3A = arith.index_cast %scan3A_37 : i32 to index
      %swap3A_40 = arith.constant 0 : index
      %swap3A_41 = tpu.vector_load %arg12[%swap3A, %swap3A_40] {strides = array<i32>} : memref<80x128xf32, #tpu.memory_space<vmem>>, vector<16xf32>,
      tpu.vector_store %arg12[%swap3A, %swap3A_40], %broadcast_in_dim3A_39 {strides = array<i32>} : memref<80x128xf32, #tpu.memory_space<vmem>>, vector<16xf32>,
      %broadcast_in_dim3A_42 = arith.constant 0.000000e+00 : f32
      %broadcast_in_dim3A_43 = vector.broadcast %broadcast_in_dim3A_42 : f32 to vector<16xf32>
      %swap3A_44 = arith.index_cast %scan3A_37 : i32 to index
      %swap3A_45 = arith.constant 16 : index
      %swap3A_46 = tpu.vector_load %arg12[%swap3A_44, %swap3A_45] {strides = array<i32>} : memref<80x128xf32, #tpu.memory_space<vmem>>, vector<16xf32>,
      tpu.vector_store %arg12[%swap3A_44, %swap3A_45], %broadcast_in_dim3A_43 {strides = array<i32>} : memref<80x128xf32, #tpu.memory_space<vmem>>, vector<16xf32>,
      %broadcast_in_dim3A_47 = arith.constant 0.000000e+00 : f32
      %broadcast_in_dim3A_48 = vector.broadcast %broadcast_in_dim3A_47 : f32 to vector<16xf32>
      %swap3A_49 = arith.index_cast %scan3A_37 : i32 to index
      %swap3A_50 = arith.constant 32 : index
      %swap3A_51 = tpu.vector_load %arg12[%swap3A_49, %swap3A_50] {strides = array<i32>} : memref<80x128xf32, #tpu.memory_space<vmem>>, vector<16xf32>,
      tpu.vector_store %arg12[%swap3A_49, %swap3A_50], %broadcast_in_dim3A_48 {strides = array<i32>} : memref<80x128xf32, #tpu.memory_space<vmem>>, vector<16xf32>,
      %broadcast_in_dim3A_52 = arith.constant 0.000000e+00 : f32
      %broadcast_in_dim3A_53 = vector.broadcast %broadcast_in_dim3A_52 : f32 to vector<16xf32>
      %swap3A_54 = arith.index_cast %scan3A_37 : i32 to index
      %swap3A_55 = arith.constant 48 : index
      %swap3A_56 = tpu.vector_load %arg12[%swap3A_54, %swap3A_55] {strides = array<i32>} : memref<80x128xf32, #tpu.memory_space<vmem>>, vector<16xf32>,
      tpu.vector_store %arg12[%swap3A_54, %swap3A_55], %broadcast_in_dim3A_53 {strides = array<i32>} : memref<80x128xf32, #tpu.memory_space<vmem>>, vector<16xf32>,
      %broadcast_in_dim3A_57 = arith.constant 0.000000e+00 : f32
      %broadcast_in_dim3A_58 = vector.broadcast %broadcast_in_dim3A_57 : f32 to vector<16xf32>
      %swap3A_59 = arith.index_cast %scan3A_37 : i32 to index
      %swap3A_60 = arith.constant 64 : index
      %swap3A_61 = tpu.vector_load %arg12[%swap3A_59, %swap3A_60] {strides = array<i32>} : memref<80x128xf32, #tpu.memory_space<vmem>>, vector<16xf32>,
      tpu.vector_store %arg12[%swap3A_59, %swap3A_60], %broadcast_in_dim3A_58 {strides = array<i32>} : memref<80x128xf32, #tpu.memory_space<vmem>>, vector<16xf32>,
      %broadcast_in_dim3A_62 = arith.constant 0.000000e+00 : f32
      %broadcast_in_dim3A_63 = vector.broadcast %broadcast_in_dim3A_62 : f32 to vector<16xf32>
      %swap3A_64 = arith.index_cast %scan3A_37 : i32 to index
      %swap3A_65 = arith.constant 80 : index
      %swap3A_66 = tpu.vector_load %arg12[%swap3A_64, %swap3A_65] {strides = array<i32>} : memref<80x128xf32, #tpu.memory_space<vmem>>, vector<16xf32>,
      tpu.vector_store %arg12[%swap3A_64, %swap3A_65], %broadcast_in_dim3A_63 {strides = array<i32>} : memref<80x128xf32, #tpu.memory_space<vmem>>, vector<16xf32>,
      %broadcast_in_dim3A_67 = arith.constant 0.000000e+00 : f32
      %broadcast_in_dim3A_68 = vector.broadcast %broadcast_in_dim3A_67 : f32 to vector<16xf32>
      %swap3A_69 = arith.index_cast %scan3A_37 : i32 to index
      %swap3A_70 = arith.constant 96 : index
      %swap3A_71 = tpu.vector_load %arg12[%swap3A_69, %swap3A_70] {strides = array<i32>} : memref<80x128xf32, #tpu.memory_space<vmem>>, vector<16xf32>,
      tpu.vector_store %arg12[%swap3A_69, %swap3A_70], %broadcast_in_dim3A_68 {strides = array<i32>} : memref<80x128xf32, #tpu.memory_space<vmem>>, vector<16xf32>,
      %broadcast_in_dim3A_72 = arith.constant 0.000000e+00 : f32
      %broadcast_in_dim3A_73 = vector.broadcast %broadcast_in_dim3A_72 : f32 to vector<16xf32>
      %swap3A_74 = arith.index_cast %scan3A_37 : i32 to index
      %swap3A_75 = arith.constant 112 : index
      %swap3A_76 = tpu.vector_load %arg12[%swap3A_74, %swap3A_75] {strides = array<i32>} : memref<80x128xf32, #tpu.memory_space<vmem>>, vector<16xf32>,
      tpu.vector_store %arg12[%swap3A_74, %swap3A_75], %broadcast_in_dim3A_73 {strides = array<i32>} : memref<80x128xf32, #tpu.memory_space<vmem>>, vector<16xf32>,
      %scan3A_77 = arith.constant 0 : i32
      scf.yield %scan3A_77 : i32
    }
    %scan3A_8 = arith.constant 80 : i32
    %lt3A = arith.constant 10 : i32
    %lt3A_9 = arith.cmpi slt, %arg1, %lt3A : i32
    %convert_element_type3A = arith.extui %lt3A_9 : i1 to i32
    %cond3A = arith.constant 0 : i32
    %cond3A_10 = arith.cmpi ne, %convert_element_type3A, %cond3A : i32
    scf.if %cond3A_10 {
      %mul3A_37 = arith.constant 1000 : i32
      %mul3A_38 = arith.muli %arg1, %mul3A_37 : i32
      %add3A_39 = arith.constant 0 : i32
      %add3A_40 = arith.addi %mul3A_38, %add3A_39 : i32
      %multiple_of3A = tpu.assume_multiple %add3A_40, 8 : i32
      "tpu.region"() ({
        %run_scoped3A = tpu.sem_alloc : memref<!tpu.dma_semaphore, #tpu.memory_space<semaphore_mem>>
        %dma_start3A = arith.constant 0 : i32
        %dma_start3A_161 = arith.constant 0 : i32
        %dma_start3A_162 = tpu.memref_slice %arg12[%dma_start3A, %dma_start3A_161] : memref<80x128xf32, #tpu.memory_space<vmem>> -> memref<40x128xf32, #tpu.memory_space<vmem>>
        %dma_start3A_163 = arith.constant 0 : i32
        %dma_start3A_164 = tpu.memref_slice %arg14[%multiple_of3A, %dma_start3A_163] : memref<10000x128xf32, #tpu.memory_space<vmem_shared>> -> memref<40x128xf32, #tpu.memory_space<vmem_shared>>
        %dma_start3A_165 = arith.constant 0 : i32
        %dma_start3A_166 = tpu.memref_slice %arg14[%multiple_of3A, %dma_start3A_165] : memref<10000x128xf32, #tpu.memory_space<vmem_shared>> -> memref<40x128xf32, #tpu.memory_space<vmem_shared>>
        %dma_start3A_167 = arith.constant 0 : i32
        %dma_start3A_168 = arith.constant 0 : i32
        %dma_start3A_169 = tpu.memref_slice %arg12[%dma_start3A_167, %dma_start3A_168] : memref<80x128xf32, #tpu.memory_space<vmem>> -> memref<40x128xf32, #tpu.memory_space<vmem>>
        tpu.enqueue_dma source(%dma_start3A_169 : memref<40x128xf32, #tpu.memory_space<vmem>>) target(%dma_start3A_166 : memref<40x128xf32, #tpu.memory_space<vmem_shared>>) target_semaphore(%run_scoped3A : memref<!tpu.dma_semaphore, #tpu.memory_space<semaphore_mem>>)
        %dma_wait3A_170 = arith.constant 0 : i32
        %dma_wait3A_171 = arith.constant 0 : i32
        %dma_wait3A_172 = tpu.memref_slice %arg12[%dma_wait3A_170, %dma_wait3A_171] : memref<80x128xf32, #tpu.memory_space<vmem>> -> memref<40x128xf32, #tpu.memory_space<vmem>>
        %dma_wait3A_173 = arith.constant 0 : i32
        %dma_wait3A_174 = tpu.memref_slice %arg14[%multiple_of3A, %dma_wait3A_173] : memref<10000x128xf32, #tpu.memory_space<vmem_shared>> -> memref<40x128xf32, #tpu.memory_space<vmem_shared>>
        %dma_wait3A_175 = arith.constant 0 : i32
        %dma_wait3A_176 = tpu.memref_slice %arg14[%multiple_of3A, %dma_wait3A_175] : memref<10000x128xf32, #tpu.memory_space<vmem_shared>> -> memref<40x128xf32, #tpu.memory_space<vmem_shared>>
        %dma_wait3A_177 = arith.constant 0 : i32
        %dma_wait3A_178 = arith.constant 0 : i32
        %dma_wait3A_179 = tpu.memref_slice %arg12[%dma_wait3A_177, %dma_wait3A_178] : memref<80x128xf32, #tpu.memory_space<vmem>> -> memref<40x128xf32, #tpu.memory_space<vmem>>
        tpu.wait_dma2 semaphore(%run_scoped3A : memref<!tpu.dma_semaphore, #tpu.memory_space<semaphore_mem>>) src(%dma_wait3A_179 : memref<40x128xf32, #tpu.memory_space<vmem>>) dst(%dma_wait3A_176 : memref<40x128xf32, #tpu.memory_space<vmem_shared>>)
        tpu.yield
      }) : () -> ()
      %mul3A_41 = arith.constant 1000 : i32
      %mul3A_42 = arith.muli %arg1, %mul3A_41 : i32
      %add3A_43 = arith.constant 40 : i32
      %add3A_44 = arith.addi %mul3A_42, %add3A_43 : i32
      %multiple_of3A_45 = tpu.assume_multiple %add3A_44, 8 : i32
      "tpu.region"() ({
        %run_scoped3A = tpu.sem_alloc : memref<!tpu.dma_semaphore, #tpu.memory_space<semaphore_mem>>
        %dma_start3A = arith.constant 0 : i32
        %dma_start3A_161 = arith.constant 0 : i32
        %dma_start3A_162 = tpu.memref_slice %arg12[%dma_start3A, %dma_start3A_161] : memref<80x128xf32, #tpu.memory_space<vmem>> -> memref<40x128xf32, #tpu.memory_space<vmem>>
        %dma_start3A_163 = arith.constant 0 : i32
        %dma_start3A_164 = tpu.memref_slice %arg14[%multiple_of3A_45, %dma_start3A_163] : memref<10000x128xf32, #tpu.memory_space<vmem_shared>> -> memref<40x128xf32, #tpu.memory_space<vmem_shared>>
        %dma_start3A_165 = arith.constant 0 : i32
        %dma_start3A_166 = tpu.memref_slice %arg14[%multiple_of3A_45, %dma_start3A_165] : memref<10000x128xf32, #tpu.memory_space<vmem_shared>> -> memref<40x128xf32, #tpu.memory_space<vmem_shared>>
        %dma_start3A_167 = arith.constant 0 : i32
        %dma_start3A_168 = arith.constant 0 : i32
        %dma_start3A_169 = tpu.memref_slice %arg12[%dma_start3A_167, %dma_start3A_168] : memref<80x128xf32, #tpu.memory_space<vmem>> -> memref<40x128xf32, #tpu.memory_space<vmem>>
        tpu.enqueue_dma source(%dma_start3A_169 : memref<40x128xf32, #tpu.memory_space<vmem>>) target(%dma_start3A_166 : memref<40x128xf32, #tpu.memory_space<vmem_shared>>) target_semaphore(%run_scoped3A : memref<!tpu.dma_semaphore, #tpu.memory_space<semaphore_mem>>)
        %dma_wait3A_170 = arith.constant 0 : i32
        %dma_wait3A_171 = arith.constant 0 : i32
        %dma_wait3A_172 = tpu.memref_slice %arg12[%dma_wait3A_170, %dma_wait3A_171] : memref<80x128xf32, #tpu.memory_space<vmem>> -> memref<40x128xf32, #tpu.memory_space<vmem>>
        %dma_wait3A_173 = arith.constant 0 : i32
        %dma_wait3A_174 = tpu.memref_slice %arg14[%multiple_of3A_45, %dma_wait3A_173] : memref<10000x128xf32, #tpu.memory_space<vmem_shared>> -> memref<40x128xf32, #tpu.memory_space<vmem_shared>>
        %dma_wait3A_175 = arith.constant 0 : i32
        %dma_wait3A_176 = tpu.memref_slice %arg14[%multiple_of3A_45, %dma_wait3A_175] : memref<10000x128xf32, #tpu.memory_space<vmem_shared>> -> memref<40x128xf32, #tpu.memory_space<vmem_shared>>
        %dma_wait3A_177 = arith.constant 0 : i32
        %dma_wait3A_178 = arith.constant 0 : i32
        %dma_wait3A_179 = tpu.memref_slice %arg12[%dma_wait3A_177, %dma_wait3A_178] : memref<80x128xf32, #tpu.memory_space<vmem>> -> memref<40x128xf32, #tpu.memory_space<vmem>>
        tpu.wait_dma2 semaphore(%run_scoped3A : memref<!tpu.dma_semaphore, #tpu.memory_space<semaphore_mem>>) src(%dma_wait3A_179 : memref<40x128xf32, #tpu.memory_space<vmem>>) dst(%dma_wait3A_176 : memref<40x128xf32, #tpu.memory_space<vmem_shared>>)
        tpu.yield
      }) : () -> ()
      %mul3A_46 = arith.constant 1000 : i32
      %mul3A_47 = arith.muli %arg1, %mul3A_46 : i32
      %add3A_48 = arith.constant 80 : i32
      %add3A_49 = arith.addi %mul3A_47, %add3A_48 : i32
      %multiple_of3A_50 = tpu.assume_multiple %add3A_49, 8 : i32
      "tpu.region"() ({
        %run_scoped3A = tpu.sem_alloc : memref<!tpu.dma_semaphore, #tpu.memory_space<semaphore_mem>>
        %dma_start3A = arith.constant 0 : i32
        %dma_start3A_161 = arith.constant 0 : i32
        %dma_start3A_162 = tpu.memref_slice %arg12[%dma_start3A, %dma_start3A_161] : memref<80x128xf32, #tpu.memory_space<vmem>> -> memref<40x128xf32, #tpu.memory_space<vmem>>
        %dma_start3A_163 = arith.constant 0 : i32
        %dma_start3A_164 = tpu.memref_slice %arg14[%multiple_of3A_50, %dma_start3A_163] : memref<10000x128xf32, #tpu.memory_space<vmem_shared>> -> memref<40x128xf32, #tpu.memory_space<vmem_shared>>
        %dma_start3A_165 = arith.constant 0 : i32
        %dma_start3A_166 = tpu.memref_slice %arg14[%multiple_of3A_50, %dma_start3A_165] : memref<10000x128xf32, #tpu.memory_space<vmem_shared>> -> memref<40x128xf32, #tpu.memory_space<vmem_shared>>
        %dma_start3A_167 = arith.constant 0 : i32
        %dma_start3A_168 = arith.constant 0 : i32
        %dma_start3A_169 = tpu.memref_slice %arg12[%dma_start3A_167, %dma_start3A_168] : memref<80x128xf32, #tpu.memory_space<vmem>> -> memref<40x128xf32, #tpu.memory_space<vmem>>
        tpu.enqueue_dma source(%dma_start3A_169 : memref<40x128xf32, #tpu.memory_space<vmem>>) target(%dma_start3A_166 : memref<40x128xf32, #tpu.memory_space<vmem_shared>>) target_semaphore(%run_scoped3A : memref<!tpu.dma_semaphore, #tpu.memory_space<semaphore_mem>>)
        %dma_wait3A_170 = arith.constant 0 : i32
        %dma_wait3A_171 = arith.constant 0 : i32
        %dma_wait3A_172 = tpu.memref_slice %arg12[%dma_wait3A_170, %dma_wait3A_171] : memref<80x128xf32, #tpu.memory_space<vmem>> -> memref<40x128xf32, #tpu.memory_space<vmem>>
        %dma_wait3A_173 = arith.constant 0 : i32
        %dma_wait3A_174 = tpu.memref_slice %arg14[%multiple_of3A_50, %dma_wait3A_173] : memref<10000x128xf32, #tpu.memory_space<vmem_shared>> -> memref<40x128xf32, #tpu.memory_space<vmem_shared>>
        %dma_wait3A_175 = arith.constant 0 : i32
        %dma_wait3A_176 = tpu.memref_slice %arg14[%multiple_of3A_50, %dma_wait3A_175] : memref<10000x128xf32, #tpu.memory_space<vmem_shared>> -> memref<40x128xf32, #tpu.memory_space<vmem_shared>>
        %dma_wait3A_177 = arith.constant 0 : i32
        %dma_wait3A_178 = arith.constant 0 : i32
        %dma_wait3A_179 = tpu.memref_slice %arg12[%dma_wait3A_177, %dma_wait3A_178] : memref<80x128xf32, #tpu.memory_space<vmem>> -> memref<40x128xf32, #tpu.memory_space<vmem>>
        tpu.wait_dma2 semaphore(%run_scoped3A : memref<!tpu.dma_semaphore, #tpu.memory_space<semaphore_mem>>) src(%dma_wait3A_179 : memref<40x128xf32, #tpu.memory_space<vmem>>) dst(%dma_wait3A_176 : memref<40x128xf32, #tpu.memory_space<vmem_shared>>)
        tpu.yield
      }) : () -> ()
      %mul3A_51 = arith.constant 1000 : i32
      %mul3A_52 = arith.muli %arg1, %mul3A_51 : i32
      %add3A_53 = arith.constant 120 : i32
      %add3A_54 = arith.addi %mul3A_52, %add3A_53 : i32
      %multiple_of3A_55 = tpu.assume_multiple %add3A_54, 8 : i32
      "tpu.region"() ({
        %run_scoped3A = tpu.sem_alloc : memref<!tpu.dma_semaphore, #tpu.memory_space<semaphore_mem>>
        %dma_start3A = arith.constant 0 : i32
        %dma_start3A_161 = arith.constant 0 : i32
        %dma_start3A_162 = tpu.memref_slice %arg12[%dma_start3A, %dma_start3A_161] : memref<80x128xf32, #tpu.memory_space<vmem>> -> memref<40x128xf32, #tpu.memory_space<vmem>>
        %dma_start3A_163 = arith.constant 0 : i32
        %dma_start3A_164 = tpu.memref_slice %arg14[%multiple_of3A_55, %dma_start3A_163] : memref<10000x128xf32, #tpu.memory_space<vmem_shared>> -> memref<40x128xf32, #tpu.memory_space<vmem_shared>>
        %dma_start3A_165 = arith.constant 0 : i32
        %dma_start3A_166 = tpu.memref_slice %arg14[%multiple_of3A_55, %dma_start3A_165] : memref<10000x128xf32, #tpu.memory_space<vmem_shared>> -> memref<40x128xf32, #tpu.memory_space<vmem_shared>>
        %dma_start3A_167 = arith.constant 0 : i32
        %dma_start3A_168 = arith.constant 0 : i32
        %dma_start3A_169 = tpu.memref_slice %arg12[%dma_start3A_167, %dma_start3A_168] : memref<80x128xf32, #tpu.memory_space<vmem>> -> memref<40x128xf32, #tpu.memory_space<vmem>>
        tpu.enqueue_dma source(%dma_start3A_169 : memref<40x128xf32, #tpu.memory_space<vmem>>) target(%dma_start3A_166 : memref<40x128xf32, #tpu.memory_space<vmem_shared>>) target_semaphore(%run_scoped3A : memref<!tpu.dma_semaphore, #tpu.memory_space<semaphore_mem>>)
        %dma_wait3A_170 = arith.constant 0 : i32
        %dma_wait3A_171 = arith.constant 0 : i32
        %dma_wait3A_172 = tpu.memref_slice %arg12[%dma_wait3A_170, %dma_wait3A_171] : memref<80x128xf32, #tpu.memory_space<vmem>> -> memref<40x128xf32, #tpu.memory_space<vmem>>
        %dma_wait3A_173 = arith.constant 0 : i32
        %dma_wait3A_174 = tpu.memref_slice %arg14[%multiple_of3A_55, %dma_wait3A_173] : memref<10000x128xf32, #tpu.memory_space<vmem_shared>> -> memref<40x128xf32, #tpu.memory_space<vmem_shared>>
        %dma_wait3A_175 = arith.constant 0 : i32
        %dma_wait3A_176 = tpu.memref_slice %arg14[%multiple_of3A_55, %dma_wait3A_175] : memref<10000x128xf32, #tpu.memory_space<vmem_shared>> -> memref<40x128xf32, #tpu.memory_space<vmem_shared>>
        %dma_wait3A_177 = arith.constant 0 : i32
        %dma_wait3A_178 = arith.constant 0 : i32
        %dma_wait3A_179 = tpu.memref_slice %arg12[%dma_wait3A_177, %dma_wait3A_178] : memref<80x128xf32, #tpu.memory_space<vmem>> -> memref<40x128xf32, #tpu.memory_space<vmem>>
        tpu.wait_dma2 semaphore(%run_scoped3A : memref<!tpu.dma_semaphore, #tpu.memory_space<semaphore_mem>>) src(%dma_wait3A_179 : memref<40x128xf32, #tpu.memory_space<vmem>>) dst(%dma_wait3A_176 : memref<40x128xf32, #tpu.memory_space<vmem_shared>>)
        tpu.yield
      }) : () -> ()
      %mul3A_56 = arith.constant 1000 : i32
      %mul3A_57 = arith.muli %arg1, %mul3A_56 : i32
      %add3A_58 = arith.constant 160 : i32
      %add3A_59 = arith.addi %mul3A_57, %add3A_58 : i32
      %multiple_of3A_60 = tpu.assume_multiple %add3A_59, 8 : i32
      "tpu.region"() ({
        %run_scoped3A = tpu.sem_alloc : memref<!tpu.dma_semaphore, #tpu.memory_space<semaphore_mem>>
        %dma_start3A = arith.constant 0 : i32
        %dma_start3A_161 = arith.constant 0 : i32
        %dma_start3A_162 = tpu.memref_slice %arg12[%dma_start3A, %dma_start3A_161] : memref<80x128xf32, #tpu.memory_space<vmem>> -> memref<40x128xf32, #tpu.memory_space<vmem>>
        %dma_start3A_163 = arith.constant 0 : i32
        %dma_start3A_164 = tpu.memref_slice %arg14[%multiple_of3A_60, %dma_start3A_163] : memref<10000x128xf32, #tpu.memory_space<vmem_shared>> -> memref<40x128xf32, #tpu.memory_space<vmem_shared>>
        %dma_start3A_165 = arith.constant 0 : i32
        %dma_start3A_166 = tpu.memref_slice %arg14[%multiple_of3A_60, %dma_start3A_165] : memref<10000x128xf32, #tpu.memory_space<vmem_shared>> -> memref<40x128xf32, #tpu.memory_space<vmem_shared>>
        %dma_start3A_167 = arith.constant 0 : i32
        %dma_start3A_168 = arith.constant 0 : i32
        %dma_start3A_169 = tpu.memref_slice %arg12[%dma_start3A_167, %dma_start3A_168] : memref<80x128xf32, #tpu.memory_space<vmem>> -> memref<40x128xf32, #tpu.memory_space<vmem>>
        tpu.enqueue_dma source(%dma_start3A_169 : memref<40x128xf32, #tpu.memory_space<vmem>>) target(%dma_start3A_166 : memref<40x128xf32, #tpu.memory_space<vmem_shared>>) target_semaphore(%run_scoped3A : memref<!tpu.dma_semaphore, #tpu.memory_space<semaphore_mem>>)
        %dma_wait3A_170 = arith.constant 0 : i32
        %dma_wait3A_171 = arith.constant 0 : i32
        %dma_wait3A_172 = tpu.memref_slice %arg12[%dma_wait3A_170, %dma_wait3A_171] : memref<80x128xf32, #tpu.memory_space<vmem>> -> memref<40x128xf32, #tpu.memory_space<vmem>>
        %dma_wait3A_173 = arith.constant 0 : i32
        %dma_wait3A_174 = tpu.memref_slice %arg14[%multiple_of3A_60, %dma_wait3A_173] : memref<10000x128xf32, #tpu.memory_space<vmem_shared>> -> memref<40x128xf32, #tpu.memory_space<vmem_shared>>
        %dma_wait3A_175 = arith.constant 0 : i32
        %dma_wait3A_176 = tpu.memref_slice %arg14[%multiple_of3A_60, %dma_wait3A_175] : memref<10000x128xf32, #tpu.memory_space<vmem_shared>> -> memref<40x128xf32, #tpu.memory_space<vmem_shared>>
        %dma_wait3A_177 = arith.constant 0 : i32
        %dma_wait3A_178 = arith.constant 0 : i32
        %dma_wait3A_179 = tpu.memref_slice %arg12[%dma_wait3A_177, %dma_wait3A_178] : memref<80x128xf32, #tpu.memory_space<vmem>> -> memref<40x128xf32, #tpu.memory_space<vmem>>
        tpu.wait_dma2 semaphore(%run_scoped3A : memref<!tpu.dma_semaphore, #tpu.memory_space<semaphore_mem>>) src(%dma_wait3A_179 : memref<40x128xf32, #tpu.memory_space<vmem>>) dst(%dma_wait3A_176 : memref<40x128xf32, #tpu.memory_space<vmem_shared>>)
        tpu.yield
      }) : () -> ()
      %mul3A_61 = arith.constant 1000 : i32
      %mul3A_62 = arith.muli %arg1, %mul3A_61 : i32
      %add3A_63 = arith.constant 200 : i32
      %add3A_64 = arith.addi %mul3A_62, %add3A_63 : i32
      %multiple_of3A_65 = tpu.assume_multiple %add3A_64, 8 : i32
      "tpu.region"() ({
        %run_scoped3A = tpu.sem_alloc : memref<!tpu.dma_semaphore, #tpu.memory_space<semaphore_mem>>
        %dma_start3A = arith.constant 0 : i32
        %dma_start3A_161 = arith.constant 0 : i32
        %dma_start3A_162 = tpu.memref_slice %arg12[%dma_start3A, %dma_start3A_161] : memref<80x128xf32, #tpu.memory_space<vmem>> -> memref<40x128xf32, #tpu.memory_space<vmem>>
        %dma_start3A_163 = arith.constant 0 : i32
        %dma_start3A_164 = tpu.memref_slice %arg14[%multiple_of3A_65, %dma_start3A_163] : memref<10000x128xf32, #tpu.memory_space<vmem_shared>> -> memref<40x128xf32, #tpu.memory_space<vmem_shared>>
        %dma_start3A_165 = arith.constant 0 : i32
        %dma_start3A_166 = tpu.memref_slice %arg14[%multiple_of3A_65, %dma_start3A_165] : memref<10000x128xf32, #tpu.memory_space<vmem_shared>> -> memref<40x128xf32, #tpu.memory_space<vmem_shared>>
        %dma_start3A_167 = arith.constant 0 : i32
        %dma_start3A_168 = arith.constant 0 : i32
        %dma_start3A_169 = tpu.memref_slice %arg12[%dma_start3A_167, %dma_start3A_168] : memref<80x128xf32, #tpu.memory_space<vmem>> -> memref<40x128xf32, #tpu.memory_space<vmem>>
        tpu.enqueue_dma source(%dma_start3A_169 : memref<40x128xf32, #tpu.memory_space<vmem>>) target(%dma_start3A_166 : memref<40x128xf32, #tpu.memory_space<vmem_shared>>) target_semaphore(%run_scoped3A : memref<!tpu.dma_semaphore, #tpu.memory_space<semaphore_mem>>)
        %dma_wait3A_170 = arith.constant 0 : i32
        %dma_wait3A_171 = arith.constant 0 : i32
        %dma_wait3A_172 = tpu.memref_slice %arg12[%dma_wait3A_170, %dma_wait3A_171] : memref<80x128xf32, #tpu.memory_space<vmem>> -> memref<40x128xf32, #tpu.memory_space<vmem>>
        %dma_wait3A_173 = arith.constant 0 : i32
        %dma_wait3A_174 = tpu.memref_slice %arg14[%multiple_of3A_65, %dma_wait3A_173] : memref<10000x128xf32, #tpu.memory_space<vmem_shared>> -> memref<40x128xf32, #tpu.memory_space<vmem_shared>>
        %dma_wait3A_175 = arith.constant 0 : i32
        %dma_wait3A_176 = tpu.memref_slice %arg14[%multiple_of3A_65, %dma_wait3A_175] : memref<10000x128xf32, #tpu.memory_space<vmem_shared>> -> memref<40x128xf32, #tpu.memory_space<vmem_shared>>
        %dma_wait3A_177 = arith.constant 0 : i32
        %dma_wait3A_178 = arith.constant 0 : i32
        %dma_wait3A_179 = tpu.memref_slice %arg12[%dma_wait3A_177, %dma_wait3A_178] : memref<80x128xf32, #tpu.memory_space<vmem>> -> memref<40x128xf32, #tpu.memory_space<vmem>>
        tpu.wait_dma2 semaphore(%run_scoped3A : memref<!tpu.dma_semaphore, #tpu.memory_space<semaphore_mem>>) src(%dma_wait3A_179 : memref<40x128xf32, #tpu.memory_space<vmem>>) dst(%dma_wait3A_176 : memref<40x128xf32, #tpu.memory_space<vmem_shared>>)
        tpu.yield
      }) : () -> ()
      %mul3A_66 = arith.constant 1000 : i32
      %mul3A_67 = arith.muli %arg1, %mul3A_66 : i32
      %add3A_68 = arith.constant 240 : i32
      %add3A_69 = arith.addi %mul3A_67, %add3A_68 : i32
      %multiple_of3A_70 = tpu.assume_multiple %add3A_69, 8 : i32
      "tpu.region"() ({
        %run_scoped3A = tpu.sem_alloc : memref<!tpu.dma_semaphore, #tpu.memory_space<semaphore_mem>>
        %dma_start3A = arith.constant 0 : i32
        %dma_start3A_161 = arith.constant 0 : i32
        %dma_start3A_162 = tpu.memref_slice %arg12[%dma_start3A, %dma_start3A_161] : memref<80x128xf32, #tpu.memory_space<vmem>> -> memref<40x128xf32, #tpu.memory_space<vmem>>
        %dma_start3A_163 = arith.constant 0 : i32
        %dma_start3A_164 = tpu.memref_slice %arg14[%multiple_of3A_70, %dma_start3A_163] : memref<10000x128xf32, #tpu.memory_space<vmem_shared>> -> memref<40x128xf32, #tpu.memory_space<vmem_shared>>
        %dma_start3A_165 = arith.constant 0 : i32
        %dma_start3A_166 = tpu.memref_slice %arg14[%multiple_of3A_70, %dma_start3A_165] : memref<10000x128xf32, #tpu.memory_space<vmem_shared>> -> memref<40x128xf32, #tpu.memory_space<vmem_shared>>
        %dma_start3A_167 = arith.constant 0 : i32
        %dma_start3A_168 = arith.constant 0 : i32
        %dma_start3A_169 = tpu.memref_slice %arg12[%dma_start3A_167, %dma_start3A_168] : memref<80x128xf32, #tpu.memory_space<vmem>> -> memref<40x128xf32, #tpu.memory_space<vmem>>
        tpu.enqueue_dma source(%dma_start3A_169 : memref<40x128xf32, #tpu.memory_space<vmem>>) target(%dma_start3A_166 : memref<40x128xf32, #tpu.memory_space<vmem_shared>>) target_semaphore(%run_scoped3A : memref<!tpu.dma_semaphore, #tpu.memory_space<semaphore_mem>>)
        %dma_wait3A_170 = arith.constant 0 : i32
        %dma_wait3A_171 = arith.constant 0 : i32
        %dma_wait3A_172 = tpu.memref_slice %arg12[%dma_wait3A_170, %dma_wait3A_171] : memref<80x128xf32, #tpu.memory_space<vmem>> -> memref<40x128xf32, #tpu.memory_space<vmem>>
        %dma_wait3A_173 = arith.constant 0 : i32
        %dma_wait3A_174 = tpu.memref_slice %arg14[%multiple_of3A_70, %dma_wait3A_173] : memref<10000x128xf32, #tpu.memory_space<vmem_shared>> -> memref<40x128xf32, #tpu.memory_space<vmem_shared>>
        %dma_wait3A_175 = arith.constant 0 : i32
        %dma_wait3A_176 = tpu.memref_slice %arg14[%multiple_of3A_70, %dma_wait3A_175] : memref<10000x128xf32, #tpu.memory_space<vmem_shared>> -> memref<40x128xf32, #tpu.memory_space<vmem_shared>>
        %dma_wait3A_177 = arith.constant 0 : i32
        %dma_wait3A_178 = arith.constant 0 : i32
        %dma_wait3A_179 = tpu.memref_slice %arg12[%dma_wait3A_177, %dma_wait3A_178] : memref<80x128xf32, #tpu.memory_space<vmem>> -> memref<40x128xf32, #tpu.memory_space<vmem>>
        tpu.wait_dma2 semaphore(%run_scoped3A : memref<!tpu.dma_semaphore, #tpu.memory_space<semaphore_mem>>) src(%dma_wait3A_179 : memref<40x128xf32, #tpu.memory_space<vmem>>) dst(%dma_wait3A_176 : memref<40x128xf32, #tpu.memory_space<vmem_shared>>)
        tpu.yield
      }) : () -> ()
      %mul3A_71 = arith.constant 1000 : i32
      %mul3A_72 = arith.muli %arg1, %mul3A_71 : i32
      %add3A_73 = arith.constant 280 : i32
      %add3A_74 = arith.addi %mul3A_72, %add3A_73 : i32
      %multiple_of3A_75 = tpu.assume_multiple %add3A_74, 8 : i32
      "tpu.region"() ({
        %run_scoped3A = tpu.sem_alloc : memref<!tpu.dma_semaphore, #tpu.memory_space<semaphore_mem>>
        %dma_start3A = arith.constant 0 : i32
        %dma_start3A_161 = arith.constant 0 : i32
        %dma_start3A_162 = tpu.memref_slice %arg12[%dma_start3A, %dma_start3A_161] : memref<80x128xf32, #tpu.memory_space<vmem>> -> memref<40x128xf32, #tpu.memory_space<vmem>>
        %dma_start3A_163 = arith.constant 0 : i32
        %dma_start3A_164 = tpu.memref_slice %arg14[%multiple_of3A_75, %dma_start3A_163] : memref<10000x128xf32, #tpu.memory_space<vmem_shared>> -> memref<40x128xf32, #tpu.memory_space<vmem_shared>>
        %dma_start3A_165 = arith.constant 0 : i32
        %dma_start3A_166 = tpu.memref_slice %arg14[%multiple_of3A_75, %dma_start3A_165] : memref<10000x128xf32, #tpu.memory_space<vmem_shared>> -> memref<40x128xf32, #tpu.memory_space<vmem_shared>>
        %dma_start3A_167 = arith.constant 0 : i32
        %dma_start3A_168 = arith.constant 0 : i32
        %dma_start3A_169 = tpu.memref_slice %arg12[%dma_start3A_167, %dma_start3A_168] : memref<80x128xf32, #tpu.memory_space<vmem>> -> memref<40x128xf32, #tpu.memory_space<vmem>>
        tpu.enqueue_dma source(%dma_start3A_169 : memref<40x128xf32, #tpu.memory_space<vmem>>) target(%dma_start3A_166 : memref<40x128xf32, #tpu.memory_space<vmem_shared>>) target_semaphore(%run_scoped3A : memref<!tpu.dma_semaphore, #tpu.memory_space<semaphore_mem>>)
        %dma_wait3A_170 = arith.constant 0 : i32
        %dma_wait3A_171 = arith.constant 0 : i32
        %dma_wait3A_172 = tpu.memref_slice %arg12[%dma_wait3A_170, %dma_wait3A_171] : memref<80x128xf32, #tpu.memory_space<vmem>> -> memref<40x128xf32, #tpu.memory_space<vmem>>
        %dma_wait3A_173 = arith.constant 0 : i32
        %dma_wait3A_174 = tpu.memref_slice %arg14[%multiple_of3A_75, %dma_wait3A_173] : memref<10000x128xf32, #tpu.memory_space<vmem_shared>> -> memref<40x128xf32, #tpu.memory_space<vmem_shared>>
        %dma_wait3A_175 = arith.constant 0 : i32
        %dma_wait3A_176 = tpu.memref_slice %arg14[%multiple_of3A_75, %dma_wait3A_175] : memref<10000x128xf32, #tpu.memory_space<vmem_shared>> -> memref<40x128xf32, #tpu.memory_space<vmem_shared>>
        %dma_wait3A_177 = arith.constant 0 : i32
        %dma_wait3A_178 = arith.constant 0 : i32
        %dma_wait3A_179 = tpu.memref_slice %arg12[%dma_wait3A_177, %dma_wait3A_178] : memref<80x128xf32, #tpu.memory_space<vmem>> -> memref<40x128xf32, #tpu.memory_space<vmem>>
        tpu.wait_dma2 semaphore(%run_scoped3A : memref<!tpu.dma_semaphore, #tpu.memory_space<semaphore_mem>>) src(%dma_wait3A_179 : memref<40x128xf32, #tpu.memory_space<vmem>>) dst(%dma_wait3A_176 : memref<40x128xf32, #tpu.memory_space<vmem_shared>>)
        tpu.yield
      }) : () -> ()
      %mul3A_76 = arith.constant 1000 : i32
      %mul3A_77 = arith.muli %arg1, %mul3A_76 : i32
      %add3A_78 = arith.constant 320 : i32
      %add3A_79 = arith.addi %mul3A_77, %add3A_78 : i32
      %multiple_of3A_80 = tpu.assume_multiple %add3A_79, 8 : i32
      "tpu.region"() ({
        %run_scoped3A = tpu.sem_alloc : memref<!tpu.dma_semaphore, #tpu.memory_space<semaphore_mem>>
        %dma_start3A = arith.constant 0 : i32
        %dma_start3A_161 = arith.constant 0 : i32
        %dma_start3A_162 = tpu.memref_slice %arg12[%dma_start3A, %dma_start3A_161] : memref<80x128xf32, #tpu.memory_space<vmem>> -> memref<40x128xf32, #tpu.memory_space<vmem>>
        %dma_start3A_163 = arith.constant 0 : i32
        %dma_start3A_164 = tpu.memref_slice %arg14[%multiple_of3A_80, %dma_start3A_163] : memref<10000x128xf32, #tpu.memory_space<vmem_shared>> -> memref<40x128xf32, #tpu.memory_space<vmem_shared>>
        %dma_start3A_165 = arith.constant 0 : i32
        %dma_start3A_166 = tpu.memref_slice %arg14[%multiple_of3A_80, %dma_start3A_165] : memref<10000x128xf32, #tpu.memory_space<vmem_shared>> -> memref<40x128xf32, #tpu.memory_space<vmem_shared>>
        %dma_start3A_167 = arith.constant 0 : i32
        %dma_start3A_168 = arith.constant 0 : i32
        %dma_start3A_169 = tpu.memref_slice %arg12[%dma_start3A_167, %dma_start3A_168] : memref<80x128xf32, #tpu.memory_space<vmem>> -> memref<40x128xf32, #tpu.memory_space<vmem>>
        tpu.enqueue_dma source(%dma_start3A_169 : memref<40x128xf32, #tpu.memory_space<vmem>>) target(%dma_start3A_166 : memref<40x128xf32, #tpu.memory_space<vmem_shared>>) target_semaphore(%run_scoped3A : memref<!tpu.dma_semaphore, #tpu.memory_space<semaphore_mem>>)
        %dma_wait3A_170 = arith.constant 0 : i32
        %dma_wait3A_171 = arith.constant 0 : i32
        %dma_wait3A_172 = tpu.memref_slice %arg12[%dma_wait3A_170, %dma_wait3A_171] : memref<80x128xf32, #tpu.memory_space<vmem>> -> memref<40x128xf32, #tpu.memory_space<vmem>>
        %dma_wait3A_173 = arith.constant 0 : i32
        %dma_wait3A_174 = tpu.memref_slice %arg14[%multiple_of3A_80, %dma_wait3A_173] : memref<10000x128xf32, #tpu.memory_space<vmem_shared>> -> memref<40x128xf32, #tpu.memory_space<vmem_shared>>
        %dma_wait3A_175 = arith.constant 0 : i32
        %dma_wait3A_176 = tpu.memref_slice %arg14[%multiple_of3A_80, %dma_wait3A_175] : memref<10000x128xf32, #tpu.memory_space<vmem_shared>> -> memref<40x128xf32, #tpu.memory_space<vmem_shared>>
        %dma_wait3A_177 = arith.constant 0 : i32
        %dma_wait3A_178 = arith.constant 0 : i32
        %dma_wait3A_179 = tpu.memref_slice %arg12[%dma_wait3A_177, %dma_wait3A_178] : memref<80x128xf32, #tpu.memory_space<vmem>> -> memref<40x128xf32, #tpu.memory_space<vmem>>
        tpu.wait_dma2 semaphore(%run_scoped3A : memref<!tpu.dma_semaphore, #tpu.memory_space<semaphore_mem>>) src(%dma_wait3A_179 : memref<40x128xf32, #tpu.memory_space<vmem>>) dst(%dma_wait3A_176 : memref<40x128xf32, #tpu.memory_space<vmem_shared>>)
        tpu.yield
      }) : () -> ()
      %mul3A_81 = arith.constant 1000 : i32
      %mul3A_82 = arith.muli %arg1, %mul3A_81 : i32
      %add3A_83 = arith.constant 360 : i32
      %add3A_84 = arith.addi %mul3A_82, %add3A_83 : i32
      %multiple_of3A_85 = tpu.assume_multiple %add3A_84, 8 : i32
      "tpu.region"() ({
        %run_scoped3A = tpu.sem_alloc : memref<!tpu.dma_semaphore, #tpu.memory_space<semaphore_mem>>
        %dma_start3A = arith.constant 0 : i32
        %dma_start3A_161 = arith.constant 0 : i32
        %dma_start3A_162 = tpu.memref_slice %arg12[%dma_start3A, %dma_start3A_161] : memref<80x128xf32, #tpu.memory_space<vmem>> -> memref<40x128xf32, #tpu.memory_space<vmem>>
        %dma_start3A_163 = arith.constant 0 : i32
        %dma_start3A_164 = tpu.memref_slice %arg14[%multiple_of3A_85, %dma_start3A_163] : memref<10000x128xf32, #tpu.memory_space<vmem_shared>> -> memref<40x128xf32, #tpu.memory_space<vmem_shared>>
        %dma_start3A_165 = arith.constant 0 : i32
        %dma_start3A_166 = tpu.memref_slice %arg14[%multiple_of3A_85, %dma_start3A_165] : memref<10000x128xf32, #tpu.memory_space<vmem_shared>> -> memref<40x128xf32, #tpu.memory_space<vmem_shared>>
        %dma_start3A_167 = arith.constant 0 : i32
        %dma_start3A_168 = arith.constant 0 : i32
        %dma_start3A_169 = tpu.memref_slice %arg12[%dma_start3A_167, %dma_start3A_168] : memref<80x128xf32, #tpu.memory_space<vmem>> -> memref<40x128xf32, #tpu.memory_space<vmem>>
        tpu.enqueue_dma source(%dma_start3A_169 : memref<40x128xf32, #tpu.memory_space<vmem>>) target(%dma_start3A_166 : memref<40x128xf32, #tpu.memory_space<vmem_shared>>) target_semaphore(%run_scoped3A : memref<!tpu.dma_semaphore, #tpu.memory_space<semaphore_mem>>)
        %dma_wait3A_170 = arith.constant 0 : i32
        %dma_wait3A_171 = arith.constant 0 : i32
        %dma_wait3A_172 = tpu.memref_slice %arg12[%dma_wait3A_170, %dma_wait3A_171] : memref<80x128xf32, #tpu.memory_space<vmem>> -> memref<40x128xf32, #tpu.memory_space<vmem>>
        %dma_wait3A_173 = arith.constant 0 : i32
        %dma_wait3A_174 = tpu.memref_slice %arg14[%multiple_of3A_85, %dma_wait3A_173] : memref<10000x128xf32, #tpu.memory_space<vmem_shared>> -> memref<40x128xf32, #tpu.memory_space<vmem_shared>>
        %dma_wait3A_175 = arith.constant 0 : i32
        %dma_wait3A_176 = tpu.memref_slice %arg14[%multiple_of3A_85, %dma_wait3A_175] : memref<10000x128xf32, #tpu.memory_space<vmem_shared>> -> memref<40x128xf32, #tpu.memory_space<vmem_shared>>
        %dma_wait3A_177 = arith.constant 0 : i32
        %dma_wait3A_178 = arith.constant 0 : i32
        %dma_wait3A_179 = tpu.memref_slice %arg12[%dma_wait3A_177, %dma_wait3A_178] : memref<80x128xf32, #tpu.memory_space<vmem>> -> memref<40x128xf32, #tpu.memory_space<vmem>>
        tpu.wait_dma2 semaphore(%run_scoped3A : memref<!tpu.dma_semaphore, #tpu.memory_space<semaphore_mem>>) src(%dma_wait3A_179 : memref<40x128xf32, #tpu.memory_space<vmem>>) dst(%dma_wait3A_176 : memref<40x128xf32, #tpu.memory_space<vmem_shared>>)
        tpu.yield
      }) : () -> ()
      %mul3A_86 = arith.constant 1000 : i32
      %mul3A_87 = arith.muli %arg1, %mul3A_86 : i32
      %add3A_88 = arith.constant 400 : i32
      %add3A_89 = arith.addi %mul3A_87, %add3A_88 : i32
      %multiple_of3A_90 = tpu.assume_multiple %add3A_89, 8 : i32
      "tpu.region"() ({
        %run_scoped3A = tpu.sem_alloc : memref<!tpu.dma_semaphore, #tpu.memory_space<semaphore_mem>>
        %dma_start3A = arith.constant 0 : i32
        %dma_start3A_161 = arith.constant 0 : i32
        %dma_start3A_162 = tpu.memref_slice %arg12[%dma_start3A, %dma_start3A_161] : memref<80x128xf32, #tpu.memory_space<vmem>> -> memref<40x128xf32, #tpu.memory_space<vmem>>
        %dma_start3A_163 = arith.constant 0 : i32
        %dma_start3A_164 = tpu.memref_slice %arg14[%multiple_of3A_90, %dma_start3A_163] : memref<10000x128xf32, #tpu.memory_space<vmem_shared>> -> memref<40x128xf32, #tpu.memory_space<vmem_shared>>
        %dma_start3A_165 = arith.constant 0 : i32
        %dma_start3A_166 = tpu.memref_slice %arg14[%multiple_of3A_90, %dma_start3A_165] : memref<10000x128xf32, #tpu.memory_space<vmem_shared>> -> memref<40x128xf32, #tpu.memory_space<vmem_shared>>
        %dma_start3A_167 = arith.constant 0 : i32
        %dma_start3A_168 = arith.constant 0 : i32
        %dma_start3A_169 = tpu.memref_slice %arg12[%dma_start3A_167, %dma_start3A_168] : memref<80x128xf32, #tpu.memory_space<vmem>> -> memref<40x128xf32, #tpu.memory_space<vmem>>
        tpu.enqueue_dma source(%dma_start3A_169 : memref<40x128xf32, #tpu.memory_space<vmem>>) target(%dma_start3A_166 : memref<40x128xf32, #tpu.memory_space<vmem_shared>>) target_semaphore(%run_scoped3A : memref<!tpu.dma_semaphore, #tpu.memory_space<semaphore_mem>>)
        %dma_wait3A_170 = arith.constant 0 : i32
        %dma_wait3A_171 = arith.constant 0 : i32
        %dma_wait3A_172 = tpu.memref_slice %arg12[%dma_wait3A_170, %dma_wait3A_171] : memref<80x128xf32, #tpu.memory_space<vmem>> -> memref<40x128xf32, #tpu.memory_space<vmem>>
        %dma_wait3A_173 = arith.constant 0 : i32
        %dma_wait3A_174 = tpu.memref_slice %arg14[%multiple_of3A_90, %dma_wait3A_173] : memref<10000x128xf32, #tpu.memory_space<vmem_shared>> -> memref<40x128xf32, #tpu.memory_space<vmem_shared>>
        %dma_wait3A_175 = arith.constant 0 : i32
        %dma_wait3A_176 = tpu.memref_slice %arg14[%multiple_of3A_90, %dma_wait3A_175] : memref<10000x128xf32, #tpu.memory_space<vmem_shared>> -> memref<40x128xf32, #tpu.memory_space<vmem_shared>>
        %dma_wait3A_177 = arith.constant 0 : i32
        %dma_wait3A_178 = arith.constant 0 : i32
        %dma_wait3A_179 = tpu.memref_slice %arg12[%dma_wait3A_177, %dma_wait3A_178] : memref<80x128xf32, #tpu.memory_space<vmem>> -> memref<40x128xf32, #tpu.memory_space<vmem>>
        tpu.wait_dma2 semaphore(%run_scoped3A : memref<!tpu.dma_semaphore, #tpu.memory_space<semaphore_mem>>) src(%dma_wait3A_179 : memref<40x128xf32, #tpu.memory_space<vmem>>) dst(%dma_wait3A_176 : memref<40x128xf32, #tpu.memory_space<vmem_shared>>)
        tpu.yield
      }) : () -> ()
      %mul3A_91 = arith.constant 1000 : i32
      %mul3A_92 = arith.muli %arg1, %mul3A_91 : i32
      %add3A_93 = arith.constant 440 : i32
      %add3A_94 = arith.addi %mul3A_92, %add3A_93 : i32
      %multiple_of3A_95 = tpu.assume_multiple %add3A_94, 8 : i32
      "tpu.region"() ({
        %run_scoped3A = tpu.sem_alloc : memref<!tpu.dma_semaphore, #tpu.memory_space<semaphore_mem>>
        %dma_start3A = arith.constant 0 : i32
        %dma_start3A_161 = arith.constant 0 : i32
        %dma_start3A_162 = tpu.memref_slice %arg12[%dma_start3A, %dma_start3A_161] : memref<80x128xf32, #tpu.memory_space<vmem>> -> memref<40x128xf32, #tpu.memory_space<vmem>>
        %dma_start3A_163 = arith.constant 0 : i32
        %dma_start3A_164 = tpu.memref_slice %arg14[%multiple_of3A_95, %dma_start3A_163] : memref<10000x128xf32, #tpu.memory_space<vmem_shared>> -> memref<40x128xf32, #tpu.memory_space<vmem_shared>>
        %dma_start3A_165 = arith.constant 0 : i32
        %dma_start3A_166 = tpu.memref_slice %arg14[%multiple_of3A_95, %dma_start3A_165] : memref<10000x128xf32, #tpu.memory_space<vmem_shared>> -> memref<40x128xf32, #tpu.memory_space<vmem_shared>>
        %dma_start3A_167 = arith.constant 0 : i32
        %dma_start3A_168 = arith.constant 0 : i32
        %dma_start3A_169 = tpu.memref_slice %arg12[%dma_start3A_167, %dma_start3A_168] : memref<80x128xf32, #tpu.memory_space<vmem>> -> memref<40x128xf32, #tpu.memory_space<vmem>>
        tpu.enqueue_dma source(%dma_start3A_169 : memref<40x128xf32, #tpu.memory_space<vmem>>) target(%dma_start3A_166 : memref<40x128xf32, #tpu.memory_space<vmem_shared>>) target_semaphore(%run_scoped3A : memref<!tpu.dma_semaphore, #tpu.memory_space<semaphore_mem>>)
        %dma_wait3A_170 = arith.constant 0 : i32
        %dma_wait3A_171 = arith.constant 0 : i32
        %dma_wait3A_172 = tpu.memref_slice %arg12[%dma_wait3A_170, %dma_wait3A_171] : memref<80x128xf32, #tpu.memory_space<vmem>> -> memref<40x128xf32, #tpu.memory_space<vmem>>
        %dma_wait3A_173 = arith.constant 0 : i32
        %dma_wait3A_174 = tpu.memref_slice %arg14[%multiple_of3A_95, %dma_wait3A_173] : memref<10000x128xf32, #tpu.memory_space<vmem_shared>> -> memref<40x128xf32, #tpu.memory_space<vmem_shared>>
        %dma_wait3A_175 = arith.constant 0 : i32
        %dma_wait3A_176 = tpu.memref_slice %arg14[%multiple_of3A_95, %dma_wait3A_175] : memref<10000x128xf32, #tpu.memory_space<vmem_shared>> -> memref<40x128xf32, #tpu.memory_space<vmem_shared>>
        %dma_wait3A_177 = arith.constant 0 : i32
        %dma_wait3A_178 = arith.constant 0 : i32
        %dma_wait3A_179 = tpu.memref_slice %arg12[%dma_wait3A_177, %dma_wait3A_178] : memref<80x128xf32, #tpu.memory_space<vmem>> -> memref<40x128xf32, #tpu.memory_space<vmem>>
        tpu.wait_dma2 semaphore(%run_scoped3A : memref<!tpu.dma_semaphore, #tpu.memory_space<semaphore_mem>>) src(%dma_wait3A_179 : memref<40x128xf32, #tpu.memory_space<vmem>>) dst(%dma_wait3A_176 : memref<40x128xf32, #tpu.memory_space<vmem_shared>>)
        tpu.yield
      }) : () -> ()
      %mul3A_96 = arith.constant 1000 : i32
      %mul3A_97 = arith.muli %arg1, %mul3A_96 : i32
      %add3A_98 = arith.constant 480 : i32
      %add3A_99 = arith.addi %mul3A_97, %add3A_98 : i32
      %multiple_of3A_100 = tpu.assume_multiple %add3A_99, 8 : i32
      "tpu.region"() ({
        %run_scoped3A = tpu.sem_alloc : memref<!tpu.dma_semaphore, #tpu.memory_space<semaphore_mem>>
        %dma_start3A = arith.constant 0 : i32
        %dma_start3A_161 = arith.constant 0 : i32
        %dma_start3A_162 = tpu.memref_slice %arg12[%dma_start3A, %dma_start3A_161] : memref<80x128xf32, #tpu.memory_space<vmem>> -> memref<40x128xf32, #tpu.memory_space<vmem>>
        %dma_start3A_163 = arith.constant 0 : i32
        %dma_start3A_164 = tpu.memref_slice %arg14[%multiple_of3A_100, %dma_start3A_163] : memref<10000x128xf32, #tpu.memory_space<vmem_shared>> -> memref<40x128xf32, #tpu.memory_space<vmem_shared>>
        %dma_start3A_165 = arith.constant 0 : i32
        %dma_start3A_166 = tpu.memref_slice %arg14[%multiple_of3A_100, %dma_start3A_165] : memref<10000x128xf32, #tpu.memory_space<vmem_shared>> -> memref<40x128xf32, #tpu.memory_space<vmem_shared>>
        %dma_start3A_167 = arith.constant 0 : i32
        %dma_start3A_168 = arith.constant 0 : i32
        %dma_start3A_169 = tpu.memref_slice %arg12[%dma_start3A_167, %dma_start3A_168] : memref<80x128xf32, #tpu.memory_space<vmem>> -> memref<40x128xf32, #tpu.memory_space<vmem>>
        tpu.enqueue_dma source(%dma_start3A_169 : memref<40x128xf32, #tpu.memory_space<vmem>>) target(%dma_start3A_166 : memref<40x128xf32, #tpu.memory_space<vmem_shared>>) target_semaphore(%run_scoped3A : memref<!tpu.dma_semaphore, #tpu.memory_space<semaphore_mem>>)
        %dma_wait3A_170 = arith.constant 0 : i32
        %dma_wait3A_171 = arith.constant 0 : i32
        %dma_wait3A_172 = tpu.memref_slice %arg12[%dma_wait3A_170, %dma_wait3A_171] : memref<80x128xf32, #tpu.memory_space<vmem>> -> memref<40x128xf32, #tpu.memory_space<vmem>>
        %dma_wait3A_173 = arith.constant 0 : i32
        %dma_wait3A_174 = tpu.memref_slice %arg14[%multiple_of3A_100, %dma_wait3A_173] : memref<10000x128xf32, #tpu.memory_space<vmem_shared>> -> memref<40x128xf32, #tpu.memory_space<vmem_shared>>
        %dma_wait3A_175 = arith.constant 0 : i32
        %dma_wait3A_176 = tpu.memref_slice %arg14[%multiple_of3A_100, %dma_wait3A_175] : memref<10000x128xf32, #tpu.memory_space<vmem_shared>> -> memref<40x128xf32, #tpu.memory_space<vmem_shared>>
        %dma_wait3A_177 = arith.constant 0 : i32
        %dma_wait3A_178 = arith.constant 0 : i32
        %dma_wait3A_179 = tpu.memref_slice %arg12[%dma_wait3A_177, %dma_wait3A_178] : memref<80x128xf32, #tpu.memory_space<vmem>> -> memref<40x128xf32, #tpu.memory_space<vmem>>
        tpu.wait_dma2 semaphore(%run_scoped3A : memref<!tpu.dma_semaphore, #tpu.memory_space<semaphore_mem>>) src(%dma_wait3A_179 : memref<40x128xf32, #tpu.memory_space<vmem>>) dst(%dma_wait3A_176 : memref<40x128xf32, #tpu.memory_space<vmem_shared>>)
        tpu.yield
      }) : () -> ()
      %mul3A_101 = arith.constant 1000 : i32
      %mul3A_102 = arith.muli %arg1, %mul3A_101 : i32
      %add3A_103 = arith.constant 520 : i32
      %add3A_104 = arith.addi %mul3A_102, %add3A_103 : i32
      %multiple_of3A_105 = tpu.assume_multiple %add3A_104, 8 : i32
      "tpu.region"() ({
        %run_scoped3A = tpu.sem_alloc : memref<!tpu.dma_semaphore, #tpu.memory_space<semaphore_mem>>
        %dma_start3A = arith.constant 0 : i32
        %dma_start3A_161 = arith.constant 0 : i32
        %dma_start3A_162 = tpu.memref_slice %arg12[%dma_start3A, %dma_start3A_161] : memref<80x128xf32, #tpu.memory_space<vmem>> -> memref<40x128xf32, #tpu.memory_space<vmem>>
        %dma_start3A_163 = arith.constant 0 : i32
        %dma_start3A_164 = tpu.memref_slice %arg14[%multiple_of3A_105, %dma_start3A_163] : memref<10000x128xf32, #tpu.memory_space<vmem_shared>> -> memref<40x128xf32, #tpu.memory_space<vmem_shared>>
        %dma_start3A_165 = arith.constant 0 : i32
        %dma_start3A_166 = tpu.memref_slice %arg14[%multiple_of3A_105, %dma_start3A_165] : memref<10000x128xf32, #tpu.memory_space<vmem_shared>> -> memref<40x128xf32, #tpu.memory_space<vmem_shared>>
        %dma_start3A_167 = arith.constant 0 : i32
        %dma_start3A_168 = arith.constant 0 : i32
        %dma_start3A_169 = tpu.memref_slice %arg12[%dma_start3A_167, %dma_start3A_168] : memref<80x128xf32, #tpu.memory_space<vmem>> -> memref<40x128xf32, #tpu.memory_space<vmem>>
        tpu.enqueue_dma source(%dma_start3A_169 : memref<40x128xf32, #tpu.memory_space<vmem>>) target(%dma_start3A_166 : memref<40x128xf32, #tpu.memory_space<vmem_shared>>) target_semaphore(%run_scoped3A : memref<!tpu.dma_semaphore, #tpu.memory_space<semaphore_mem>>)
        %dma_wait3A_170 = arith.constant 0 : i32
        %dma_wait3A_171 = arith.constant 0 : i32
        %dma_wait3A_172 = tpu.memref_slice %arg12[%dma_wait3A_170, %dma_wait3A_171] : memref<80x128xf32, #tpu.memory_space<vmem>> -> memref<40x128xf32, #tpu.memory_space<vmem>>
        %dma_wait3A_173 = arith.constant 0 : i32
        %dma_wait3A_174 = tpu.memref_slice %arg14[%multiple_of3A_105, %dma_wait3A_173] : memref<10000x128xf32, #tpu.memory_space<vmem_shared>> -> memref<40x128xf32, #tpu.memory_space<vmem_shared>>
        %dma_wait3A_175 = arith.constant 0 : i32
        %dma_wait3A_176 = tpu.memref_slice %arg14[%multiple_of3A_105, %dma_wait3A_175] : memref<10000x128xf32, #tpu.memory_space<vmem_shared>> -> memref<40x128xf32, #tpu.memory_space<vmem_shared>>
        %dma_wait3A_177 = arith.constant 0 : i32
        %dma_wait3A_178 = arith.constant 0 : i32
        %dma_wait3A_179 = tpu.memref_slice %arg12[%dma_wait3A_177, %dma_wait3A_178] : memref<80x128xf32, #tpu.memory_space<vmem>> -> memref<40x128xf32, #tpu.memory_space<vmem>>
        tpu.wait_dma2 semaphore(%run_scoped3A : memref<!tpu.dma_semaphore, #tpu.memory_space<semaphore_mem>>) src(%dma_wait3A_179 : memref<40x128xf32, #tpu.memory_space<vmem>>) dst(%dma_wait3A_176 : memref<40x128xf32, #tpu.memory_space<vmem_shared>>)
        tpu.yield
      }) : () -> ()
      %mul3A_106 = arith.constant 1000 : i32
      %mul3A_107 = arith.muli %arg1, %mul3A_106 : i32
      %add3A_108 = arith.constant 560 : i32
      %add3A_109 = arith.addi %mul3A_107, %add3A_108 : i32
      %multiple_of3A_110 = tpu.assume_multiple %add3A_109, 8 : i32
      "tpu.region"() ({
        %run_scoped3A = tpu.sem_alloc : memref<!tpu.dma_semaphore, #tpu.memory_space<semaphore_mem>>
        %dma_start3A = arith.constant 0 : i32
        %dma_start3A_161 = arith.constant 0 : i32
        %dma_start3A_162 = tpu.memref_slice %arg12[%dma_start3A, %dma_start3A_161] : memref<80x128xf32, #tpu.memory_space<vmem>> -> memref<40x128xf32, #tpu.memory_space<vmem>>
        %dma_start3A_163 = arith.constant 0 : i32
        %dma_start3A_164 = tpu.memref_slice %arg14[%multiple_of3A_110, %dma_start3A_163] : memref<10000x128xf32, #tpu.memory_space<vmem_shared>> -> memref<40x128xf32, #tpu.memory_space<vmem_shared>>
        %dma_start3A_165 = arith.constant 0 : i32
        %dma_start3A_166 = tpu.memref_slice %arg14[%multiple_of3A_110, %dma_start3A_165] : memref<10000x128xf32, #tpu.memory_space<vmem_shared>> -> memref<40x128xf32, #tpu.memory_space<vmem_shared>>
        %dma_start3A_167 = arith.constant 0 : i32
        %dma_start3A_168 = arith.constant 0 : i32
        %dma_start3A_169 = tpu.memref_slice %arg12[%dma_start3A_167, %dma_start3A_168] : memref<80x128xf32, #tpu.memory_space<vmem>> -> memref<40x128xf32, #tpu.memory_space<vmem>>
        tpu.enqueue_dma source(%dma_start3A_169 : memref<40x128xf32, #tpu.memory_space<vmem>>) target(%dma_start3A_166 : memref<40x128xf32, #tpu.memory_space<vmem_shared>>) target_semaphore(%run_scoped3A : memref<!tpu.dma_semaphore, #tpu.memory_space<semaphore_mem>>)
        %dma_wait3A_170 = arith.constant 0 : i32
        %dma_wait3A_171 = arith.constant 0 : i32
        %dma_wait3A_172 = tpu.memref_slice %arg12[%dma_wait3A_170, %dma_wait3A_171] : memref<80x128xf32, #tpu.memory_space<vmem>> -> memref<40x128xf32, #tpu.memory_space<vmem>>
        %dma_wait3A_173 = arith.constant 0 : i32
        %dma_wait3A_174 = tpu.memref_slice %arg14[%multiple_of3A_110, %dma_wait3A_173] : memref<10000x128xf32, #tpu.memory_space<vmem_shared>> -> memref<40x128xf32, #tpu.memory_space<vmem_shared>>
        %dma_wait3A_175 = arith.constant 0 : i32
        %dma_wait3A_176 = tpu.memref_slice %arg14[%multiple_of3A_110, %dma_wait3A_175] : memref<10000x128xf32, #tpu.memory_space<vmem_shared>> -> memref<40x128xf32, #tpu.memory_space<vmem_shared>>
        %dma_wait3A_177 = arith.constant 0 : i32
        %dma_wait3A_178 = arith.constant 0 : i32
        %dma_wait3A_179 = tpu.memref_slice %arg12[%dma_wait3A_177, %dma_wait3A_178] : memref<80x128xf32, #tpu.memory_space<vmem>> -> memref<40x128xf32, #tpu.memory_space<vmem>>
        tpu.wait_dma2 semaphore(%run_scoped3A : memref<!tpu.dma_semaphore, #tpu.memory_space<semaphore_mem>>) src(%dma_wait3A_179 : memref<40x128xf32, #tpu.memory_space<vmem>>) dst(%dma_wait3A_176 : memref<40x128xf32, #tpu.memory_space<vmem_shared>>)
        tpu.yield
      }) : () -> ()
      %mul3A_111 = arith.constant 1000 : i32
      %mul3A_112 = arith.muli %arg1, %mul3A_111 : i32
      %add3A_113 = arith.constant 600 : i32
      %add3A_114 = arith.addi %mul3A_112, %add3A_113 : i32
      %multiple_of3A_115 = tpu.assume_multiple %add3A_114, 8 : i32
      "tpu.region"() ({
        %run_scoped3A = tpu.sem_alloc : memref<!tpu.dma_semaphore, #tpu.memory_space<semaphore_mem>>
        %dma_start3A = arith.constant 0 : i32
        %dma_start3A_161 = arith.constant 0 : i32
        %dma_start3A_162 = tpu.memref_slice %arg12[%dma_start3A, %dma_start3A_161] : memref<80x128xf32, #tpu.memory_space<vmem>> -> memref<40x128xf32, #tpu.memory_space<vmem>>
        %dma_start3A_163 = arith.constant 0 : i32
        %dma_start3A_164 = tpu.memref_slice %arg14[%multiple_of3A_115, %dma_start3A_163] : memref<10000x128xf32, #tpu.memory_space<vmem_shared>> -> memref<40x128xf32, #tpu.memory_space<vmem_shared>>
        %dma_start3A_165 = arith.constant 0 : i32
        %dma_start3A_166 = tpu.memref_slice %arg14[%multiple_of3A_115, %dma_start3A_165] : memref<10000x128xf32, #tpu.memory_space<vmem_shared>> -> memref<40x128xf32, #tpu.memory_space<vmem_shared>>
        %dma_start3A_167 = arith.constant 0 : i32
        %dma_start3A_168 = arith.constant 0 : i32
        %dma_start3A_169 = tpu.memref_slice %arg12[%dma_start3A_167, %dma_start3A_168] : memref<80x128xf32, #tpu.memory_space<vmem>> -> memref<40x128xf32, #tpu.memory_space<vmem>>
        tpu.enqueue_dma source(%dma_start3A_169 : memref<40x128xf32, #tpu.memory_space<vmem>>) target(%dma_start3A_166 : memref<40x128xf32, #tpu.memory_space<vmem_shared>>) target_semaphore(%run_scoped3A : memref<!tpu.dma_semaphore, #tpu.memory_space<semaphore_mem>>)
        %dma_wait3A_170 = arith.constant 0 : i32
        %dma_wait3A_171 = arith.constant 0 : i32
        %dma_wait3A_172 = tpu.memref_slice %arg12[%dma_wait3A_170, %dma_wait3A_171] : memref<80x128xf32, #tpu.memory_space<vmem>> -> memref<40x128xf32, #tpu.memory_space<vmem>>
        %dma_wait3A_173 = arith.constant 0 : i32
        %dma_wait3A_174 = tpu.memref_slice %arg14[%multiple_of3A_115, %dma_wait3A_173] : memref<10000x128xf32, #tpu.memory_space<vmem_shared>> -> memref<40x128xf32, #tpu.memory_space<vmem_shared>>
        %dma_wait3A_175 = arith.constant 0 : i32
        %dma_wait3A_176 = tpu.memref_slice %arg14[%multiple_of3A_115, %dma_wait3A_175] : memref<10000x128xf32, #tpu.memory_space<vmem_shared>> -> memref<40x128xf32, #tpu.memory_space<vmem_shared>>
        %dma_wait3A_177 = arith.constant 0 : i32
        %dma_wait3A_178 = arith.constant 0 : i32
        %dma_wait3A_179 = tpu.memref_slice %arg12[%dma_wait3A_177, %dma_wait3A_178] : memref<80x128xf32, #tpu.memory_space<vmem>> -> memref<40x128xf32, #tpu.memory_space<vmem>>
        tpu.wait_dma2 semaphore(%run_scoped3A : memref<!tpu.dma_semaphore, #tpu.memory_space<semaphore_mem>>) src(%dma_wait3A_179 : memref<40x128xf32, #tpu.memory_space<vmem>>) dst(%dma_wait3A_176 : memref<40x128xf32, #tpu.memory_space<vmem_shared>>)
        tpu.yield
      }) : () -> ()
      %mul3A_116 = arith.constant 1000 : i32
      %mul3A_117 = arith.muli %arg1, %mul3A_116 : i32
      %add3A_118 = arith.constant 640 : i32
      %add3A_119 = arith.addi %mul3A_117, %add3A_118 : i32
      %multiple_of3A_120 = tpu.assume_multiple %add3A_119, 8 : i32
      "tpu.region"() ({
        %run_scoped3A = tpu.sem_alloc : memref<!tpu.dma_semaphore, #tpu.memory_space<semaphore_mem>>
        %dma_start3A = arith.constant 0 : i32
        %dma_start3A_161 = arith.constant 0 : i32
        %dma_start3A_162 = tpu.memref_slice %arg12[%dma_start3A, %dma_start3A_161] : memref<80x128xf32, #tpu.memory_space<vmem>> -> memref<40x128xf32, #tpu.memory_space<vmem>>
        %dma_start3A_163 = arith.constant 0 : i32
        %dma_start3A_164 = tpu.memref_slice %arg14[%multiple_of3A_120, %dma_start3A_163] : memref<10000x128xf32, #tpu.memory_space<vmem_shared>> -> memref<40x128xf32, #tpu.memory_space<vmem_shared>>
        %dma_start3A_165 = arith.constant 0 : i32
        %dma_start3A_166 = tpu.memref_slice %arg14[%multiple_of3A_120, %dma_start3A_165] : memref<10000x128xf32, #tpu.memory_space<vmem_shared>> -> memref<40x128xf32, #tpu.memory_space<vmem_shared>>
        %dma_start3A_167 = arith.constant 0 : i32
        %dma_start3A_168 = arith.constant 0 : i32
        %dma_start3A_169 = tpu.memref_slice %arg12[%dma_start3A_167, %dma_start3A_168] : memref<80x128xf32, #tpu.memory_space<vmem>> -> memref<40x128xf32, #tpu.memory_space<vmem>>
        tpu.enqueue_dma source(%dma_start3A_169 : memref<40x128xf32, #tpu.memory_space<vmem>>) target(%dma_start3A_166 : memref<40x128xf32, #tpu.memory_space<vmem_shared>>) target_semaphore(%run_scoped3A : memref<!tpu.dma_semaphore, #tpu.memory_space<semaphore_mem>>)
        %dma_wait3A_170 = arith.constant 0 : i32
        %dma_wait3A_171 = arith.constant 0 : i32
        %dma_wait3A_172 = tpu.memref_slice %arg12[%dma_wait3A_170, %dma_wait3A_171] : memref<80x128xf32, #tpu.memory_space<vmem>> -> memref<40x128xf32, #tpu.memory_space<vmem>>
        %dma_wait3A_173 = arith.constant 0 : i32
        %dma_wait3A_174 = tpu.memref_slice %arg14[%multiple_of3A_120, %dma_wait3A_173] : memref<10000x128xf32, #tpu.memory_space<vmem_shared>> -> memref<40x128xf32, #tpu.memory_space<vmem_shared>>
        %dma_wait3A_175 = arith.constant 0 : i32
        %dma_wait3A_176 = tpu.memref_slice %arg14[%multiple_of3A_120, %dma_wait3A_175] : memref<10000x128xf32, #tpu.memory_space<vmem_shared>> -> memref<40x128xf32, #tpu.memory_space<vmem_shared>>
        %dma_wait3A_177 = arith.constant 0 : i32
        %dma_wait3A_178 = arith.constant 0 : i32
        %dma_wait3A_179 = tpu.memref_slice %arg12[%dma_wait3A_177, %dma_wait3A_178] : memref<80x128xf32, #tpu.memory_space<vmem>> -> memref<40x128xf32, #tpu.memory_space<vmem>>
        tpu.wait_dma2 semaphore(%run_scoped3A : memref<!tpu.dma_semaphore, #tpu.memory_space<semaphore_mem>>) src(%dma_wait3A_179 : memref<40x128xf32, #tpu.memory_space<vmem>>) dst(%dma_wait3A_176 : memref<40x128xf32, #tpu.memory_space<vmem_shared>>)
        tpu.yield
      }) : () -> ()
      %mul3A_121 = arith.constant 1000 : i32
      %mul3A_122 = arith.muli %arg1, %mul3A_121 : i32
      %add3A_123 = arith.constant 680 : i32
      %add3A_124 = arith.addi %mul3A_122, %add3A_123 : i32
      %multiple_of3A_125 = tpu.assume_multiple %add3A_124, 8 : i32
      "tpu.region"() ({
        %run_scoped3A = tpu.sem_alloc : memref<!tpu.dma_semaphore, #tpu.memory_space<semaphore_mem>>
        %dma_start3A = arith.constant 0 : i32
        %dma_start3A_161 = arith.constant 0 : i32
        %dma_start3A_162 = tpu.memref_slice %arg12[%dma_start3A, %dma_start3A_161] : memref<80x128xf32, #tpu.memory_space<vmem>> -> memref<40x128xf32, #tpu.memory_space<vmem>>
        %dma_start3A_163 = arith.constant 0 : i32
        %dma_start3A_164 = tpu.memref_slice %arg14[%multiple_of3A_125, %dma_start3A_163] : memref<10000x128xf32, #tpu.memory_space<vmem_shared>> -> memref<40x128xf32, #tpu.memory_space<vmem_shared>>
        %dma_start3A_165 = arith.constant 0 : i32
        %dma_start3A_166 = tpu.memref_slice %arg14[%multiple_of3A_125, %dma_start3A_165] : memref<10000x128xf32, #tpu.memory_space<vmem_shared>> -> memref<40x128xf32, #tpu.memory_space<vmem_shared>>
        %dma_start3A_167 = arith.constant 0 : i32
        %dma_start3A_168 = arith.constant 0 : i32
        %dma_start3A_169 = tpu.memref_slice %arg12[%dma_start3A_167, %dma_start3A_168] : memref<80x128xf32, #tpu.memory_space<vmem>> -> memref<40x128xf32, #tpu.memory_space<vmem>>
        tpu.enqueue_dma source(%dma_start3A_169 : memref<40x128xf32, #tpu.memory_space<vmem>>) target(%dma_start3A_166 : memref<40x128xf32, #tpu.memory_space<vmem_shared>>) target_semaphore(%run_scoped3A : memref<!tpu.dma_semaphore, #tpu.memory_space<semaphore_mem>>)
        %dma_wait3A_170 = arith.constant 0 : i32
        %dma_wait3A_171 = arith.constant 0 : i32
        %dma_wait3A_172 = tpu.memref_slice %arg12[%dma_wait3A_170, %dma_wait3A_171] : memref<80x128xf32, #tpu.memory_space<vmem>> -> memref<40x128xf32, #tpu.memory_space<vmem>>
        %dma_wait3A_173 = arith.constant 0 : i32
        %dma_wait3A_174 = tpu.memref_slice %arg14[%multiple_of3A_125, %dma_wait3A_173] : memref<10000x128xf32, #tpu.memory_space<vmem_shared>> -> memref<40x128xf32, #tpu.memory_space<vmem_shared>>
        %dma_wait3A_175 = arith.constant 0 : i32
        %dma_wait3A_176 = tpu.memref_slice %arg14[%multiple_of3A_125, %dma_wait3A_175] : memref<10000x128xf32, #tpu.memory_space<vmem_shared>> -> memref<40x128xf32, #tpu.memory_space<vmem_shared>>
        %dma_wait3A_177 = arith.constant 0 : i32
        %dma_wait3A_178 = arith.constant 0 : i32
        %dma_wait3A_179 = tpu.memref_slice %arg12[%dma_wait3A_177, %dma_wait3A_178] : memref<80x128xf32, #tpu.memory_space<vmem>> -> memref<40x128xf32, #tpu.memory_space<vmem>>
        tpu.wait_dma2 semaphore(%run_scoped3A : memref<!tpu.dma_semaphore, #tpu.memory_space<semaphore_mem>>) src(%dma_wait3A_179 : memref<40x128xf32, #tpu.memory_space<vmem>>) dst(%dma_wait3A_176 : memref<40x128xf32, #tpu.memory_space<vmem_shared>>)
        tpu.yield
      }) : () -> ()
      %mul3A_126 = arith.constant 1000 : i32
      %mul3A_127 = arith.muli %arg1, %mul3A_126 : i32
      %add3A_128 = arith.constant 720 : i32
      %add3A_129 = arith.addi %mul3A_127, %add3A_128 : i32
      %multiple_of3A_130 = tpu.assume_multiple %add3A_129, 8 : i32
      "tpu.region"() ({
        %run_scoped3A = tpu.sem_alloc : memref<!tpu.dma_semaphore, #tpu.memory_space<semaphore_mem>>
        %dma_start3A = arith.constant 0 : i32
        %dma_start3A_161 = arith.constant 0 : i32
        %dma_start3A_162 = tpu.memref_slice %arg12[%dma_start3A, %dma_start3A_161] : memref<80x128xf32, #tpu.memory_space<vmem>> -> memref<40x128xf32, #tpu.memory_space<vmem>>
        %dma_start3A_163 = arith.constant 0 : i32
        %dma_start3A_164 = tpu.memref_slice %arg14[%multiple_of3A_130, %dma_start3A_163] : memref<10000x128xf32, #tpu.memory_space<vmem_shared>> -> memref<40x128xf32, #tpu.memory_space<vmem_shared>>
        %dma_start3A_165 = arith.constant 0 : i32
        %dma_start3A_166 = tpu.memref_slice %arg14[%multiple_of3A_130, %dma_start3A_165] : memref<10000x128xf32, #tpu.memory_space<vmem_shared>> -> memref<40x128xf32, #tpu.memory_space<vmem_shared>>
        %dma_start3A_167 = arith.constant 0 : i32
        %dma_start3A_168 = arith.constant 0 : i32
        %dma_start3A_169 = tpu.memref_slice %arg12[%dma_start3A_167, %dma_start3A_168] : memref<80x128xf32, #tpu.memory_space<vmem>> -> memref<40x128xf32, #tpu.memory_space<vmem>>
        tpu.enqueue_dma source(%dma_start3A_169 : memref<40x128xf32, #tpu.memory_space<vmem>>) target(%dma_start3A_166 : memref<40x128xf32, #tpu.memory_space<vmem_shared>>) target_semaphore(%run_scoped3A : memref<!tpu.dma_semaphore, #tpu.memory_space<semaphore_mem>>)
        %dma_wait3A_170 = arith.constant 0 : i32
        %dma_wait3A_171 = arith.constant 0 : i32
        %dma_wait3A_172 = tpu.memref_slice %arg12[%dma_wait3A_170, %dma_wait3A_171] : memref<80x128xf32, #tpu.memory_space<vmem>> -> memref<40x128xf32, #tpu.memory_space<vmem>>
        %dma_wait3A_173 = arith.constant 0 : i32
        %dma_wait3A_174 = tpu.memref_slice %arg14[%multiple_of3A_130, %dma_wait3A_173] : memref<10000x128xf32, #tpu.memory_space<vmem_shared>> -> memref<40x128xf32, #tpu.memory_space<vmem_shared>>
        %dma_wait3A_175 = arith.constant 0 : i32
        %dma_wait3A_176 = tpu.memref_slice %arg14[%multiple_of3A_130, %dma_wait3A_175] : memref<10000x128xf32, #tpu.memory_space<vmem_shared>> -> memref<40x128xf32, #tpu.memory_space<vmem_shared>>
        %dma_wait3A_177 = arith.constant 0 : i32
        %dma_wait3A_178 = arith.constant 0 : i32
        %dma_wait3A_179 = tpu.memref_slice %arg12[%dma_wait3A_177, %dma_wait3A_178] : memref<80x128xf32, #tpu.memory_space<vmem>> -> memref<40x128xf32, #tpu.memory_space<vmem>>
        tpu.wait_dma2 semaphore(%run_scoped3A : memref<!tpu.dma_semaphore, #tpu.memory_space<semaphore_mem>>) src(%dma_wait3A_179 : memref<40x128xf32, #tpu.memory_space<vmem>>) dst(%dma_wait3A_176 : memref<40x128xf32, #tpu.memory_space<vmem_shared>>)
        tpu.yield
      }) : () -> ()
      %mul3A_131 = arith.constant 1000 : i32
      %mul3A_132 = arith.muli %arg1, %mul3A_131 : i32
      %add3A_133 = arith.constant 760 : i32
      %add3A_134 = arith.addi %mul3A_132, %add3A_133 : i32
      %multiple_of3A_135 = tpu.assume_multiple %add3A_134, 8 : i32
      "tpu.region"() ({
        %run_scoped3A = tpu.sem_alloc : memref<!tpu.dma_semaphore, #tpu.memory_space<semaphore_mem>>
        %dma_start3A = arith.constant 0 : i32
        %dma_start3A_161 = arith.constant 0 : i32
        %dma_start3A_162 = tpu.memref_slice %arg12[%dma_start3A, %dma_start3A_161] : memref<80x128xf32, #tpu.memory_space<vmem>> -> memref<40x128xf32, #tpu.memory_space<vmem>>
        %dma_start3A_163 = arith.constant 0 : i32
        %dma_start3A_164 = tpu.memref_slice %arg14[%multiple_of3A_135, %dma_start3A_163] : memref<10000x128xf32, #tpu.memory_space<vmem_shared>> -> memref<40x128xf32, #tpu.memory_space<vmem_shared>>
        %dma_start3A_165 = arith.constant 0 : i32
        %dma_start3A_166 = tpu.memref_slice %arg14[%multiple_of3A_135, %dma_start3A_165] : memref<10000x128xf32, #tpu.memory_space<vmem_shared>> -> memref<40x128xf32, #tpu.memory_space<vmem_shared>>
        %dma_start3A_167 = arith.constant 0 : i32
        %dma_start3A_168 = arith.constant 0 : i32
        %dma_start3A_169 = tpu.memref_slice %arg12[%dma_start3A_167, %dma_start3A_168] : memref<80x128xf32, #tpu.memory_space<vmem>> -> memref<40x128xf32, #tpu.memory_space<vmem>>
        tpu.enqueue_dma source(%dma_start3A_169 : memref<40x128xf32, #tpu.memory_space<vmem>>) target(%dma_start3A_166 : memref<40x128xf32, #tpu.memory_space<vmem_shared>>) target_semaphore(%run_scoped3A : memref<!tpu.dma_semaphore, #tpu.memory_space<semaphore_mem>>)
        %dma_wait3A_170 = arith.constant 0 : i32
        %dma_wait3A_171 = arith.constant 0 : i32
        %dma_wait3A_172 = tpu.memref_slice %arg12[%dma_wait3A_170, %dma_wait3A_171] : memref<80x128xf32, #tpu.memory_space<vmem>> -> memref<40x128xf32, #tpu.memory_space<vmem>>
        %dma_wait3A_173 = arith.constant 0 : i32
        %dma_wait3A_174 = tpu.memref_slice %arg14[%multiple_of3A_135, %dma_wait3A_173] : memref<10000x128xf32, #tpu.memory_space<vmem_shared>> -> memref<40x128xf32, #tpu.memory_space<vmem_shared>>
        %dma_wait3A_175 = arith.constant 0 : i32
        %dma_wait3A_176 = tpu.memref_slice %arg14[%multiple_of3A_135, %dma_wait3A_175] : memref<10000x128xf32, #tpu.memory_space<vmem_shared>> -> memref<40x128xf32, #tpu.memory_space<vmem_shared>>
        %dma_wait3A_177 = arith.constant 0 : i32
        %dma_wait3A_178 = arith.constant 0 : i32
        %dma_wait3A_179 = tpu.memref_slice %arg12[%dma_wait3A_177, %dma_wait3A_178] : memref<80x128xf32, #tpu.memory_space<vmem>> -> memref<40x128xf32, #tpu.memory_space<vmem>>
        tpu.wait_dma2 semaphore(%run_scoped3A : memref<!tpu.dma_semaphore, #tpu.memory_space<semaphore_mem>>) src(%dma_wait3A_179 : memref<40x128xf32, #tpu.memory_space<vmem>>) dst(%dma_wait3A_176 : memref<40x128xf32, #tpu.memory_space<vmem_shared>>)
        tpu.yield
      }) : () -> ()
      %mul3A_136 = arith.constant 1000 : i32
      %mul3A_137 = arith.muli %arg1, %mul3A_136 : i32
      %add3A_138 = arith.constant 800 : i32
      %add3A_139 = arith.addi %mul3A_137, %add3A_138 : i32
      %multiple_of3A_140 = tpu.assume_multiple %add3A_139, 8 : i32
      "tpu.region"() ({
        %run_scoped3A = tpu.sem_alloc : memref<!tpu.dma_semaphore, #tpu.memory_space<semaphore_mem>>
        %dma_start3A = arith.constant 0 : i32
        %dma_start3A_161 = arith.constant 0 : i32
        %dma_start3A_162 = tpu.memref_slice %arg12[%dma_start3A, %dma_start3A_161] : memref<80x128xf32, #tpu.memory_space<vmem>> -> memref<40x128xf32, #tpu.memory_space<vmem>>
        %dma_start3A_163 = arith.constant 0 : i32
        %dma_start3A_164 = tpu.memref_slice %arg14[%multiple_of3A_140, %dma_start3A_163] : memref<10000x128xf32, #tpu.memory_space<vmem_shared>> -> memref<40x128xf32, #tpu.memory_space<vmem_shared>>
        %dma_start3A_165 = arith.constant 0 : i32
        %dma_start3A_166 = tpu.memref_slice %arg14[%multiple_of3A_140, %dma_start3A_165] : memref<10000x128xf32, #tpu.memory_space<vmem_shared>> -> memref<40x128xf32, #tpu.memory_space<vmem_shared>>
        %dma_start3A_167 = arith.constant 0 : i32
        %dma_start3A_168 = arith.constant 0 : i32
        %dma_start3A_169 = tpu.memref_slice %arg12[%dma_start3A_167, %dma_start3A_168] : memref<80x128xf32, #tpu.memory_space<vmem>> -> memref<40x128xf32, #tpu.memory_space<vmem>>
        tpu.enqueue_dma source(%dma_start3A_169 : memref<40x128xf32, #tpu.memory_space<vmem>>) target(%dma_start3A_166 : memref<40x128xf32, #tpu.memory_space<vmem_shared>>) target_semaphore(%run_scoped3A : memref<!tpu.dma_semaphore, #tpu.memory_space<semaphore_mem>>)
        %dma_wait3A_170 = arith.constant 0 : i32
        %dma_wait3A_171 = arith.constant 0 : i32
        %dma_wait3A_172 = tpu.memref_slice %arg12[%dma_wait3A_170, %dma_wait3A_171] : memref<80x128xf32, #tpu.memory_space<vmem>> -> memref<40x128xf32, #tpu.memory_space<vmem>>
        %dma_wait3A_173 = arith.constant 0 : i32
        %dma_wait3A_174 = tpu.memref_slice %arg14[%multiple_of3A_140, %dma_wait3A_173] : memref<10000x128xf32, #tpu.memory_space<vmem_shared>> -> memref<40x128xf32, #tpu.memory_space<vmem_shared>>
        %dma_wait3A_175 = arith.constant 0 : i32
        %dma_wait3A_176 = tpu.memref_slice %arg14[%multiple_of3A_140, %dma_wait3A_175] : memref<10000x128xf32, #tpu.memory_space<vmem_shared>> -> memref<40x128xf32, #tpu.memory_space<vmem_shared>>
        %dma_wait3A_177 = arith.constant 0 : i32
        %dma_wait3A_178 = arith.constant 0 : i32
        %dma_wait3A_179 = tpu.memref_slice %arg12[%dma_wait3A_177, %dma_wait3A_178] : memref<80x128xf32, #tpu.memory_space<vmem>> -> memref<40x128xf32, #tpu.memory_space<vmem>>
        tpu.wait_dma2 semaphore(%run_scoped3A : memref<!tpu.dma_semaphore, #tpu.memory_space<semaphore_mem>>) src(%dma_wait3A_179 : memref<40x128xf32, #tpu.memory_space<vmem>>) dst(%dma_wait3A_176 : memref<40x128xf32, #tpu.memory_space<vmem_shared>>)
        tpu.yield
      }) : () -> ()
      %mul3A_141 = arith.constant 1000 : i32
      %mul3A_142 = arith.muli %arg1, %mul3A_141 : i32
      %add3A_143 = arith.constant 840 : i32
      %add3A_144 = arith.addi %mul3A_142, %add3A_143 : i32
      %multiple_of3A_145 = tpu.assume_multiple %add3A_144, 8 : i32
      "tpu.region"() ({
        %run_scoped3A = tpu.sem_alloc : memref<!tpu.dma_semaphore, #tpu.memory_space<semaphore_mem>>
        %dma_start3A = arith.constant 0 : i32
        %dma_start3A_161 = arith.constant 0 : i32
        %dma_start3A_162 = tpu.memref_slice %arg12[%dma_start3A, %dma_start3A_161] : memref<80x128xf32, #tpu.memory_space<vmem>> -> memref<40x128xf32, #tpu.memory_space<vmem>>
        %dma_start3A_163 = arith.constant 0 : i32
        %dma_start3A_164 = tpu.memref_slice %arg14[%multiple_of3A_145, %dma_start3A_163] : memref<10000x128xf32, #tpu.memory_space<vmem_shared>> -> memref<40x128xf32, #tpu.memory_space<vmem_shared>>
        %dma_start3A_165 = arith.constant 0 : i32
        %dma_start3A_166 = tpu.memref_slice %arg14[%multiple_of3A_145, %dma_start3A_165] : memref<10000x128xf32, #tpu.memory_space<vmem_shared>> -> memref<40x128xf32, #tpu.memory_space<vmem_shared>>
        %dma_start3A_167 = arith.constant 0 : i32
        %dma_start3A_168 = arith.constant 0 : i32
        %dma_start3A_169 = tpu.memref_slice %arg12[%dma_start3A_167, %dma_start3A_168] : memref<80x128xf32, #tpu.memory_space<vmem>> -> memref<40x128xf32, #tpu.memory_space<vmem>>
        tpu.enqueue_dma source(%dma_start3A_169 : memref<40x128xf32, #tpu.memory_space<vmem>>) target(%dma_start3A_166 : memref<40x128xf32, #tpu.memory_space<vmem_shared>>) target_semaphore(%run_scoped3A : memref<!tpu.dma_semaphore, #tpu.memory_space<semaphore_mem>>)
        %dma_wait3A_170 = arith.constant 0 : i32
        %dma_wait3A_171 = arith.constant 0 : i32
        %dma_wait3A_172 = tpu.memref_slice %arg12[%dma_wait3A_170, %dma_wait3A_171] : memref<80x128xf32, #tpu.memory_space<vmem>> -> memref<40x128xf32, #tpu.memory_space<vmem>>
        %dma_wait3A_173 = arith.constant 0 : i32
        %dma_wait3A_174 = tpu.memref_slice %arg14[%multiple_of3A_145, %dma_wait3A_173] : memref<10000x128xf32, #tpu.memory_space<vmem_shared>> -> memref<40x128xf32, #tpu.memory_space<vmem_shared>>
        %dma_wait3A_175 = arith.constant 0 : i32
        %dma_wait3A_176 = tpu.memref_slice %arg14[%multiple_of3A_145, %dma_wait3A_175] : memref<10000x128xf32, #tpu.memory_space<vmem_shared>> -> memref<40x128xf32, #tpu.memory_space<vmem_shared>>
        %dma_wait3A_177 = arith.constant 0 : i32
        %dma_wait3A_178 = arith.constant 0 : i32
        %dma_wait3A_179 = tpu.memref_slice %arg12[%dma_wait3A_177, %dma_wait3A_178] : memref<80x128xf32, #tpu.memory_space<vmem>> -> memref<40x128xf32, #tpu.memory_space<vmem>>
        tpu.wait_dma2 semaphore(%run_scoped3A : memref<!tpu.dma_semaphore, #tpu.memory_space<semaphore_mem>>) src(%dma_wait3A_179 : memref<40x128xf32, #tpu.memory_space<vmem>>) dst(%dma_wait3A_176 : memref<40x128xf32, #tpu.memory_space<vmem_shared>>)
        tpu.yield
      }) : () -> ()
      %mul3A_146 = arith.constant 1000 : i32
      %mul3A_147 = arith.muli %arg1, %mul3A_146 : i32
      %add3A_148 = arith.constant 880 : i32
      %add3A_149 = arith.addi %mul3A_147, %add3A_148 : i32
      %multiple_of3A_150 = tpu.assume_multiple %add3A_149, 8 : i32
      "tpu.region"() ({
        %run_scoped3A = tpu.sem_alloc : memref<!tpu.dma_semaphore, #tpu.memory_space<semaphore_mem>>
        %dma_start3A = arith.constant 0 : i32
        %dma_start3A_161 = arith.constant 0 : i32
        %dma_start3A_162 = tpu.memref_slice %arg12[%dma_start3A, %dma_start3A_161] : memref<80x128xf32, #tpu.memory_space<vmem>> -> memref<40x128xf32, #tpu.memory_space<vmem>>
        %dma_start3A_163 = arith.constant 0 : i32
        %dma_start3A_164 = tpu.memref_slice %arg14[%multiple_of3A_150, %dma_start3A_163] : memref<10000x128xf32, #tpu.memory_space<vmem_shared>> -> memref<40x128xf32, #tpu.memory_space<vmem_shared>>
        %dma_start3A_165 = arith.constant 0 : i32
        %dma_start3A_166 = tpu.memref_slice %arg14[%multiple_of3A_150, %dma_start3A_165] : memref<10000x128xf32, #tpu.memory_space<vmem_shared>> -> memref<40x128xf32, #tpu.memory_space<vmem_shared>>
        %dma_start3A_167 = arith.constant 0 : i32
        %dma_start3A_168 = arith.constant 0 : i32
        %dma_start3A_169 = tpu.memref_slice %arg12[%dma_start3A_167, %dma_start3A_168] : memref<80x128xf32, #tpu.memory_space<vmem>> -> memref<40x128xf32, #tpu.memory_space<vmem>>
        tpu.enqueue_dma source(%dma_start3A_169 : memref<40x128xf32, #tpu.memory_space<vmem>>) target(%dma_start3A_166 : memref<40x128xf32, #tpu.memory_space<vmem_shared>>) target_semaphore(%run_scoped3A : memref<!tpu.dma_semaphore, #tpu.memory_space<semaphore_mem>>)
        %dma_wait3A_170 = arith.constant 0 : i32
        %dma_wait3A_171 = arith.constant 0 : i32
        %dma_wait3A_172 = tpu.memref_slice %arg12[%dma_wait3A_170, %dma_wait3A_171] : memref<80x128xf32, #tpu.memory_space<vmem>> -> memref<40x128xf32, #tpu.memory_space<vmem>>
        %dma_wait3A_173 = arith.constant 0 : i32
        %dma_wait3A_174 = tpu.memref_slice %arg14[%multiple_of3A_150, %dma_wait3A_173] : memref<10000x128xf32, #tpu.memory_space<vmem_shared>> -> memref<40x128xf32, #tpu.memory_space<vmem_shared>>
        %dma_wait3A_175 = arith.constant 0 : i32
        %dma_wait3A_176 = tpu.memref_slice %arg14[%multiple_of3A_150, %dma_wait3A_175] : memref<10000x128xf32, #tpu.memory_space<vmem_shared>> -> memref<40x128xf32, #tpu.memory_space<vmem_shared>>
        %dma_wait3A_177 = arith.constant 0 : i32
        %dma_wait3A_178 = arith.constant 0 : i32
        %dma_wait3A_179 = tpu.memref_slice %arg12[%dma_wait3A_177, %dma_wait3A_178] : memref<80x128xf32, #tpu.memory_space<vmem>> -> memref<40x128xf32, #tpu.memory_space<vmem>>
        tpu.wait_dma2 semaphore(%run_scoped3A : memref<!tpu.dma_semaphore, #tpu.memory_space<semaphore_mem>>) src(%dma_wait3A_179 : memref<40x128xf32, #tpu.memory_space<vmem>>) dst(%dma_wait3A_176 : memref<40x128xf32, #tpu.memory_space<vmem_shared>>)
        tpu.yield
      }) : () -> ()
      %mul3A_151 = arith.constant 1000 : i32
      %mul3A_152 = arith.muli %arg1, %mul3A_151 : i32
      %add3A_153 = arith.constant 920 : i32
      %add3A_154 = arith.addi %mul3A_152, %add3A_153 : i32
      %multiple_of3A_155 = tpu.assume_multiple %add3A_154, 8 : i32
      "tpu.region"() ({
        %run_scoped3A = tpu.sem_alloc : memref<!tpu.dma_semaphore, #tpu.memory_space<semaphore_mem>>
        %dma_start3A = arith.constant 0 : i32
        %dma_start3A_161 = arith.constant 0 : i32
        %dma_start3A_162 = tpu.memref_slice %arg12[%dma_start3A, %dma_start3A_161] : memref<80x128xf32, #tpu.memory_space<vmem>> -> memref<40x128xf32, #tpu.memory_space<vmem>>
        %dma_start3A_163 = arith.constant 0 : i32
        %dma_start3A_164 = tpu.memref_slice %arg14[%multiple_of3A_155, %dma_start3A_163] : memref<10000x128xf32, #tpu.memory_space<vmem_shared>> -> memref<40x128xf32, #tpu.memory_space<vmem_shared>>
        %dma_start3A_165 = arith.constant 0 : i32
        %dma_start3A_166 = tpu.memref_slice %arg14[%multiple_of3A_155, %dma_start3A_165] : memref<10000x128xf32, #tpu.memory_space<vmem_shared>> -> memref<40x128xf32, #tpu.memory_space<vmem_shared>>
        %dma_start3A_167 = arith.constant 0 : i32
        %dma_start3A_168 = arith.constant 0 : i32
        %dma_start3A_169 = tpu.memref_slice %arg12[%dma_start3A_167, %dma_start3A_168] : memref<80x128xf32, #tpu.memory_space<vmem>> -> memref<40x128xf32, #tpu.memory_space<vmem>>
        tpu.enqueue_dma source(%dma_start3A_169 : memref<40x128xf32, #tpu.memory_space<vmem>>) target(%dma_start3A_166 : memref<40x128xf32, #tpu.memory_space<vmem_shared>>) target_semaphore(%run_scoped3A : memref<!tpu.dma_semaphore, #tpu.memory_space<semaphore_mem>>)
        %dma_wait3A_170 = arith.constant 0 : i32
        %dma_wait3A_171 = arith.constant 0 : i32
        %dma_wait3A_172 = tpu.memref_slice %arg12[%dma_wait3A_170, %dma_wait3A_171] : memref<80x128xf32, #tpu.memory_space<vmem>> -> memref<40x128xf32, #tpu.memory_space<vmem>>
        %dma_wait3A_173 = arith.constant 0 : i32
        %dma_wait3A_174 = tpu.memref_slice %arg14[%multiple_of3A_155, %dma_wait3A_173] : memref<10000x128xf32, #tpu.memory_space<vmem_shared>> -> memref<40x128xf32, #tpu.memory_space<vmem_shared>>
        %dma_wait3A_175 = arith.constant 0 : i32
        %dma_wait3A_176 = tpu.memref_slice %arg14[%multiple_of3A_155, %dma_wait3A_175] : memref<10000x128xf32, #tpu.memory_space<vmem_shared>> -> memref<40x128xf32, #tpu.memory_space<vmem_shared>>
        %dma_wait3A_177 = arith.constant 0 : i32
        %dma_wait3A_178 = arith.constant 0 : i32
        %dma_wait3A_179 = tpu.memref_slice %arg12[%dma_wait3A_177, %dma_wait3A_178] : memref<80x128xf32, #tpu.memory_space<vmem>> -> memref<40x128xf32, #tpu.memory_space<vmem>>
        tpu.wait_dma2 semaphore(%run_scoped3A : memref<!tpu.dma_semaphore, #tpu.memory_space<semaphore_mem>>) src(%dma_wait3A_179 : memref<40x128xf32, #tpu.memory_space<vmem>>) dst(%dma_wait3A_176 : memref<40x128xf32, #tpu.memory_space<vmem_shared>>)
        tpu.yield
      }) : () -> ()
      %mul3A_156 = arith.constant 1000 : i32
      %mul3A_157 = arith.muli %arg1, %mul3A_156 : i32
      %add3A_158 = arith.constant 960 : i32
      %add3A_159 = arith.addi %mul3A_157, %add3A_158 : i32
      %multiple_of3A_160 = tpu.assume_multiple %add3A_159, 8 : i32
      "tpu.region"() ({
        %run_scoped3A = tpu.sem_alloc : memref<!tpu.dma_semaphore, #tpu.memory_space<semaphore_mem>>
        %dma_start3A = arith.constant 0 : i32
        %dma_start3A_161 = arith.constant 0 : i32
        %dma_start3A_162 = tpu.memref_slice %arg12[%dma_start3A, %dma_start3A_161] : memref<80x128xf32, #tpu.memory_space<vmem>> -> memref<40x128xf32, #tpu.memory_space<vmem>>
        %dma_start3A_163 = arith.constant 0 : i32
        %dma_start3A_164 = tpu.memref_slice %arg14[%multiple_of3A_160, %dma_start3A_163] : memref<10000x128xf32, #tpu.memory_space<vmem_shared>> -> memref<40x128xf32, #tpu.memory_space<vmem_shared>>
        %dma_start3A_165 = arith.constant 0 : i32
        %dma_start3A_166 = tpu.memref_slice %arg14[%multiple_of3A_160, %dma_start3A_165] : memref<10000x128xf32, #tpu.memory_space<vmem_shared>> -> memref<40x128xf32, #tpu.memory_space<vmem_shared>>
        %dma_start3A_167 = arith.constant 0 : i32
        %dma_start3A_168 = arith.constant 0 : i32
        %dma_start3A_169 = tpu.memref_slice %arg12[%dma_start3A_167, %dma_start3A_168] : memref<80x128xf32, #tpu.memory_space<vmem>> -> memref<40x128xf32, #tpu.memory_space<vmem>>
        tpu.enqueue_dma source(%dma_start3A_169 : memref<40x128xf32, #tpu.memory_space<vmem>>) target(%dma_start3A_166 : memref<40x128xf32, #tpu.memory_space<vmem_shared>>) target_semaphore(%run_scoped3A : memref<!tpu.dma_semaphore, #tpu.memory_space<semaphore_mem>>)
        %dma_wait3A_170 = arith.constant 0 : i32
        %dma_wait3A_171 = arith.constant 0 : i32
        %dma_wait3A_172 = tpu.memref_slice %arg12[%dma_wait3A_170, %dma_wait3A_171] : memref<80x128xf32, #tpu.memory_space<vmem>> -> memref<40x128xf32, #tpu.memory_space<vmem>>
        %dma_wait3A_173 = arith.constant 0 : i32
        %dma_wait3A_174 = tpu.memref_slice %arg14[%multiple_of3A_160, %dma_wait3A_173] : memref<10000x128xf32, #tpu.memory_space<vmem_shared>> -> memref<40x128xf32, #tpu.memory_space<vmem_shared>>
        %dma_wait3A_175 = arith.constant 0 : i32
        %dma_wait3A_176 = tpu.memref_slice %arg14[%multiple_of3A_160, %dma_wait3A_175] : memref<10000x128xf32, #tpu.memory_space<vmem_shared>> -> memref<40x128xf32, #tpu.memory_space<vmem_shared>>
        %dma_wait3A_177 = arith.constant 0 : i32
        %dma_wait3A_178 = arith.constant 0 : i32
        %dma_wait3A_179 = tpu.memref_slice %arg12[%dma_wait3A_177, %dma_wait3A_178] : memref<80x128xf32, #tpu.memory_space<vmem>> -> memref<40x128xf32, #tpu.memory_space<vmem>>
        tpu.wait_dma2 semaphore(%run_scoped3A : memref<!tpu.dma_semaphore, #tpu.memory_space<semaphore_mem>>) src(%dma_wait3A_179 : memref<40x128xf32, #tpu.memory_space<vmem>>) dst(%dma_wait3A_176 : memref<40x128xf32, #tpu.memory_space<vmem_shared>>)
        tpu.yield
      }) : () -> ()
    } else {
    }
    %barrier3A = arith.constant 0 : index
    tpu.barrier barrier_id(%barrier3A)
    %scan3A_11 = arith.constant 0 : i32
    %scan3A_12 = arith.constant 0 : i32
    %scan3A_13 = arith.constant 5 : i32
    %scan3A_14 = arith.addi %scan3A_12, %scan3A_13 : i32
    %scan3A_15 = arith.constant 1 : i32
    %scan3A_16 = scf.for %scan3A_37 = %scan3A_12 to %scan3A_14 step %scan3A_15 iter_args(%scan3A_38 = %scan3A_11) -> (i32)  : i32 {
      %mul3A_39 = arith.constant 2000 : i32
      %mul3A_40 = arith.muli %scan3A_37, %mul3A_39 : i32
      %add3A_41 = arith.addi %mul3A_2, %mul3A_40 : i32
      %mul3A_42 = arith.constant 5 : i32
      %mul3A_43 = arith.muli %add3A, %mul3A_42 : i32
      %add3A_44 = arith.addi %mul3A_43, %scan3A_37 : i32
      "tpu.region"() ({
        %run_scoped3A = tpu.sem_alloc : memref<!tpu.dma_semaphore, #tpu.memory_space<semaphore_mem>>
        %dma_start3A_77 = tpu.memref_slice %arg2[%add3A_41] : memref<320000xi32, #tpu.memory_space<hbm>> -> memref<2000xi32, #tpu.memory_space<hbm>>
        %dma_start3A_78 = tpu.memref_slice %arg2[%add3A_41] : memref<320000xi32, #tpu.memory_space<hbm>> -> memref<2000xi32, #tpu.memory_space<hbm>>
        tpu.enqueue_dma source(%dma_start3A_78 : memref<2000xi32, #tpu.memory_space<hbm>>) target(%arg7 : memref<2000xi32, #tpu.memory_space<vmem>>) target_semaphore(%run_scoped3A : memref<!tpu.dma_semaphore, #tpu.memory_space<semaphore_mem>>)
        %dma_wait3A_79 = tpu.memref_slice %arg2[%add3A_41] : memref<320000xi32, #tpu.memory_space<hbm>> -> memref<2000xi32, #tpu.memory_space<hbm>>
        %dma_wait3A_80 = tpu.memref_slice %arg2[%add3A_41] : memref<320000xi32, #tpu.memory_space<hbm>> -> memref<2000xi32, #tpu.memory_space<hbm>>
        tpu.wait_dma2 semaphore(%run_scoped3A : memref<!tpu.dma_semaphore, #tpu.memory_space<semaphore_mem>>) src(%dma_wait3A_80 : memref<2000xi32, #tpu.memory_space<hbm>>) dst(%arg7 : memref<2000xi32, #tpu.memory_space<vmem>>)
        tpu.yield
      }) : () -> ()
      "tpu.region"() ({
        %run_scoped3A = tpu.sem_alloc : memref<!tpu.dma_semaphore, #tpu.memory_space<semaphore_mem>>
        %dma_start3A_77 = arith.constant 0 : i32
        %dma_start3A_78 = arith.constant 0 : i32
        %dma_start3A_79 = tpu.memref_slice %arg3[%add3A_44, %dma_start3A_77, %dma_start3A_78] : memref<160x25x80xi32, #tpu.memory_space<hbm>> -> memref<1x25x80xi32, #tpu.memory_space<hbm>>
        %dma_start3A_80 = tpu.memref_squeeze %dma_start3A_79 : memref<1x25x80xi32, #tpu.memory_space<hbm>> -> memref<25x80xi32, #tpu.memory_space<hbm>>
        %dma_start3A_81 = arith.constant 0 : i32
        %dma_start3A_82 = arith.constant 0 : i32
        %dma_start3A_83 = tpu.memref_slice %arg3[%add3A_44, %dma_start3A_81, %dma_start3A_82] : memref<160x25x80xi32, #tpu.memory_space<hbm>> -> memref<1x25x80xi32, #tpu.memory_space<hbm>>
        %dma_start3A_84 = tpu.memref_squeeze %dma_start3A_83 : memref<1x25x80xi32, #tpu.memory_space<hbm>> -> memref<25x80xi32, #tpu.memory_space<hbm>>
        tpu.enqueue_dma source(%dma_start3A_84 : memref<25x80xi32, #tpu.memory_space<hbm>>) target(%arg8 : memref<25x80xi32, #tpu.memory_space<vmem>>) target_semaphore(%run_scoped3A : memref<!tpu.dma_semaphore, #tpu.memory_space<semaphore_mem>>)
        %dma_wait3A_85 = arith.constant 0 : i32
        %dma_wait3A_86 = arith.constant 0 : i32
        %dma_wait3A_87 = tpu.memref_slice %arg3[%add3A_44, %dma_wait3A_85, %dma_wait3A_86] : memref<160x25x80xi32, #tpu.memory_space<hbm>> -> memref<1x25x80xi32, #tpu.memory_space<hbm>>
        %dma_wait3A_88 = tpu.memref_squeeze %dma_wait3A_87 : memref<1x25x80xi32, #tpu.memory_space<hbm>> -> memref<25x80xi32, #tpu.memory_space<hbm>>
        %dma_wait3A_89 = arith.constant 0 : i32
        %dma_wait3A_90 = arith.constant 0 : i32
        %dma_wait3A_91 = tpu.memref_slice %arg3[%add3A_44, %dma_wait3A_89, %dma_wait3A_90] : memref<160x25x80xi32, #tpu.memory_space<hbm>> -> memref<1x25x80xi32, #tpu.memory_space<hbm>>
        %dma_wait3A_92 = tpu.memref_squeeze %dma_wait3A_91 : memref<1x25x80xi32, #tpu.memory_space<hbm>> -> memref<25x80xi32, #tpu.memory_space<hbm>>
        tpu.wait_dma2 semaphore(%run_scoped3A : memref<!tpu.dma_semaphore, #tpu.memory_space<semaphore_mem>>) src(%dma_wait3A_92 : memref<25x80xi32, #tpu.memory_space<hbm>>) dst(%arg8 : memref<25x80xi32, #tpu.memory_space<vmem>>)
        tpu.yield
      }) : () -> ()
      "tpu.region"() ({
        %run_scoped3A = tpu.sem_alloc : memref<!tpu.dma_semaphore, #tpu.memory_space<semaphore_mem>>
        %dma_start3A_77 = tpu.memref_slice %arg4[%add3A_41] : memref<320000xf32, #tpu.memory_space<hbm>> -> memref<2000xf32, #tpu.memory_space<hbm>>
        %dma_start3A_78 = tpu.memref_slice %arg4[%add3A_41] : memref<320000xf32, #tpu.memory_space<hbm>> -> memref<2000xf32, #tpu.memory_space<hbm>>
        tpu.enqueue_dma source(%dma_start3A_78 : memref<2000xf32, #tpu.memory_space<hbm>>) target(%arg9 : memref<2000xf32, #tpu.memory_space<vmem>>) target_semaphore(%run_scoped3A : memref<!tpu.dma_semaphore, #tpu.memory_space<semaphore_mem>>)
        %dma_wait3A_79 = tpu.memref_slice %arg4[%add3A_41] : memref<320000xf32, #tpu.memory_space<hbm>> -> memref<2000xf32, #tpu.memory_space<hbm>>
        %dma_wait3A_80 = tpu.memref_slice %arg4[%add3A_41] : memref<320000xf32, #tpu.memory_space<hbm>> -> memref<2000xf32, #tpu.memory_space<hbm>>
        tpu.wait_dma2 semaphore(%run_scoped3A : memref<!tpu.dma_semaphore, #tpu.memory_space<semaphore_mem>>) src(%dma_wait3A_80 : memref<2000xf32, #tpu.memory_space<hbm>>) dst(%arg9 : memref<2000xf32, #tpu.memory_space<vmem>>)
        tpu.yield
      }) : () -> ()
      %multiple_of3A = arith.constant 0 : i32
      %multiple_of3A_45 = tpu.assume_multiple %multiple_of3A, 8 : i32
      %dma_start3A = tpu.memref_slice %arg7[%multiple_of3A_45] : memref<2000xi32, #tpu.memory_space<vmem>> -> memref<80xi32, #tpu.memory_space<vmem>>
      %dma_start3A_46 = arith.constant 0 : i32
      %dma_start3A_47 = arith.constant 0 : i32
      %dma_start3A_48 = tpu.memref_slice %arg5[%dma_start3A_46, %dma_start3A_47] : memref<10000x128xi32, #tpu.memory_space<hbm>> -> memref<10000x128xi32, #tpu.memory_space<hbm>>
      tpu.enqueue_indirect_dma source(%dma_start3A_48 : memref<10000x128xi32, #tpu.memory_space<hbm>>) target(%arg10 : memref<80x128xi32, #tpu.memory_space<vmem>>) offsets(%dma_start3A : memref<80xi32, #tpu.memory_space<vmem>>) semaphore(%arg15 : memref<!tpu.dma_semaphore, #tpu.memory_space<semaphore_mem>>)
      %scan3A_49 = arith.constant 0 : i32
      %scan3A_50 = arith.constant 0 : i32
      %scan3A_51 = arith.constant 12 : i32
      %scan3A_52 = arith.addi %scan3A_50, %scan3A_51 : i32
      %scan3A_53 = arith.constant 1 : i32
      %scan3A_54 = scf.for %scan3A_77 = %scan3A_50 to %scan3A_52 step %scan3A_53 iter_args(%scan3A_78 = %scan3A_49) -> (i32)  : i32 {
        %eq3A = arith.constant 0 : i32
        %eq3A_79 = arith.cmpi eq, %scan3A_37, %eq3A : i32
        %eq3A_80 = arith.constant 0 : i32
        %eq3A_81 = arith.cmpi eq, %scan3A_77, %eq3A_80 : i32
        %and3A = arith.andi %eq3A_79, %eq3A_81 : i1
        %mul3A_82 = arith.constant 2 : i32
        %mul3A_83 = arith.muli %mul3A_82, %scan3A_77 : i32
        %add3A_84 = arith.constant 1 : i32
        %add3A_85 = arith.addi %mul3A_83, %add3A_84 : i32
        %mul3A_86 = arith.constant 80 : i32
        %mul3A_87 = arith.muli %add3A_85, %mul3A_86 : i32
        %multiple_of3A_88 = tpu.assume_multiple %mul3A_87, 8 : i32
        %dma_start3A_89 = tpu.memref_slice %arg7[%multiple_of3A_88] : memref<2000xi32, #tpu.memory_space<vmem>> -> memref<80xi32, #tpu.memory_space<vmem>>
        %dma_start3A_90 = arith.constant 0 : i32
        %dma_start3A_91 = arith.constant 0 : i32
        %dma_start3A_92 = tpu.memref_slice %arg5[%dma_start3A_90, %dma_start3A_91] : memref<10000x128xi32, #tpu.memory_space<hbm>> -> memref<10000x128xi32, #tpu.memory_space<hbm>>
        tpu.enqueue_indirect_dma source(%dma_start3A_92 : memref<10000x128xi32, #tpu.memory_space<hbm>>) target(%arg11 : memref<80x128xi32, #tpu.memory_space<vmem>>) offsets(%dma_start3A_89 : memref<80xi32, #tpu.memory_space<vmem>>) semaphore(%arg16 : memref<!tpu.dma_semaphore, #tpu.memory_space<semaphore_mem>>)
        %mul3A_93 = arith.constant 2 : i32
        %mul3A_94 = arith.muli %mul3A_93, %scan3A_77 : i32
        %mul3A_95 = arith.constant 80 : i32
        %mul3A_96 = arith.muli %mul3A_94, %mul3A_95 : i32
        %multiple_of3A_97 = tpu.assume_multiple %mul3A_96, 8 : i32
        %dma_wait3A_98 = tpu.memref_slice %arg7[%multiple_of3A_97] : memref<2000xi32, #tpu.memory_space<vmem>> -> memref<80xi32, #tpu.memory_space<vmem>>
        %dma_wait3A_99 = arith.constant 0 : i32
        %dma_wait3A_100 = arith.constant 0 : i32
        %dma_wait3A_101 = tpu.memref_slice %arg5[%dma_wait3A_99, %dma_wait3A_100] : memref<10000x128xi32, #tpu.memory_space<hbm>> -> memref<10000x128xi32, #tpu.memory_space<hbm>>
        tpu.wait_indirect_dma semaphore(%arg15 : memref<!tpu.dma_semaphore, #tpu.memory_space<semaphore_mem>>) src(%dma_wait3A_101 : memref<10000x128xi32, #tpu.memory_space<hbm>>) dst(%arg10 : memref<80x128xi32, #tpu.memory_space<vmem>>)
        %mul3A_102 = arith.constant 2 : i32
        %mul3A_103 = arith.muli %mul3A_102, %scan3A_77 : i32
        %mul3A_104 = arith.constant 80 : i32
        %mul3A_105 = arith.muli %mul3A_103, %mul3A_104 : i32
        %not3A_106 = arith.constant true
        %not3A_107 = arith.xori %and3A, %not3A_106 : i1
        %convert_element_type3A_108 = arith.extui %not3A_107 : i1 to i32
        %cond3A_109 = arith.constant 0 : i32
        %cond3A_110 = arith.cmpi ne, %convert_element_type3A_108, %cond3A_109 : i32
        scf.if %cond3A_110 {
          %dma_wait3A_163 = arith.constant 0 : i32
          %dma_wait3A_164 = tpu.memref_slice %arg8[%mul3A_103, %dma_wait3A_163] : memref<25x80xi32, #tpu.memory_space<vmem>> -> memref<1x80xi32, #tpu.memory_space<vmem>>
          %dma_wait3A_165 = tpu.memref_squeeze %dma_wait3A_164 : memref<1x80xi32, #tpu.memory_space<vmem>> -> memref<80xi32, #tpu.memory_space<vmem>>
          %dma_wait3A_166 = arith.constant 0 : i32
          %dma_wait3A_167 = arith.constant 0 : i32
          %dma_wait3A_168 = tpu.memref_slice %arg14[%dma_wait3A_166, %dma_wait3A_167] : memref<10000x128xf32, #tpu.memory_space<vmem_shared>> -> memref<10000x128xf32, #tpu.memory_space<vmem_shared>>
          tpu.wait_indirect_dma semaphore(%arg17 : memref<!tpu.dma_semaphore, #tpu.memory_space<semaphore_mem>>) src(%arg12 : memref<80x128xf32, #tpu.memory_space<vmem>>) dst(%dma_wait3A_168 : memref<10000x128xf32, #tpu.memory_space<vmem_shared>>)
        } else {
        }
        %parallel_loop3A_111 = arith.constant 0 : i32
        %parallel_loop3A_112 = arith.constant 80 : i32
        %parallel_loop3A_113 = arith.constant 1 : i32
        scf.for %parallel_loop3A_163 = %parallel_loop3A_111 to %parallel_loop3A_112 step %parallel_loop3A_113  : i32 {
          %parallel_loop3A_164 = arith.addi %mul3A_105, %parallel_loop3A_163 : i32
          %parallel_loop3A_165 = vector.broadcast %parallel_loop3A_164 : i32 to vector<16xi32>
          %parallel_loop3A_166 = tpu.vector_load_idx %arg9[%parallel_loop3A_165] : memref<2000xf32, #tpu.memory_space<vmem>>[vector<16xi32>], vector<16xf32>,
          %parallel_loop3A_167 = arith.index_cast %parallel_loop3A_163 : i32 to index
          %parallel_loop3A_168 = arith.constant 0 : index
          %parallel_loop3A_169 = tpu.vector_load %arg10[%parallel_loop3A_167, %parallel_loop3A_168] {strides = array<i32>} : memref<80x128xi32, #tpu.memory_space<vmem>>, vector<16xi32>,
          %parallel_loop3A_170 = vector.bitcast %parallel_loop3A_169 : vector<16xi32> to vector<32xbf16>
          %parallel_loop3A_171 = tpu.unpack_subelements %parallel_loop3A_170, 0 {pack_format = #tpu.pack_format<interleaved>} : vector<32xbf16> -> vector<16xf32>
          %parallel_loop3A_172 = tpu.unpack_subelements %parallel_loop3A_170, 1 {pack_format = #tpu.pack_format<interleaved>} : vector<32xbf16> -> vector<16xf32>
          %parallel_loop3A_173 = arith.mulf %parallel_loop3A_166, %parallel_loop3A_172 : vector<16xf32>
          %parallel_loop3A_174 = arith.addf %parallel_loop3A_171, %parallel_loop3A_173 : vector<16xf32>
          %parallel_loop3A_175 = arith.index_cast %parallel_loop3A_163 : i32 to index
          %parallel_loop3A_176 = arith.constant 0 : index
          %parallel_loop3A_177 = tpu.vector_load %arg12[%parallel_loop3A_175, %parallel_loop3A_176] {strides = array<i32>} : memref<80x128xf32, #tpu.memory_space<vmem>>, vector<16xf32>,
          tpu.vector_store %arg12[%parallel_loop3A_175, %parallel_loop3A_176], %parallel_loop3A_174 {strides = array<i32>} : memref<80x128xf32, #tpu.memory_space<vmem>>, vector<16xf32>,
          %parallel_loop3A_178 = arith.index_cast %parallel_loop3A_163 : i32 to index
          %parallel_loop3A_179 = arith.constant 16 : index
          %parallel_loop3A_180 = tpu.vector_load %arg10[%parallel_loop3A_178, %parallel_loop3A_179] {strides = array<i32>} : memref<80x128xi32, #tpu.memory_space<vmem>>, vector<16xi32>,
          %parallel_loop3A_181 = vector.bitcast %parallel_loop3A_180 : vector<16xi32> to vector<32xbf16>
          %parallel_loop3A_182 = tpu.unpack_subelements %parallel_loop3A_181, 0 {pack_format = #tpu.pack_format<interleaved>} : vector<32xbf16> -> vector<16xf32>
          %parallel_loop3A_183 = tpu.unpack_subelements %parallel_loop3A_181, 1 {pack_format = #tpu.pack_format<interleaved>} : vector<32xbf16> -> vector<16xf32>
          %parallel_loop3A_184 = arith.mulf %parallel_loop3A_166, %parallel_loop3A_183 : vector<16xf32>
          %parallel_loop3A_185 = arith.addf %parallel_loop3A_182, %parallel_loop3A_184 : vector<16xf32>
          %parallel_loop3A_186 = arith.index_cast %parallel_loop3A_163 : i32 to index
          %parallel_loop3A_187 = arith.constant 16 : index
          %parallel_loop3A_188 = tpu.vector_load %arg12[%parallel_loop3A_186, %parallel_loop3A_187] {strides = array<i32>} : memref<80x128xf32, #tpu.memory_space<vmem>>, vector<16xf32>,
          tpu.vector_store %arg12[%parallel_loop3A_186, %parallel_loop3A_187], %parallel_loop3A_185 {strides = array<i32>} : memref<80x128xf32, #tpu.memory_space<vmem>>, vector<16xf32>,
          %parallel_loop3A_189 = arith.index_cast %parallel_loop3A_163 : i32 to index
          %parallel_loop3A_190 = arith.constant 32 : index
          %parallel_loop3A_191 = tpu.vector_load %arg10[%parallel_loop3A_189, %parallel_loop3A_190] {strides = array<i32>} : memref<80x128xi32, #tpu.memory_space<vmem>>, vector<16xi32>,
          %parallel_loop3A_192 = vector.bitcast %parallel_loop3A_191 : vector<16xi32> to vector<32xbf16>
          %parallel_loop3A_193 = tpu.unpack_subelements %parallel_loop3A_192, 0 {pack_format = #tpu.pack_format<interleaved>} : vector<32xbf16> -> vector<16xf32>
          %parallel_loop3A_194 = tpu.unpack_subelements %parallel_loop3A_192, 1 {pack_format = #tpu.pack_format<interleaved>} : vector<32xbf16> -> vector<16xf32>
          %parallel_loop3A_195 = arith.mulf %parallel_loop3A_166, %parallel_loop3A_194 : vector<16xf32>
          %parallel_loop3A_196 = arith.addf %parallel_loop3A_193, %parallel_loop3A_195 : vector<16xf32>
          %parallel_loop3A_197 = arith.index_cast %parallel_loop3A_163 : i32 to index
          %parallel_loop3A_198 = arith.constant 32 : index
          %parallel_loop3A_199 = tpu.vector_load %arg12[%parallel_loop3A_197, %parallel_loop3A_198] {strides = array<i32>} : memref<80x128xf32, #tpu.memory_space<vmem>>, vector<16xf32>,
          tpu.vector_store %arg12[%parallel_loop3A_197, %parallel_loop3A_198], %parallel_loop3A_196 {strides = array<i32>} : memref<80x128xf32, #tpu.memory_space<vmem>>, vector<16xf32>,
          %parallel_loop3A_200 = arith.index_cast %parallel_loop3A_163 : i32 to index
          %parallel_loop3A_201 = arith.constant 48 : index
          %parallel_loop3A_202 = tpu.vector_load %arg10[%parallel_loop3A_200, %parallel_loop3A_201] {strides = array<i32>} : memref<80x128xi32, #tpu.memory_space<vmem>>, vector<16xi32>,
          %parallel_loop3A_203 = vector.bitcast %parallel_loop3A_202 : vector<16xi32> to vector<32xbf16>
          %parallel_loop3A_204 = tpu.unpack_subelements %parallel_loop3A_203, 0 {pack_format = #tpu.pack_format<interleaved>} : vector<32xbf16> -> vector<16xf32>
          %parallel_loop3A_205 = tpu.unpack_subelements %parallel_loop3A_203, 1 {pack_format = #tpu.pack_format<interleaved>} : vector<32xbf16> -> vector<16xf32>
          %parallel_loop3A_206 = arith.mulf %parallel_loop3A_166, %parallel_loop3A_205 : vector<16xf32>
          %parallel_loop3A_207 = arith.addf %parallel_loop3A_204, %parallel_loop3A_206 : vector<16xf32>
          %parallel_loop3A_208 = arith.index_cast %parallel_loop3A_163 : i32 to index
          %parallel_loop3A_209 = arith.constant 48 : index
          %parallel_loop3A_210 = tpu.vector_load %arg12[%parallel_loop3A_208, %parallel_loop3A_209] {strides = array<i32>} : memref<80x128xf32, #tpu.memory_space<vmem>>, vector<16xf32>,
          tpu.vector_store %arg12[%parallel_loop3A_208, %parallel_loop3A_209], %parallel_loop3A_207 {strides = array<i32>} : memref<80x128xf32, #tpu.memory_space<vmem>>, vector<16xf32>,
          %parallel_loop3A_211 = arith.index_cast %parallel_loop3A_163 : i32 to index
          %parallel_loop3A_212 = arith.constant 64 : index
          %parallel_loop3A_213 = tpu.vector_load %arg10[%parallel_loop3A_211, %parallel_loop3A_212] {strides = array<i32>} : memref<80x128xi32, #tpu.memory_space<vmem>>, vector<16xi32>,
          %parallel_loop3A_214 = vector.bitcast %parallel_loop3A_213 : vector<16xi32> to vector<32xbf16>
          %parallel_loop3A_215 = tpu.unpack_subelements %parallel_loop3A_214, 0 {pack_format = #tpu.pack_format<interleaved>} : vector<32xbf16> -> vector<16xf32>
          %parallel_loop3A_216 = tpu.unpack_subelements %parallel_loop3A_214, 1 {pack_format = #tpu.pack_format<interleaved>} : vector<32xbf16> -> vector<16xf32>
          %parallel_loop3A_217 = arith.mulf %parallel_loop3A_166, %parallel_loop3A_216 : vector<16xf32>
          %parallel_loop3A_218 = arith.addf %parallel_loop3A_215, %parallel_loop3A_217 : vector<16xf32>
          %parallel_loop3A_219 = arith.index_cast %parallel_loop3A_163 : i32 to index
          %parallel_loop3A_220 = arith.constant 64 : index
          %parallel_loop3A_221 = tpu.vector_load %arg12[%parallel_loop3A_219, %parallel_loop3A_220] {strides = array<i32>} : memref<80x128xf32, #tpu.memory_space<vmem>>, vector<16xf32>,
          tpu.vector_store %arg12[%parallel_loop3A_219, %parallel_loop3A_220], %parallel_loop3A_218 {strides = array<i32>} : memref<80x128xf32, #tpu.memory_space<vmem>>, vector<16xf32>,
          %parallel_loop3A_222 = arith.index_cast %parallel_loop3A_163 : i32 to index
          %parallel_loop3A_223 = arith.constant 80 : index
          %parallel_loop3A_224 = tpu.vector_load %arg10[%parallel_loop3A_222, %parallel_loop3A_223] {strides = array<i32>} : memref<80x128xi32, #tpu.memory_space<vmem>>, vector<16xi32>,
          %parallel_loop3A_225 = vector.bitcast %parallel_loop3A_224 : vector<16xi32> to vector<32xbf16>
          %parallel_loop3A_226 = tpu.unpack_subelements %parallel_loop3A_225, 0 {pack_format = #tpu.pack_format<interleaved>} : vector<32xbf16> -> vector<16xf32>
          %parallel_loop3A_227 = tpu.unpack_subelements %parallel_loop3A_225, 1 {pack_format = #tpu.pack_format<interleaved>} : vector<32xbf16> -> vector<16xf32>
          %parallel_loop3A_228 = arith.mulf %parallel_loop3A_166, %parallel_loop3A_227 : vector<16xf32>
          %parallel_loop3A_229 = arith.addf %parallel_loop3A_226, %parallel_loop3A_228 : vector<16xf32>
          %parallel_loop3A_230 = arith.index_cast %parallel_loop3A_163 : i32 to index
          %parallel_loop3A_231 = arith.constant 80 : index
          %parallel_loop3A_232 = tpu.vector_load %arg12[%parallel_loop3A_230, %parallel_loop3A_231] {strides = array<i32>} : memref<80x128xf32, #tpu.memory_space<vmem>>, vector<16xf32>,
          tpu.vector_store %arg12[%parallel_loop3A_230, %parallel_loop3A_231], %parallel_loop3A_229 {strides = array<i32>} : memref<80x128xf32, #tpu.memory_space<vmem>>, vector<16xf32>,
          %parallel_loop3A_233 = arith.index_cast %parallel_loop3A_163 : i32 to index
          %parallel_loop3A_234 = arith.constant 96 : index
          %parallel_loop3A_235 = tpu.vector_load %arg10[%parallel_loop3A_233, %parallel_loop3A_234] {strides = array<i32>} : memref<80x128xi32, #tpu.memory_space<vmem>>, vector<16xi32>,
          %parallel_loop3A_236 = vector.bitcast %parallel_loop3A_235 : vector<16xi32> to vector<32xbf16>
          %parallel_loop3A_237 = tpu.unpack_subelements %parallel_loop3A_236, 0 {pack_format = #tpu.pack_format<interleaved>} : vector<32xbf16> -> vector<16xf32>
          %parallel_loop3A_238 = tpu.unpack_subelements %parallel_loop3A_236, 1 {pack_format = #tpu.pack_format<interleaved>} : vector<32xbf16> -> vector<16xf32>
          %parallel_loop3A_239 = arith.mulf %parallel_loop3A_166, %parallel_loop3A_238 : vector<16xf32>
          %parallel_loop3A_240 = arith.addf %parallel_loop3A_237, %parallel_loop3A_239 : vector<16xf32>
          %parallel_loop3A_241 = arith.index_cast %parallel_loop3A_163 : i32 to index
          %parallel_loop3A_242 = arith.constant 96 : index
          %parallel_loop3A_243 = tpu.vector_load %arg12[%parallel_loop3A_241, %parallel_loop3A_242] {strides = array<i32>} : memref<80x128xf32, #tpu.memory_space<vmem>>, vector<16xf32>,
          tpu.vector_store %arg12[%parallel_loop3A_241, %parallel_loop3A_242], %parallel_loop3A_240 {strides = array<i32>} : memref<80x128xf32, #tpu.memory_space<vmem>>, vector<16xf32>,
          %parallel_loop3A_244 = arith.index_cast %parallel_loop3A_163 : i32 to index
          %parallel_loop3A_245 = arith.constant 112 : index
          %parallel_loop3A_246 = tpu.vector_load %arg10[%parallel_loop3A_244, %parallel_loop3A_245] {strides = array<i32>} : memref<80x128xi32, #tpu.memory_space<vmem>>, vector<16xi32>,
          %parallel_loop3A_247 = vector.bitcast %parallel_loop3A_246 : vector<16xi32> to vector<32xbf16>
          %parallel_loop3A_248 = tpu.unpack_subelements %parallel_loop3A_247, 0 {pack_format = #tpu.pack_format<interleaved>} : vector<32xbf16> -> vector<16xf32>
          %parallel_loop3A_249 = tpu.unpack_subelements %parallel_loop3A_247, 1 {pack_format = #tpu.pack_format<interleaved>} : vector<32xbf16> -> vector<16xf32>
          %parallel_loop3A_250 = arith.mulf %parallel_loop3A_166, %parallel_loop3A_249 : vector<16xf32>
          %parallel_loop3A_251 = arith.addf %parallel_loop3A_248, %parallel_loop3A_250 : vector<16xf32>
          %parallel_loop3A_252 = arith.index_cast %parallel_loop3A_163 : i32 to index
          %parallel_loop3A_253 = arith.constant 112 : index
          %parallel_loop3A_254 = tpu.vector_load %arg12[%parallel_loop3A_252, %parallel_loop3A_253] {strides = array<i32>} : memref<80x128xf32, #tpu.memory_space<vmem>>, vector<16xf32>,
          tpu.vector_store %arg12[%parallel_loop3A_252, %parallel_loop3A_253], %parallel_loop3A_251 {strides = array<i32>} : memref<80x128xf32, #tpu.memory_space<vmem>>, vector<16xf32>,
        } {sc.loop_unroll_factor = 4 : i64, sc.parallel_access}
        %dma_start3A_114 = arith.constant 0 : i32
        %dma_start3A_115 = tpu.memref_slice %arg8[%mul3A_103, %dma_start3A_114] : memref<25x80xi32, #tpu.memory_space<vmem>> -> memref<1x80xi32, #tpu.memory_space<vmem>>
        %dma_start3A_116 = tpu.memref_squeeze %dma_start3A_115 : memref<1x80xi32, #tpu.memory_space<vmem>> -> memref<80xi32, #tpu.memory_space<vmem>>
        %dma_start3A_117 = arith.constant 0 : i32
        %dma_start3A_118 = arith.constant 0 : i32
        %dma_start3A_119 = tpu.memref_slice %arg14[%dma_start3A_117, %dma_start3A_118] : memref<10000x128xf32, #tpu.memory_space<vmem_shared>> -> memref<10000x128xf32, #tpu.memory_space<vmem_shared>>
        tpu.enqueue_indirect_dma source(%arg12 : memref<80x128xf32, #tpu.memory_space<vmem>>) target(%dma_start3A_119 : memref<10000x128xf32, #tpu.memory_space<vmem_shared>>) offsets(%dma_start3A_116 : memref<80xi32, #tpu.memory_space<vmem>>) semaphore(%arg17 : memref<!tpu.dma_semaphore, #tpu.memory_space<semaphore_mem>>) {add = true}
        %mul3A_120 = arith.constant 2 : i32
        %mul3A_121 = arith.muli %mul3A_120, %scan3A_77 : i32
        %add3A_122 = arith.constant 2 : i32
        %add3A_123 = arith.addi %mul3A_121, %add3A_122 : i32
        %mul3A_124 = arith.constant 80 : i32
        %mul3A_125 = arith.muli %add3A_123, %mul3A_124 : i32
        %multiple_of3A_126 = tpu.assume_multiple %mul3A_125, 8 : i32
        %dma_start3A_127 = tpu.memref_slice %arg7[%multiple_of3A_126] : memref<2000xi32, #tpu.memory_space<vmem>> -> memref<80xi32, #tpu.memory_space<vmem>>
        %dma_start3A_128 = arith.constant 0 : i32
        %dma_start3A_129 = arith.constant 0 : i32
        %dma_start3A_130 = tpu.memref_slice %arg5[%dma_start3A_128, %dma_start3A_129] : memref<10000x128xi32, #tpu.memory_space<hbm>> -> memref<10000x128xi32, #tpu.memory_space<hbm>>
        tpu.enqueue_indirect_dma source(%dma_start3A_130 : memref<10000x128xi32, #tpu.memory_space<hbm>>) target(%arg10 : memref<80x128xi32, #tpu.memory_space<vmem>>) offsets(%dma_start3A_127 : memref<80xi32, #tpu.memory_space<vmem>>) semaphore(%arg15 : memref<!tpu.dma_semaphore, #tpu.memory_space<semaphore_mem>>)
        %mul3A_131 = arith.constant 2 : i32
        %mul3A_132 = arith.muli %mul3A_131, %scan3A_77 : i32
        %add3A_133 = arith.constant 1 : i32
        %add3A_134 = arith.addi %mul3A_132, %add3A_133 : i32
        %mul3A_135 = arith.constant 80 : i32
        %mul3A_136 = arith.muli %add3A_134, %mul3A_135 : i32
        %multiple_of3A_137 = tpu.assume_multiple %mul3A_136, 8 : i32
        %dma_wait3A_138 = tpu.memref_slice %arg7[%multiple_of3A_137] : memref<2000xi32, #tpu.memory_space<vmem>> -> memref<80xi32, #tpu.memory_space<vmem>>
        %dma_wait3A_139 = arith.constant 0 : i32
        %dma_wait3A_140 = arith.constant 0 : i32
        %dma_wait3A_141 = tpu.memref_slice %arg5[%dma_wait3A_139, %dma_wait3A_140] : memref<10000x128xi32, #tpu.memory_space<hbm>> -> memref<10000x128xi32, #tpu.memory_space<hbm>>
        tpu.wait_indirect_dma semaphore(%arg16 : memref<!tpu.dma_semaphore, #tpu.memory_space<semaphore_mem>>) src(%dma_wait3A_141 : memref<10000x128xi32, #tpu.memory_space<hbm>>) dst(%arg11 : memref<80x128xi32, #tpu.memory_space<vmem>>)
        %mul3A_142 = arith.constant 2 : i32
        %mul3A_143 = arith.muli %mul3A_142, %scan3A_77 : i32
        %add3A_144 = arith.constant 1 : i32
        %add3A_145 = arith.addi %mul3A_143, %add3A_144 : i32
        %mul3A_146 = arith.constant 80 : i32
        %mul3A_147 = arith.muli %add3A_145, %mul3A_146 : i32
        %not3A_148 = arith.constant true
        %not3A_149 = arith.xori %and3A, %not3A_148 : i1
        %convert_element_type3A_150 = arith.extui %not3A_149 : i1 to i32
        %cond3A_151 = arith.constant 0 : i32
        %cond3A_152 = arith.cmpi ne, %convert_element_type3A_150, %cond3A_151 : i32
        scf.if %cond3A_152 {
          %dma_wait3A_163 = arith.constant 0 : i32
          %dma_wait3A_164 = tpu.memref_slice %arg8[%add3A_145, %dma_wait3A_163] : memref<25x80xi32, #tpu.memory_space<vmem>> -> memref<1x80xi32, #tpu.memory_space<vmem>>
          %dma_wait3A_165 = tpu.memref_squeeze %dma_wait3A_164 : memref<1x80xi32, #tpu.memory_space<vmem>> -> memref<80xi32, #tpu.memory_space<vmem>>
          %dma_wait3A_166 = arith.constant 0 : i32
          %dma_wait3A_167 = arith.constant 0 : i32
          %dma_wait3A_168 = tpu.memref_slice %arg14[%dma_wait3A_166, %dma_wait3A_167] : memref<10000x128xf32, #tpu.memory_space<vmem_shared>> -> memref<10000x128xf32, #tpu.memory_space<vmem_shared>>
          tpu.wait_indirect_dma semaphore(%arg18 : memref<!tpu.dma_semaphore, #tpu.memory_space<semaphore_mem>>) src(%arg13 : memref<80x128xf32, #tpu.memory_space<vmem>>) dst(%dma_wait3A_168 : memref<10000x128xf32, #tpu.memory_space<vmem_shared>>)
        } else {
        }
        %parallel_loop3A_153 = arith.constant 0 : i32
        %parallel_loop3A_154 = arith.constant 80 : i32
        %parallel_loop3A_155 = arith.constant 1 : i32
        scf.for %parallel_loop3A_163 = %parallel_loop3A_153 to %parallel_loop3A_154 step %parallel_loop3A_155  : i32 {
          %parallel_loop3A_164 = arith.addi %mul3A_147, %parallel_loop3A_163 : i32
          %parallel_loop3A_165 = vector.broadcast %parallel_loop3A_164 : i32 to vector<16xi32>
          %parallel_loop3A_166 = tpu.vector_load_idx %arg9[%parallel_loop3A_165] : memref<2000xf32, #tpu.memory_space<vmem>>[vector<16xi32>], vector<16xf32>,
          %parallel_loop3A_167 = arith.index_cast %parallel_loop3A_163 : i32 to index
          %parallel_loop3A_168 = arith.constant 0 : index
          %parallel_loop3A_169 = tpu.vector_load %arg11[%parallel_loop3A_167, %parallel_loop3A_168] {strides = array<i32>} : memref<80x128xi32, #tpu.memory_space<vmem>>, vector<16xi32>,
          %parallel_loop3A_170 = vector.bitcast %parallel_loop3A_169 : vector<16xi32> to vector<32xbf16>
          %parallel_loop3A_171 = tpu.unpack_subelements %parallel_loop3A_170, 0 {pack_format = #tpu.pack_format<interleaved>} : vector<32xbf16> -> vector<16xf32>
          %parallel_loop3A_172 = tpu.unpack_subelements %parallel_loop3A_170, 1 {pack_format = #tpu.pack_format<interleaved>} : vector<32xbf16> -> vector<16xf32>
          %parallel_loop3A_173 = arith.mulf %parallel_loop3A_166, %parallel_loop3A_172 : vector<16xf32>
          %parallel_loop3A_174 = arith.addf %parallel_loop3A_171, %parallel_loop3A_173 : vector<16xf32>
          %parallel_loop3A_175 = arith.index_cast %parallel_loop3A_163 : i32 to index
          %parallel_loop3A_176 = arith.constant 0 : index
          %parallel_loop3A_177 = tpu.vector_load %arg13[%parallel_loop3A_175, %parallel_loop3A_176] {strides = array<i32>} : memref<80x128xf32, #tpu.memory_space<vmem>>, vector<16xf32>,
          tpu.vector_store %arg13[%parallel_loop3A_175, %parallel_loop3A_176], %parallel_loop3A_174 {strides = array<i32>} : memref<80x128xf32, #tpu.memory_space<vmem>>, vector<16xf32>,
          %parallel_loop3A_178 = arith.index_cast %parallel_loop3A_163 : i32 to index
          %parallel_loop3A_179 = arith.constant 16 : index
          %parallel_loop3A_180 = tpu.vector_load %arg11[%parallel_loop3A_178, %parallel_loop3A_179] {strides = array<i32>} : memref<80x128xi32, #tpu.memory_space<vmem>>, vector<16xi32>,
          %parallel_loop3A_181 = vector.bitcast %parallel_loop3A_180 : vector<16xi32> to vector<32xbf16>
          %parallel_loop3A_182 = tpu.unpack_subelements %parallel_loop3A_181, 0 {pack_format = #tpu.pack_format<interleaved>} : vector<32xbf16> -> vector<16xf32>
          %parallel_loop3A_183 = tpu.unpack_subelements %parallel_loop3A_181, 1 {pack_format = #tpu.pack_format<interleaved>} : vector<32xbf16> -> vector<16xf32>
          %parallel_loop3A_184 = arith.mulf %parallel_loop3A_166, %parallel_loop3A_183 : vector<16xf32>
          %parallel_loop3A_185 = arith.addf %parallel_loop3A_182, %parallel_loop3A_184 : vector<16xf32>
          %parallel_loop3A_186 = arith.index_cast %parallel_loop3A_163 : i32 to index
          %parallel_loop3A_187 = arith.constant 16 : index
          %parallel_loop3A_188 = tpu.vector_load %arg13[%parallel_loop3A_186, %parallel_loop3A_187] {strides = array<i32>} : memref<80x128xf32, #tpu.memory_space<vmem>>, vector<16xf32>,
          tpu.vector_store %arg13[%parallel_loop3A_186, %parallel_loop3A_187], %parallel_loop3A_185 {strides = array<i32>} : memref<80x128xf32, #tpu.memory_space<vmem>>, vector<16xf32>,
          %parallel_loop3A_189 = arith.index_cast %parallel_loop3A_163 : i32 to index
          %parallel_loop3A_190 = arith.constant 32 : index
          %parallel_loop3A_191 = tpu.vector_load %arg11[%parallel_loop3A_189, %parallel_loop3A_190] {strides = array<i32>} : memref<80x128xi32, #tpu.memory_space<vmem>>, vector<16xi32>,
          %parallel_loop3A_192 = vector.bitcast %parallel_loop3A_191 : vector<16xi32> to vector<32xbf16>
          %parallel_loop3A_193 = tpu.unpack_subelements %parallel_loop3A_192, 0 {pack_format = #tpu.pack_format<interleaved>} : vector<32xbf16> -> vector<16xf32>
          %parallel_loop3A_194 = tpu.unpack_subelements %parallel_loop3A_192, 1 {pack_format = #tpu.pack_format<interleaved>} : vector<32xbf16> -> vector<16xf32>
          %parallel_loop3A_195 = arith.mulf %parallel_loop3A_166, %parallel_loop3A_194 : vector<16xf32>
          %parallel_loop3A_196 = arith.addf %parallel_loop3A_193, %parallel_loop3A_195 : vector<16xf32>
          %parallel_loop3A_197 = arith.index_cast %parallel_loop3A_163 : i32 to index
          %parallel_loop3A_198 = arith.constant 32 : index
          %parallel_loop3A_199 = tpu.vector_load %arg13[%parallel_loop3A_197, %parallel_loop3A_198] {strides = array<i32>} : memref<80x128xf32, #tpu.memory_space<vmem>>, vector<16xf32>,
          tpu.vector_store %arg13[%parallel_loop3A_197, %parallel_loop3A_198], %parallel_loop3A_196 {strides = array<i32>} : memref<80x128xf32, #tpu.memory_space<vmem>>, vector<16xf32>,
          %parallel_loop3A_200 = arith.index_cast %parallel_loop3A_163 : i32 to index
          %parallel_loop3A_201 = arith.constant 48 : index
          %parallel_loop3A_202 = tpu.vector_load %arg11[%parallel_loop3A_200, %parallel_loop3A_201] {strides = array<i32>} : memref<80x128xi32, #tpu.memory_space<vmem>>, vector<16xi32>,
          %parallel_loop3A_203 = vector.bitcast %parallel_loop3A_202 : vector<16xi32> to vector<32xbf16>
          %parallel_loop3A_204 = tpu.unpack_subelements %parallel_loop3A_203, 0 {pack_format = #tpu.pack_format<interleaved>} : vector<32xbf16> -> vector<16xf32>
          %parallel_loop3A_205 = tpu.unpack_subelements %parallel_loop3A_203, 1 {pack_format = #tpu.pack_format<interleaved>} : vector<32xbf16> -> vector<16xf32>
          %parallel_loop3A_206 = arith.mulf %parallel_loop3A_166, %parallel_loop3A_205 : vector<16xf32>
          %parallel_loop3A_207 = arith.addf %parallel_loop3A_204, %parallel_loop3A_206 : vector<16xf32>
          %parallel_loop3A_208 = arith.index_cast %parallel_loop3A_163 : i32 to index
          %parallel_loop3A_209 = arith.constant 48 : index
          %parallel_loop3A_210 = tpu.vector_load %arg13[%parallel_loop3A_208, %parallel_loop3A_209] {strides = array<i32>} : memref<80x128xf32, #tpu.memory_space<vmem>>, vector<16xf32>,
          tpu.vector_store %arg13[%parallel_loop3A_208, %parallel_loop3A_209], %parallel_loop3A_207 {strides = array<i32>} : memref<80x128xf32, #tpu.memory_space<vmem>>, vector<16xf32>,
          %parallel_loop3A_211 = arith.index_cast %parallel_loop3A_163 : i32 to index
          %parallel_loop3A_212 = arith.constant 64 : index
          %parallel_loop3A_213 = tpu.vector_load %arg11[%parallel_loop3A_211, %parallel_loop3A_212] {strides = array<i32>} : memref<80x128xi32, #tpu.memory_space<vmem>>, vector<16xi32>,
          %parallel_loop3A_214 = vector.bitcast %parallel_loop3A_213 : vector<16xi32> to vector<32xbf16>
          %parallel_loop3A_215 = tpu.unpack_subelements %parallel_loop3A_214, 0 {pack_format = #tpu.pack_format<interleaved>} : vector<32xbf16> -> vector<16xf32>
          %parallel_loop3A_216 = tpu.unpack_subelements %parallel_loop3A_214, 1 {pack_format = #tpu.pack_format<interleaved>} : vector<32xbf16> -> vector<16xf32>
          %parallel_loop3A_217 = arith.mulf %parallel_loop3A_166, %parallel_loop3A_216 : vector<16xf32>
          %parallel_loop3A_218 = arith.addf %parallel_loop3A_215, %parallel_loop3A_217 : vector<16xf32>
          %parallel_loop3A_219 = arith.index_cast %parallel_loop3A_163 : i32 to index
          %parallel_loop3A_220 = arith.constant 64 : index
          %parallel_loop3A_221 = tpu.vector_load %arg13[%parallel_loop3A_219, %parallel_loop3A_220] {strides = array<i32>} : memref<80x128xf32, #tpu.memory_space<vmem>>, vector<16xf32>,
          tpu.vector_store %arg13[%parallel_loop3A_219, %parallel_loop3A_220], %parallel_loop3A_218 {strides = array<i32>} : memref<80x128xf32, #tpu.memory_space<vmem>>, vector<16xf32>,
          %parallel_loop3A_222 = arith.index_cast %parallel_loop3A_163 : i32 to index
          %parallel_loop3A_223 = arith.constant 80 : index
          %parallel_loop3A_224 = tpu.vector_load %arg11[%parallel_loop3A_222, %parallel_loop3A_223] {strides = array<i32>} : memref<80x128xi32, #tpu.memory_space<vmem>>, vector<16xi32>,
          %parallel_loop3A_225 = vector.bitcast %parallel_loop3A_224 : vector<16xi32> to vector<32xbf16>
          %parallel_loop3A_226 = tpu.unpack_subelements %parallel_loop3A_225, 0 {pack_format = #tpu.pack_format<interleaved>} : vector<32xbf16> -> vector<16xf32>
          %parallel_loop3A_227 = tpu.unpack_subelements %parallel_loop3A_225, 1 {pack_format = #tpu.pack_format<interleaved>} : vector<32xbf16> -> vector<16xf32>
          %parallel_loop3A_228 = arith.mulf %parallel_loop3A_166, %parallel_loop3A_227 : vector<16xf32>
          %parallel_loop3A_229 = arith.addf %parallel_loop3A_226, %parallel_loop3A_228 : vector<16xf32>
          %parallel_loop3A_230 = arith.index_cast %parallel_loop3A_163 : i32 to index
          %parallel_loop3A_231 = arith.constant 80 : index
          %parallel_loop3A_232 = tpu.vector_load %arg13[%parallel_loop3A_230, %parallel_loop3A_231] {strides = array<i32>} : memref<80x128xf32, #tpu.memory_space<vmem>>, vector<16xf32>,
          tpu.vector_store %arg13[%parallel_loop3A_230, %parallel_loop3A_231], %parallel_loop3A_229 {strides = array<i32>} : memref<80x128xf32, #tpu.memory_space<vmem>>, vector<16xf32>,
          %parallel_loop3A_233 = arith.index_cast %parallel_loop3A_163 : i32 to index
          %parallel_loop3A_234 = arith.constant 96 : index
          %parallel_loop3A_235 = tpu.vector_load %arg11[%parallel_loop3A_233, %parallel_loop3A_234] {strides = array<i32>} : memref<80x128xi32, #tpu.memory_space<vmem>>, vector<16xi32>,
          %parallel_loop3A_236 = vector.bitcast %parallel_loop3A_235 : vector<16xi32> to vector<32xbf16>
          %parallel_loop3A_237 = tpu.unpack_subelements %parallel_loop3A_236, 0 {pack_format = #tpu.pack_format<interleaved>} : vector<32xbf16> -> vector<16xf32>
          %parallel_loop3A_238 = tpu.unpack_subelements %parallel_loop3A_236, 1 {pack_format = #tpu.pack_format<interleaved>} : vector<32xbf16> -> vector<16xf32>
          %parallel_loop3A_239 = arith.mulf %parallel_loop3A_166, %parallel_loop3A_238 : vector<16xf32>
          %parallel_loop3A_240 = arith.addf %parallel_loop3A_237, %parallel_loop3A_239 : vector<16xf32>
          %parallel_loop3A_241 = arith.index_cast %parallel_loop3A_163 : i32 to index
          %parallel_loop3A_242 = arith.constant 96 : index
          %parallel_loop3A_243 = tpu.vector_load %arg13[%parallel_loop3A_241, %parallel_loop3A_242] {strides = array<i32>} : memref<80x128xf32, #tpu.memory_space<vmem>>, vector<16xf32>,
          tpu.vector_store %arg13[%parallel_loop3A_241, %parallel_loop3A_242], %parallel_loop3A_240 {strides = array<i32>} : memref<80x128xf32, #tpu.memory_space<vmem>>, vector<16xf32>,
          %parallel_loop3A_244 = arith.index_cast %parallel_loop3A_163 : i32 to index
          %parallel_loop3A_245 = arith.constant 112 : index
          %parallel_loop3A_246 = tpu.vector_load %arg11[%parallel_loop3A_244, %parallel_loop3A_245] {strides = array<i32>} : memref<80x128xi32, #tpu.memory_space<vmem>>, vector<16xi32>,
          %parallel_loop3A_247 = vector.bitcast %parallel_loop3A_246 : vector<16xi32> to vector<32xbf16>
          %parallel_loop3A_248 = tpu.unpack_subelements %parallel_loop3A_247, 0 {pack_format = #tpu.pack_format<interleaved>} : vector<32xbf16> -> vector<16xf32>
          %parallel_loop3A_249 = tpu.unpack_subelements %parallel_loop3A_247, 1 {pack_format = #tpu.pack_format<interleaved>} : vector<32xbf16> -> vector<16xf32>
          %parallel_loop3A_250 = arith.mulf %parallel_loop3A_166, %parallel_loop3A_249 : vector<16xf32>
          %parallel_loop3A_251 = arith.addf %parallel_loop3A_248, %parallel_loop3A_250 : vector<16xf32>
          %parallel_loop3A_252 = arith.index_cast %parallel_loop3A_163 : i32 to index
          %parallel_loop3A_253 = arith.constant 112 : index
          %parallel_loop3A_254 = tpu.vector_load %arg13[%parallel_loop3A_252, %parallel_loop3A_253] {strides = array<i32>} : memref<80x128xf32, #tpu.memory_space<vmem>>, vector<16xf32>,
          tpu.vector_store %arg13[%parallel_loop3A_252, %parallel_loop3A_253], %parallel_loop3A_251 {strides = array<i32>} : memref<80x128xf32, #tpu.memory_space<vmem>>, vector<16xf32>,
        } {sc.loop_unroll_factor = 4 : i64, sc.parallel_access}
        %dma_start3A_156 = arith.constant 0 : i32
        %dma_start3A_157 = tpu.memref_slice %arg8[%add3A_145, %dma_start3A_156] : memref<25x80xi32, #tpu.memory_space<vmem>> -> memref<1x80xi32, #tpu.memory_space<vmem>>
        %dma_start3A_158 = tpu.memref_squeeze %dma_start3A_157 : memref<1x80xi32, #tpu.memory_space<vmem>> -> memref<80xi32, #tpu.memory_space<vmem>>
        %dma_start3A_159 = arith.constant 0 : i32
        %dma_start3A_160 = arith.constant 0 : i32
        %dma_start3A_161 = tpu.memref_slice %arg14[%dma_start3A_159, %dma_start3A_160] : memref<10000x128xf32, #tpu.memory_space<vmem_shared>> -> memref<10000x128xf32, #tpu.memory_space<vmem_shared>>
        tpu.enqueue_indirect_dma source(%arg13 : memref<80x128xf32, #tpu.memory_space<vmem>>) target(%dma_start3A_161 : memref<10000x128xf32, #tpu.memory_space<vmem_shared>>) offsets(%dma_start3A_158 : memref<80xi32, #tpu.memory_space<vmem>>) semaphore(%arg18 : memref<!tpu.dma_semaphore, #tpu.memory_space<semaphore_mem>>) {add = true}
        %scan3A_162 = arith.constant 0 : i32
        scf.yield %scan3A_162 : i32
      }
      %scan3A_55 = arith.constant 12 : i32
      %multiple_of3A_56 = arith.constant 1920 : i32
      %multiple_of3A_57 = tpu.assume_multiple %multiple_of3A_56, 8 : i32
      %dma_wait3A_58 = tpu.memref_slice %arg7[%multiple_of3A_57] : memref<2000xi32, #tpu.memory_space<vmem>> -> memref<80xi32, #tpu.memory_space<vmem>>
      %dma_wait3A_59 = arith.constant 0 : i32
      %dma_wait3A_60 = arith.constant 0 : i32
      %dma_wait3A_61 = tpu.memref_slice %arg5[%dma_wait3A_59, %dma_wait3A_60] : memref<10000x128xi32, #tpu.memory_space<hbm>> -> memref<10000x128xi32, #tpu.memory_space<hbm>>
      tpu.wait_indirect_dma semaphore(%arg15 : memref<!tpu.dma_semaphore, #tpu.memory_space<semaphore_mem>>) src(%dma_wait3A_61 : memref<10000x128xi32, #tpu.memory_space<hbm>>) dst(%arg10 : memref<80x128xi32, #tpu.memory_space<vmem>>)
      %not3A = arith.constant false
      %not3A_62 = arith.constant true
      %not3A_63 = arith.xori %not3A, %not3A_62 : i1
      %convert_element_type3A_64 = arith.extui %not3A_63 : i1 to i32
      %cond3A_65 = arith.constant 0 : i32
      %cond3A_66 = arith.cmpi ne, %convert_element_type3A_64, %cond3A_65 : i32
      scf.if %cond3A_66 {
        %dma_wait3A_77 = arith.constant 24 : i32
        %dma_wait3A_78 = arith.constant 0 : i32
        %dma_wait3A_79 = tpu.memref_slice %arg8[%dma_wait3A_77, %dma_wait3A_78] : memref<25x80xi32, #tpu.memory_space<vmem>> -> memref<1x80xi32, #tpu.memory_space<vmem>>
        %dma_wait3A_80 = tpu.memref_squeeze %dma_wait3A_79 : memref<1x80xi32, #tpu.memory_space<vmem>> -> memref<80xi32, #tpu.memory_space<vmem>>
        %dma_wait3A_81 = arith.constant 0 : i32
        %dma_wait3A_82 = arith.constant 0 : i32
        %dma_wait3A_83 = tpu.memref_slice %arg14[%dma_wait3A_81, %dma_wait3A_82] : memref<10000x128xf32, #tpu.memory_space<vmem_shared>> -> memref<10000x128xf32, #tpu.memory_space<vmem_shared>>
        tpu.wait_indirect_dma semaphore(%arg17 : memref<!tpu.dma_semaphore, #tpu.memory_space<semaphore_mem>>) src(%arg12 : memref<80x128xf32, #tpu.memory_space<vmem>>) dst(%dma_wait3A_83 : memref<10000x128xf32, #tpu.memory_space<vmem_shared>>)
      } else {
      }
      %parallel_loop3A = arith.constant 0 : i32
      %parallel_loop3A_67 = arith.constant 80 : i32
      %parallel_loop3A_68 = arith.constant 1 : i32
      scf.for %parallel_loop3A_77 = %parallel_loop3A to %parallel_loop3A_67 step %parallel_loop3A_68  : i32 {
        %parallel_loop3A_78 = arith.constant 1920 : i32
        %parallel_loop3A_79 = arith.addi %parallel_loop3A_78, %parallel_loop3A_77 : i32
        %parallel_loop3A_80 = vector.broadcast %parallel_loop3A_79 : i32 to vector<16xi32>
        %parallel_loop3A_81 = tpu.vector_load_idx %arg9[%parallel_loop3A_80] : memref<2000xf32, #tpu.memory_space<vmem>>[vector<16xi32>], vector<16xf32>,
        %parallel_loop3A_82 = arith.index_cast %parallel_loop3A_77 : i32 to index
        %parallel_loop3A_83 = arith.constant 0 : index
        %parallel_loop3A_84 = tpu.vector_load %arg10[%parallel_loop3A_82, %parallel_loop3A_83] {strides = array<i32>} : memref<80x128xi32, #tpu.memory_space<vmem>>, vector<16xi32>,
        %parallel_loop3A_85 = vector.bitcast %parallel_loop3A_84 : vector<16xi32> to vector<32xbf16>
        %parallel_loop3A_86 = tpu.unpack_subelements %parallel_loop3A_85, 0 {pack_format = #tpu.pack_format<interleaved>} : vector<32xbf16> -> vector<16xf32>
        %parallel_loop3A_87 = tpu.unpack_subelements %parallel_loop3A_85, 1 {pack_format = #tpu.pack_format<interleaved>} : vector<32xbf16> -> vector<16xf32>
        %parallel_loop3A_88 = arith.mulf %parallel_loop3A_81, %parallel_loop3A_87 : vector<16xf32>
        %parallel_loop3A_89 = arith.addf %parallel_loop3A_86, %parallel_loop3A_88 : vector<16xf32>
        %parallel_loop3A_90 = arith.index_cast %parallel_loop3A_77 : i32 to index
        %parallel_loop3A_91 = arith.constant 0 : index
        %parallel_loop3A_92 = tpu.vector_load %arg12[%parallel_loop3A_90, %parallel_loop3A_91] {strides = array<i32>} : memref<80x128xf32, #tpu.memory_space<vmem>>, vector<16xf32>,
        tpu.vector_store %arg12[%parallel_loop3A_90, %parallel_loop3A_91], %parallel_loop3A_89 {strides = array<i32>} : memref<80x128xf32, #tpu.memory_space<vmem>>, vector<16xf32>,
        %parallel_loop3A_93 = arith.index_cast %parallel_loop3A_77 : i32 to index
        %parallel_loop3A_94 = arith.constant 16 : index
        %parallel_loop3A_95 = tpu.vector_load %arg10[%parallel_loop3A_93, %parallel_loop3A_94] {strides = array<i32>} : memref<80x128xi32, #tpu.memory_space<vmem>>, vector<16xi32>,
        %parallel_loop3A_96 = vector.bitcast %parallel_loop3A_95 : vector<16xi32> to vector<32xbf16>
        %parallel_loop3A_97 = tpu.unpack_subelements %parallel_loop3A_96, 0 {pack_format = #tpu.pack_format<interleaved>} : vector<32xbf16> -> vector<16xf32>
        %parallel_loop3A_98 = tpu.unpack_subelements %parallel_loop3A_96, 1 {pack_format = #tpu.pack_format<interleaved>} : vector<32xbf16> -> vector<16xf32>
        %parallel_loop3A_99 = arith.mulf %parallel_loop3A_81, %parallel_loop3A_98 : vector<16xf32>
        %parallel_loop3A_100 = arith.addf %parallel_loop3A_97, %parallel_loop3A_99 : vector<16xf32>
        %parallel_loop3A_101 = arith.index_cast %parallel_loop3A_77 : i32 to index
        %parallel_loop3A_102 = arith.constant 16 : index
        %parallel_loop3A_103 = tpu.vector_load %arg12[%parallel_loop3A_101, %parallel_loop3A_102] {strides = array<i32>} : memref<80x128xf32, #tpu.memory_space<vmem>>, vector<16xf32>,
        tpu.vector_store %arg12[%parallel_loop3A_101, %parallel_loop3A_102], %parallel_loop3A_100 {strides = array<i32>} : memref<80x128xf32, #tpu.memory_space<vmem>>, vector<16xf32>,
        %parallel_loop3A_104 = arith.index_cast %parallel_loop3A_77 : i32 to index
        %parallel_loop3A_105 = arith.constant 32 : index
        %parallel_loop3A_106 = tpu.vector_load %arg10[%parallel_loop3A_104, %parallel_loop3A_105] {strides = array<i32>} : memref<80x128xi32, #tpu.memory_space<vmem>>, vector<16xi32>,
        %parallel_loop3A_107 = vector.bitcast %parallel_loop3A_106 : vector<16xi32> to vector<32xbf16>
        %parallel_loop3A_108 = tpu.unpack_subelements %parallel_loop3A_107, 0 {pack_format = #tpu.pack_format<interleaved>} : vector<32xbf16> -> vector<16xf32>
        %parallel_loop3A_109 = tpu.unpack_subelements %parallel_loop3A_107, 1 {pack_format = #tpu.pack_format<interleaved>} : vector<32xbf16> -> vector<16xf32>
        %parallel_loop3A_110 = arith.mulf %parallel_loop3A_81, %parallel_loop3A_109 : vector<16xf32>
        %parallel_loop3A_111 = arith.addf %parallel_loop3A_108, %parallel_loop3A_110 : vector<16xf32>
        %parallel_loop3A_112 = arith.index_cast %parallel_loop3A_77 : i32 to index
        %parallel_loop3A_113 = arith.constant 32 : index
        %parallel_loop3A_114 = tpu.vector_load %arg12[%parallel_loop3A_112, %parallel_loop3A_113] {strides = array<i32>} : memref<80x128xf32, #tpu.memory_space<vmem>>, vector<16xf32>,
        tpu.vector_store %arg12[%parallel_loop3A_112, %parallel_loop3A_113], %parallel_loop3A_111 {strides = array<i32>} : memref<80x128xf32, #tpu.memory_space<vmem>>, vector<16xf32>,
        %parallel_loop3A_115 = arith.index_cast %parallel_loop3A_77 : i32 to index
        %parallel_loop3A_116 = arith.constant 48 : index
        %parallel_loop3A_117 = tpu.vector_load %arg10[%parallel_loop3A_115, %parallel_loop3A_116] {strides = array<i32>} : memref<80x128xi32, #tpu.memory_space<vmem>>, vector<16xi32>,
        %parallel_loop3A_118 = vector.bitcast %parallel_loop3A_117 : vector<16xi32> to vector<32xbf16>
        %parallel_loop3A_119 = tpu.unpack_subelements %parallel_loop3A_118, 0 {pack_format = #tpu.pack_format<interleaved>} : vector<32xbf16> -> vector<16xf32>
        %parallel_loop3A_120 = tpu.unpack_subelements %parallel_loop3A_118, 1 {pack_format = #tpu.pack_format<interleaved>} : vector<32xbf16> -> vector<16xf32>
        %parallel_loop3A_121 = arith.mulf %parallel_loop3A_81, %parallel_loop3A_120 : vector<16xf32>
        %parallel_loop3A_122 = arith.addf %parallel_loop3A_119, %parallel_loop3A_121 : vector<16xf32>
        %parallel_loop3A_123 = arith.index_cast %parallel_loop3A_77 : i32 to index
        %parallel_loop3A_124 = arith.constant 48 : index
        %parallel_loop3A_125 = tpu.vector_load %arg12[%parallel_loop3A_123, %parallel_loop3A_124] {strides = array<i32>} : memref<80x128xf32, #tpu.memory_space<vmem>>, vector<16xf32>,
        tpu.vector_store %arg12[%parallel_loop3A_123, %parallel_loop3A_124], %parallel_loop3A_122 {strides = array<i32>} : memref<80x128xf32, #tpu.memory_space<vmem>>, vector<16xf32>,
        %parallel_loop3A_126 = arith.index_cast %parallel_loop3A_77 : i32 to index
        %parallel_loop3A_127 = arith.constant 64 : index
        %parallel_loop3A_128 = tpu.vector_load %arg10[%parallel_loop3A_126, %parallel_loop3A_127] {strides = array<i32>} : memref<80x128xi32, #tpu.memory_space<vmem>>, vector<16xi32>,
        %parallel_loop3A_129 = vector.bitcast %parallel_loop3A_128 : vector<16xi32> to vector<32xbf16>
        %parallel_loop3A_130 = tpu.unpack_subelements %parallel_loop3A_129, 0 {pack_format = #tpu.pack_format<interleaved>} : vector<32xbf16> -> vector<16xf32>
        %parallel_loop3A_131 = tpu.unpack_subelements %parallel_loop3A_129, 1 {pack_format = #tpu.pack_format<interleaved>} : vector<32xbf16> -> vector<16xf32>
        %parallel_loop3A_132 = arith.mulf %parallel_loop3A_81, %parallel_loop3A_131 : vector<16xf32>
        %parallel_loop3A_133 = arith.addf %parallel_loop3A_130, %parallel_loop3A_132 : vector<16xf32>
        %parallel_loop3A_134 = arith.index_cast %parallel_loop3A_77 : i32 to index
        %parallel_loop3A_135 = arith.constant 64 : index
        %parallel_loop3A_136 = tpu.vector_load %arg12[%parallel_loop3A_134, %parallel_loop3A_135] {strides = array<i32>} : memref<80x128xf32, #tpu.memory_space<vmem>>, vector<16xf32>,
        tpu.vector_store %arg12[%parallel_loop3A_134, %parallel_loop3A_135], %parallel_loop3A_133 {strides = array<i32>} : memref<80x128xf32, #tpu.memory_space<vmem>>, vector<16xf32>,
        %parallel_loop3A_137 = arith.index_cast %parallel_loop3A_77 : i32 to index
        %parallel_loop3A_138 = arith.constant 80 : index
        %parallel_loop3A_139 = tpu.vector_load %arg10[%parallel_loop3A_137, %parallel_loop3A_138] {strides = array<i32>} : memref<80x128xi32, #tpu.memory_space<vmem>>, vector<16xi32>,
        %parallel_loop3A_140 = vector.bitcast %parallel_loop3A_139 : vector<16xi32> to vector<32xbf16>
        %parallel_loop3A_141 = tpu.unpack_subelements %parallel_loop3A_140, 0 {pack_format = #tpu.pack_format<interleaved>} : vector<32xbf16> -> vector<16xf32>
        %parallel_loop3A_142 = tpu.unpack_subelements %parallel_loop3A_140, 1 {pack_format = #tpu.pack_format<interleaved>} : vector<32xbf16> -> vector<16xf32>
        %parallel_loop3A_143 = arith.mulf %parallel_loop3A_81, %parallel_loop3A_142 : vector<16xf32>
        %parallel_loop3A_144 = arith.addf %parallel_loop3A_141, %parallel_loop3A_143 : vector<16xf32>
        %parallel_loop3A_145 = arith.index_cast %parallel_loop3A_77 : i32 to index
        %parallel_loop3A_146 = arith.constant 80 : index
        %parallel_loop3A_147 = tpu.vector_load %arg12[%parallel_loop3A_145, %parallel_loop3A_146] {strides = array<i32>} : memref<80x128xf32, #tpu.memory_space<vmem>>, vector<16xf32>,
        tpu.vector_store %arg12[%parallel_loop3A_145, %parallel_loop3A_146], %parallel_loop3A_144 {strides = array<i32>} : memref<80x128xf32, #tpu.memory_space<vmem>>, vector<16xf32>,
        %parallel_loop3A_148 = arith.index_cast %parallel_loop3A_77 : i32 to index
        %parallel_loop3A_149 = arith.constant 96 : index
        %parallel_loop3A_150 = tpu.vector_load %arg10[%parallel_loop3A_148, %parallel_loop3A_149] {strides = array<i32>} : memref<80x128xi32, #tpu.memory_space<vmem>>, vector<16xi32>,
        %parallel_loop3A_151 = vector.bitcast %parallel_loop3A_150 : vector<16xi32> to vector<32xbf16>
        %parallel_loop3A_152 = tpu.unpack_subelements %parallel_loop3A_151, 0 {pack_format = #tpu.pack_format<interleaved>} : vector<32xbf16> -> vector<16xf32>
        %parallel_loop3A_153 = tpu.unpack_subelements %parallel_loop3A_151, 1 {pack_format = #tpu.pack_format<interleaved>} : vector<32xbf16> -> vector<16xf32>
        %parallel_loop3A_154 = arith.mulf %parallel_loop3A_81, %parallel_loop3A_153 : vector<16xf32>
        %parallel_loop3A_155 = arith.addf %parallel_loop3A_152, %parallel_loop3A_154 : vector<16xf32>
        %parallel_loop3A_156 = arith.index_cast %parallel_loop3A_77 : i32 to index
        %parallel_loop3A_157 = arith.constant 96 : index
        %parallel_loop3A_158 = tpu.vector_load %arg12[%parallel_loop3A_156, %parallel_loop3A_157] {strides = array<i32>} : memref<80x128xf32, #tpu.memory_space<vmem>>, vector<16xf32>,
        tpu.vector_store %arg12[%parallel_loop3A_156, %parallel_loop3A_157], %parallel_loop3A_155 {strides = array<i32>} : memref<80x128xf32, #tpu.memory_space<vmem>>, vector<16xf32>,
        %parallel_loop3A_159 = arith.index_cast %parallel_loop3A_77 : i32 to index
        %parallel_loop3A_160 = arith.constant 112 : index
        %parallel_loop3A_161 = tpu.vector_load %arg10[%parallel_loop3A_159, %parallel_loop3A_160] {strides = array<i32>} : memref<80x128xi32, #tpu.memory_space<vmem>>, vector<16xi32>,
        %parallel_loop3A_162 = vector.bitcast %parallel_loop3A_161 : vector<16xi32> to vector<32xbf16>
        %parallel_loop3A_163 = tpu.unpack_subelements %parallel_loop3A_162, 0 {pack_format = #tpu.pack_format<interleaved>} : vector<32xbf16> -> vector<16xf32>
        %parallel_loop3A_164 = tpu.unpack_subelements %parallel_loop3A_162, 1 {pack_format = #tpu.pack_format<interleaved>} : vector<32xbf16> -> vector<16xf32>
        %parallel_loop3A_165 = arith.mulf %parallel_loop3A_81, %parallel_loop3A_164 : vector<16xf32>
        %parallel_loop3A_166 = arith.addf %parallel_loop3A_163, %parallel_loop3A_165 : vector<16xf32>
        %parallel_loop3A_167 = arith.index_cast %parallel_loop3A_77 : i32 to index
        %parallel_loop3A_168 = arith.constant 112 : index
        %parallel_loop3A_169 = tpu.vector_load %arg12[%parallel_loop3A_167, %parallel_loop3A_168] {strides = array<i32>} : memref<80x128xf32, #tpu.memory_space<vmem>>, vector<16xf32>,
        tpu.vector_store %arg12[%parallel_loop3A_167, %parallel_loop3A_168], %parallel_loop3A_166 {strides = array<i32>} : memref<80x128xf32, #tpu.memory_space<vmem>>, vector<16xf32>,
      } {sc.loop_unroll_factor = 4 : i64, sc.parallel_access}
      %dma_start3A_69 = arith.constant 24 : i32
      %dma_start3A_70 = arith.constant 0 : i32
      %dma_start3A_71 = tpu.memref_slice %arg8[%dma_start3A_69, %dma_start3A_70] : memref<25x80xi32, #tpu.memory_space<vmem>> -> memref<1x80xi32, #tpu.memory_space<vmem>>
      %dma_start3A_72 = tpu.memref_squeeze %dma_start3A_71 : memref<1x80xi32, #tpu.memory_space<vmem>> -> memref<80xi32, #tpu.memory_space<vmem>>
      %dma_start3A_73 = arith.constant 0 : i32
      %dma_start3A_74 = arith.constant 0 : i32
      %dma_start3A_75 = tpu.memref_slice %arg14[%dma_start3A_73, %dma_start3A_74] : memref<10000x128xf32, #tpu.memory_space<vmem_shared>> -> memref<10000x128xf32, #tpu.memory_space<vmem_shared>>
      tpu.enqueue_indirect_dma source(%arg12 : memref<80x128xf32, #tpu.memory_space<vmem>>) target(%dma_start3A_75 : memref<10000x128xf32, #tpu.memory_space<vmem_shared>>) offsets(%dma_start3A_72 : memref<80xi32, #tpu.memory_space<vmem>>) semaphore(%arg17 : memref<!tpu.dma_semaphore, #tpu.memory_space<semaphore_mem>>) {add = true}
      %scan3A_76 = arith.constant 0 : i32
      scf.yield %scan3A_76 : i32
    }
    %scan3A_17 = arith.constant 5 : i32
    %dma_wait3A = arith.constant 0 : i32
    %dma_wait3A_18 = arith.constant 0 : i32
    %dma_wait3A_19 = tpu.memref_slice %arg8[%dma_wait3A, %dma_wait3A_18] : memref<25x80xi32, #tpu.memory_space<vmem>> -> memref<1x80xi32, #tpu.memory_space<vmem>>
    %dma_wait3A_20 = tpu.memref_squeeze %dma_wait3A_19 : memref<1x80xi32, #tpu.memory_space<vmem>> -> memref<80xi32, #tpu.memory_space<vmem>>
    %dma_wait3A_21 = arith.constant 0 : i32
    %dma_wait3A_22 = arith.constant 0 : i32
    %dma_wait3A_23 = tpu.memref_slice %arg14[%dma_wait3A_21, %dma_wait3A_22] : memref<10000x128xf32, #tpu.memory_space<vmem_shared>> -> memref<10000x128xf32, #tpu.memory_space<vmem_shared>>
    tpu.wait_indirect_dma semaphore(%arg17 : memref<!tpu.dma_semaphore, #tpu.memory_space<semaphore_mem>>) src(%arg12 : memref<80x128xf32, #tpu.memory_space<vmem>>) dst(%dma_wait3A_23 : memref<10000x128xf32, #tpu.memory_space<vmem_shared>>)
    %dma_wait3A_24 = arith.constant 0 : i32
    %dma_wait3A_25 = arith.constant 0 : i32
    %dma_wait3A_26 = tpu.memref_slice %arg8[%dma_wait3A_24, %dma_wait3A_25] : memref<25x80xi32, #tpu.memory_space<vmem>> -> memref<1x80xi32, #tpu.memory_space<vmem>>
    %dma_wait3A_27 = tpu.memref_squeeze %dma_wait3A_26 : memref<1x80xi32, #tpu.memory_space<vmem>> -> memref<80xi32, #tpu.memory_space<vmem>>
    %dma_wait3A_28 = arith.constant 0 : i32
    %dma_wait3A_29 = arith.constant 0 : i32
    %dma_wait3A_30 = tpu.memref_slice %arg14[%dma_wait3A_28, %dma_wait3A_29] : memref<10000x128xf32, #tpu.memory_space<vmem_shared>> -> memref<10000x128xf32, #tpu.memory_space<vmem_shared>>
    tpu.wait_indirect_dma semaphore(%arg18 : memref<!tpu.dma_semaphore, #tpu.memory_space<semaphore_mem>>) src(%arg13 : memref<80x128xf32, #tpu.memory_space<vmem>>) dst(%dma_wait3A_30 : memref<10000x128xf32, #tpu.memory_space<vmem_shared>>)
    %barrier3A_31 = arith.constant 0 : index
    tpu.barrier barrier_id(%barrier3A_31)
    %lt3A_32 = arith.constant 10 : i32
    %lt3A_33 = arith.cmpi slt, %arg1, %lt3A_32 : i32
    %convert_element_type3A_34 = arith.extui %lt3A_33 : i1 to i32
    %cond3A_35 = arith.constant 0 : i32
    %cond3A_36 = arith.cmpi ne, %convert_element_type3A_34, %cond3A_35 : i32
    scf.if %cond3A_36 {
      %mul3A_37 = arith.constant 1000 : i32
      %mul3A_38 = arith.muli %arg1, %mul3A_37 : i32
      %multiple_of3A = tpu.assume_multiple %mul3A_38, 8 : i32
      "tpu.region"() ({
        %run_scoped3A = tpu.sem_alloc : memref<!tpu.dma_semaphore, #tpu.memory_space<semaphore_mem>>
        %dma_start3A = arith.constant 0 : i32
        %dma_start3A_39 = tpu.memref_slice %arg6[%arg0, %multiple_of3A, %dma_start3A] : memref<2x10000x128xf32, #tpu.memory_space<hbm>> -> memref<1x1000x128xf32, #tpu.memory_space<hbm>>
        %dma_start3A_40 = tpu.memref_squeeze %dma_start3A_39 : memref<1x1000x128xf32, #tpu.memory_space<hbm>> -> memref<1000x128xf32, #tpu.memory_space<hbm>>
        %dma_start3A_41 = arith.constant 0 : i32
        %dma_start3A_42 = tpu.memref_slice %arg14[%multiple_of3A, %dma_start3A_41] : memref<10000x128xf32, #tpu.memory_space<vmem_shared>> -> memref<1000x128xf32, #tpu.memory_space<vmem_shared>>
        tpu.enqueue_dma source(%dma_start3A_42 : memref<1000x128xf32, #tpu.memory_space<vmem_shared>>) target(%dma_start3A_40 : memref<1000x128xf32, #tpu.memory_space<hbm>>) target_semaphore(%run_scoped3A : memref<!tpu.dma_semaphore, #tpu.memory_space<semaphore_mem>>)
        %dma_wait3A_43 = arith.constant 0 : i32
        %dma_wait3A_44 = tpu.memref_slice %arg6[%arg0, %multiple_of3A, %dma_wait3A_43] : memref<2x10000x128xf32, #tpu.memory_space<hbm>> -> memref<1x1000x128xf32, #tpu.memory_space<hbm>>
        %dma_wait3A_45 = tpu.memref_squeeze %dma_wait3A_44 : memref<1x1000x128xf32, #tpu.memory_space<hbm>> -> memref<1000x128xf32, #tpu.memory_space<hbm>>
        %dma_wait3A_46 = arith.constant 0 : i32
        %dma_wait3A_47 = tpu.memref_slice %arg14[%multiple_of3A, %dma_wait3A_46] : memref<10000x128xf32, #tpu.memory_space<vmem_shared>> -> memref<1000x128xf32, #tpu.memory_space<vmem_shared>>
        tpu.wait_dma2 semaphore(%run_scoped3A : memref<!tpu.dma_semaphore, #tpu.memory_space<semaphore_mem>>) src(%dma_wait3A_47 : memref<1000x128xf32, #tpu.memory_space<vmem_shared>>) dst(%dma_wait3A_45 : memref<1000x128xf32, #tpu.memory_space<hbm>>)
        tpu.yield
      }) : () -> ()
    } else {
    }
    return
  }
}

module attributes {stable_mosaic.version = 14 : i64} {
  func.func @_pre(%arg0: i32, %arg1: memref<1000x128xf32, #tpu.memory_space<vmem>>, %arg2: memref<1000x128xf32, #tpu.memory_space<vmem>>, %arg3: memref<1000x128xf32, #tpu.memory_space<vmem>>, %arg4: memref<128x128xf32, #tpu.memory_space<vmem>>, %arg5: memref<128x128xf32, #tpu.memory_space<vmem>>, %arg6: memref<1000x128xf32, #tpu.memory_space<vmem>>, %arg7: memref<1000x128xi32, #tpu.memory_space<vmem>>) attributes {dimension_semantics = [#tpu.dimension_semantics<arbitrary>], iteration_bounds = array<i64: 10>, scalar_prefetch = 0 : i64, scratch_operands = 0 : i64, tpu.core_type = #tpu.core_type<tc>, window_params = [{transform_indices = @transform_0, window_bounds = array<i64: 1000, 128>}, {transform_indices = @transform_1, window_bounds = array<i64: 1000, 128>}, {transform_indices = @transform_2, window_bounds = array<i64: 1000, 128>}, {pipeline_mode = #tpu.pipeline_mode<synchronous>, transform_indices = @transform_3, window_bounds = array<i64: 128, 128>}, {pipeline_mode = #tpu.pipeline_mode<synchronous>, transform_indices = @transform_4, window_bounds = array<i64: 128, 128>}, {transform_indices = @transform_5, window_bounds = array<i64: 1000, 128>}, {transform_indices = @transform_6, window_bounds = array<i64: 1000, 128>}]} {
    %get3A = arith.constant 0 : index
    %get3A_0 = arith.constant 0 : index
    %get3A_1 = vector.load %arg4[%get3A, %get3A_0] : memref<128x128xf32, #tpu.memory_space<vmem>>, vector<128x128xf32>
    %get3A_2 = arith.constant 0 : index
    %get3A_3 = arith.constant 0 : index
    %get3A_4 = vector.load %arg5[%get3A_2, %get3A_3] : memref<128x128xf32, #tpu.memory_space<vmem>>, vector<128x128xf32>
    %dot_general3A = arith.constant dense<0.000000e+00> : vector<128x128xf32>
    %dot_general3A_5 = tpu.matmul %get3A_1, %get3A_4, %dot_general3A {dimension_numbers = #tpu.dot_dimension_numbers<[1], [0], [0], [1], [0, 0, 1, 1], [], []>, transpose_lhs_hint = false} : vector<128x128xf32>, vector<128x128xf32>, vector<128x128xf32> -> vector<128x128xf32>
    %get3A_6 = arith.constant 0 : index
    %get3A_7 = arith.constant 0 : index
    %get3A_8 = vector.load %arg1[%get3A_6, %get3A_7] : memref<1000x128xf32, #tpu.memory_space<vmem>>, vector<1000x128xf32>
    %dot_general3A_9 = arith.constant dense<0.000000e+00> : vector<1000x128xf32>
    %dot_general3A_10 = tpu.matmul %get3A_8, %dot_general3A_5, %dot_general3A_9 {dimension_numbers = #tpu.dot_dimension_numbers<[1], [0], [0], [1], [0, 0, 1, 1], [], []>, transpose_lhs_hint = false} : vector<1000x128xf32>, vector<128x128xf32>, vector<1000x128xf32> -> vector<1000x128xf32>
    %swap3A = arith.constant 0 : index
    %swap3A_11 = arith.constant 0 : index
    %swap3A_12 = vector.load %arg6[%swap3A, %swap3A_11] : memref<1000x128xf32, #tpu.memory_space<vmem>>, vector<1000x128xf32>
    tpu.vector_store %arg6[%swap3A, %swap3A_11], %dot_general3A_10 {strides = array<i32>} : memref<1000x128xf32, #tpu.memory_space<vmem>>, vector<1000x128xf32>,
    %get3A_13 = arith.constant 0 : index
    %get3A_14 = arith.constant 0 : index
    %get3A_15 = vector.load %arg3[%get3A_13, %get3A_14] : memref<1000x128xf32, #tpu.memory_space<vmem>>, vector<1000x128xf32>
    %get3A_16 = arith.constant 0 : index
    %get3A_17 = arith.constant 0 : index
    %get3A_18 = vector.load %arg2[%get3A_16, %get3A_17] : memref<1000x128xf32, #tpu.memory_space<vmem>>, vector<1000x128xf32>
    %sub3A = arith.subf %get3A_18, %get3A_15 : vector<1000x128xf32>
    %convert_element_type3A = arith.truncf %get3A_15 : vector<1000x128xf32> to vector<1000x128xbf16>
    %bitcast_convert_type3A = tpu.bitcast %convert_element_type3A : vector<1000x128xbf16> -> vector<1000x128xi16>
    %convert_element_type3A_19 = arith.extui %bitcast_convert_type3A : vector<1000x128xi16> to vector<1000x128xi32>
    %convert_element_type3A_20 = arith.truncf %sub3A : vector<1000x128xf32> to vector<1000x128xbf16>
    %bitcast_convert_type3A_21 = tpu.bitcast %convert_element_type3A_20 : vector<1000x128xbf16> -> vector<1000x128xi16>
    %convert_element_type3A_22 = arith.extui %bitcast_convert_type3A_21 : vector<1000x128xi16> to vector<1000x128xi32>
    %shift_left3A = arith.constant 16 : i32
    %shift_left3A_23 = vector.broadcast %shift_left3A : i32 to vector<1000x128xi32>
    %shift_left3A_24 = arith.shli %convert_element_type3A_22, %shift_left3A_23 : vector<1000x128xi32>
    %or3A = arith.ori %shift_left3A_24, %convert_element_type3A_19 : vector<1000x128xi32>
    %swap3A_25 = arith.constant 0 : index
    %swap3A_26 = arith.constant 0 : index
    %swap3A_27 = vector.load %arg7[%swap3A_25, %swap3A_26] : memref<1000x128xi32, #tpu.memory_space<vmem>>, vector<1000x128xi32>
    tpu.vector_store %arg7[%swap3A_25, %swap3A_26], %or3A {strides = array<i32>} : memref<1000x128xi32, #tpu.memory_space<vmem>>, vector<1000x128xi32>,
    return
  }
  func.func @transform_0(%arg0: i32) -> (i32, i32) {
    %c0_i32 = arith.constant 0 : i32
    %c0_i32_0 = arith.constant 0 : i32
    return %arg0, %c0_i32 : i32, i32
  }
  func.func @transform_1(%arg0: i32) -> (i32, i32) {
    %c0_i32 = arith.constant 0 : i32
    %c0_i32_0 = arith.constant 0 : i32
    return %arg0, %c0_i32 : i32, i32
  }
  func.func @transform_2(%arg0: i32) -> (i32, i32) {
    %c0_i32 = arith.constant 0 : i32
    %c0_i32_0 = arith.constant 0 : i32
    return %arg0, %c0_i32 : i32, i32
  }
  func.func @transform_3(%arg0: i32) -> (i32, i32) {
    %c0_i32 = arith.constant 0 : i32
    %c0_i32_0 = arith.constant 0 : i32
    %c0_i32_1 = arith.constant 0 : i32
    return %c0_i32, %c0_i32_0 : i32, i32
  }
  func.func @transform_4(%arg0: i32) -> (i32, i32) {
    %c0_i32 = arith.constant 0 : i32
    %c0_i32_0 = arith.constant 0 : i32
    %c0_i32_1 = arith.constant 0 : i32
    return %c0_i32, %c0_i32_0 : i32, i32
  }
  func.func @transform_5(%arg0: i32) -> (i32, i32) {
    %c0_i32 = arith.constant 0 : i32
    %c0_i32_0 = arith.constant 0 : i32
    return %arg0, %c0_i32 : i32, i32
  }
  func.func @transform_6(%arg0: i32) -> (i32, i32) {
    %c0_i32 = arith.constant 0 : i32
    %c0_i32_0 = arith.constant 0 : i32
    return %arg0, %c0_i32 : i32, i32
  }
}

module attributes {stable_mosaic.version = 14 : i64} {
  func.func @_lambda_(%arg0: memref<32x10000xf32, #tpu.memory_space<vmem>>, %arg1: memref<10000xf32, #tpu.memory_space<vmem>>) attributes {dimension_semantics = [], scalar_prefetch = 0 : i64, scratch_operands = 0 : i64, tpu.core_type = #tpu.core_type<tc>} {
    %get3A = arith.constant 0 : index
    %get3A_0 = arith.constant 0 : index
    %get3A_1 = vector.load %arg0[%get3A, %get3A_0] : memref<32x10000xf32, #tpu.memory_space<vmem>>, vector<32x10000xf32>
    %reduce_sum3A = arith.constant dense<0.000000e+00> : vector<10000xf32>
    %reduce_sum3A_2 = vector.multi_reduction <add>, %get3A_1, %reduce_sum3A [0] : vector<32x10000xf32> to vector<10000xf32>
    %swap3A = arith.constant 0 : index
    %swap3A_3 = vector.load %arg1[%swap3A] : memref<10000xf32, #tpu.memory_space<vmem>>, vector<10000xf32>
    tpu.vector_store %arg1[%swap3A], %reduce_sum3A_2 {strides = array<i32>} : memref<10000xf32, #tpu.memory_space<vmem>>, vector<10000xf32>,
    return
  }
}

module attributes {stable_mosaic.version = 14 : i64} {
  func.func @_lambda_(%arg0: memref<32x10000xf32, #tpu.memory_space<vmem>>, %arg1: memref<10000xf32, #tpu.memory_space<vmem>>) attributes {dimension_semantics = [], scalar_prefetch = 0 : i64, scratch_operands = 0 : i64, tpu.core_type = #tpu.core_type<tc>} {
    %get3A = arith.constant 0 : index
    %get3A_0 = arith.constant 0 : index
    %get3A_1 = vector.load %arg0[%get3A, %get3A_0] : memref<32x10000xf32, #tpu.memory_space<vmem>>, vector<32x10000xf32>
    %reduce_max3A = arith.constant dense<0xFF800000> : vector<10000xf32>
    %reduce_max3A_2 = vector.multi_reduction <maximumf>, %get3A_1, %reduce_max3A [0] : vector<32x10000xf32> to vector<10000xf32>
    %swap3A = arith.constant 0 : index
    %swap3A_3 = vector.load %arg1[%swap3A] : memref<10000xf32, #tpu.memory_space<vmem>>, vector<10000xf32>
    tpu.vector_store %arg1[%swap3A], %reduce_max3A_2 {strides = array<i32>} : memref<10000xf32, #tpu.memory_space<vmem>>, vector<10000xf32>,
    return
  }
}

module attributes {stable_mosaic.version = 14 : i64} {
  func.func @_lambda_(%arg0: memref<2x10000x128xf32, #tpu.memory_space<vmem>>, %arg1: memref<10000x128xf32, #tpu.memory_space<vmem>>) attributes {dimension_semantics = [], scalar_prefetch = 0 : i64, scratch_operands = 0 : i64, tpu.core_type = #tpu.core_type<tc>} {
    %get3A = arith.constant 0 : index
    %get3A_0 = arith.constant 0 : index
    %get3A_1 = arith.constant 0 : index
    %get3A_2 = vector.load %arg0[%get3A, %get3A_0, %get3A_1] : memref<2x10000x128xf32, #tpu.memory_space<vmem>>, vector<1x10000x128xf32>
    %get3A_3 = vector.shape_cast %get3A_2 : vector<1x10000x128xf32> to vector<10000x128xf32>
    %get3A_4 = arith.constant 1 : index
    %get3A_5 = arith.constant 0 : index
    %get3A_6 = arith.constant 0 : index
    %get3A_7 = vector.load %arg0[%get3A_4, %get3A_5, %get3A_6] : memref<2x10000x128xf32, #tpu.memory_space<vmem>>, vector<1x10000x128xf32>
    %get3A_8 = vector.shape_cast %get3A_7 : vector<1x10000x128xf32> to vector<10000x128xf32>
    %add3A = arith.addf %get3A_3, %get3A_8 : vector<10000x128xf32>
    %swap3A = arith.constant 0 : index
    %swap3A_9 = arith.constant 0 : index
    %swap3A_10 = vector.load %arg1[%swap3A, %swap3A_9] : memref<10000x128xf32, #tpu.memory_space<vmem>>, vector<10000x128xf32>
    tpu.vector_store %arg1[%swap3A, %swap3A_9], %add3A {strides = array<i32>} : memref<10000x128xf32, #tpu.memory_space<vmem>>, vector<10000x128xf32>,
    return
  }
}

</mosaic_0001>

<sc_bundles>
// kernel: kernel.10.cloned.1.call-start
scs
__scs_entry_jumppad:
0x0: {  	(pc) =	sbr.rel $0x88, $3  }
0x1: {  	(tag) =	ssettag $0x0;
	lr =	simm.s32 $0x1  }
0x2: {  	[smem:$0x3F9B] =	sst lr;
	_ =	strace $0xD0000000  }
0x3: {  	_ = 	snop  }
0x4: {  	_ = 	snop  }
0x5: {  	_ = 	snop  }
0x6: {  	_ = 	snop  }
0x7: {  	_ = 	snop  }
__scs_overlays_trampoline_lowered:
0x8: {  	[smem:$0x3FAA] =	sst s0  }
0x9: {  	[smem:$0x3FAB] =	sst s1  }
0xa: {  	[smem:$0x3FAC] =	sst s2  }
0xb: {  	[smem:$0x3FAD] =	sst s3  }
0xc: {  	[smem:$0x3FAE] =	sst s4  }
0xd: {  	[smem:$0x3FAF] =	sst s5  }
0xe: {  	[smem:$0x3FB0] =	sst s6  }
0xf: {  	[smem:$0x3FB1] =	sst s7  }
0x10: {  	[smem:$0x3FB2] =	sst s8  }
0x11: {  	[smem:$0x3FB3] =	sst s9;
	s0 =	simm.s32 @!p0 $0x0  }
0x12: {  	s1 =	sld [smem:$0x3F99];
	s0 =	simm.s32 @p0 $0x1  }
0x13: {  	[smem:$0x3FB4] =	sst s0;
	s0 =	simm.s32 @!p1 $0x0  }
0x14: {  	s2 =	sld [smem:$0x3F98];
	s0 =	simm.s32 @p1 $0x1  }
0x15: {  	[smem:$0x3FB5] =	sst s0;
	s0 =	simm.s32 @!p2 $0x0  }
0x16: {  	s3 =	sld [smem:$0x3FDB];
	s0 =	simm.s32 @p2 $0x1  }
0x17: {  	s4 =	simm.s32 $0x1BF5;
	[smem:$0x3FB7] =	sst s0  }
0x18: {  	s0 =	sld [smem:$0x3F9A];
	_ =	swait.ge [sflag:s4], $0x0  }
0x19: {  	s7 =	sld [smem:$0x3F9B]  }
0x1a: {  	s8 =	sadd.s32 $0xFFFFE003, lr  }
0x1b: {  	s9 =	sadd.s32 $0xFFFFFEF7, lr;
	s5 =	simm.s32 $0xFFFFFFFF;
	p2 =	slt.u32 s8, $0xFFFFF086  }
0x1c: {  	p1 =	slt.u32 s9, $0xF7A;
	s5 =	simm.s32 @!p2 $0x0  }
0x1d: {  	s5 =	simm.s32 @p1 $0x1;
	p0 =	seq.s32 s7, s2  }
0x1e: {  	s7 =	smul.u32 @!p0 $0xF7A, s2;
	p2 =	seq.s32 @!p0 s5, $0x0  }
0x1f: {  	s9 =	smul.u32 $0xF7A, s1;
	s8 =	simm.s32 @!p0 $0x1BF5;
	p2 =	por !p2, p0  }
0x20: {  	[sflag:s8] =	ssyncset.s32 @!p0 $0xFFFFF086;
	s6 =	sadd.s32 @!p0 s3, s7;
	s7 =	simm.s32 @!p0 $0x108  }
0x21: {  	s3 =	sadd.s32 s3, s9;
	s6 =	sadd.s32 @!p0 $0x88, s6;
	s7 =	simm.s32 @p2 $0x1082  }
0x22: {  	[simem:s7], [sflag:s8] =	dma.local @!p0 [hbm:s6], $0xF7A  }
0x23: {  	s9 =	sor.u32 $0xD0000000, s2;
	s6 =	simm.s32 $0x108;
	_ =	swait.ge @!p0 [sflag:s8], $0x0  }
0x24: {  	s3 =	sadd.s32 $0x88, s3;
	s6 =	simm.s32 @!p1 $0x1082;
	[sflag:s4] =	ssyncset.s32 $0xFFFFF086  }
0x25: {  	[simem:s6], [sflag:s4] =	dma.local [hbm:s3], $0xF7A  }
0x26: {  	[smem:$0x3F9B] =	sst s1;
	(tag) =	ssettag s2;
	_ =	strace s9  }
0x27: {  	s1 =	sld [smem:$0x3FAB]  }
0x28: {  	s2 =	sld [smem:$0x3FAC]  }
0x29: {  	s4 =	sld [smem:$0x3FAE]  }
0x2a: {  	p0 =	seq.s32 s5, $0x0;
	s5 =	sld [smem:$0x3FAF]  }
0x2b: {  	s6 =	sld [smem:$0x3FB0]  }
0x2c: {  	s7 =	sld [smem:$0x3FB1]  }
0x2d: {  	s3 =	simm.s32 $0x108;
	s8 =	sld [smem:$0x3FB2]  }
0x2e: {  	s3 =	simm.s32 @!p0 $0x1082;
	s9 =	sld [smem:$0x3FB3]  }
0x2f: {  	lr =	sadd.s32 s0, s3;
	s0 =	sld [smem:$0x3FAA]  }
0x30: {  	s3 =	sld [smem:$0x3FAD]  }
0x31: {  	[smem:$0x3FB6] =	sst s10  }
0x32: {  	s10 =	sld [smem:$0x3FB4];
	_ =	sdelay $0x3  }
0x33: {  	p0 =	seq.s32 s10, $0x1;
	s10 =	sld [smem:$0x3FB6];
	_ =	sdelay $0x3  }
0x34: {  	[smem:$0x3FB6] =	sst s10  }
0x35: {  	s10 =	sld [smem:$0x3FB5];
	_ =	sdelay $0x3  }
0x36: {  	p1 =	seq.s32 s10, $0x1;
	s10 =	sld [smem:$0x3FB6];
	_ =	sdelay $0x3  }
0x37: {  	[smem:$0x3FB6] =	sst s10  }
0x38: {  	s10 =	sld [smem:$0x3FB7]  }
0x39: {  	_ = 	snop;
	(pc) =	sbr.ind lr, $3  }
0x3a: {  	_ = 	snop  }
0x3b: {  	_ = 	snop  }
0x3c: {  	p2 =	seq.s32 s10, $0x1;
	s10 =	sld [smem:$0x3FB6]  }
0x3d: {  	_ =	shalt  }
0x3e: {  	_ =	shalt  }
0x3f: {  	_ =	shalt  }
0x40: {  	_ =	shalt  }
0x41: {  	_ =	shalt  }
0x42: {  	_ =	shalt  }
0x43: {  	_ =	shalt  }
0x44: {  	_ =	shalt  }
0x45: {  	_ =	shalt  }
0x46: {  	_ =	shalt  }
0x47: {  	_ =	shalt  }
0x48: {  	_ =	shalt  }
0x49: {  	_ =	shalt  }
0x4a: {  	_ =	shalt  }
0x4b: {  	_ =	shalt  }
0x4c: {  	_ =	shalt  }
0x4d: {  	_ =	shalt  }
0x4e: {  	_ =	shalt  }
0x4f: {  	_ =	shalt  }
0x50: {  	_ =	shalt  }
0x51: {  	_ =	shalt  }
0x52: {  	_ =	shalt  }
0x53: {  	_ =	shalt  }
0x54: {  	_ =	shalt  }
0x55: {  	_ =	shalt  }
0x56: {  	_ =	shalt  }
0x57: {  	_ =	shalt  }
0x58: {  	_ =	shalt  }
0x59: {  	_ =	shalt  }
0x5a: {  	_ =	shalt  }
0x5b: {  	_ =	shalt  }
0x5c: {  	_ =	shalt  }
0x5d: {  	_ =	shalt  }
0x5e: {  	_ =	shalt  }
0x5f: {  	_ =	shalt  }
0x60: {  	_ =	shalt  }
0x61: {  	_ =	shalt  }
0x62: {  	_ =	shalt  }
0x63: {  	_ =	shalt  }
0x64: {  	_ =	shalt  }
0x65: {  	_ =	shalt  }
0x66: {  	_ =	shalt  }
0x67: {  	_ =	shalt  }
0x68: {  	_ =	shalt  }
0x69: {  	_ =	shalt  }
0x6a: {  	_ =	shalt  }
0x6b: {  	_ =	shalt  }
0x6c: {  	_ =	shalt  }
0x6d: {  	_ =	shalt  }
0x6e: {  	_ =	shalt  }
0x6f: {  	_ =	shalt  }
0x70: {  	_ =	shalt  }
0x71: {  	_ =	shalt  }
0x72: {  	_ =	shalt  }
0x73: {  	_ =	shalt  }
0x74: {  	_ =	shalt  }
0x75: {  	_ =	shalt  }
0x76: {  	_ =	shalt  }
0x77: {  	_ =	shalt  }
0x78: {  	_ =	shalt  }
0x79: {  	_ =	shalt  }
0x7a: {  	_ =	shalt  }
0x7b: {  	_ =	shalt  }
0x7c: {  	_ =	shalt  }
0x7d: {  	_ =	shalt  }
0x7e: {  	_ =	shalt  }
0x7f: {  	_ =	shalt  }
0x80: {  	_ =	shalt  }
0x81: {  	_ =	shalt  }
0x82: {  	_ =	shalt  }
0x83: {  	_ =	shalt  }
0x84: {  	_ =	shalt  }
0x85: {  	_ =	shalt  }
0x86: {  	_ =	shalt  }
0x87: {  	_ =	shalt  }
.Lfunc_end0:
.L_simem_size_0:
called_computation_lowered:
.L_overlay_start_0:
0x88: {  	s2 =	sld [smem:$0x3FD9]  }
0x89: {  	s3 =	sld [smem:$0x3FFE];
	_ =	sdelay $0x1  }
0x8a: {  	s1 =	srdreg.scid  }
0x8b: {  	s0 =	sand.u32 $0x1, s1  }
0x8c: {  	s16 =	sshll.u32 s0, $0xA;
	s2 =	sadd.s32 s3, s2  }
0x8d: {  	s2 =	sadd.s32 s2, s16  }
0x8e: {  	[smem:$0x3FC2] =	sst s2  }
0x8f: {  	_ = 	snop  }
0x90: {  	(tm) =	ssettm $0x1  }
0x91: {  	s17 =	sld [smem:$0x3FFB];
	_ =	sdelay $0x3  }
0x92: {  	_ =	strace s17  }
0x93: {  	s2 =	sld [smem:$0x3FFC];
	_ =	sdelay $0x3  }
0x94: {  	_ =	strace s2  }
0x95: {  	s2 =	sld [smem:$0x3FFD];
	_ =	sdelay $0x3  }
0x96: {  	_ =	strace s2  }
0x97: {  	_ =	strace $0x8FFFFFFF  }
0x98: {  	s18 =	sld [smem:$0x3FDB];
	_ =	sdelay $0x1  }
0x99: {  	s19 =	simm.s32 $_scs_section_size  }
0x9a: {  	s4 =	simm.s32 $_size__tile_overlayer_lowered;
	s5 =	simm.s32 $_tile_overlayer_lowered  }
0x9b: {  	s22 =	simm.s32 $0x1BFF;
	s21 =	sshll.u32 s5, $0x1;
	s2 =	sadd.s32 s19, s18  }
0x9c: {  	s6 =	simm.s32 $0x0;
	s20 =	sshll.u32 s4, $0x1;
	s4 =	sadd.s32 s21, s2  }
0x9d: {  	[timem:s6], [sflag:s22] =	dma.local [hbm:s4], s20  }
0x9e: {  	_ =	swait.ge [sflag:s22], s20  }
0x9f: {  	s3 =	ssub.s32 $0x0, s20;
	[sflag:s22] =	ssyncset.done $0x0  }
0xa0: {  	[sflag:s22] =	ssyncadd.s32 s3;
	_ =	sdelay $0x1  }
0xa1: {  	s23 =	simm.s32 $0x1B8B  }
0xa2: {  	_ =	swait.ge [sflag:s23], $0x1  }
0xa3: {  	[sflag:s23] =	ssyncset.done $0x0  }
0xa4: {  	s25 =	simm.s32 $0x1B8E;
	s24 =	sld [smem:$0x3FFE];
	[sflag:s23] =	ssyncadd.s32 $0xFFFFFFFF  }
0xa5: {  	s26 =	simm.s32 $execute0_lowered;
	[smem:$0x3FD2] =	sst s25  }
0xa6: {  	s4 =	sshll.u32 s26, $0x1;
	_ =	strace $0x80000046;
	[dreg:$0x1] =	wrdreg $0xFFFFFFFF  }
0xa7: {  	s28 =	simm.s32 $_size_execute0_lowered;
	s2 =	sadd.s32 s2, s4;
	[dreg:$0x0] =	wrdreg $0x0  }
0xa8: {  	s4 =	sshll.u32 s28, $0x1;
	[dreg:$0x2] =	wrdreg s2  }
0xa9: {  	[dreg:$0x3] =	wrdreg s4  }
0xaa: {  	[dreg:$0x4] =	wrdreg $0xC0  }
0xab: {  	_ =	task [dreg:s6], $0x5FFFF  }
0xac: {  	[dreg:$0x1] =	wrdreg $0xFFFFFFFF  }
0xad: {  	[dreg:$0x0] =	wrdreg $0x60  }
0xae: {  	[dreg:$0x2] =	wrdreg s24  }
0xaf: {  	[dreg:$0x3] =	wrdreg $0x9  }
0xb0: {  	_ =	task.clear_ibuf [dreg:s6], $0x4FFFF;
	_ =	strace $0x90000046  }
0xb1: {  	s29 =	simm.s32 $0x9;
	_ =	strace $0x80000048  }
0xb2: {  	_ =	swait.ge [sflag:s29], $0x1  }
0xb3: {  	[sflag:s29] =	ssyncadd.s32 $0xFFFFFFFF  }
0xb4: {  	_ =	strace $0x90000048  }
0xb5: {  	_ =	sfence  }
0xb6: {  	s30 =	sld [smem:$0x0];
	_ =	sdelay $0x2  }
0xb7: {  	s31 =	sshll.u32 s1, $0xD;
	s1 =	sshrl.u32 s1, $0x2  }
0xb8: {  	s3 =	sand.u32 $0x4000, s31;
	s1 =	sadd.s32 s1, s30  }
0xb9: {  	s0 =	sor.u32 s3, s0;
	s1 =	sshll.u32 s1, $0x11  }
0xba: {  	s0 =	sor.u32 s1, s0  }
0xbb: {  	s0 =	sadd.s32 $0x8F2B, s0  }
0xbc: {  	[sflag:s0] =	ssyncadd.remote.s32 $0x1  }
0xbd: {  	_ =	sfence.sel $0xFFFF  }
0xbe: {  	[dreg:$0x0] =	wrdreg $0xFFFFFFFF;
	(pc) =	sbr.abs _section_cstart, $3  }
0xbf: {  	[dreg:$0x1] =	wrdreg $0xFFFFFFFF  }
0xc0: {  	_ =	task.clear_ibuf [dreg:s6], $0x2FFFF;
	_ =	strace $0x9FFFFFFF  }
0xc1: {  	(tm) =	ssettm $0x7FFFFFFF  }
tec
execute0_lowered:
.L_overlay_start_1:
0x0: {  	(tag) =	ssettag $0x1  }
0x1: {  	s8 =	rddreg [dreg:$0x0];
	s1 =	simm.s32 $0x0  }
0x2: {  	[smem:$0x7FF] =	sst s1  }
0x3: {  	s0 =	rddreg [dreg:$0x1];
	v0 =	vimm.f32 $1.000000000e+00;
	_ =	strace $0x80000047  }
0x4: {  	(xrf0) =	vmax.scan.msk.f32 $0xffff, v0;
	_ =	sdelay $0x5  }
0x5: {  	v0, _, _ =	vpop (xrf0)  }
0x6: {  	(v2sf) =	vpush v0, $0xF;
	_ =	sdelay $0x3  }
0x7: {  	s2 =	srdreg.scid;
	s13 =	simm.s32 $0x11480  }
0x8: {  	s14 =	simm.s32 $0x11C80;
	s16 =	simm.s32 $0x7680;
	s17 =	simm.s32 $0x9E00  }
0x9: {  	s18 =	simm.s32 $0xC580;
	s19 =	simm.s32 $0xED00;
	s6 =	sand.u32 $0x1, s2  }
0xa: {  	s20 =	simm.s32 $0x12480;
	s2 =	stileid.u32;
	s3 =	sshll.u32 s6, $0x4  }
0xb: {  	s21 =	simm.s32 $0x80;
	s22 =	simm.s32 $0x400;
	s9 =	sor.u32 s2, s3  }
0xc: {  	s23 =	simm.s32 $0x0;
	s4 =	sadd.s32 $0x1000, s8;
	s3 =	sshrl.u32 s9, $0x3  }
0xd: {  	s5 =	sshll.u32 s2, $0x7;
	s31 =	ssub.s32 $0x2, s6;
	s7 =	smul.u32 $0x13C00, s3  }
0xe: {  	s6 =	sadd.s32 $0x14C00, s8;
	s10 =	sand.u32 $0x380, s5;
	s5 =	sadd.s32 $0x15200, s8  }
0xf: {  	s12 =	sshrl.u32 s31, $0x1;
	s3 =	sadd.s32 $0xAE00, s8;
	s7 =	sor.u32 s10, s7  }
0x10: {  	s10 =	ssub.s32 s31, s12;
	s12 =	simm.s32 $0x2780;
	s11 =	sshrl.u32 s7, $0x3  }
0x11: {  	s7 =	sadd.s32 $0x1F600, s8;
	s10 =	smax.u32 s10, $0x1;
	s11 =	sadd.s32 s11, s8  }
0x12: {  	s8 =	smul.u32 $0x2710, s9;
	s9 =	sadd.s32 $0x15800, s11;
	s15 =	spop (v2sf)  }
0x13: {  	vm0 =	vmmov $0xffff;
	v1 =	vimm.f32 $0.0e+00;
	s11 =	simm.s32 $0x1;
	v0 =	vimm.f32 $-1.000000020e+30;
	p0 =	sgt.f32 s15, $0.0e+00;
	s15 =	simm.s32 $0x4F00  }
.LBB2_1:
0x14: {  	[tilespmem:s1], [sflag:$0x1] =	stream.linear.gather [hbm4b:s5+s1], $0x2780, $0x38;
	[tilespmem:$0x12C80] =	vst v63  }
0x15: {  	_ =	swait.ge [sflag:s11], $0x2780  }
0x16: {  	[sflag:s11] =	ssyncset.done $0x0  }
0x17: {  	[sflag:s11] =	ssyncadd.s32 $0xFFFFD880  }
0x18: {  	[tilespmem:s12], [sflag:$0x1] =	stream.linear.gather [hbm4b:s6+s1], $0x2780, $0x38;
	[tilespmem:$0x12C80] =	vst v63  }
0x19: {  	_ =	swait.ge [sflag:s11], $0x2780  }
0x1a: {  	[sflag:s11] =	ssyncset.done $0x0  }
0x1b: {  	s29 =	simm.s32 $0x4F20;
	[sflag:s11] =	ssyncadd.s32 $0xFFFFD880  }
0x1c: {  	[tilespmem:s29+$0xFFFFFFF0] =	vst v0  }
0x1d: {  	[tilespmem:s29+$0x0] =	vst v0  }
0x1e: {  	[tilespmem:s29+$0x10] =	vst v0  }
0x1f: {  	s24 =	simm.s32 $0x76A0;
	[tilespmem:s29+$0xFFFFFFE0] =	vst v0  }
0x20: {  	[tilespmem:s24+$0xFFFFFFF0] =	vst v0  }
0x21: {  	[tilespmem:s24+$0x0] =	vst v0  }
0x22: {  	[tilespmem:s24+$0x10] =	vst v0  }
0x23: {  	s25 =	simm.s32 $0x9E20;
	[tilespmem:s24+$0xFFFFFFE0] =	vst v0  }
0x24: {  	[tilespmem:s25+$0xFFFFFFF0] =	vst v0  }
0x25: {  	[tilespmem:s25+$0x0] =	vst v0  }
0x26: {  	[tilespmem:s25+$0x10] =	vst v0  }
0x27: {  	s26 =	simm.s32 $0xC5A0;
	[tilespmem:s25+$0xFFFFFFE0] =	vst v0  }
0x28: {  	[tilespmem:s26+$0xFFFFFFF0] =	vst v0  }
0x29: {  	[tilespmem:s26+$0x0] =	vst v0  }
0x2a: {  	[tilespmem:s26+$0x10] =	vst v0  }
0x2b: {  	s28 =	simm.s32 $0xED20;
	[tilespmem:s26+$0xFFFFFFE0] =	vst v0  }
0x2c: {  	[tilespmem:s28+$0xFFFFFFF0] =	vst v0  }
0x2d: {  	[tilespmem:s28+$0x0] =	vst v0  }
0x2e: {  	[tilespmem:s28+$0x10] =	vst v0  }
0x2f: {  	s30 =	simm.s32 $0x4F60;
	s29 =	simm.s32 $0x0;
	[tilespmem:s28+$0xFFFFFFE0] =	vst v0  }
.LBB2_2:
0x30: {  	[tilespmem:s30+$0xFFFFFFF0] =	vst v0;
	s24 =	sadd.s32 $0x40, s24  }
0x31: {  	s25 =	sadd.s32 $0x40, s25;
	[tilespmem:s24+$0xFFFFFFF0] =	vst v0  }
0x32: {  	s26 =	sadd.s32 $0x40, s26;
	[tilespmem:s25+$0xFFFFFFF0] =	vst v0  }
0x33: {  	s28 =	sadd.s32 $0x40, s28;
	[tilespmem:s26+$0xFFFFFFF0] =	vst v0  }
0x34: {  	[tilespmem:s28+$0xFFFFFFF0] =	vst v0  }
0x35: {  	[tilespmem:s30+$0x0] =	vst v0  }
0x36: {  	[tilespmem:s24+$0x0] =	vst v0  }
0x37: {  	[tilespmem:s25+$0x0] =	vst v0  }
0x38: {  	[tilespmem:s26+$0x0] =	vst v0  }
0x39: {  	[tilespmem:s28+$0x0] =	vst v0  }
0x3a: {  	[tilespmem:s30+$0x10] =	vst v0  }
0x3b: {  	[tilespmem:s24+$0x10] =	vst v0  }
0x3c: {  	[tilespmem:s25+$0x10] =	vst v0  }
0x3d: {  	s29 =	sadd.s32 $0x4, s29;
	[tilespmem:s26+$0x10] =	vst v0  }
0x3e: {  	p1 =	slt.u32 s29, $0x26C;
	[tilespmem:s28+$0x10] =	vst v0  }
.Ltmp0:
0x3f: {  	[tilespmem:s30+$0xFFFFFFE0] =	vst v0;
	(pc) =	sbr.rel @p1 .LBB2_2-.Ltmp0, $4  }
0x40: {  	[tilespmem:s24+$0xFFFFFFE0] =	vst v0  }
0x41: {  	[tilespmem:s25+$0xFFFFFFE0] =	vst v0  }
0x42: {  	[tilespmem:s26+$0xFFFFFFE0] =	vst v0  }
0x43: {  	s30 =	sadd.s32 $0x40, s30;
	[tilespmem:s28+$0xFFFFFFE0] =	vst v0  }
.Ltmp1:
0x44: {  	[tilespmem:$0x7600] =	vst v0;
	(pc) =	sbr.rel .LBB2_4-.Ltmp1, $4  }
0x45: {  	[tilespmem:$0x9D80] =	vst v0  }
0x46: {  	[tilespmem:$0xC500] =	vst v0  }
0x47: {  	[tilespmem:$0xEC80] =	vst v0  }
0x48: {  	[tilespmem:$0x11400] =	vst v0;
	s24 =	simm.s32 $0x0  }
.LBB2_10:
0x49: {  	s24 =	sadd.s32 $0x1, s24  }
0x4a: {  	p1 =	sne.s32 s24, $0x5  }
.Ltmp2:
0x4b: {  	s25 =	sadd.s32 s7, s25;
	(pc) =	sbr.rel @!p1 .LBB2_11-.Ltmp2, $4  }
0x4c: {  	[hbm4b:s25+s1] =	stream.linear.scatter [tilespmem:s20], [sflag:$0x1], $0x7D0, $0x38;
	[tilespmem:$0x12C80] =	vst v63  }
0x4d: {  	_ =	swait.ge [sflag:s11], $0x7D0  }
0x4e: {  	[sflag:s11] =	ssyncset.done $0x0  }
0x4f: {  	[sflag:s11] =	ssyncadd.s32 $0xFFFFF830  }
.LBB2_4:
0x50: {  	s25 =	smul.u32 $0x7D0, s24;
	_ =	sdelay $0x1  }
0x51: {  	s25 =	sadd.s32 s8, s25  }
0x52: {  	s25 =	sshrl.u32 s25, $0x3  }
0x53: {  	s26 =	sadd.s32 s3, s25  }
0x54: {  	[tilespmem:s13], [sflag:$0x1] =	stream.linear.gather [hbm4b:s26+s1], $0x7D0, $0x38;
	[tilespmem:$0x12C80] =	vst v63  }
0x55: {  	_ =	swait.ge [sflag:s11], $0x7D0  }
0x56: {  	[sflag:s11] =	ssyncset.done $0x0  }
0x57: {  	s31 =	sadd.s32 s4, s25;
	[sflag:s11] =	ssyncadd.s32 $0xFFFFF830  }
0x58: {  	[tilespmem:s14], [sflag:$0x1] =	stream.linear.gather [hbm4b:s31+s1], $0x7D0, $0x38;
	[tilespmem:$0x12C80] =	vst v63  }
0x59: {  	_ =	swait.ge [sflag:s11], $0x7D0  }
0x5a: {  	[sflag:s11] =	ssyncset.done $0x0  }
0x5b: {  	s31 =	simm.s32 $0x114A0;
	[sflag:s11] =	ssyncadd.s32 $0xFFFFF830  }
0x5c: {  	s28 =	simm.s32 $0x11CA0;
	v2 =	vld [tilespmem:s31+$0x10]  }
0x5d: {  	v3 =	vld [tilespmem:s28+$0x10]  }
0x5e: {  	v4 =	vld [tilespmem:s28+$0xFFFFFFE0]  }
0x5f: {  	v5 =	vld [tilespmem:s31+$0xFFFFFFF0]  }
0x60: {  	v6 =	vld [tilespmem:s28+$0xFFFFFFF0]  }
0x61: {  	v7 =	vld [tilespmem:s31+$0x0]  }
0x62: {  	v8 =	vld [tilespmem:s28+$0x0]  }
0x63: {  	s26 =	simm.s32 $0x11CE0;
	v9 =	vld [tilespmem:s31+$0xFFFFFFE0]  }
0x64: {  	v11 =	vld [tilespmem:s26+$0x10]  }
0x65: {  	v12 =	vld [tilespmem:s26+$0xFFFFFFE0]  }
0x66: {  	s28 =	simm.s32 $0x114E0;
	v14 =	vld [tilespmem:s26+$0xFFFFFFF0]  }
0x67: {  	v10 =	vld [tilespmem:s28+$0x10]  }
0x68: {  	v13 =	vld [tilespmem:s28+$0xFFFFFFF0]  }
0x69: {  	v15 =	vld [tilespmem:s28+$0x0]  }
0x6a: {  	v2 =	vld.idx.msk [tilespmem:v2+s1+$0x0], $0xffff  }
0x6b: {  	v3 =	vld.idx.msk [tilespmem:v3+s12+$0x0], $0xffff  }
0x6c: {  	v4 =	vld.idx.msk [tilespmem:v4+s12+$0x0], $0xffff  }
0x6d: {  	v5 =	vld.idx.msk [tilespmem:v5+s1+$0x0], $0xffff  }
0x6e: {  	v6 =	vld.idx.msk [tilespmem:v6+s12+$0x0], $0xffff  }
0x6f: {  	v7 =	vld.idx.msk [tilespmem:v7+s1+$0x0], $0xffff  }
0x70: {  	v8 =	vld.idx.msk [tilespmem:v8+s12+$0x0], $0xffff  }
0x71: {  	v9 =	vld.idx.msk [tilespmem:v9+s1+$0x0], $0xffff  }
0x72: {  	v16 =	vld [tilespmem:s26+$0x0]  }
0x73: {  	v17 =	vld [tilespmem:s28+$0xFFFFFFE0];
	v3 =	vadd.f32 v3, v2  }
0x74: {  	v10 =	vld.idx.msk [tilespmem:v10+s1+$0x0], $0xffff;
	v5 =	vadd.f32 v6, v5  }
0x75: {  	v6 =	vadd.f32 v8, v7;
	v8 =	vld.idx.msk [tilespmem:v11+s12+$0x0], $0xffff;
	v7 =	vmul.f32 $9.999999770e-03, v3  }
0x76: {  	v9 =	vadd.f32 v4, v9;
	v2 =	vld.idx.msk [tilespmem:v12+s12+$0x0], $0xffff;
	vm1 =	vge.f32 v3, $0.0e+00;
	v4 =	vmul.f32 $9.999999770e-03, v5  }
0x77: {  	s28 =	simm.s32 $0x124A0;
	v11 =	vmul.f32 $9.999999770e-03, v6;
	v7 =	vsel vm1, v3, v7;
	vm1 =	vge.f32 v5, $0.0e+00;
	v3 =	vld.idx.msk [tilespmem:v13+s1+$0x0], $0xffff  }
0x78: {  	[tilespmem:s28+$0x10] =	vst v7;
	v4 =	vsel vm1, v5, v4;
	vm1 =	vge.f32 v6, $0.0e+00;
	v5 =	vmul.f32 $9.999999770e-03, v9;
	v7 =	vld.idx.msk [tilespmem:v14+s12+$0x0], $0xffff  }
0x79: {  	vm2 =	vge.f32 v9, $0.0e+00;
	[tilespmem:s28+$0xFFFFFFF0] =	vst v4;
	v6 =	vsel vm1, v6, v11;
	v4 =	vld.idx.msk [tilespmem:v15+s1+$0x0], $0xffff  }
0x7a: {  	v5 =	vsel vm2, v9, v5;
	[tilespmem:s28+$0x0] =	vst v6;
	v6 =	vld.idx.msk [tilespmem:v16+s12+$0x0], $0xffff  }
0x7b: {  	s29 =	simm.s32 $0x4;
	s30 =	simm.s32 $0x11520;
	v8 =	vadd.f32 v8, v10;
	[tilespmem:s28+$0xFFFFFFE0] =	vst v5;
	v5 =	vld.idx.msk [tilespmem:v17+s1+$0x0], $0xffff  }
.LBB2_5:
0x7c: {  	v9 =	vld [tilespmem:s30+$0x10];
	s26 =	sadd.s32 $0x40, s26  }
0x7d: {  	s29 =	sadd.s32 $0x4, s29;
	v10 =	vld [tilespmem:s26+$0x10];
	v11 =	vmul.f32 $9.999999770e-03, v8  }
0x7e: {  	p1 =	slt.u32 s29, $0x78;
	v3 =	vadd.f32 v7, v3;
	vm1 =	vge.f32 v8, $0.0e+00;
	v12 =	vld [tilespmem:s26+$0xFFFFFFE0]  }
0x7f: {  	s28 =	sadd.s32 $0x40, s28;
	v7 =	vld [tilespmem:s30+$0xFFFFFFF0];
	v8 =	vsel vm1, v8, v11  }
0x80: {  	vm1 =	vge.f32 v3, $0.0e+00;
	v13 =	vmul.f32 $9.999999770e-03, v3;
	v4 =	vadd.f32 v6, v4;
	v11 =	vld [tilespmem:s26+$0xFFFFFFF0];
	[tilespmem:s28+$0x10] =	vst v8  }
0x81: {  	v2 =	vadd.f32 v2, v5;
	v6 =	vld [tilespmem:s30+$0x0]  }
0x82: {  	v3 =	vsel vm1, v3, v13;
	vm1 =	vge.f32 v4, $0.0e+00;
	v8 =	vmul.f32 $9.999999770e-03, v4;
	v5 =	vld [tilespmem:s26+$0x0]  }
0x83: {  	vm2 =	vge.f32 v2, $0.0e+00;
	v14 =	vmul.f32 $9.999999770e-03, v2;
	v13 =	vld [tilespmem:s30+$0xFFFFFFE0];
	[tilespmem:s28+$0xFFFFFFF0] =	vst v3  }
0x84: {  	v3 =	vsel vm1, v4, v8;
	v9 =	vld.idx.msk [tilespmem:v9+s1+$0x0], $0xffff  }
0x85: {  	v4 =	vsel vm2, v2, v14;
	v8 =	vld.idx.msk [tilespmem:v10+s12+$0x0], $0xffff;
	[tilespmem:s28+$0x0] =	vst v3  }
0x86: {  	v2 =	vld.idx.msk [tilespmem:v12+s12+$0x0], $0xffff;
	[tilespmem:s28+$0xFFFFFFE0] =	vst v4  }
.Ltmp3:
0x87: {  	v3 =	vld.idx.msk [tilespmem:v7+s1+$0x0], $0xffff;
	(pc) =	sbr.rel @p1 .LBB2_5-.Ltmp3, $4  }
0x88: {  	v7 =	vld.idx.msk [tilespmem:v11+s12+$0x0], $0xffff  }
0x89: {  	v4 =	vld.idx.msk [tilespmem:v6+s1+$0x0], $0xffff  }
0x8a: {  	v6 =	vld.idx.msk [tilespmem:v5+s12+$0x0], $0xffff  }
0x8b: {  	s30 =	sadd.s32 $0x40, s30;
	v8 =	vadd.f32 v8, v9;
	v5 =	vld.idx.msk [tilespmem:v13+s1+$0x0], $0xffff  }
0x8c: {  	_ =	sdelay $0x1  }
0x8d: {  	v3 =	vadd.f32 v7, v3  }
0x8e: {  	v59 =	vmul.f32 $9.999999770e-03, v8;
	v4 =	vadd.f32 v6, v4  }
0x8f: {  	vm1 =	vge.f32 v8, $0.0e+00;
	v60 =	vmul.f32 $9.999999770e-03, v3;
	v2 =	vadd.f32 v2, v5  }
0x90: {  	s26 =	sadd.s32 $0x40, s28;
	v61 =	vsel vm1, v8, v59;
	vm1 =	vge.f32 v3, $0.0e+00;
	v62 =	vmul.f32 $9.999999770e-03, v4  }
0x91: {  	[tilespmem:s26+$0x10] =	vst v61;
	v3 =	vsel vm1, v3, v60;
	vm1 =	vge.f32 v4, $0.0e+00;
	v63 =	vmul.f32 $9.999999770e-03, v2  }
0x92: {  	vm2 =	vge.f32 v2, $0.0e+00;
	[tilespmem:s26+$0xFFFFFFF0] =	vst v3;
	v3 =	vsel vm1, v4, v62  }
0x93: {  	v2 =	vsel vm2, v2, v63;
	[tilespmem:s26+$0x0] =	vst v3  }
0x94: {  	[tilespmem:s26+$0xFFFFFFE0] =	vst v2  }
0x95: {  	v2 =	vld [tilespmem:$0x11C40]  }
0x96: {  	v3 =	vld [tilespmem:$0x12440];
	_ =	sdelay $0x5  }
0x97: {  	s26 =	simm.s32 $0x0  }
0x98: {  	v2 =	vld.idx.msk [tilespmem:v2+s26+$0x0], $0xffff  }
0x99: {  	v3 =	vld.idx.msk [tilespmem:v3+s12+$0x0], $0xffff;
	_ =	sdelay $0x4  }
0x9a: {  	v2 =	vadd.f32 v3, v2  }
.Ltmp4:
0x9b: {  	_ = 	snop;
	(pc) =	sbr.rel @!p0 .LBB2_10-.Ltmp4, $4  }
0x9c: {  	v3 =	vmul.f32 $9.999999770e-03, v2  }
0x9d: {  	vm1 =	vge.f32 v2, $0.0e+00  }
0x9e: {  	v2 =	vsel vm1, v2, v3  }
0x9f: {  	[tilespmem:$0x12C40] =	vst v2  }
.LBB2_7:
0xa0: {  	s28 =	smul.u32 $0x50, s26;
	_ =	sdelay $0x1  }
0xa1: {  	v2 =	vld [tilespmem:s28+$0x11C80]  }
0xa2: {  	v3 =	vld [tilespmem:s28+$0x11C90]  }
0xa3: {  	v4 =	vld [tilespmem:s28+$0x11CA0]  }
0xa4: {  	v5 =	vld [tilespmem:s28+$0x11CB0]  }
0xa5: {  	v6 =	vld [tilespmem:s28+$0x11CC0]  }
0xa6: {  	v7 =	vld [tilespmem:s28+$0x12480]  }
0xa7: {  	v8 =	vld [tilespmem:s28+$0x12490]  }
0xa8: {  	v9 =	vld [tilespmem:s28+$0x124A0]  }
0xa9: {  	vm1 =	vmmov vm0;
	vm2 =	vmmov vm0;
	v10 =	vld [tilespmem:s28+$0x124B0]  }
0xaa: {  	vm3 =	vmmov vm0;
	vm4 =	vmmov vm0;
	vm5 =	vmmov vm0;
	v11 =	vld [tilespmem:s28+$0x124C0]  }
.LBB2_8:
0xab: {  	v12 =	vld.idx.msk [tilespmem:v2+s15+$0x0], $0xffff;
	_ =	sdelay $0x4  }
0xac: {  	vm6 =	vgt.f32 v7, v12  }
0xad: {  	vm5 =	vmand vm5, vm6;
	_ =	sdelay $0x5  }
0xae: {  	[tilespmem:v2+s15+$0x0] =	vst.idx.msk vm5, v7  }
0xaf: {  	v59 =	vld.idx.msk [tilespmem:v3+s16+$0x0], $0xffff;
	_ =	sdelay $0x4  }
0xb0: {  	vm6 =	vgt.f32 v8, v59  }
0xb1: {  	vm4 =	vmand vm4, vm6;
	_ =	sdelay $0x5  }
0xb2: {  	[tilespmem:v3+s16+$0x0] =	vst.idx.msk vm4, v8  }
0xb3: {  	v60 =	vld.idx.msk [tilespmem:v4+s17+$0x0], $0xffff;
	_ =	sdelay $0x4  }
0xb4: {  	vm6 =	vgt.f32 v9, v60  }
0xb5: {  	vm3 =	vmand vm3, vm6;
	_ =	sdelay $0x5  }
0xb6: {  	[tilespmem:v4+s17+$0x0] =	vst.idx.msk vm3, v9  }
0xb7: {  	v61 =	vld.idx.msk [tilespmem:v5+s18+$0x0], $0xffff;
	_ =	sdelay $0x4  }
0xb8: {  	vm6 =	vgt.f32 v10, v61  }
0xb9: {  	vm2 =	vmand vm2, vm6;
	_ =	sdelay $0x5  }
0xba: {  	[tilespmem:v5+s18+$0x0] =	vst.idx.msk vm2, v10  }
0xbb: {  	v62 =	vld.idx.msk [tilespmem:v6+s19+$0x0], $0xffff;
	_ =	sdelay $0x3  }
0xbc: {  	vm6 =	vmor vm5, vm4  }
0xbd: {  	vm6 =	vmor vm6, vm3;
	vm7 =	vgt.f32 v11, v62  }
0xbe: {  	vm6 =	vmor vm6, vm2;
	vm1 =	vmand vm1, vm7  }
0xbf: {  	vm6 =	vmor vm6, vm1  }
0xc0: {  	v63 =	vsel vm6, $0x3F800000, v1  }
0xc1: {  	(xrf0) =	vmax.scan.msk.f32 $0xffff, v63;
	_ =	sdelay $0x5  }
0xc2: {  	v12, _, _ =	vpop (xrf0)  }
0xc3: {  	(v2sf) =	vpush v12, $0xF;
	_ =	sdelay $0xe  }
0xc4: {  	s28 =	spop (v2sf)  }
0xc5: {  	p1 =	sgt.f32 s28, $0.0e+00  }
.Ltmp5:
0xc6: {  	_ = 	snop;
	(pc) =	sbr.rel @p1 .LBB2_8-.Ltmp5, $2  }
0xc7: {  	_ =	sdelay $0x2  }
0xc8: {  	[tilespmem:v6+s19+$0x0] =	vst.idx.msk vm1, v11  }
0xc9: {  	s26 =	sadd.s32 $0x1, s26  }
0xca: {  	p1 =	sne.s32 s26, $0x19  }
.Ltmp6:
0xcb: {  	_ = 	snop;
	(pc) =	sbr.rel @p1 .LBB2_7-.Ltmp6, $4  }
.Ltmp7:
0xcc: {  	_ = 	snop;
	(pc) =	sbr.rel @!p1 .LBB2_10-.Ltmp7, $4  }
0xcd: {  	_ = 	snop  }
0xce: {  	_ = 	snop  }
0xcf: {  	_ = 	snop  }
0xd0: {  	_ = 	snop  }
.LBB2_11:
0xd1: {  	s24 =	simm.s32 $0x4F20  }
0xd2: {  	s25 =	simm.s32 $0x76A0;
	v2 =	vld [tilespmem:s24+$0x10]  }
0xd3: {  	s26 =	simm.s32 $0x9E20;
	v3 =	vld [tilespmem:s25+$0x10]  }
0xd4: {  	s28 =	simm.s32 $0xC5A0;
	v4 =	vld [tilespmem:s26+$0x10]  }
0xd5: {  	s29 =	simm.s32 $0xED20;
	v6 =	vld [tilespmem:s28+$0x10]  }
0xd6: {  	v7 =	vld [tilespmem:s29+$0x10]  }
0xd7: {  	v8 =	vld [tilespmem:s25+$0xFFFFFFE0]  }
0xd8: {  	v9 =	vld [tilespmem:s24+$0xFFFFFFF0]  }
0xd9: {  	v10 =	vld [tilespmem:s25+$0xFFFFFFF0]  }
0xda: {  	v11 =	vld [tilespmem:s24+$0x0]  }
0xdb: {  	v12 =	vld [tilespmem:s25+$0x0]  }
0xdc: {  	v13 =	vld [tilespmem:s24+$0xFFFFFFE0]  }
0xdd: {  	v14 =	vld [tilespmem:s26+$0xFFFFFFE0]  }
0xde: {  	v15 =	vld [tilespmem:s26+$0xFFFFFFF0]  }
0xdf: {  	v16 =	vld [tilespmem:s26+$0x0]  }
0xe0: {  	v17 =	vld [tilespmem:s28+$0xFFFFFFE0];
	v2 =	vmax.f32 v2, v3  }
0xe1: {  	v5 =	vld [tilespmem:s28+$0xFFFFFFF0];
	v2 =	vmax.f32 v2, v4  }
0xe2: {  	v3 =	vmax.f32 v2, v6;
	v2 =	vld [tilespmem:s28+$0x0]  }
0xe3: {  	v4 =	vld [tilespmem:s29+$0xFFFFFFE0];
	v6 =	vmax.f32 v3, v7;
	v3 =	vmax.f32 v13, v8  }
0xe4: {  	v7 =	vmax.f32 v9, v10;
	v8 =	vmax.f32 v11, v12;
	v10 =	vmax.f32 v3, v14;
	v3 =	vld [tilespmem:s29+$0xFFFFFFF0]  }
0xe5: {  	s30 =	simm.s32 $0x0;
	s31 =	simm.s32 $0x4F60;
	[tilespmem:s24+$0x10] =	vst v6;
	v9 =	vmax.f32 v7, v15;
	v8 =	vmax.f32 v8, v16;
	v6 =	vld [tilespmem:s29+$0x0];
	v7 =	vmax.f32 v10, v17  }
.LBB2_12:
0xe6: {  	v10 =	vld [tilespmem:s31+$0x10];
	v5 =	vmax.f32 v9, v5;
	s25 =	sadd.s32 $0x40, s25  }
0xe7: {  	s30 =	sadd.s32 $0x4, s30;
	s26 =	sadd.s32 $0x40, s26;
	v9 =	vld [tilespmem:s25+$0x10];
	v2 =	vmax.f32 v8, v2  }
0xe8: {  	s28 =	sadd.s32 $0x40, s28;
	p1 =	slt.u32 s30, $0x26C;
	v8 =	vld [tilespmem:s26+$0x10];
	v4 =	vmax.f32 v7, v4  }
0xe9: {  	s29 =	sadd.s32 $0x40, s29;
	v7 =	vld [tilespmem:s28+$0x10];
	[tilespmem:s24+$0xFFFFFFE0] =	vst v4;
	v3 =	vmax.f32 v5, v3  }
0xea: {  	v4 =	vld [tilespmem:s29+$0x10];
	[tilespmem:s24+$0xFFFFFFF0] =	vst v3;
	v2 =	vmax.f32 v2, v6  }
0xeb: {  	v3 =	vld [tilespmem:s25+$0xFFFFFFE0];
	[tilespmem:s24+$0x0] =	vst v2;
	s24 =	smov.u32 s31  }
0xec: {  	v2 =	vld [tilespmem:s31+$0xFFFFFFF0];
	v5 =	vmax.f32 v10, v9  }
0xed: {  	v6 =	vld [tilespmem:s25+$0xFFFFFFF0];
	v5 =	vmax.f32 v5, v8  }
0xee: {  	v8 =	vld [tilespmem:s31+$0x0];
	v5 =	vmax.f32 v5, v7  }
0xef: {  	v7 =	vld [tilespmem:s25+$0x0];
	v4 =	vmax.f32 v5, v4  }
0xf0: {  	v5 =	vld [tilespmem:s31+$0xFFFFFFE0];
	[tilespmem:s31+$0x10] =	vst v4  }
0xf1: {  	v4 =	vld [tilespmem:s26+$0xFFFFFFE0]  }
0xf2: {  	v6 =	vmax.f32 v2, v6;
	v9 =	vld [tilespmem:s26+$0xFFFFFFF0]  }
0xf3: {  	v10 =	vld [tilespmem:s26+$0x0]  }
0xf4: {  	v11 =	vld [tilespmem:s28+$0xFFFFFFE0];
	v7 =	vmax.f32 v8, v7  }
.Ltmp8:
0xf5: {  	v2 =	vmax.f32 v5, v3;
	v5 =	vld [tilespmem:s28+$0xFFFFFFF0];
	(pc) =	sbr.rel @p1 .LBB2_12-.Ltmp8, $4  }
0xf6: {  	v12 =	vmax.f32 v2, v4;
	v2 =	vld [tilespmem:s28+$0x0]  }
0xf7: {  	v4 =	vld [tilespmem:s29+$0xFFFFFFE0];
	v9 =	vmax.f32 v6, v9  }
0xf8: {  	v3 =	vld [tilespmem:s29+$0xFFFFFFF0];
	v8 =	vmax.f32 v7, v10  }
0xf9: {  	s31 =	sadd.s32 $0x40, s31;
	v7 =	vmax.f32 v12, v11;
	v6 =	vld [tilespmem:s29+$0x0]  }
0xfa: {  	_ =	sdelay $0x1  }
0xfb: {  	v5 =	vmax.f32 v9, v5;
	v4 =	vmax.f32 v7, v4  }
0xfc: {  	v2 =	vmax.f32 v8, v2;
	[tilespmem:s24+$0xFFFFFFE0] =	vst v4;
	v3 =	vmax.f32 v5, v3  }
0xfd: {  	[tilespmem:s24+$0xFFFFFFF0] =	vst v3;
	v2 =	vmax.f32 v2, v6  }
0xfe: {  	[tilespmem:s24+$0x0] =	vst v2  }
0xff: {  	v2 =	vld [tilespmem:$0x7600]  }
0x100: {  	v3 =	vld [tilespmem:$0x9D80]  }
0x101: {  	v4 =	vld [tilespmem:$0xC500]  }
0x102: {  	v62 =	vld [tilespmem:$0xEC80]  }
0x103: {  	v63 =	vld [tilespmem:$0x11400];
	_ =	sdelay $0x1  }
0x104: {  	v2 =	vmax.f32 v2, v3  }
0x105: {  	v2 =	vmax.f32 v2, v4  }
0x106: {  	s23 =	sadd.s32 $0x1, s23;
	v2 =	vmax.f32 v2, v62  }
0x107: {  	p1 =	sne.s32 s23, s10;
	v2 =	vmax.f32 v2, v63  }
.Ltmp9:
0x108: {  	[tilespmem:$0x7600] =	vst v2;
	(pc) =	sbr.rel @p1 .LBB2_1-.Ltmp9, $4  }
0x109: {  	[hbm4b:s9+s21] =	stream.strided.scatter [tilespmem:s15], [sflag:$0x1], $0x2780, s22, s21, $0x38;
	[tilespmem:$0x12C80] =	vst v63  }
0x10a: {  	_ =	swait.ge [sflag:s11], $0x2780  }
0x10b: {  	[sflag:s11] =	ssyncset.done $0x0  }
0x10c: {  	[sflag:s11] =	ssyncadd.s32 $0xFFFFD880  }
0x10d: {  	_ =	sfence.sel $0x180000  }
0x10e: {  	[bflag:$0x0] =	sbarrier.arrive $0xFFFF  }
0x10f: {  	p0 =	sne.s32 s2, $0x0;
	_ =	strace $0x90000047  }
0x110: {  	s0 =	sadd.s32 @!p0 $0x100000, s0;
	[bflag:$0x2] =	sbarrier.arrive $0xFFFF  }
0x111: {  	[sflag:s0] =	ssyncadd.tile.s32 @!p0 $0x1;
	_ =	shalt  }
.Lfunc_end2:
_tile_overlayer_lowered:
.L_overlay_start_2:
0x112: {  	(tag) =	ssettag $0x2  }
0x113: {  	s0 =	rddreg [dreg:$0x0];
	s2 =	stileid.u32  }
0x114: {  	s1 =	rddreg [dreg:$0x1];
	p0 =	sne.s32 s2, $0x0  }
0x115: {  	s3 =	rddreg [dreg:$0x2];
	[bflag:$0x3] =	sbarrier.arrive $0xFFFF;
	s2 =	simm.s32 @!p0 $0x1C01  }
0x116: {  	[timem:s3], [sflag:s2] =	dma.local @!p0 [hbm:s0], s1  }
0x117: {  	s0 =	simm.s32 @!p0 $0x1  }
0x118: {  	_ =	swait.ge @!p0 [sflag:s0], s1  }
0x119: {  	s1 =	ssub.s32 @!p0 $0x0, s1;
	[sflag:s0] =	ssyncset.done @!p0 $0x0  }
0x11a: {  	[sflag:s0] =	ssyncadd.s32 @!p0 s1  }
0x11b: {  	[bflag:$0x3] =	sbarrier.arrive $0xFFFF  }
0x11c: {  	_ =	shalt  }

// kernel: kernel.13.cloned.1.call-start
scs
__scs_entry_jumppad:
0x0: {  	(pc) =	sbr.rel $0x88, $3  }
0x1: {  	(tag) =	ssettag $0x0;
	lr =	simm.s32 $0x1  }
0x2: {  	[smem:$0x3F9B] =	sst lr;
	_ =	strace $0xD0000000  }
0x3: {  	_ = 	snop  }
0x4: {  	_ = 	snop  }
0x5: {  	_ = 	snop  }
0x6: {  	_ = 	snop  }
0x7: {  	_ = 	snop  }
__scs_overlays_trampoline_lowered:
0x8: {  	[smem:$0x3FAA] =	sst s0  }
0x9: {  	[smem:$0x3FAB] =	sst s1  }
0xa: {  	[smem:$0x3FAC] =	sst s2  }
0xb: {  	[smem:$0x3FAD] =	sst s3  }
0xc: {  	[smem:$0x3FAE] =	sst s4  }
0xd: {  	[smem:$0x3FAF] =	sst s5  }
0xe: {  	[smem:$0x3FB0] =	sst s6  }
0xf: {  	[smem:$0x3FB1] =	sst s7  }
0x10: {  	[smem:$0x3FB2] =	sst s8  }
0x11: {  	[smem:$0x3FB3] =	sst s9;
	s0 =	simm.s32 @!p0 $0x0  }
0x12: {  	s1 =	sld [smem:$0x3F99];
	s0 =	simm.s32 @p0 $0x1  }
0x13: {  	[smem:$0x3FB4] =	sst s0;
	s0 =	simm.s32 @!p1 $0x0  }
0x14: {  	s2 =	sld [smem:$0x3F98];
	s0 =	simm.s32 @p1 $0x1  }
0x15: {  	[smem:$0x3FB5] =	sst s0;
	s0 =	simm.s32 @!p2 $0x0  }
0x16: {  	s3 =	sld [smem:$0x3FDB];
	s0 =	simm.s32 @p2 $0x1  }
0x17: {  	s4 =	simm.s32 $0x1BF5;
	[smem:$0x3FB7] =	sst s0  }
0x18: {  	s0 =	sld [smem:$0x3F9A];
	_ =	swait.ge [sflag:s4], $0x0  }
0x19: {  	s7 =	sld [smem:$0x3F9B]  }
0x1a: {  	s8 =	sadd.s32 $0xFFFFE003, lr  }
0x1b: {  	s9 =	sadd.s32 $0xFFFFFEF7, lr;
	s5 =	simm.s32 $0xFFFFFFFF;
	p2 =	slt.u32 s8, $0xFFFFF086  }
0x1c: {  	p1 =	slt.u32 s9, $0xF7A;
	s5 =	simm.s32 @!p2 $0x0  }
0x1d: {  	s5 =	simm.s32 @p1 $0x1;
	p0 =	seq.s32 s7, s2  }
0x1e: {  	s7 =	smul.u32 @!p0 $0xF7A, s2;
	p2 =	seq.s32 @!p0 s5, $0x0  }
0x1f: {  	s9 =	smul.u32 $0xF7A, s1;
	s8 =	simm.s32 @!p0 $0x1BF5;
	p2 =	por !p2, p0  }
0x20: {  	[sflag:s8] =	ssyncset.s32 @!p0 $0xFFFFF086;
	s6 =	sadd.s32 @!p0 s3, s7;
	s7 =	simm.s32 @!p0 $0x108  }
0x21: {  	s3 =	sadd.s32 s3, s9;
	s6 =	sadd.s32 @!p0 $0x88, s6;
	s7 =	simm.s32 @p2 $0x1082  }
0x22: {  	[simem:s7], [sflag:s8] =	dma.local @!p0 [hbm:s6], $0xF7A  }
0x23: {  	s9 =	sor.u32 $0xD0000000, s2;
	s6 =	simm.s32 $0x108;
	_ =	swait.ge @!p0 [sflag:s8], $0x0  }
0x24: {  	s3 =	sadd.s32 $0x88, s3;
	s6 =	simm.s32 @!p1 $0x1082;
	[sflag:s4] =	ssyncset.s32 $0xFFFFF086  }
0x25: {  	[simem:s6], [sflag:s4] =	dma.local [hbm:s3], $0xF7A  }
0x26: {  	[smem:$0x3F9B] =	sst s1;
	(tag) =	ssettag s2;
	_ =	strace s9  }
0x27: {  	s1 =	sld [smem:$0x3FAB]  }
0x28: {  	s2 =	sld [smem:$0x3FAC]  }
0x29: {  	s4 =	sld [smem:$0x3FAE]  }
0x2a: {  	p0 =	seq.s32 s5, $0x0;
	s5 =	sld [smem:$0x3FAF]  }
0x2b: {  	s6 =	sld [smem:$0x3FB0]  }
0x2c: {  	s7 =	sld [smem:$0x3FB1]  }
0x2d: {  	s3 =	simm.s32 $0x108;
	s8 =	sld [smem:$0x3FB2]  }
0x2e: {  	s3 =	simm.s32 @!p0 $0x1082;
	s9 =	sld [smem:$0x3FB3]  }
0x2f: {  	lr =	sadd.s32 s0, s3;
	s0 =	sld [smem:$0x3FAA]  }
0x30: {  	s3 =	sld [smem:$0x3FAD]  }
0x31: {  	[smem:$0x3FB6] =	sst s10  }
0x32: {  	s10 =	sld [smem:$0x3FB4];
	_ =	sdelay $0x3  }
0x33: {  	p0 =	seq.s32 s10, $0x1;
	s10 =	sld [smem:$0x3FB6];
	_ =	sdelay $0x3  }
0x34: {  	[smem:$0x3FB6] =	sst s10  }
0x35: {  	s10 =	sld [smem:$0x3FB5];
	_ =	sdelay $0x3  }
0x36: {  	p1 =	seq.s32 s10, $0x1;
	s10 =	sld [smem:$0x3FB6];
	_ =	sdelay $0x3  }
0x37: {  	[smem:$0x3FB6] =	sst s10  }
0x38: {  	s10 =	sld [smem:$0x3FB7]  }
0x39: {  	_ = 	snop;
	(pc) =	sbr.ind lr, $3  }
0x3a: {  	_ = 	snop  }
0x3b: {  	_ = 	snop  }
0x3c: {  	p2 =	seq.s32 s10, $0x1;
	s10 =	sld [smem:$0x3FB6]  }
0x3d: {  	_ =	shalt  }
0x3e: {  	_ =	shalt  }
0x3f: {  	_ =	shalt  }
0x40: {  	_ =	shalt  }
0x41: {  	_ =	shalt  }
0x42: {  	_ =	shalt  }
0x43: {  	_ =	shalt  }
0x44: {  	_ =	shalt  }
0x45: {  	_ =	shalt  }
0x46: {  	_ =	shalt  }
0x47: {  	_ =	shalt  }
0x48: {  	_ =	shalt  }
0x49: {  	_ =	shalt  }
0x4a: {  	_ =	shalt  }
0x4b: {  	_ =	shalt  }
0x4c: {  	_ =	shalt  }
0x4d: {  	_ =	shalt  }
0x4e: {  	_ =	shalt  }
0x4f: {  	_ =	shalt  }
0x50: {  	_ =	shalt  }
0x51: {  	_ =	shalt  }
0x52: {  	_ =	shalt  }
0x53: {  	_ =	shalt  }
0x54: {  	_ =	shalt  }
0x55: {  	_ =	shalt  }
0x56: {  	_ =	shalt  }
0x57: {  	_ =	shalt  }
0x58: {  	_ =	shalt  }
0x59: {  	_ =	shalt  }
0x5a: {  	_ =	shalt  }
0x5b: {  	_ =	shalt  }
0x5c: {  	_ =	shalt  }
0x5d: {  	_ =	shalt  }
0x5e: {  	_ =	shalt  }
0x5f: {  	_ =	shalt  }
0x60: {  	_ =	shalt  }
0x61: {  	_ =	shalt  }
0x62: {  	_ =	shalt  }
0x63: {  	_ =	shalt  }
0x64: {  	_ =	shalt  }
0x65: {  	_ =	shalt  }
0x66: {  	_ =	shalt  }
0x67: {  	_ =	shalt  }
0x68: {  	_ =	shalt  }
0x69: {  	_ =	shalt  }
0x6a: {  	_ =	shalt  }
0x6b: {  	_ =	shalt  }
0x6c: {  	_ =	shalt  }
0x6d: {  	_ =	shalt  }
0x6e: {  	_ =	shalt  }
0x6f: {  	_ =	shalt  }
0x70: {  	_ =	shalt  }
0x71: {  	_ =	shalt  }
0x72: {  	_ =	shalt  }
0x73: {  	_ =	shalt  }
0x74: {  	_ =	shalt  }
0x75: {  	_ =	shalt  }
0x76: {  	_ =	shalt  }
0x77: {  	_ =	shalt  }
0x78: {  	_ =	shalt  }
0x79: {  	_ =	shalt  }
0x7a: {  	_ =	shalt  }
0x7b: {  	_ =	shalt  }
0x7c: {  	_ =	shalt  }
0x7d: {  	_ =	shalt  }
0x7e: {  	_ =	shalt  }
0x7f: {  	_ =	shalt  }
0x80: {  	_ =	shalt  }
0x81: {  	_ =	shalt  }
0x82: {  	_ =	shalt  }
0x83: {  	_ =	shalt  }
0x84: {  	_ =	shalt  }
0x85: {  	_ =	shalt  }
0x86: {  	_ =	shalt  }
0x87: {  	_ =	shalt  }
.Lfunc_end0:
.L_simem_size_0:
called_computation.1_lowered:
.L_overlay_start_0:
0x88: {  	s2 =	sld [smem:$0x3FD9]  }
0x89: {  	s3 =	sld [smem:$0x3FFE];
	_ =	sdelay $0x1  }
0x8a: {  	s1 =	srdreg.scid  }
0x8b: {  	s0 =	sand.u32 $0x1, s1  }
0x8c: {  	s16 =	sshll.u32 s0, $0xA;
	s2 =	sadd.s32 s3, s2  }
0x8d: {  	s2 =	sadd.s32 s2, s16  }
0x8e: {  	[smem:$0x3FC2] =	sst s2  }
0x8f: {  	_ = 	snop  }
0x90: {  	(tm) =	ssettm $0x1  }
0x91: {  	s17 =	sld [smem:$0x3FFB];
	_ =	sdelay $0x3  }
0x92: {  	_ =	strace s17  }
0x93: {  	s2 =	sld [smem:$0x3FFC];
	_ =	sdelay $0x3  }
0x94: {  	_ =	strace s2  }
0x95: {  	s2 =	sld [smem:$0x3FFD];
	_ =	sdelay $0x3  }
0x96: {  	_ =	strace s2  }
0x97: {  	_ =	strace $0x8FFFFFFF  }
0x98: {  	s18 =	sld [smem:$0x3FDB];
	_ =	sdelay $0x1  }
0x99: {  	s19 =	simm.s32 $_scs_section_size  }
0x9a: {  	s4 =	simm.s32 $_size__tile_overlayer_lowered;
	s5 =	simm.s32 $_tile_overlayer_lowered  }
0x9b: {  	s22 =	simm.s32 $0x1BFF;
	s21 =	sshll.u32 s5, $0x1;
	s2 =	sadd.s32 s19, s18  }
0x9c: {  	s6 =	simm.s32 $0x0;
	s20 =	sshll.u32 s4, $0x1;
	s4 =	sadd.s32 s21, s2  }
0x9d: {  	[timem:s6], [sflag:s22] =	dma.local [hbm:s4], s20  }
0x9e: {  	_ =	swait.ge [sflag:s22], s20  }
0x9f: {  	s3 =	ssub.s32 $0x0, s20;
	[sflag:s22] =	ssyncset.done $0x0  }
0xa0: {  	[sflag:s22] =	ssyncadd.s32 s3;
	_ =	sdelay $0x1  }
0xa1: {  	s23 =	simm.s32 $0x1B8B  }
0xa2: {  	_ =	swait.ge [sflag:s23], $0x1  }
0xa3: {  	[sflag:s23] =	ssyncset.done $0x0  }
0xa4: {  	s25 =	simm.s32 $0x1B8E;
	s24 =	sld [smem:$0x3FFE];
	[sflag:s23] =	ssyncadd.s32 $0xFFFFFFFF  }
0xa5: {  	s26 =	simm.s32 $execute0_lowered;
	[smem:$0x3FD2] =	sst s25  }
0xa6: {  	s4 =	sshll.u32 s26, $0x1;
	_ =	strace $0x80000049;
	[dreg:$0x1] =	wrdreg $0xFFFFFFFF  }
0xa7: {  	s28 =	simm.s32 $_size_execute0_lowered;
	s2 =	sadd.s32 s2, s4;
	[dreg:$0x0] =	wrdreg $0x0  }
0xa8: {  	s4 =	sshll.u32 s28, $0x1;
	[dreg:$0x2] =	wrdreg s2  }
0xa9: {  	[dreg:$0x3] =	wrdreg s4  }
0xaa: {  	[dreg:$0x4] =	wrdreg $0xC0  }
0xab: {  	_ =	task [dreg:s6], $0x5FFFF  }
0xac: {  	[dreg:$0x1] =	wrdreg $0xFFFFFFFF  }
0xad: {  	[dreg:$0x0] =	wrdreg $0x60  }
0xae: {  	[dreg:$0x2] =	wrdreg s24  }
0xaf: {  	[dreg:$0x3] =	wrdreg $0x9  }
0xb0: {  	_ =	task.clear_ibuf [dreg:s6], $0x4FFFF;
	_ =	strace $0x90000049  }
0xb1: {  	s29 =	simm.s32 $0x9;
	_ =	strace $0x8000004B  }
0xb2: {  	_ =	swait.ge [sflag:s29], $0x1  }
0xb3: {  	[sflag:s29] =	ssyncadd.s32 $0xFFFFFFFF  }
0xb4: {  	_ =	strace $0x9000004B  }
0xb5: {  	_ =	sfence  }
0xb6: {  	s30 =	sld [smem:$0x0];
	_ =	sdelay $0x2  }
0xb7: {  	s31 =	sshll.u32 s1, $0xD;
	s1 =	sshrl.u32 s1, $0x2  }
0xb8: {  	s3 =	sand.u32 $0x4000, s31;
	s1 =	sadd.s32 s1, s30  }
0xb9: {  	s0 =	sor.u32 s3, s0;
	s1 =	sshll.u32 s1, $0x11  }
0xba: {  	s0 =	sor.u32 s1, s0  }
0xbb: {  	s0 =	sadd.s32 $0x8F2B, s0  }
0xbc: {  	[sflag:s0] =	ssyncadd.remote.s32 $0x1  }
0xbd: {  	_ =	sfence.sel $0xFFFF  }
0xbe: {  	[dreg:$0x0] =	wrdreg $0xFFFFFFFF;
	(pc) =	sbr.abs _section_cstart, $3  }
0xbf: {  	[dreg:$0x1] =	wrdreg $0xFFFFFFFF  }
0xc0: {  	_ =	task.clear_ibuf [dreg:s6], $0x2FFFF;
	_ =	strace $0x9FFFFFFF  }
0xc1: {  	(tm) =	ssettm $0x7FFFFFFF  }
tec
execute0_lowered:
.L_overlay_start_1:
0x0: {  	(tag) =	ssettag $0x1  }
0x1: {  	s0 =	srdreg.scid;
	s7 =	rddreg [dreg:$0x0]  }
0x2: {  	s2 =	simm.s32 $0x0;
	s11 =	simm.s32 $0x4F00;
	s12 =	simm.s32 $0x5700  }
0x3: {  	s13 =	simm.s32 $0x2780;
	s14 =	simm.s32 $0x5F00;
	s6 =	sand.u32 $0x1, s0  }
0x4: {  	s15 =	simm.s32 $0x80;
	s0 =	stileid.u32;
	s1 =	sshll.u32 s6, $0x4  }
0x5: {  	s16 =	simm.s32 $0x400;
	s17 =	simm.s32 $0x0;
	s8 =	sor.u32 s0, s1  }
0x6: {  	[smem:$0x7FF] =	sst s2;
	s4 =	sadd.s32 $0x1F600, s7;
	s3 =	sshrl.u32 s8, $0x3  }
0x7: {  	s30 =	sshll.u32 s0, $0x7;
	s10 =	ssub.s32 $0x2, s6;
	s5 =	smul.u32 $0x13C00, s3  }
0x8: {  	s6 =	sadd.s32 $0x29400, s7;
	s1 =	rddreg [dreg:$0x1];
	s9 =	sand.u32 $0x380, s30  }
0x9: {  	_ =	strace $0x8000004A;
	s31 =	sshrl.u32 s10, $0x1;
	s9 =	sor.u32 s9, s5  }
0xa: {  	s10 =	ssub.s32 s10, s31;
	s3 =	sadd.s32 $0x1000, s7;
	s9 =	sshrl.u32 s9, $0x3  }
0xb: {  	s5 =	sadd.s32 $0x14C00, s7;
	s9 =	sadd.s32 s9, s7;
	s7 =	smul.u32 $0x2710, s8  }
0xc: {  	v0 =	vimm.f32 $0.0e+00;
	s8 =	sadd.s32 $0x15200, s9;
	s9 =	smax.u32 s10, $0x1;
	s10 =	simm.s32 $0x1  }
.LBB2_1:
0xd: {  	[tilespmem:s2], [sflag:$0x1] =	stream.linear.gather [hbm4b:s5+s2], $0x2780, $0x38;
	[tilespmem:$0x6700] =	vst v63  }
0xe: {  	_ =	swait.ge [sflag:s10], $0x2780  }
0xf: {  	[sflag:s10] =	ssyncset.done $0x0  }
0x10: {  	s18 =	simm.s32 $0x0;
	[sflag:s10] =	ssyncadd.s32 $0xFFFFD880  }
.LBB2_2:
0x11: {  	p0 =	sne.s32 s18, $0x9C00  }
.Ltmp0:
0x12: {  	_ = 	snop;
	(pc) =	sbr.rel @p0 .LBB2_2-.Ltmp0, $3  }
0x13: {  	_ =	sdelay $0x1  }
0x14: {  	s19 =	sshra.s32 s18, $0x2  }
0x15: {  	s18 =	sadd.s32 $0x40, s18;
	[tilespmem:s19+$0x2780] =	vst v0  }
0x16: {  	s18 =	simm.s32 $0x0  }
.LBB2_4:
0x17: {  	s19 =	smul.u32 $0x7D0, s18;
	_ =	sdelay $0x1  }
0x18: {  	s19 =	sadd.s32 s7, s19  }
0x19: {  	s19 =	sshrl.u32 s19, $0x3  }
0x1a: {  	s20 =	sadd.s32 s3, s19  }
0x1b: {  	[tilespmem:s11], [sflag:$0x1] =	stream.linear.gather [hbm4b:s20+s2], $0x7D0, $0x38;
	[tilespmem:$0x6700] =	vst v63  }
0x1c: {  	_ =	swait.ge [sflag:s10], $0x7D0  }
0x1d: {  	[sflag:s10] =	ssyncset.done $0x0  }
0x1e: {  	s29 =	sadd.s32 s4, s19;
	[sflag:s10] =	ssyncadd.s32 $0xFFFFF830  }
0x1f: {  	[tilespmem:s12], [sflag:$0x1] =	stream.linear.gather [hbm4b:s29+s2], $0x7D0, $0x38;
	[tilespmem:$0x6700] =	vst v63  }
0x20: {  	_ =	swait.ge [sflag:s10], $0x7D0  }
0x21: {  	[sflag:s10] =	ssyncset.done $0x0  }
0x22: {  	s30 =	simm.s32 $0x4F20;
	[sflag:s10] =	ssyncadd.s32 $0xFFFFF830  }
0x23: {  	v5 =	vld [tilespmem:s30+$0xFFFFFFE0];
	_ =	sdelay $0x3  }
0x24: {  	v2 =	vld [tilespmem:s30+$0x0];
	_ =	sdelay $0x1  }
0x25: {  	s21 =	simm.s32 $0x5720;
	v4 =	vld [tilespmem:s30+$0x10]  }
0x26: {  	v1 =	vld [tilespmem:s21+$0xFFFFFFE0]  }
0x27: {  	v6 =	vld.idx.msk [tilespmem:v5+s2+$0x0], $0xffff  }
0x28: {  	v3 =	vld [tilespmem:s30+$0xFFFFFFF0];
	_ =	sdelay $0x1  }
0x29: {  	v8 =	vld [tilespmem:s21+$0x0]  }
0x2a: {  	v7 =	vld.idx.msk [tilespmem:v2+s2+$0x0], $0xffff  }
0x2b: {  	v6 =	vsub.f32 v1, v6  }
0x2c: {  	v10 =	vld [tilespmem:s21+$0xFFFFFFF0]  }
0x2d: {  	v14 =	vld [tilespmem:s21+$0x10];
	v6 =	vmul.f32 $1.442695020e+00, v6  }
0x2e: {  	v11 =	vld.idx.msk [tilespmem:v4+s2+$0x0], $0xffff  }
0x2f: {  	s31 =	simm.s32 $0x4F60;
	v13 =	vld.idx.msk [tilespmem:v3+s2+$0x0], $0xffff;
	v9 =	vsub.f32 v8, v7;
	(erf) = vpow2.f32 v6  }
0x30: {  	v1 =	vld [tilespmem:s31+$0xFFFFFFF0]  }
0x31: {  	v7 =	vld [tilespmem:s31+$0xFFFFFFE0];
	v9 =	vmul.f32 $1.442695020e+00, v9  }
0x32: {  	v8 =	vld [tilespmem:s31+$0x0]  }
0x33: {  	v14 =	vsub.f32 v14, v11;
	(erf) = vpow2.f32 v9  }
0x34: {  	s22 =	simm.s32 $0x5760;
	v10 =	vsub.f32 v10, v13;
	v6 =	vld [tilespmem:s31+$0x10]  }
0x35: {  	v12 =	vld [tilespmem:s22+$0xFFFFFFE0];
	v13 =	vmul.f32 $1.442695020e+00, v14  }
0x36: {  	v17 =	vld [tilespmem:s22+$0x0];
	v10 =	vmul.f32 $1.442695020e+00, v10  }
0x37: {  	v9 =	vld [tilespmem:s22+$0xFFFFFFF0];
	(erf) = vpow2.f32 v13  }
0x38: {  	v11 =	vld.idx.msk [tilespmem:v1+s2+$0x0], $0xffff;
	v16 =	vpop (erf);
	(erf) = vpow2.f32 v10  }
0x39: {  	v15 =	vld.idx.msk [tilespmem:v7+s2+$0x0], $0xffff  }
0x3a: {  	v14 =	vld.idx.msk [tilespmem:v8+s2+$0x0], $0xffff  }
0x3b: {  	s20 =	simm.s32 $0x5F20;
	v18 =	vld [tilespmem:s22+$0x10]  }
0x3c: {  	s23 =	simm.s32 $0x4;
	s24 =	simm.s32 $0x4FA0;
	s21 =	simm.s32 $0x5F20;
	v13 =	vld.idx.msk [tilespmem:v6+s2+$0x0], $0xffff;
	[tilespmem:s20+$0xFFFFFFE0] =	vst v16;
	v10 =	vpop (erf)  }
.LBB2_5:
0x3d: {  	v19 =	vld [tilespmem:s24+$0xFFFFFFF0];
	s23 =	sadd.s32 $0x4, s23;
	[tilespmem:s20+$0x0] =	vst v10;
	s21 =	sadd.s32 $0x40, s21  }
0x3e: {  	v12 =	vsub.f32 v12, v15;
	v9 =	vsub.f32 v9, v11;
	p0 =	slt.u32 s23, $0x78;
	[tilespmem:v5+s13+$0x0] =	vst.idx.add.f32.msk $0xffff, v16;
	v5 =	vmov v7  }
0x3f: {  	v7 =	vld [tilespmem:s24+$0xFFFFFFE0];
	v11 =	vsub.f32 v17, v14  }
0x40: {  	v12 =	vmul.f32 $1.442695020e+00, v12;
	v16 =	vmul.f32 $1.442695020e+00, v9;
	v14 =	vld [tilespmem:s24+$0x0];
	v15 =	vpop (erf)  }
0x41: {  	s22 =	sadd.s32 $0x40, s22;
	v17 =	vld [tilespmem:s24+$0x10];
	v11 =	vmul.f32 $1.442695020e+00, v11;
	v13 =	vsub.f32 v18, v13;
	[tilespmem:s20+$0x10] =	vst v15;
	v18 =	vpop (erf)  }
0x42: {  	v9 =	vld [tilespmem:s22+$0xFFFFFFF0];
	(erf) = vpow2.f32 v12;
	[tilespmem:s20+$0xFFFFFFF0] =	vst v18;
	s20 =	smov.u32 s21  }
0x43: {  	v13 =	vmul.f32 $1.442695020e+00, v13;
	(erf) = vpow2.f32 v11;
	[tilespmem:v2+s13+$0x0] =	vst.idx.add.f32.msk $0xffff, v10;
	v2 =	vmov v8  }
0x44: {  	[tilespmem:v3+s13+$0x0] =	vst.idx.add.f32.msk $0xffff, v18;
	v3 =	vmov v1;
	v1 =	vmov v19  }
0x45: {  	[tilespmem:v4+s13+$0x0] =	vst.idx.add.f32.msk $0xffff, v15;
	v8 =	vmov v14;
	v4 =	vmov v6  }
0x46: {  	v12 =	vld [tilespmem:s22+$0xFFFFFFE0];
	v6 =	vmov v17  }
0x47: {  	v11 =	vld.idx.msk [tilespmem:v19+s2+$0x0], $0xffff;
	(erf) = vpow2.f32 v13  }
.Ltmp1:
0x48: {  	v15 =	vld.idx.msk [tilespmem:v7+s2+$0x0], $0xffff;
	(erf) = vpow2.f32 v16;
	(pc) =	sbr.rel @p0 .LBB2_5-.Ltmp1, $4  }
0x49: {  	v14 =	vld.idx.msk [tilespmem:v14+s2+$0x0], $0xffff  }
0x4a: {  	v17 =	vld [tilespmem:s22+$0x0]  }
0x4b: {  	v13 =	vld.idx.msk [tilespmem:v6+s2+$0x0], $0xffff;
	v16 =	vpop (erf)  }
0x4c: {  	s24 =	sadd.s32 $0x40, s24;
	v18 =	vld [tilespmem:s22+$0x10];
	[tilespmem:s21+$0xFFFFFFE0] =	vst v16;
	v10 =	vpop (erf)  }
0x4d: {  	v12 =	vsub.f32 v12, v15;
	_ =	sdelay $0x1  }
0x4e: {  	v14 =	vsub.f32 v17, v14;
	v12 =	vmul.f32 $1.442695020e+00, v12;
	_ =	sdelay $0x1  }
0x4f: {  	v14 =	vmul.f32 $1.442695020e+00, v14;
	v13 =	vsub.f32 v18, v13;
	(erf) = vpow2.f32 v12  }
0x50: {  	v9 =	vsub.f32 v9, v11  }
0x51: {  	v60 =	vmul.f32 $1.442695020e+00, v13;
	(erf) = vpow2.f32 v14  }
0x52: {  	[tilespmem:s20+$0x0] =	vst v10;
	v9 =	vmul.f32 $1.442695020e+00, v9  }
0x53: {  	[tilespmem:v5+s13+$0x0] =	vst.idx.add.f32.msk $0xffff, v16;
	(erf) = vpow2.f32 v60  }
0x54: {  	[tilespmem:v2+s13+$0x0] =	vst.idx.add.f32.msk $0xffff, v10;
	v61 =	vpop (erf);
	(erf) = vpow2.f32 v9  }
0x55: {  	v62 =	vpop (erf);
	[tilespmem:s20+$0x10] =	vst v61  }
0x56: {  	[tilespmem:s20+$0xFFFFFFF0] =	vst v62  }
0x57: {  	[tilespmem:v4+s13+$0x0] =	vst.idx.add.f32.msk $0xffff, v61  }
0x58: {  	s31 =	sadd.s32 $0x40, s21;
	[tilespmem:v3+s13+$0x0] =	vst.idx.add.f32.msk $0xffff, v62;
	v2 =	vpop (erf)  }
0x59: {  	[tilespmem:s31+$0xFFFFFFE0] =	vst v2  }
0x5a: {  	v3 =	vpop (erf);
	[tilespmem:v7+s13+$0x0] =	vst.idx.add.f32.msk $0xffff, v2  }
0x5b: {  	[tilespmem:s31+$0x0] =	vst v3  }
0x5c: {  	v2 =	vpop (erf);
	[tilespmem:v8+s13+$0x0] =	vst.idx.add.f32.msk $0xffff, v3  }
0x5d: {  	[tilespmem:s31+$0x10] =	vst v2;
	v63 =	vpop (erf)  }
0x5e: {  	[tilespmem:s31+$0xFFFFFFF0] =	vst v63  }
0x5f: {  	[tilespmem:v6+s13+$0x0] =	vst.idx.add.f32.msk $0xffff, v2  }
0x60: {  	[tilespmem:v1+s13+$0x0] =	vst.idx.add.f32.msk $0xffff, v63  }
0x61: {  	v1 =	vld [tilespmem:$0x56C0];
	_ =	sdelay $0x6  }
0x62: {  	v2 =	vld [tilespmem:$0x5EC0]  }
0x63: {  	v3 =	vld.idx.msk [tilespmem:v1+s2+$0x0], $0xffff;
	_ =	sdelay $0x4  }
0x64: {  	v2 =	vsub.f32 v2, v3;
	_ =	sdelay $0x1  }
0x65: {  	v2 =	vmul.f32 $1.442695020e+00, v2;
	_ =	sdelay $0x1  }
0x66: {  	(erf) = vpow2.f32 v2;
	_ =	sdelay $0x8  }
0x67: {  	s18 =	sadd.s32 $0x1, s18;
	v2 =	vpop (erf)  }
0x68: {  	p0 =	sne.s32 s18, $0x5;
	[tilespmem:$0x66C0] =	vst v2  }
.Ltmp2:
0x69: {  	s19 =	sadd.s32 s6, s19;
	[tilespmem:v1+s13+$0x0] =	vst.idx.add.f32.msk $0xffff, v2;
	(pc) =	sbr.rel @p0 .LBB2_4-.Ltmp2, $4  }
0x6a: {  	[hbm4b:s19+s2] =	stream.linear.scatter [tilespmem:s14], [sflag:$0x1], $0x7D0, $0x38;
	[tilespmem:$0x6700] =	vst v63  }
0x6b: {  	_ =	swait.ge [sflag:s10], $0x7D0  }
0x6c: {  	[sflag:s10] =	ssyncset.done $0x0  }
0x6d: {  	[sflag:s10] =	ssyncadd.s32 $0xFFFFF830  }
0x6e: {  	s17 =	sadd.s32 $0x1, s17  }
0x6f: {  	p0 =	sne.s32 s17, s9  }
.Ltmp3:
0x70: {  	_ = 	snop;
	(pc) =	sbr.rel @p0 .LBB2_1-.Ltmp3, $4  }
0x71: {  	[hbm4b:s8+s15] =	stream.strided.scatter [tilespmem:s13], [sflag:$0x1], $0x2780, s16, s15, $0x38;
	[tilespmem:$0x6700] =	vst v63  }
0x72: {  	_ =	swait.ge [sflag:s10], $0x2780  }
0x73: {  	[sflag:s10] =	ssyncset.done $0x0  }
0x74: {  	[sflag:s10] =	ssyncadd.s32 $0xFFFFD880  }
0x75: {  	_ =	sfence.sel $0x180000  }
0x76: {  	[bflag:$0x0] =	sbarrier.arrive $0xFFFF  }
0x77: {  	p0 =	sne.s32 s0, $0x0;
	_ =	strace $0x9000004A  }
0x78: {  	s0 =	sadd.s32 @!p0 $0x100000, s1;
	[bflag:$0x2] =	sbarrier.arrive $0xFFFF  }
0x79: {  	[sflag:s0] =	ssyncadd.tile.s32 @!p0 $0x1;
	_ =	shalt  }
.Lfunc_end2:
_tile_overlayer_lowered:
.L_overlay_start_2:
0x7a: {  	(tag) =	ssettag $0x2  }
0x7b: {  	s0 =	rddreg [dreg:$0x0];
	s2 =	stileid.u32  }
0x7c: {  	s1 =	rddreg [dreg:$0x1];
	p0 =	sne.s32 s2, $0x0  }
0x7d: {  	s3 =	rddreg [dreg:$0x2];
	[bflag:$0x3] =	sbarrier.arrive $0xFFFF;
	s2 =	simm.s32 @!p0 $0x1C01  }
0x7e: {  	[timem:s3], [sflag:s2] =	dma.local @!p0 [hbm:s0], s1  }
0x7f: {  	s0 =	simm.s32 @!p0 $0x1  }
0x80: {  	_ =	swait.ge @!p0 [sflag:s0], s1  }
0x81: {  	s1 =	ssub.s32 @!p0 $0x0, s1;
	[sflag:s0] =	ssyncset.done @!p0 $0x0  }
0x82: {  	[sflag:s0] =	ssyncadd.s32 @!p0 s1  }
0x83: {  	[bflag:$0x3] =	sbarrier.arrive $0xFFFF  }
0x84: {  	_ =	shalt  }

// kernel: kernel.16.cloned.1.call-start
scs
__scs_entry_jumppad:
0x0: {  	(pc) =	sbr.rel $0x88, $3  }
0x1: {  	(tag) =	ssettag $0x0;
	lr =	simm.s32 $0x1  }
0x2: {  	[smem:$0x3F9B] =	sst lr;
	_ =	strace $0xD0000000  }
0x3: {  	_ = 	snop  }
0x4: {  	_ = 	snop  }
0x5: {  	_ = 	snop  }
0x6: {  	_ = 	snop  }
0x7: {  	_ = 	snop  }
__scs_overlays_trampoline_lowered:
0x8: {  	[smem:$0x3FAA] =	sst s0  }
0x9: {  	[smem:$0x3FAB] =	sst s1  }
0xa: {  	[smem:$0x3FAC] =	sst s2  }
0xb: {  	[smem:$0x3FAD] =	sst s3  }
0xc: {  	[smem:$0x3FAE] =	sst s4  }
0xd: {  	[smem:$0x3FAF] =	sst s5  }
0xe: {  	[smem:$0x3FB0] =	sst s6  }
0xf: {  	[smem:$0x3FB1] =	sst s7  }
0x10: {  	[smem:$0x3FB2] =	sst s8  }
0x11: {  	[smem:$0x3FB3] =	sst s9;
	s0 =	simm.s32 @!p0 $0x0  }
0x12: {  	s1 =	sld [smem:$0x3F99];
	s0 =	simm.s32 @p0 $0x1  }
0x13: {  	[smem:$0x3FB4] =	sst s0;
	s0 =	simm.s32 @!p1 $0x0  }
0x14: {  	s2 =	sld [smem:$0x3F98];
	s0 =	simm.s32 @p1 $0x1  }
0x15: {  	[smem:$0x3FB5] =	sst s0;
	s0 =	simm.s32 @!p2 $0x0  }
0x16: {  	s3 =	sld [smem:$0x3FDB];
	s0 =	simm.s32 @p2 $0x1  }
0x17: {  	s4 =	simm.s32 $0x1BF5;
	[smem:$0x3FB7] =	sst s0  }
0x18: {  	s0 =	sld [smem:$0x3F9A];
	_ =	swait.ge [sflag:s4], $0x0  }
0x19: {  	s7 =	sld [smem:$0x3F9B]  }
0x1a: {  	s8 =	sadd.s32 $0xFFFFE003, lr  }
0x1b: {  	s9 =	sadd.s32 $0xFFFFFEF7, lr;
	s5 =	simm.s32 $0xFFFFFFFF;
	p2 =	slt.u32 s8, $0xFFFFF086  }
0x1c: {  	p1 =	slt.u32 s9, $0xF7A;
	s5 =	simm.s32 @!p2 $0x0  }
0x1d: {  	s5 =	simm.s32 @p1 $0x1;
	p0 =	seq.s32 s7, s2  }
0x1e: {  	s7 =	smul.u32 @!p0 $0xF7A, s2;
	p2 =	seq.s32 @!p0 s5, $0x0  }
0x1f: {  	s9 =	smul.u32 $0xF7A, s1;
	s8 =	simm.s32 @!p0 $0x1BF5;
	p2 =	por !p2, p0  }
0x20: {  	[sflag:s8] =	ssyncset.s32 @!p0 $0xFFFFF086;
	s6 =	sadd.s32 @!p0 s3, s7;
	s7 =	simm.s32 @!p0 $0x108  }
0x21: {  	s3 =	sadd.s32 s3, s9;
	s6 =	sadd.s32 @!p0 $0x88, s6;
	s7 =	simm.s32 @p2 $0x1082  }
0x22: {  	[simem:s7], [sflag:s8] =	dma.local @!p0 [hbm:s6], $0xF7A  }
0x23: {  	s9 =	sor.u32 $0xD0000000, s2;
	s6 =	simm.s32 $0x108;
	_ =	swait.ge @!p0 [sflag:s8], $0x0  }
0x24: {  	s3 =	sadd.s32 $0x88, s3;
	s6 =	simm.s32 @!p1 $0x1082;
	[sflag:s4] =	ssyncset.s32 $0xFFFFF086  }
0x25: {  	[simem:s6], [sflag:s4] =	dma.local [hbm:s3], $0xF7A  }
0x26: {  	[smem:$0x3F9B] =	sst s1;
	(tag) =	ssettag s2;
	_ =	strace s9  }
0x27: {  	s1 =	sld [smem:$0x3FAB]  }
0x28: {  	s2 =	sld [smem:$0x3FAC]  }
0x29: {  	s4 =	sld [smem:$0x3FAE]  }
0x2a: {  	p0 =	seq.s32 s5, $0x0;
	s5 =	sld [smem:$0x3FAF]  }
0x2b: {  	s6 =	sld [smem:$0x3FB0]  }
0x2c: {  	s7 =	sld [smem:$0x3FB1]  }
0x2d: {  	s3 =	simm.s32 $0x108;
	s8 =	sld [smem:$0x3FB2]  }
0x2e: {  	s3 =	simm.s32 @!p0 $0x1082;
	s9 =	sld [smem:$0x3FB3]  }
0x2f: {  	lr =	sadd.s32 s0, s3;
	s0 =	sld [smem:$0x3FAA]  }
0x30: {  	s3 =	sld [smem:$0x3FAD]  }
0x31: {  	[smem:$0x3FB6] =	sst s10  }
0x32: {  	s10 =	sld [smem:$0x3FB4];
	_ =	sdelay $0x3  }
0x33: {  	p0 =	seq.s32 s10, $0x1;
	s10 =	sld [smem:$0x3FB6];
	_ =	sdelay $0x3  }
0x34: {  	[smem:$0x3FB6] =	sst s10  }
0x35: {  	s10 =	sld [smem:$0x3FB5];
	_ =	sdelay $0x3  }
0x36: {  	p1 =	seq.s32 s10, $0x1;
	s10 =	sld [smem:$0x3FB6];
	_ =	sdelay $0x3  }
0x37: {  	[smem:$0x3FB6] =	sst s10  }
0x38: {  	s10 =	sld [smem:$0x3FB7]  }
0x39: {  	_ = 	snop;
	(pc) =	sbr.ind lr, $3  }
0x3a: {  	_ = 	snop  }
0x3b: {  	_ = 	snop  }
0x3c: {  	p2 =	seq.s32 s10, $0x1;
	s10 =	sld [smem:$0x3FB6]  }
0x3d: {  	_ =	shalt  }
0x3e: {  	_ =	shalt  }
0x3f: {  	_ =	shalt  }
0x40: {  	_ =	shalt  }
0x41: {  	_ =	shalt  }
0x42: {  	_ =	shalt  }
0x43: {  	_ =	shalt  }
0x44: {  	_ =	shalt  }
0x45: {  	_ =	shalt  }
0x46: {  	_ =	shalt  }
0x47: {  	_ =	shalt  }
0x48: {  	_ =	shalt  }
0x49: {  	_ =	shalt  }
0x4a: {  	_ =	shalt  }
0x4b: {  	_ =	shalt  }
0x4c: {  	_ =	shalt  }
0x4d: {  	_ =	shalt  }
0x4e: {  	_ =	shalt  }
0x4f: {  	_ =	shalt  }
0x50: {  	_ =	shalt  }
0x51: {  	_ =	shalt  }
0x52: {  	_ =	shalt  }
0x53: {  	_ =	shalt  }
0x54: {  	_ =	shalt  }
0x55: {  	_ =	shalt  }
0x56: {  	_ =	shalt  }
0x57: {  	_ =	shalt  }
0x58: {  	_ =	shalt  }
0x59: {  	_ =	shalt  }
0x5a: {  	_ =	shalt  }
0x5b: {  	_ =	shalt  }
0x5c: {  	_ =	shalt  }
0x5d: {  	_ =	shalt  }
0x5e: {  	_ =	shalt  }
0x5f: {  	_ =	shalt  }
0x60: {  	_ =	shalt  }
0x61: {  	_ =	shalt  }
0x62: {  	_ =	shalt  }
0x63: {  	_ =	shalt  }
0x64: {  	_ =	shalt  }
0x65: {  	_ =	shalt  }
0x66: {  	_ =	shalt  }
0x67: {  	_ =	shalt  }
0x68: {  	_ =	shalt  }
0x69: {  	_ =	shalt  }
0x6a: {  	_ =	shalt  }
0x6b: {  	_ =	shalt  }
0x6c: {  	_ =	shalt  }
0x6d: {  	_ =	shalt  }
0x6e: {  	_ =	shalt  }
0x6f: {  	_ =	shalt  }
0x70: {  	_ =	shalt  }
0x71: {  	_ =	shalt  }
0x72: {  	_ =	shalt  }
0x73: {  	_ =	shalt  }
0x74: {  	_ =	shalt  }
0x75: {  	_ =	shalt  }
0x76: {  	_ =	shalt  }
0x77: {  	_ =	shalt  }
0x78: {  	_ =	shalt  }
0x79: {  	_ =	shalt  }
0x7a: {  	_ =	shalt  }
0x7b: {  	_ =	shalt  }
0x7c: {  	_ =	shalt  }
0x7d: {  	_ =	shalt  }
0x7e: {  	_ =	shalt  }
0x7f: {  	_ =	shalt  }
0x80: {  	_ =	shalt  }
0x81: {  	_ =	shalt  }
0x82: {  	_ =	shalt  }
0x83: {  	_ =	shalt  }
0x84: {  	_ =	shalt  }
0x85: {  	_ =	shalt  }
0x86: {  	_ =	shalt  }
0x87: {  	_ =	shalt  }
.Lfunc_end0:
.L_simem_size_0:
called_computation.2_lowered:
.L_overlay_start_0:
0x88: {  	s2 =	sld [smem:$0x3FD9]  }
0x89: {  	s3 =	sld [smem:$0x3FFE];
	_ =	sdelay $0x1  }
0x8a: {  	s1 =	srdreg.scid  }
0x8b: {  	s0 =	sand.u32 $0x1, s1  }
0x8c: {  	s16 =	sshll.u32 s0, $0xA;
	s2 =	sadd.s32 s3, s2  }
0x8d: {  	s2 =	sadd.s32 s2, s16  }
0x8e: {  	[smem:$0x3FC2] =	sst s2  }
0x8f: {  	_ = 	snop  }
0x90: {  	(tm) =	ssettm $0x1  }
0x91: {  	s17 =	sld [smem:$0x3FFB];
	_ =	sdelay $0x3  }
0x92: {  	_ =	strace s17  }
0x93: {  	s2 =	sld [smem:$0x3FFC];
	_ =	sdelay $0x3  }
0x94: {  	_ =	strace s2  }
0x95: {  	s2 =	sld [smem:$0x3FFD];
	_ =	sdelay $0x3  }
0x96: {  	_ =	strace s2  }
0x97: {  	_ =	strace $0x8FFFFFFF  }
0x98: {  	s18 =	sld [smem:$0x3FDB];
	_ =	sdelay $0x1  }
0x99: {  	s19 =	simm.s32 $_scs_section_size  }
0x9a: {  	s4 =	simm.s32 $_size__tile_overlayer_lowered;
	s5 =	simm.s32 $_tile_overlayer_lowered  }
0x9b: {  	s22 =	simm.s32 $0x1BFF;
	s21 =	sshll.u32 s5, $0x1;
	s2 =	sadd.s32 s19, s18  }
0x9c: {  	s6 =	simm.s32 $0x0;
	s20 =	sshll.u32 s4, $0x1;
	s4 =	sadd.s32 s21, s2  }
0x9d: {  	[timem:s6], [sflag:s22] =	dma.local [hbm:s4], s20  }
0x9e: {  	_ =	swait.ge [sflag:s22], s20  }
0x9f: {  	s3 =	ssub.s32 $0x0, s20;
	[sflag:s22] =	ssyncset.done $0x0  }
0xa0: {  	[sflag:s22] =	ssyncadd.s32 s3;
	_ =	sdelay $0x1  }
0xa1: {  	s23 =	simm.s32 $0x1B8B  }
0xa2: {  	_ =	swait.ge [sflag:s23], $0x1  }
0xa3: {  	[sflag:s23] =	ssyncset.done $0x0  }
0xa4: {  	s25 =	simm.s32 $0x1B8E;
	s24 =	sld [smem:$0x3FFE];
	[sflag:s23] =	ssyncadd.s32 $0xFFFFFFFF  }
0xa5: {  	s26 =	simm.s32 $execute0_lowered;
	[smem:$0x3FD2] =	sst s25  }
0xa6: {  	s4 =	sshll.u32 s26, $0x1;
	_ =	strace $0x8000004C;
	[dreg:$0x1] =	wrdreg $0xFFFFFFFF  }
0xa7: {  	s28 =	simm.s32 $_size_execute0_lowered;
	s2 =	sadd.s32 s2, s4;
	[dreg:$0x0] =	wrdreg $0x0  }
0xa8: {  	s4 =	sshll.u32 s28, $0x1;
	[dreg:$0x2] =	wrdreg s2  }
0xa9: {  	[dreg:$0x3] =	wrdreg s4  }
0xaa: {  	[dreg:$0x4] =	wrdreg $0xC0  }
0xab: {  	_ =	task [dreg:s6], $0x5FFFF  }
0xac: {  	[dreg:$0x1] =	wrdreg $0xFFFFFFFF  }
0xad: {  	[dreg:$0x0] =	wrdreg $0x60  }
0xae: {  	[dreg:$0x2] =	wrdreg s24  }
0xaf: {  	[dreg:$0x3] =	wrdreg $0x9  }
0xb0: {  	_ =	task.clear_ibuf [dreg:s6], $0x4FFFF;
	_ =	strace $0x9000004C  }
0xb1: {  	s29 =	simm.s32 $0x9;
	_ =	strace $0x8000004E  }
0xb2: {  	_ =	swait.ge [sflag:s29], $0x1  }
0xb3: {  	[sflag:s29] =	ssyncadd.s32 $0xFFFFFFFF  }
0xb4: {  	_ =	strace $0x9000004E  }
0xb5: {  	_ =	sfence  }
0xb6: {  	s30 =	sld [smem:$0x0];
	_ =	sdelay $0x2  }
0xb7: {  	s31 =	sshll.u32 s1, $0xD;
	s1 =	sshrl.u32 s1, $0x2  }
0xb8: {  	s3 =	sand.u32 $0x4000, s31;
	s1 =	sadd.s32 s1, s30  }
0xb9: {  	s0 =	sor.u32 s3, s0;
	s1 =	sshll.u32 s1, $0x11  }
0xba: {  	s0 =	sor.u32 s1, s0  }
0xbb: {  	s0 =	sadd.s32 $0x8F2B, s0  }
0xbc: {  	[sflag:s0] =	ssyncadd.remote.s32 $0x1  }
0xbd: {  	_ =	sfence.sel $0xFFFF  }
0xbe: {  	[dreg:$0x0] =	wrdreg $0xFFFFFFFF;
	(pc) =	sbr.abs _section_cstart, $3  }
0xbf: {  	[dreg:$0x1] =	wrdreg $0xFFFFFFFF  }
0xc0: {  	_ =	task.clear_ibuf [dreg:s6], $0x2FFFF;
	_ =	strace $0x9FFFFFFF  }
0xc1: {  	(tm) =	ssettm $0x7FFFFFFF  }
tec
execute0_lowered:
.L_overlay_start_1:
0x0: {  	(tag) =	ssettag $0x1  }
0x1: {  	s6 =	rddreg [dreg:$0x0]  }
0x2: {  	s0 =	rddreg [dreg:$0x1];
	s1 =	simm.s32 $0x0  }
0x3: {  	s2 =	srdreg.scid;
	s10 =	simm.s32 $0x2780;
	s11 =	simm.s32 $0x2F80  }
0x4: {  	s12 =	simm.s32 $0x3780;
	s13 =	simm.s32 $0x0;
	[smem:$0x7FF] =	sst s1  }
0x5: {  	s3 =	sadd.s32 $0x1000, s6;
	s4 =	sadd.s32 $0x29400, s6;
	s5 =	sand.u32 $0x1, s2  }
0x6: {  	s2 =	stileid.u32;
	_ =	strace $0x8000004D;
	s7 =	ssub.s32 $0x2, s5  }
0x7: {  	s8 =	sshll.u32 s5, $0x4;
	s5 =	sadd.s32 $0x14C00, s6;
	s9 =	sshrl.u32 s7, $0x1  }
0x8: {  	s6 =	sadd.s32 $0x15200, s6;
	s8 =	sor.u32 s2, s8;
	s9 =	ssub.s32 s7, s9  }
0x9: {  	s7 =	smul.u32 $0x2710, s8;
	s8 =	smax.u32 s9, $0x1;
	s9 =	simm.s32 $0x1  }
.LBB2_1:
0xa: {  	[tilespmem:s1], [sflag:$0x1] =	stream.linear.gather [hbm4b:s5+s1], $0x2780, $0x38;
	[tilespmem:$0x3F80] =	vst v63  }
0xb: {  	_ =	swait.ge [sflag:s9], $0x2780  }
0xc: {  	[sflag:s9] =	ssyncset.done $0x0  }
0xd: {  	s14 =	simm.s32 $0x0;
	[sflag:s9] =	ssyncadd.s32 $0xFFFFD880  }
.LBB2_2:
0xe: {  	s15 =	smul.u32 $0x7D0, s14;
	_ =	sdelay $0x1  }
0xf: {  	s15 =	sadd.s32 s7, s15  }
0x10: {  	s15 =	sshrl.u32 s15, $0x3  }
0x11: {  	s16 =	sadd.s32 s3, s15  }
0x12: {  	[tilespmem:s10], [sflag:$0x1] =	stream.linear.gather [hbm4b:s16+s1], $0x7D0, $0x38;
	[tilespmem:$0x3F80] =	vst v63  }
0x13: {  	_ =	swait.ge [sflag:s9], $0x7D0  }
0x14: {  	[sflag:s9] =	ssyncset.done $0x0  }
0x15: {  	s28 =	sadd.s32 s4, s15;
	[sflag:s9] =	ssyncadd.s32 $0xFFFFF830  }
0x16: {  	[tilespmem:s11], [sflag:$0x1] =	stream.linear.gather [hbm4b:s28+s1], $0x7D0, $0x38;
	[tilespmem:$0x3F80] =	vst v63  }
0x17: {  	_ =	swait.ge [sflag:s9], $0x7D0  }
0x18: {  	[sflag:s9] =	ssyncset.done $0x0  }
0x19: {  	s29 =	simm.s32 $0x27A0;
	[sflag:s9] =	ssyncadd.s32 $0xFFFFF830  }
0x1a: {  	v0 =	vld [tilespmem:s29+$0x10]  }
0x1b: {  	v1 =	vld [tilespmem:s29+$0xFFFFFFF0];
	_ =	sdelay $0x2  }
0x1c: {  	v2 =	vld [tilespmem:s29+$0xFFFFFFE0];
	_ =	sdelay $0x1  }
0x1d: {  	s30 =	simm.s32 $0x27E0;
	v3 =	vld [tilespmem:s29+$0x0]  }
0x1e: {  	v4 =	vld [tilespmem:s30+$0x10]  }
0x1f: {  	v0 =	vld.idx.msk [tilespmem:v0+s1+$0x0], $0xffff  }
0x20: {  	v1 =	vld.idx.msk [tilespmem:v1+s1+$0x0], $0xffff  }
0x21: {  	v5 =	vld [tilespmem:s30+$0xFFFFFFF0]  }
0x22: {  	v6 =	vld [tilespmem:s30+$0xFFFFFFE0]  }
0x23: {  	v2 =	vld.idx.msk [tilespmem:v2+s1+$0x0], $0xffff  }
0x24: {  	v7 =	vld [tilespmem:s30+$0x0];
	v0 =	vadd.f32 $9.999999710e-10, v0  }
0x25: {  	s31 =	simm.s32 $0x2FA0;
	v3 =	vld.idx.msk [tilespmem:v3+s1+$0x0], $0xffff;
	v1 =	vadd.f32 $9.999999710e-10, v1  }
0x26: {  	v8 =	vld [tilespmem:s31+$0x10];
	(erf) = vrcp.f32 v0  }
0x27: {  	s17 =	simm.s32 $0x2820;
	v4 =	vld.idx.msk [tilespmem:v4+s1+$0x0], $0xffff;
	(erf) = vrcp.f32 v1  }
0x28: {  	v10 =	vld [tilespmem:s17+$0xFFFFFFE0];
	v0 =	vadd.f32 $9.999999710e-10, v2  }
0x29: {  	v5 =	vld.idx.msk [tilespmem:v5+s1+$0x0], $0xffff  }
0x2a: {  	v2 =	vld.idx.msk [tilespmem:v6+s1+$0x0], $0xffff;
	v1 =	vadd.f32 $9.999999710e-10, v3;
	(erf) = vrcp.f32 v0  }
0x2b: {  	v3 =	vld [tilespmem:s17+$0x10]  }
0x2c: {  	v4 =	vadd.f32 $9.999999710e-10, v4;
	v6 =	vld [tilespmem:s17+$0xFFFFFFF0];
	(erf) = vrcp.f32 v1  }
0x2d: {  	v11 =	vld [tilespmem:s31+$0xFFFFFFE0]  }
0x2e: {  	v12 =	vld [tilespmem:s31+$0xFFFFFFF0];
	v5 =	vadd.f32 $9.999999710e-10, v5;
	(erf) = vrcp.f32 v4  }
0x2f: {  	v7 =	vld.idx.msk [tilespmem:v7+s1+$0x0], $0xffff;
	v4 =	vadd.f32 $9.999999710e-10, v2;
	v9 =	vpop (erf)  }
0x30: {  	v0 =	vld [tilespmem:s17+$0x0];
	v13 =	vpop (erf);
	(erf) = vrcp.f32 v5  }
0x31: {  	s17 =	simm.s32 $0x2FE0;
	v1 =	vld [tilespmem:s31+$0x0];
	(erf) = vrcp.f32 v4  }
0x32: {  	v2 =	vld [tilespmem:s17+$0x10];
	v8 =	vmul.f32 v9, v8  }
0x33: {  	s16 =	simm.s32 $0x37A0;
	v3 =	vld.idx.msk [tilespmem:v3+s1+$0x0], $0xffff;
	v5 =	vpop (erf)  }
0x34: {  	v9 =	vadd.f32 $9.999999710e-10, v7;
	v4 =	vld.idx.msk [tilespmem:v6+s1+$0x0], $0xffff;
	[tilespmem:s16+$0x10] =	vst v8;
	v8 =	vmul.f32 v5, v11  }
0x35: {  	s18 =	simm.s32 $0x8;
	s19 =	simm.s32 $0x2860;
	v7 =	vmul.f32 v13, v12;
	v6 =	vpop (erf);
	v5 =	vld.idx.msk [tilespmem:v10+s1+$0x0], $0xffff  }
.LBB2_3:
0x36: {  	v10 =	vld [tilespmem:s19+$0x10];
	s18 =	sadd.s32 $0x4, s18;
	(erf) = vrcp.f32 v9;
	[tilespmem:s16+$0xFFFFFFE0] =	vst v8;
	v1 =	vmul.f32 v6, v1  }
0x37: {  	v8 =	vld [tilespmem:s19+$0xFFFFFFF0];
	p0 =	slt.u32 s18, $0x78;
	v6 =	vpop (erf);
	[tilespmem:s16+$0xFFFFFFF0] =	vst v7  }
0x38: {  	v3 =	vadd.f32 $9.999999710e-10, v3;
	v7 =	vld [tilespmem:s19+$0x0];
	v2 =	vmul.f32 v6, v2;
	[tilespmem:s16+$0x0] =	vst v1  }
0x39: {  	s16 =	sadd.s32 $0x40, s16;
	v11 =	vld [tilespmem:s19+$0xFFFFFFE0];
	v12 =	vpop (erf)  }
0x3a: {  	v1 =	vadd.f32 $9.999999710e-10, v4;
	v9 =	vld.idx.msk [tilespmem:v0+s1+$0x0], $0xffff;
	(erf) = vrcp.f32 v3;
	[tilespmem:s16+$0x10] =	vst v2;
	v13 =	vpop (erf)  }
0x3b: {  	v2 =	vadd.f32 $9.999999710e-10, v5;
	v5 =	vld [tilespmem:s17+$0xFFFFFFE0]  }
0x3c: {  	(erf) = vrcp.f32 v1;
	v14 =	vld [tilespmem:s17+$0xFFFFFFF0]  }
.Ltmp0:
0x3d: {  	(erf) = vrcp.f32 v2;
	v1 =	vld [tilespmem:s17+$0x0];
	v0 =	vmov v7;
	(pc) =	sbr.rel @p0 .LBB2_3-.Ltmp0, $4  }
0x3e: {  	s17 =	sadd.s32 $0x40, s17;
	v3 =	vld.idx.msk [tilespmem:v10+s1+$0x0], $0xffff  }
0x3f: {  	v2 =	vld [tilespmem:s17+$0x10];
	v6 =	vpop (erf)  }
0x40: {  	v9 =	vadd.f32 $9.999999710e-10, v9;
	v4 =	vld.idx.msk [tilespmem:v8+s1+$0x0], $0xffff;
	v8 =	vmul.f32 v13, v5  }
0x41: {  	s19 =	sadd.s32 $0x40, s19;
	v5 =	vld.idx.msk [tilespmem:v11+s1+$0x0], $0xffff;
	v7 =	vmul.f32 v12, v14  }
0x42: {  	_ =	sdelay $0x3  }
0x43: {  	v0 =	vld.idx.msk [tilespmem:v0+s1+$0x0], $0xffff;
	_ =	sdelay $0x1  }
0x44: {  	v3 =	vadd.f32 $9.999999710e-10, v3  }
0x45: {  	(erf) = vrcp.f32 v9;
	v4 =	vadd.f32 $9.999999710e-10, v4  }
0x46: {  	(erf) = vrcp.f32 v3;
	v40 =	vadd.f32 $9.999999710e-10, v5  }
0x47: {  	v41 =	vld [tilespmem:s17+$0xFFFFFFE0];
	(erf) = vrcp.f32 v4;
	v0 =	vadd.f32 $9.999999710e-10, v0  }
0x48: {  	v42 =	vld [tilespmem:s17+$0xFFFFFFF0];
	(erf) = vrcp.f32 v40  }
0x49: {  	v43 =	vpop (erf);
	(erf) = vrcp.f32 v0  }
0x4a: {  	v44 =	vld [tilespmem:s17+$0x0];
	s30 =	sadd.s32 $0x40, s17;
	v45 =	vpop (erf)  }
0x4b: {  	[tilespmem:s16+$0xFFFFFFE0] =	vst v8;
	v1 =	vmul.f32 v6, v1;
	v46 =	vld [tilespmem:s30+$0x10];
	v47 =	vpop (erf)  }
0x4c: {  	[tilespmem:s16+$0xFFFFFFF0] =	vst v7;
	v51 =	vld [tilespmem:s30+$0xFFFFFFF0];
	v50 =	vmul.f32 v47, v41  }
0x4d: {  	s31 =	sadd.s32 $0x40, s16;
	v48 =	vld [tilespmem:s30+$0xFFFFFFE0];
	[tilespmem:s16+$0x0] =	vst v1;
	v52 =	vmul.f32 v45, v42  }
0x4e: {  	v54 =	vld [tilespmem:s30+$0x0];
	v0 =	vmul.f32 v43, v2;
	[tilespmem:s31+$0xFFFFFFE0] =	vst v50;
	v49 =	vpop (erf)  }
0x4f: {  	[tilespmem:s31+$0xFFFFFFF0] =	vst v52;
	v55 =	vmul.f32 v49, v44;
	v53 =	vpop (erf)  }
0x50: {  	[tilespmem:s31+$0x10] =	vst v0;
	v57 =	vmul.f32 v53, v46;
	v56 =	vpop (erf)  }
0x51: {  	s16 =	sadd.s32 $0x40, s31;
	[tilespmem:s31+$0x0] =	vst v55;
	v58 =	vpop (erf);
	v61 =	vmul.f32 v56, v51  }
0x52: {  	[tilespmem:s16+$0x10] =	vst v57;
	v59 =	vmul.f32 v58, v48;
	v60 =	vpop (erf)  }
0x53: {  	v0 =	vmul.f32 v60, v54;
	[tilespmem:s16+$0xFFFFFFF0] =	vst v61  }
0x54: {  	[tilespmem:s16+$0xFFFFFFE0] =	vst v59  }
0x55: {  	[tilespmem:s16+$0x0] =	vst v0  }
0x56: {  	v0 =	vld [tilespmem:$0x2F40];
	_ =	sdelay $0x7  }
0x57: {  	v0 =	vld.idx.msk [tilespmem:v0+s1+$0x0], $0xffff;
	_ =	sdelay $0x4  }
0x58: {  	v0 =	vadd.f32 $9.999999710e-10, v0;
	_ =	sdelay $0x1  }
0x59: {  	(erf) = vrcp.f32 v0;
	_ =	sdelay $0x4  }
0x5a: {  	v62 =	vld [tilespmem:$0x3740];
	_ =	sdelay $0x3  }
0x5b: {  	v63 =	vpop (erf)  }
0x5c: {  	s14 =	sadd.s32 $0x1, s14;
	v0 =	vmul.f32 v63, v62  }
0x5d: {  	p0 =	sne.s32 s14, $0x5  }
.Ltmp1:
0x5e: {  	s15 =	sadd.s32 s6, s15;
	[tilespmem:$0x3F40] =	vst v0;
	(pc) =	sbr.rel @p0 .LBB2_2-.Ltmp1, $4  }
0x5f: {  	[hbm4b:s15+s1] =	stream.linear.scatter [tilespmem:s12], [sflag:$0x1], $0x7D0, $0x38;
	[tilespmem:$0x3F80] =	vst v63  }
0x60: {  	_ =	swait.ge [sflag:s9], $0x7D0  }
0x61: {  	[sflag:s9] =	ssyncset.done $0x0  }
0x62: {  	[sflag:s9] =	ssyncadd.s32 $0xFFFFF830  }
0x63: {  	s13 =	sadd.s32 $0x1, s13  }
0x64: {  	p0 =	sne.s32 s13, s8  }
.Ltmp2:
0x65: {  	_ = 	snop;
	(pc) =	sbr.rel @p0 .LBB2_1-.Ltmp2, $1  }
0x66: {  	_ =	sdelay $0x3  }
0x67: {  	_ =	sfence.sel $0x180000  }
0x68: {  	[bflag:$0x0] =	sbarrier.arrive $0xFFFF  }
0x69: {  	p0 =	sne.s32 s2, $0x0;
	_ =	strace $0x9000004D  }
0x6a: {  	s0 =	sadd.s32 @!p0 $0x100000, s0;
	[bflag:$0x2] =	sbarrier.arrive $0xFFFF  }
0x6b: {  	[sflag:s0] =	ssyncadd.tile.s32 @!p0 $0x1;
	_ =	shalt  }
.Lfunc_end2:
_tile_overlayer_lowered:
.L_overlay_start_2:
0x6c: {  	(tag) =	ssettag $0x2  }
0x6d: {  	s0 =	rddreg [dreg:$0x0];
	s2 =	stileid.u32  }
0x6e: {  	s1 =	rddreg [dreg:$0x1];
	p0 =	sne.s32 s2, $0x0  }
0x6f: {  	s3 =	rddreg [dreg:$0x2];
	[bflag:$0x3] =	sbarrier.arrive $0xFFFF;
	s2 =	simm.s32 @!p0 $0x1C01  }
0x70: {  	[timem:s3], [sflag:s2] =	dma.local @!p0 [hbm:s0], s1  }
0x71: {  	s0 =	simm.s32 @!p0 $0x1  }
0x72: {  	_ =	swait.ge @!p0 [sflag:s0], s1  }
0x73: {  	s1 =	ssub.s32 @!p0 $0x0, s1;
	[sflag:s0] =	ssyncset.done @!p0 $0x0  }
0x74: {  	[sflag:s0] =	ssyncadd.s32 @!p0 s1  }
0x75: {  	[bflag:$0x3] =	sbarrier.arrive $0xFFFF  }
0x76: {  	_ =	shalt  }

// kernel: kernel.19.cloned.1.call-start
scs
__scs_entry_jumppad:
0x0: {  	(pc) =	sbr.rel $0x88, $3  }
0x1: {  	(tag) =	ssettag $0x0;
	lr =	simm.s32 $0x1  }
0x2: {  	[smem:$0x3F9B] =	sst lr;
	_ =	strace $0xD0000000  }
0x3: {  	_ = 	snop  }
0x4: {  	_ = 	snop  }
0x5: {  	_ = 	snop  }
0x6: {  	_ = 	snop  }
0x7: {  	_ = 	snop  }
__scs_overlays_trampoline_lowered:
0x8: {  	[smem:$0x3FAA] =	sst s0  }
0x9: {  	[smem:$0x3FAB] =	sst s1  }
0xa: {  	[smem:$0x3FAC] =	sst s2  }
0xb: {  	[smem:$0x3FAD] =	sst s3  }
0xc: {  	[smem:$0x3FAE] =	sst s4  }
0xd: {  	[smem:$0x3FAF] =	sst s5  }
0xe: {  	[smem:$0x3FB0] =	sst s6  }
0xf: {  	[smem:$0x3FB1] =	sst s7  }
0x10: {  	[smem:$0x3FB2] =	sst s8  }
0x11: {  	[smem:$0x3FB3] =	sst s9;
	s0 =	simm.s32 @!p0 $0x0  }
0x12: {  	s1 =	sld [smem:$0x3F99];
	s0 =	simm.s32 @p0 $0x1  }
0x13: {  	[smem:$0x3FB4] =	sst s0;
	s0 =	simm.s32 @!p1 $0x0  }
0x14: {  	s2 =	sld [smem:$0x3F98];
	s0 =	simm.s32 @p1 $0x1  }
0x15: {  	[smem:$0x3FB5] =	sst s0;
	s0 =	simm.s32 @!p2 $0x0  }
0x16: {  	s3 =	sld [smem:$0x3FDB];
	s0 =	simm.s32 @p2 $0x1  }
0x17: {  	s4 =	simm.s32 $0x1BF5;
	[smem:$0x3FB7] =	sst s0  }
0x18: {  	s0 =	sld [smem:$0x3F9A];
	_ =	swait.ge [sflag:s4], $0x0  }
0x19: {  	s7 =	sld [smem:$0x3F9B]  }
0x1a: {  	s8 =	sadd.s32 $0xFFFFE003, lr  }
0x1b: {  	s9 =	sadd.s32 $0xFFFFFEF7, lr;
	s5 =	simm.s32 $0xFFFFFFFF;
	p2 =	slt.u32 s8, $0xFFFFF086  }
0x1c: {  	p1 =	slt.u32 s9, $0xF7A;
	s5 =	simm.s32 @!p2 $0x0  }
0x1d: {  	s5 =	simm.s32 @p1 $0x1;
	p0 =	seq.s32 s7, s2  }
0x1e: {  	s7 =	smul.u32 @!p0 $0xF7A, s2;
	p2 =	seq.s32 @!p0 s5, $0x0  }
0x1f: {  	s9 =	smul.u32 $0xF7A, s1;
	s8 =	simm.s32 @!p0 $0x1BF5;
	p2 =	por !p2, p0  }
0x20: {  	[sflag:s8] =	ssyncset.s32 @!p0 $0xFFFFF086;
	s6 =	sadd.s32 @!p0 s3, s7;
	s7 =	simm.s32 @!p0 $0x108  }
0x21: {  	s3 =	sadd.s32 s3, s9;
	s6 =	sadd.s32 @!p0 $0x88, s6;
	s7 =	simm.s32 @p2 $0x1082  }
0x22: {  	[simem:s7], [sflag:s8] =	dma.local @!p0 [hbm:s6], $0xF7A  }
0x23: {  	s9 =	sor.u32 $0xD0000000, s2;
	s6 =	simm.s32 $0x108;
	_ =	swait.ge @!p0 [sflag:s8], $0x0  }
0x24: {  	s3 =	sadd.s32 $0x88, s3;
	s6 =	simm.s32 @!p1 $0x1082;
	[sflag:s4] =	ssyncset.s32 $0xFFFFF086  }
0x25: {  	[simem:s6], [sflag:s4] =	dma.local [hbm:s3], $0xF7A  }
0x26: {  	[smem:$0x3F9B] =	sst s1;
	(tag) =	ssettag s2;
	_ =	strace s9  }
0x27: {  	s1 =	sld [smem:$0x3FAB]  }
0x28: {  	s2 =	sld [smem:$0x3FAC]  }
0x29: {  	s4 =	sld [smem:$0x3FAE]  }
0x2a: {  	p0 =	seq.s32 s5, $0x0;
	s5 =	sld [smem:$0x3FAF]  }
0x2b: {  	s6 =	sld [smem:$0x3FB0]  }
0x2c: {  	s7 =	sld [smem:$0x3FB1]  }
0x2d: {  	s3 =	simm.s32 $0x108;
	s8 =	sld [smem:$0x3FB2]  }
0x2e: {  	s3 =	simm.s32 @!p0 $0x1082;
	s9 =	sld [smem:$0x3FB3]  }
0x2f: {  	lr =	sadd.s32 s0, s3;
	s0 =	sld [smem:$0x3FAA]  }
0x30: {  	s3 =	sld [smem:$0x3FAD]  }
0x31: {  	[smem:$0x3FB6] =	sst s10  }
0x32: {  	s10 =	sld [smem:$0x3FB4];
	_ =	sdelay $0x3  }
0x33: {  	p0 =	seq.s32 s10, $0x1;
	s10 =	sld [smem:$0x3FB6];
	_ =	sdelay $0x3  }
0x34: {  	[smem:$0x3FB6] =	sst s10  }
0x35: {  	s10 =	sld [smem:$0x3FB5];
	_ =	sdelay $0x3  }
0x36: {  	p1 =	seq.s32 s10, $0x1;
	s10 =	sld [smem:$0x3FB6];
	_ =	sdelay $0x3  }
0x37: {  	[smem:$0x3FB6] =	sst s10  }
0x38: {  	s10 =	sld [smem:$0x3FB7]  }
0x39: {  	_ = 	snop;
	(pc) =	sbr.ind lr, $3  }
0x3a: {  	_ = 	snop  }
0x3b: {  	_ = 	snop  }
0x3c: {  	p2 =	seq.s32 s10, $0x1;
	s10 =	sld [smem:$0x3FB6]  }
0x3d: {  	_ =	shalt  }
0x3e: {  	_ =	shalt  }
0x3f: {  	_ =	shalt  }
0x40: {  	_ =	shalt  }
0x41: {  	_ =	shalt  }
0x42: {  	_ =	shalt  }
0x43: {  	_ =	shalt  }
0x44: {  	_ =	shalt  }
0x45: {  	_ =	shalt  }
0x46: {  	_ =	shalt  }
0x47: {  	_ =	shalt  }
0x48: {  	_ =	shalt  }
0x49: {  	_ =	shalt  }
0x4a: {  	_ =	shalt  }
0x4b: {  	_ =	shalt  }
0x4c: {  	_ =	shalt  }
0x4d: {  	_ =	shalt  }
0x4e: {  	_ =	shalt  }
0x4f: {  	_ =	shalt  }
0x50: {  	_ =	shalt  }
0x51: {  	_ =	shalt  }
0x52: {  	_ =	shalt  }
0x53: {  	_ =	shalt  }
0x54: {  	_ =	shalt  }
0x55: {  	_ =	shalt  }
0x56: {  	_ =	shalt  }
0x57: {  	_ =	shalt  }
0x58: {  	_ =	shalt  }
0x59: {  	_ =	shalt  }
0x5a: {  	_ =	shalt  }
0x5b: {  	_ =	shalt  }
0x5c: {  	_ =	shalt  }
0x5d: {  	_ =	shalt  }
0x5e: {  	_ =	shalt  }
0x5f: {  	_ =	shalt  }
0x60: {  	_ =	shalt  }
0x61: {  	_ =	shalt  }
0x62: {  	_ =	shalt  }
0x63: {  	_ =	shalt  }
0x64: {  	_ =	shalt  }
0x65: {  	_ =	shalt  }
0x66: {  	_ =	shalt  }
0x67: {  	_ =	shalt  }
0x68: {  	_ =	shalt  }
0x69: {  	_ =	shalt  }
0x6a: {  	_ =	shalt  }
0x6b: {  	_ =	shalt  }
0x6c: {  	_ =	shalt  }
0x6d: {  	_ =	shalt  }
0x6e: {  	_ =	shalt  }
0x6f: {  	_ =	shalt  }
0x70: {  	_ =	shalt  }
0x71: {  	_ =	shalt  }
0x72: {  	_ =	shalt  }
0x73: {  	_ =	shalt  }
0x74: {  	_ =	shalt  }
0x75: {  	_ =	shalt  }
0x76: {  	_ =	shalt  }
0x77: {  	_ =	shalt  }
0x78: {  	_ =	shalt  }
0x79: {  	_ =	shalt  }
0x7a: {  	_ =	shalt  }
0x7b: {  	_ =	shalt  }
0x7c: {  	_ =	shalt  }
0x7d: {  	_ =	shalt  }
0x7e: {  	_ =	shalt  }
0x7f: {  	_ =	shalt  }
0x80: {  	_ =	shalt  }
0x81: {  	_ =	shalt  }
0x82: {  	_ =	shalt  }
0x83: {  	_ =	shalt  }
0x84: {  	_ =	shalt  }
0x85: {  	_ =	shalt  }
0x86: {  	_ =	shalt  }
0x87: {  	_ =	shalt  }
.Lfunc_end0:
.L_simem_size_0:
called_computation.3_lowered:
.L_overlay_start_0:
0x88: {  	s2 =	sld [smem:$0x3FD9]  }
0x89: {  	s3 =	sld [smem:$0x3FFE];
	_ =	sdelay $0x1  }
0x8a: {  	s1 =	srdreg.scid  }
0x8b: {  	s0 =	sand.u32 $0x1, s1  }
0x8c: {  	s17 =	sshll.u32 s0, $0xA;
	s2 =	sadd.s32 s3, s2  }
0x8d: {  	s2 =	sadd.s32 s2, s17  }
0x8e: {  	[smem:$0x3FC2] =	sst s2  }
0x8f: {  	_ = 	snop  }
0x90: {  	s2 =	sld [smem:$0x3FD0];
	(tm) =	ssettm $0x1  }
0x91: {  	s18 =	sld [smem:$0x3FFB];
	_ =	sdelay $0x3  }
0x92: {  	_ =	strace s18  }
0x93: {  	s3 =	sld [smem:$0x3FFC];
	_ =	sdelay $0x3  }
0x94: {  	_ =	strace s3  }
0x95: {  	s3 =	sld [smem:$0x3FFD];
	_ =	sdelay $0x3  }
0x96: {  	_ =	strace s3  }
0x97: {  	_ =	strace $0x8FFFFFFF  }
0x98: {  	s19 =	sld [smem:$0x3FDB];
	_ =	sdelay $0x1  }
0x99: {  	s4 =	simm.s32 $_scs_section_size  }
0x9a: {  	s5 =	simm.s32 $_size__tile_overlayer_lowered;
	s6 =	simm.s32 $_tile_overlayer_lowered  }
0x9b: {  	s22 =	simm.s32 $0x1BFF;
	s21 =	sshll.u32 s6, $0x1;
	s3 =	sadd.s32 s4, s19  }
0x9c: {  	s7 =	simm.s32 $0x0;
	s20 =	sshll.u32 s5, $0x1;
	s5 =	sadd.s32 s21, s3  }
0x9d: {  	[timem:s7], [sflag:s22] =	dma.local [hbm:s5], s20  }
0x9e: {  	_ =	swait.ge [sflag:s22], s20  }
0x9f: {  	s4 =	ssub.s32 $0x0, s20;
	[sflag:s22] =	ssyncset.done $0x0  }
0xa0: {  	[sflag:s22] =	ssyncadd.s32 s4;
	_ =	sdelay $0x1  }
0xa1: {  	s23 =	simm.s32 $0x1B8B  }
0xa2: {  	_ =	swait.ge [sflag:s23], $0x1  }
0xa3: {  	[sflag:s23] =	ssyncset.done $0x0  }
0xa4: {  	s25 =	simm.s32 $0x1B8E;
	s24 =	sld [smem:$0x3FFE];
	[sflag:s23] =	ssyncadd.s32 $0xFFFFFFFF  }
0xa5: {  	s26 =	simm.s32 $execute0_lowered;
	[smem:$0x3FD2] =	sst s25  }
0xa6: {  	s5 =	sshll.u32 s26, $0x1;
	_ =	strace $0x8000004F;
	[dreg:$0x1] =	wrdreg $0xFFFFFFFF  }
0xa7: {  	s28 =	simm.s32 $_size_execute0_lowered;
	s3 =	sadd.s32 s3, s5;
	[dreg:$0x0] =	wrdreg $0x0  }
0xa8: {  	s5 =	sshll.u32 s28, $0x1;
	[dreg:$0x2] =	wrdreg s3  }
0xa9: {  	[dreg:$0x3] =	wrdreg s5  }
0xaa: {  	[dreg:$0x4] =	wrdreg $0xC0  }
0xab: {  	_ =	task [dreg:s7], $0x5FFFF  }
0xac: {  	[dreg:$0x1] =	wrdreg $0xFFFFFFFF  }
0xad: {  	[dreg:$0x0] =	wrdreg $0x60  }
0xae: {  	[dreg:$0x2] =	wrdreg s24  }
0xaf: {  	[dreg:$0x3] =	wrdreg s2  }
0xb0: {  	[dreg:$0x4] =	wrdreg $0xC0000  }
0xb1: {  	[dreg:$0x5] =	wrdreg $0x9  }
0xb2: {  	_ =	task.clear_ibuf [dreg:s7], $0x6FFFF;
	_ =	strace $0x9000004F  }
0xb3: {  	s29 =	simm.s32 $0x9;
	_ =	strace $0x80000051  }
0xb4: {  	_ =	swait.ge [sflag:s29], $0x1  }
0xb5: {  	[sflag:s29] =	ssyncadd.s32 $0xFFFFFFFF  }
0xb6: {  	_ =	strace $0x90000051  }
0xb7: {  	_ =	sfence  }
0xb8: {  	s30 =	sld [smem:$0x0];
	_ =	sdelay $0x2  }
0xb9: {  	s31 =	sshll.u32 s1, $0xD;
	s1 =	sshrl.u32 s1, $0x2  }
0xba: {  	s3 =	sand.u32 $0x4000, s31;
	s1 =	sadd.s32 s1, s30  }
0xbb: {  	s0 =	sor.u32 s3, s0;
	s1 =	sshll.u32 s1, $0x11  }
0xbc: {  	s0 =	sor.u32 s1, s0  }
0xbd: {  	s0 =	sadd.s32 $0x8F2B, s0  }
0xbe: {  	[sflag:s0] =	ssyncadd.remote.s32 $0x1  }
0xbf: {  	_ =	sfence.sel $0xFFFF  }
0xc0: {  	[dreg:$0x0] =	wrdreg $0xFFFFFFFF;
	(pc) =	sbr.abs _section_cstart, $3  }
0xc1: {  	[dreg:$0x1] =	wrdreg $0xFFFFFFFF  }
0xc2: {  	_ =	task.clear_ibuf [dreg:s7], $0x2FFFF;
	_ =	strace $0x9FFFFFFF  }
0xc3: {  	(tm) =	ssettm $0x7FFFFFFF  }
tec
execute0_lowered:
.L_overlay_start_1:
0x0: {  	(tag) =	ssettag $0x1  }
0x1: {  	s0 =	rddreg [dreg:$0x0]  }
0x2: {  	s2 =	rddreg [dreg:$0x1];
	s1 =	srdreg.scid  }
0x3: {  	s3 =	rddreg [dreg:$0x2];
	s5 =	stileid.u32;
	s7 =	simm.s32 $0x0  }
0x4: {  	s1 =	sand.u32 $0x1, s1;
	s6 =	smul.u32 $0x1F400, s5;
	[smem:$0x7FF] =	sst s7  }
0x5: {  	s8 =	sadd.s32 $0xAE00, s0;
	s19 =	sadd.s32 $0x33200, s0;
	s20 =	smul.u32 $0x7D000, s5  }
0x6: {  	s4 =	smul.u32 $0x138800, s1;
	_ =	strace $0x80000050;
	[dreg:$0x5] =	wrdreg s8  }
0x7: {  	s21 =	sadd.s32 $0x15200, s0;
	[dreg:$0x6] =	wrdreg s19;
	s8 =	sshrl.u32 s20, $0x2  }
0x8: {  	[dreg:$0x7] =	wrdreg s21;
	s4 =	sadd.s32 s6, s4;
	s6 =	sadd.s32 s8, s3  }
0x9: {  	s8 =	sadd.s32 $0x1400, s6;
	[dreg:$0x8] =	wrdreg s6  }
0xa: {  	s23 =	sadd.s32 $0x2800, s6;
	[dreg:$0x9] =	wrdreg s8  }
0xb: {  	s24 =	sadd.s32 $0x3C00, s6;
	[dreg:$0xa] =	wrdreg s23  }
0xc: {  	s25 =	sadd.s32 $0x5000, s6;
	[dreg:$0xb] =	wrdreg s24  }
0xd: {  	s26 =	sadd.s32 $0x6400, s6;
	[dreg:$0xc] =	wrdreg s25  }
0xe: {  	s30 =	sadd.s32 $0x7800, s6;
	[dreg:$0xd] =	wrdreg s26  }
0xf: {  	s31 =	sadd.s32 $0x8C00, s6;
	[dreg:$0xe] =	wrdreg s30  }
0x10: {  	s10 =	sadd.s32 $0xA000, s6;
	[dreg:$0xf] =	wrdreg s31  }
0x11: {  	s28 =	simm.s32 $0x9800;
	s11 =	sadd.s32 $0xB400, s6;
	[dreg:$0x10] =	wrdreg s10  }
0x12: {  	s29 =	simm.s32 $0x3;
	s12 =	sadd.s32 $0xC800, s6;
	[dreg:$0x11] =	wrdreg s11  }
0x13: {  	p0 =	sgt.u32 s5, $0x9;
	s13 =	sadd.s32 $0xDC00, s6;
	[dreg:$0x12] =	wrdreg s12  }
0x14: {  	s22 =	ssub.s32 $0x2, s1;
	s14 =	sadd.s32 $0xF000, s6;
	[dreg:$0x13] =	wrdreg s13  }
0x15: {  	s1 =	sshll.u32 s1, $0x4;
	s15 =	sadd.s32 $0x10400, s6;
	[dreg:$0x14] =	wrdreg s14  }
0x16: {  	s9 =	sshrl.u32 s22, $0x1;
	s17 =	sadd.s32 $0x11800, s6;
	[dreg:$0x15] =	wrdreg s15  }
0x17: {  	s1 =	sor.u32 s5, s1;
	s18 =	sadd.s32 $0x12C00, s6;
	[dreg:$0x18] =	wrdreg s17  }
0x18: {  	s4 =	sshrl.u32 s4, $0x3;
	s19 =	sadd.s32 $0x14000, s6;
	[dreg:$0x19] =	wrdreg s18  }
0x19: {  	s20 =	sadd.s32 $0x15400, s6;
	s21 =	sadd.s32 $0x16800, s6;
	[dreg:$0x1a] =	wrdreg s19  }
0x1a: {  	s0 =	sadd.s32 s4, s0;
	s4 =	ssub.s32 s22, s9;
	[dreg:$0x1b] =	wrdreg s20  }
0x1b: {  	s9 =	smul.u32 $0x2710, s1;
	[dreg:$0x1c] =	wrdreg s21;
	s22 =	sadd.s32 $0x17C00, s6  }
0x1c: {  	s23 =	smul.u32 $0x5, s1;
	s24 =	sadd.s32 $0x19000, s6;
	[dreg:$0x1d] =	wrdreg s22  }
0x1d: {  	s25 =	sadd.s32 $0x1A400, s6;
	s26 =	sadd.s32 $0x1B800, s6;
	[dreg:$0x1e] =	wrdreg s24  }
0x1e: {  	s30 =	sadd.s32 $0x1CC00, s6;
	s31 =	sadd.s32 $0x1E000, s6;
	[dreg:$0x1f] =	wrdreg s25  }
0x1f: {  	s15 =	simm.s32 $0x7000;
	s18 =	simm.s32 $0x1800;
	[smem:$0x7FB] =	sst s26  }
0x20: {  	s19 =	simm.s32 $0x50;
	s20 =	simm.s32 $0x2000;
	[smem:$0x7FC] =	sst s30  }
0x21: {  	s21 =	simm.s32 $0x4800;
	s0 =	sadd.s32 $0x47200, s0;
	[smem:$0x7FD] =	sst s31  }
0x22: {  	s16 =	smax.u32 s4, $0x1;
	s22 =	simm.s32 $0x1;
	[dreg:$0x16] =	wrdreg s0  }
0x23: {  	v0 =	vimm.f32 $0.0e+00;
	s26 =	simm.s32 $0x2;
	[dreg:$0x17] =	wrdreg s16;
	s16 =	simm.s32 $0x5  }
.LBB2_1:
0x24: {  	s0 =	simm.s32 $0x0;
	s1 =	simm.s32 $0x200  }
.LBB2_2:
0x25: {  	p1 =	sne.s32 s1, $0x9E00;
	[tilespmem:s0+$0x7070] =	vst v0  }
0x26: {  	[tilespmem:s0+$0x7000] =	vst v0  }
0x27: {  	[tilespmem:s0+$0x7010] =	vst v0  }
.Ltmp0:
0x28: {  	[tilespmem:s0+$0x7020] =	vst v0;
	(pc) =	sbr.rel @p1 .LBB2_2-.Ltmp0, $4  }
0x29: {  	[tilespmem:s0+$0x7030] =	vst v0  }
0x2a: {  	[tilespmem:s0+$0x7040] =	vst v0  }
0x2b: {  	[tilespmem:s0+$0x7050] =	vst v0  }
0x2c: {  	[tilespmem:s0+$0x7060] =	vst v0;
	s0 =	sshra.s32 s1, $0x2;
	s1 =	sadd.s32 $0x200, s1  }
0x2d: {  	[tilespmem:s0+$0x7070] =	vst v0  }
0x2e: {  	[tilespmem:s0+$0x7000] =	vst v0  }
0x2f: {  	[tilespmem:s0+$0x7010] =	vst v0  }
.Ltmp1:
0x30: {  	[tilespmem:s0+$0x7020] =	vst v0;
	(pc) =	sbr.rel @p0 .LBB2_5-.Ltmp1, $4  }
0x31: {  	[tilespmem:s0+$0x7030] =	vst v0  }
0x32: {  	[tilespmem:s0+$0x7040] =	vst v0  }
0x33: {  	[tilespmem:s0+$0x7050] =	vst v0  }
0x34: {  	[dreg:$0x4] =	wrdreg s7;
	[tilespmem:s0+$0x7060] =	vst v0  }
0x35: {  	s0 =	rddreg [dreg:$0x8]  }
0x36: {  	[spmem:s0] =	stream.linear.scatter [tilespmem:s15], [sflag:$0x5], $0x1400, $0x38;
	[tilespmem:$0x1F880] =	vst v63  }
0x37: {  	_ =	swait.ge [sflag:s16], $0x1400  }
0x38: {  	[sflag:s16] =	ssyncset.done $0x0  }
0x39: {  	s12 =	rddreg [dreg:$0x9];
	[sflag:s16] =	ssyncadd.s32 $0xFFFFEC00  }
0x3a: {  	[spmem:s12] =	stream.linear.scatter [tilespmem:s15], [sflag:$0x5], $0x1400, $0x38;
	[tilespmem:$0x1F880] =	vst v63  }
0x3b: {  	_ =	swait.ge [sflag:s16], $0x1400  }
0x3c: {  	[sflag:s16] =	ssyncset.done $0x0  }
0x3d: {  	s13 =	rddreg [dreg:$0xa];
	[sflag:s16] =	ssyncadd.s32 $0xFFFFEC00  }
0x3e: {  	[spmem:s13] =	stream.linear.scatter [tilespmem:s15], [sflag:$0x5], $0x1400, $0x38;
	[tilespmem:$0x1F880] =	vst v63  }
0x3f: {  	_ =	swait.ge [sflag:s16], $0x1400  }
0x40: {  	[sflag:s16] =	ssyncset.done $0x0  }
0x41: {  	s14 =	rddreg [dreg:$0xb];
	[sflag:s16] =	ssyncadd.s32 $0xFFFFEC00  }
0x42: {  	[spmem:s14] =	stream.linear.scatter [tilespmem:s15], [sflag:$0x5], $0x1400, $0x38;
	[tilespmem:$0x1F880] =	vst v63  }
0x43: {  	_ =	swait.ge [sflag:s16], $0x1400  }
0x44: {  	[sflag:s16] =	ssyncset.done $0x0  }
0x45: {  	s17 =	rddreg [dreg:$0xc];
	[sflag:s16] =	ssyncadd.s32 $0xFFFFEC00  }
0x46: {  	[spmem:s17] =	stream.linear.scatter [tilespmem:s15], [sflag:$0x5], $0x1400, $0x38;
	[tilespmem:$0x1F880] =	vst v63  }
0x47: {  	_ =	swait.ge [sflag:s16], $0x1400  }
0x48: {  	[sflag:s16] =	ssyncset.done $0x0  }
0x49: {  	s24 =	rddreg [dreg:$0xd];
	[sflag:s16] =	ssyncadd.s32 $0xFFFFEC00  }
0x4a: {  	[spmem:s24] =	stream.linear.scatter [tilespmem:s15], [sflag:$0x5], $0x1400, $0x38;
	[tilespmem:$0x1F880] =	vst v63  }
0x4b: {  	_ =	swait.ge [sflag:s16], $0x1400  }
0x4c: {  	[sflag:s16] =	ssyncset.done $0x0  }
0x4d: {  	s25 =	rddreg [dreg:$0xe];
	[sflag:s16] =	ssyncadd.s32 $0xFFFFEC00  }
0x4e: {  	[spmem:s25] =	stream.linear.scatter [tilespmem:s15], [sflag:$0x5], $0x1400, $0x38;
	[tilespmem:$0x1F880] =	vst v63  }
0x4f: {  	_ =	swait.ge [sflag:s16], $0x1400  }
0x50: {  	[sflag:s16] =	ssyncset.done $0x0  }
0x51: {  	s30 =	rddreg [dreg:$0xf];
	[sflag:s16] =	ssyncadd.s32 $0xFFFFEC00  }
0x52: {  	[spmem:s30] =	stream.linear.scatter [tilespmem:s15], [sflag:$0x5], $0x1400, $0x38;
	[tilespmem:$0x1F880] =	vst v63  }
0x53: {  	_ =	swait.ge [sflag:s16], $0x1400  }
0x54: {  	[sflag:s16] =	ssyncset.done $0x0  }
0x55: {  	s31 =	rddreg [dreg:$0x10];
	[sflag:s16] =	ssyncadd.s32 $0xFFFFEC00  }
0x56: {  	[spmem:s31] =	stream.linear.scatter [tilespmem:s15], [sflag:$0x5], $0x1400, $0x38;
	[tilespmem:$0x1F880] =	vst v63  }
0x57: {  	_ =	swait.ge [sflag:s16], $0x1400  }
0x58: {  	[sflag:s16] =	ssyncset.done $0x0  }
0x59: {  	s1 =	rddreg [dreg:$0x11];
	[sflag:s16] =	ssyncadd.s32 $0xFFFFEC00  }
0x5a: {  	[spmem:s1] =	stream.linear.scatter [tilespmem:s15], [sflag:$0x5], $0x1400, $0x38;
	[tilespmem:$0x1F880] =	vst v63  }
0x5b: {  	_ =	swait.ge [sflag:s16], $0x1400  }
0x5c: {  	[sflag:s16] =	ssyncset.done $0x0  }
0x5d: {  	s4 =	rddreg [dreg:$0x12];
	[sflag:s16] =	ssyncadd.s32 $0xFFFFEC00  }
0x5e: {  	[spmem:s4] =	stream.linear.scatter [tilespmem:s15], [sflag:$0x5], $0x1400, $0x38;
	[tilespmem:$0x1F880] =	vst v63  }
0x5f: {  	_ =	swait.ge [sflag:s16], $0x1400  }
0x60: {  	[sflag:s16] =	ssyncset.done $0x0  }
0x61: {  	s5 =	rddreg [dreg:$0x13];
	[sflag:s16] =	ssyncadd.s32 $0xFFFFEC00  }
0x62: {  	[spmem:s5] =	stream.linear.scatter [tilespmem:s15], [sflag:$0x5], $0x1400, $0x38;
	[tilespmem:$0x1F880] =	vst v63  }
0x63: {  	_ =	swait.ge [sflag:s16], $0x1400  }
0x64: {  	[sflag:s16] =	ssyncset.done $0x0  }
0x65: {  	s6 =	rddreg [dreg:$0x14];
	[sflag:s16] =	ssyncadd.s32 $0xFFFFEC00  }
0x66: {  	[spmem:s6] =	stream.linear.scatter [tilespmem:s15], [sflag:$0x5], $0x1400, $0x38;
	[tilespmem:$0x1F880] =	vst v63  }
0x67: {  	_ =	swait.ge [sflag:s16], $0x1400  }
0x68: {  	[sflag:s16] =	ssyncset.done $0x0  }
0x69: {  	s7 =	rddreg [dreg:$0x15];
	[sflag:s16] =	ssyncadd.s32 $0xFFFFEC00  }
0x6a: {  	[spmem:s7] =	stream.linear.scatter [tilespmem:s15], [sflag:$0x5], $0x1400, $0x38;
	[tilespmem:$0x1F880] =	vst v63  }
0x6b: {  	_ =	swait.ge [sflag:s16], $0x1400  }
0x6c: {  	[sflag:s16] =	ssyncset.done $0x0  }
0x6d: {  	s8 =	rddreg [dreg:$0x18];
	[sflag:s16] =	ssyncadd.s32 $0xFFFFEC00  }
0x6e: {  	[spmem:s8] =	stream.linear.scatter [tilespmem:s15], [sflag:$0x5], $0x1400, $0x38;
	[tilespmem:$0x1F880] =	vst v63  }
0x6f: {  	_ =	swait.ge [sflag:s16], $0x1400  }
0x70: {  	[sflag:s16] =	ssyncset.done $0x0  }
0x71: {  	s10 =	rddreg [dreg:$0x19];
	[sflag:s16] =	ssyncadd.s32 $0xFFFFEC00  }
0x72: {  	[spmem:s10] =	stream.linear.scatter [tilespmem:s15], [sflag:$0x5], $0x1400, $0x38;
	[tilespmem:$0x1F880] =	vst v63  }
0x73: {  	_ =	swait.ge [sflag:s16], $0x1400  }
0x74: {  	[sflag:s16] =	ssyncset.done $0x0  }
0x75: {  	s11 =	rddreg [dreg:$0x1a];
	[sflag:s16] =	ssyncadd.s32 $0xFFFFEC00  }
0x76: {  	[spmem:s11] =	stream.linear.scatter [tilespmem:s15], [sflag:$0x5], $0x1400, $0x38;
	[tilespmem:$0x1F880] =	vst v63  }
0x77: {  	_ =	swait.ge [sflag:s16], $0x1400  }
0x78: {  	[sflag:s16] =	ssyncset.done $0x0  }
0x79: {  	s12 =	rddreg [dreg:$0x1b];
	[sflag:s16] =	ssyncadd.s32 $0xFFFFEC00  }
0x7a: {  	[spmem:s12] =	stream.linear.scatter [tilespmem:s15], [sflag:$0x5], $0x1400, $0x38;
	[tilespmem:$0x1F880] =	vst v63  }
0x7b: {  	_ =	swait.ge [sflag:s16], $0x1400  }
0x7c: {  	[sflag:s16] =	ssyncset.done $0x0  }
0x7d: {  	s13 =	rddreg [dreg:$0x1c];
	[sflag:s16] =	ssyncadd.s32 $0xFFFFEC00  }
0x7e: {  	[spmem:s13] =	stream.linear.scatter [tilespmem:s15], [sflag:$0x5], $0x1400, $0x38;
	[tilespmem:$0x1F880] =	vst v63  }
0x7f: {  	_ =	swait.ge [sflag:s16], $0x1400  }
0x80: {  	[sflag:s16] =	ssyncset.done $0x0  }
0x81: {  	s14 =	rddreg [dreg:$0x1d];
	[sflag:s16] =	ssyncadd.s32 $0xFFFFEC00  }
0x82: {  	[spmem:s14] =	stream.linear.scatter [tilespmem:s15], [sflag:$0x5], $0x1400, $0x38;
	[tilespmem:$0x1F880] =	vst v63  }
0x83: {  	_ =	swait.ge [sflag:s16], $0x1400  }
0x84: {  	[sflag:s16] =	ssyncset.done $0x0  }
0x85: {  	s17 =	rddreg [dreg:$0x1e];
	[sflag:s16] =	ssyncadd.s32 $0xFFFFEC00  }
0x86: {  	[spmem:s17] =	stream.linear.scatter [tilespmem:s15], [sflag:$0x5], $0x1400, $0x38;
	[tilespmem:$0x1F880] =	vst v63  }
0x87: {  	_ =	swait.ge [sflag:s16], $0x1400  }
0x88: {  	[sflag:s16] =	ssyncset.done $0x0  }
0x89: {  	s24 =	rddreg [dreg:$0x1f];
	[sflag:s16] =	ssyncadd.s32 $0xFFFFEC00  }
0x8a: {  	[spmem:s24] =	stream.linear.scatter [tilespmem:s15], [sflag:$0x5], $0x1400, $0x38;
	[tilespmem:$0x1F880] =	vst v63  }
0x8b: {  	_ =	swait.ge [sflag:s16], $0x1400  }
0x8c: {  	s25 =	sld [smem:$0x7FB]  }
0x8d: {  	[sflag:s16] =	ssyncset.done $0x0  }
0x8e: {  	[sflag:s16] =	ssyncadd.s32 $0xFFFFEC00  }
0x8f: {  	[spmem:s25] =	stream.linear.scatter [tilespmem:s15], [sflag:$0x5], $0x1400, $0x38;
	[tilespmem:$0x1F880] =	vst v63  }
0x90: {  	_ =	swait.ge [sflag:s16], $0x1400  }
0x91: {  	s30 =	sld [smem:$0x7FC]  }
0x92: {  	[sflag:s16] =	ssyncset.done $0x0  }
0x93: {  	[sflag:s16] =	ssyncadd.s32 $0xFFFFEC00  }
0x94: {  	[spmem:s30] =	stream.linear.scatter [tilespmem:s15], [sflag:$0x5], $0x1400, $0x38;
	[tilespmem:$0x1F880] =	vst v63  }
0x95: {  	_ =	swait.ge [sflag:s16], $0x1400  }
0x96: {  	s31 =	sld [smem:$0x7FD]  }
0x97: {  	[sflag:s16] =	ssyncset.done $0x0  }
0x98: {  	[sflag:s16] =	ssyncadd.s32 $0xFFFFEC00  }
0x99: {  	[spmem:s31] =	stream.linear.scatter [tilespmem:s15], [sflag:$0x5], $0x1400, $0x38;
	[tilespmem:$0x1F880] =	vst v63  }
0x9a: {  	_ =	swait.ge [sflag:s16], $0x1400  }
0x9b: {  	[sflag:s16] =	ssyncset.done $0x0  }
0x9c: {  	[sflag:s16] =	ssyncadd.s32 $0xFFFFEC00  }
.LBB2_5:
0x9d: {  	[bflag:$0x0] =	sbarrier.arrive $0xFFFF;
	s0 =	simm.s32 $0x0;
	s10 =	simm.s32 $0x0  }
.LBB2_6:
0x9e: {  	s1 =	smul.u32 $0x7D0, s10;
	_ =	sdelay $0x1  }
0x9f: {  	s1 =	sadd.s32 s9, s1  }
0xa0: {  	s4 =	rddreg [dreg:$0x5];
	s1 =	sshrl.u32 s1, $0x3  }
0xa1: {  	s4 =	sadd.s32 s4, s1  }
0xa2: {  	[tilespmem:s0], [sflag:$0x5] =	stream.linear.gather [hbm4b:s4+s0], $0x7D0, $0x38;
	[tilespmem:$0x1F880] =	vst v63  }
0xa3: {  	s25 =	sadd.s32 s23, s10;
	_ =	swait.ge [sflag:s16], $0x7D0  }
0xa4: {  	s4 =	sshll.u32 s25, $0x9;
	[sflag:s16] =	ssyncset.done $0x0;
	s5 =	rddreg [dreg:$0x6]  }
0xa5: {  	s30 =	simm.s32 $0x800;
	[sflag:s16] =	ssyncadd.s32 $0xFFFFF830;
	s4 =	sadd.s32 s5, s4  }
0xa6: {  	[tilespmem:s30], [sflag:$0x5] =	stream.linear.gather [hbm4b:s4+s0], $0xC80, $0x38;
	[tilespmem:$0x1F880] =	vst v63  }
0xa7: {  	_ =	swait.ge [sflag:s16], $0xC80  }
0xa8: {  	[sflag:s16] =	ssyncset.done $0x0;
	s31 =	rddreg [dreg:$0x7]  }
0xa9: {  	[sflag:s16] =	ssyncadd.s32 $0xFFFFF380;
	s1 =	sadd.s32 s31, s1  }
0xaa: {  	[tilespmem:s18], [sflag:$0x5] =	stream.linear.gather [hbm4b:s1+s0], $0x7D0, $0x38;
	[tilespmem:$0x1F880] =	vst v63  }
0xab: {  	_ =	swait.ge [sflag:s16], $0x7D0  }
0xac: {  	[sflag:s16] =	ssyncset.done $0x0  }
0xad: {  	s11 =	simm.s32 $0x0;
	s12 =	simm.s32 $0x0;
	[sflag:s16] =	ssyncadd.s32 $0xFFFFF830  }
0xae: {  	[tilespmem:s20], [sflag:$0x1] =	stream.indirect.gather [hbm4b:s2+s19], $0x80, s0, s19, $0xb8;
	[tilespmem:$0x1F880] =	vst v63  }
.LBB2_7:
0xaf: {  	s13 =	sshllo.u32 s12, $0x1  }
0xb0: {  	s8 =	sadd.s32 $0xFFFFFFFC, s11;
	s1 =	smul.u32 $0x50, s13  }
0xb1: {  	s4 =	sadd.s32 $0x6, s8  }
0xb2: {  	v1 =	vmov s4;
	[tilespmem:s21], [sflag:$0x2] =	stream.indirect.gather [hbm4b:s2+s19], $0x80, s1, s19, $0xb8;
	[tilespmem:$0x1F880] =	vst v63  }
0xb3: {  	s17 =	sor.u32 s10, s12;
	v1 =	vand.u32 $0xFFFFFFFE, v1;
	_ =	swait.ge [sflag:s22], $0x2800  }
0xb4: {  	p1 =	seq.s32 s17, $0x0;
	v1 =	vbroadcast v1, $0x0;
	[sflag:s22] =	ssyncset.done $0x0  }
0xb5: {  	s1 =	simm.s32 @!p1 $0x3;
	[sflag:s22] =	ssyncadd.s32 $0xFFFFD800  }
0xb6: {  	_ =	swait.ge @!p1 [sflag:s1], $0x2800  }
0xb7: {  	[sflag:s1] =	ssyncset.done @!p1 $0x0  }
0xb8: {  	s24 =	sadd.s32 $0x4, s8;
	s4 =	simm.s32 $0x2100;
	[sflag:s1] =	ssyncadd.s32 @!p1 $0xFFFFD800  }
0xb9: {  	s14 =	sadd.s32 $0x5, s8;
	v2 =	vmov s24;
	v3 =	vld [tilespmem:s4+$0x0]  }
0xba: {  	v4 =	vmov s14;
	v2 =	vand.u32 $0xFFFFFFFC, v2;
	v5 =	vld.idx.msk [tilespmem:v1+s18+$0x0], $0xffff  }
0xbb: {  	v1 =	vbroadcast v2, $0x0;
	v2 =	vand.u32 $0xFFFFFFFD, v4  }
0xbc: {  	v2 =	vbroadcast v2, $0x0  }
0xbd: {  	s25 =	sadd.s32 $0x7, s8  }
0xbe: {  	v4 =	vmov s25;
	v6 =	vld [tilespmem:s4+$0xFFFFFF00];
	v7 =	vunpack.i.u.bf16.f32 v3  }
0xbf: {  	v8 =	vld [tilespmem:s4+$0xFFFFFF80];
	v7 =	vmul.f32 v7, v5  }
0xc0: {  	v9 =	vld [tilespmem:s4+$0x80];
	v3 =	vunpack.i.l.bf16.f32 v3  }
0xc1: {  	v12 =	vld.idx.msk [tilespmem:v1+s18+$0x0], $0xffff;
	v1 =	vadd.f32 v7, v3  }
0xc2: {  	s14 =	simm.s32 $0x7100;
	v11 =	vld.idx.msk [tilespmem:v2+s18+$0x0], $0xffff  }
0xc3: {  	v10 =	vld.idx.msk [tilespmem:v4+s18+$0x0], $0xffff;
	[tilespmem:s14+$0x0] =	vst v1  }
0xc4: {  	v1 =	vld [tilespmem:s4+$0x10]  }
0xc5: {  	v2 =	vunpack.i.u.bf16.f32 v6  }
0xc6: {  	v3 =	vunpack.i.u.bf16.f32 v8;
	v2 =	vmul.f32 v2, v12  }
0xc7: {  	v4 =	vunpack.i.l.bf16.f32 v6;
	v7 =	vunpack.i.u.bf16.f32 v9;
	v3 =	vmul.f32 v3, v11  }
0xc8: {  	v6 =	vunpack.i.l.bf16.f32 v8;
	v2 =	vadd.f32 v2, v4;
	v4 =	vmul.f32 v7, v10  }
0xc9: {  	v7 =	vunpack.i.l.bf16.f32 v9;
	v3 =	vadd.f32 v3, v6;
	v6 =	vunpack.i.u.bf16.f32 v1  }
0xca: {  	[tilespmem:s14+$0xFFFFFF00] =	vst v2;
	v4 =	vadd.f32 v4, v7;
	v2 =	vmul.f32 v6, v5  }
0xcb: {  	[tilespmem:s14+$0xFFFFFF80] =	vst v3;
	v1 =	vunpack.i.l.bf16.f32 v1;
	v6 =	vld [tilespmem:s4+$0xFFFFFF10]  }
0xcc: {  	v3 =	vld [tilespmem:s4+$0xFFFFFF90];
	[tilespmem:s14+$0x80] =	vst v4;
	v1 =	vadd.f32 v2, v1  }
0xcd: {  	v2 =	vld [tilespmem:s4+$0x90]  }
0xce: {  	[tilespmem:s14+$0x10] =	vst v1  }
0xcf: {  	v1 =	vld [tilespmem:s4+$0x20]  }
0xd0: {  	v4 =	vunpack.i.u.bf16.f32 v6  }
0xd1: {  	v7 =	vunpack.i.u.bf16.f32 v3;
	v4 =	vmul.f32 v4, v12  }
0xd2: {  	v6 =	vunpack.i.l.bf16.f32 v6;
	v7 =	vmul.f32 v7, v11;
	v8 =	vunpack.i.u.bf16.f32 v2  }
0xd3: {  	v3 =	vunpack.i.l.bf16.f32 v3;
	v4 =	vadd.f32 v4, v6;
	v6 =	vmul.f32 v8, v10  }
0xd4: {  	v2 =	vunpack.i.l.bf16.f32 v2;
	v3 =	vadd.f32 v7, v3;
	v7 =	vunpack.i.u.bf16.f32 v1  }
0xd5: {  	[tilespmem:s14+$0xFFFFFF10] =	vst v4;
	v2 =	vadd.f32 v6, v2;
	v4 =	vmul.f32 v7, v5  }
0xd6: {  	[tilespmem:s14+$0xFFFFFF90] =	vst v3;
	v1 =	vunpack.i.l.bf16.f32 v1;
	v6 =	vld [tilespmem:s4+$0xFFFFFF20]  }
0xd7: {  	v3 =	vld [tilespmem:s4+$0xFFFFFFA0];
	[tilespmem:s14+$0x90] =	vst v2;
	v1 =	vadd.f32 v4, v1  }
0xd8: {  	v2 =	vld [tilespmem:s4+$0xA0]  }
0xd9: {  	[tilespmem:s14+$0x20] =	vst v1  }
0xda: {  	v1 =	vld [tilespmem:s4+$0x30]  }
0xdb: {  	v4 =	vunpack.i.u.bf16.f32 v6  }
0xdc: {  	s30 =	sadd.s32 $0x0, s11;
	v7 =	vunpack.i.u.bf16.f32 v3;
	v6 =	vunpack.i.l.bf16.f32 v6;
	v4 =	vmul.f32 v4, v12  }
0xdd: {  	s5 =	sadd.s32 $0x6, s30;
	v3 =	vunpack.i.l.bf16.f32 v3;
	v7 =	vmul.f32 v7, v11;
	v8 =	vunpack.i.u.bf16.f32 v2  }
0xde: {  	v4 =	vadd.f32 v4, v6;
	v6 =	vmul.f32 v8, v10;
	v8 =	vmov s5  }
0xdf: {  	v3 =	vadd.f32 v7, v3;
	v7 =	vand.u32 $0xFFFFFFFE, v8;
	v9 =	vunpack.i.u.bf16.f32 v1  }
0xe0: {  	v2 =	vunpack.i.l.bf16.f32 v2;
	[tilespmem:s14+$0xFFFFFF20] =	vst v4;
	v4 =	vbroadcast v7, $0x0;
	v8 =	vmul.f32 v9, v5  }
0xe1: {  	v2 =	vadd.f32 v6, v2;
	v1 =	vunpack.i.l.bf16.f32 v1  }
0xe2: {  	s6 =	sadd.s32 $0x4, s30;
	[tilespmem:s14+$0xFFFFFFA0] =	vst v3;
	v6 =	vld [tilespmem:s4+$0xFFFFFF30];
	v1 =	vadd.f32 v8, v1  }
0xe3: {  	s17 =	sadd.s32 $0x5, s30;
	s24 =	simm.s32 $0x2300;
	v3 =	vld [tilespmem:s4+$0xFFFFFFB0];
	[tilespmem:s14+$0xA0] =	vst v2;
	v2 =	vmov s6  }
0xe4: {  	v9 =	vld [tilespmem:s24+$0x0];
	[tilespmem:s14+$0x30] =	vst v1;
	v1 =	vand.u32 $0xFFFFFFFC, v2;
	v2 =	vmov s17  }
0xe5: {  	v8 =	vld [tilespmem:s4+$0x40];
	v1 =	vbroadcast v1, $0x0;
	v2 =	vand.u32 $0xFFFFFFFD, v2  }
0xe6: {  	v4 =	vld.idx.msk [tilespmem:v4+s18+$0x0], $0xffff;
	v2 =	vbroadcast v2, $0x0  }
0xe7: {  	s1 =	sadd.s32 $0x7, s30;
	v7 =	vld [tilespmem:s4+$0xB0]  }
0xe8: {  	v13 =	vmov s1;
	v16 =	vld [tilespmem:s24+$0xFFFFFF00];
	v14 =	vunpack.i.u.bf16.f32 v6;
	v15 =	vunpack.i.u.bf16.f32 v3  }
0xe9: {  	v18 =	vld [tilespmem:s24+$0xFFFFFF80];
	v6 =	vunpack.i.l.bf16.f32 v6;
	v19 =	vunpack.i.l.bf16.f32 v3;
	v14 =	vmul.f32 v14, v12  }
0xea: {  	v20 =	vld [tilespmem:s24+$0x80];
	v21 =	vunpack.i.u.bf16.f32 v9;
	v9 =	vunpack.i.l.bf16.f32 v9;
	v15 =	vmul.f32 v15, v11  }
0xeb: {  	v6 =	vadd.f32 v14, v6;
	v14 =	vunpack.i.u.bf16.f32 v8;
	v21 =	vmul.f32 v21, v4;
	v3 =	vld.idx.msk [tilespmem:v1+s18+$0x0], $0xffff  }
0xec: {  	v17 =	vunpack.i.u.bf16.f32 v7;
	v15 =	vadd.f32 v15, v19;
	v14 =	vmul.f32 v14, v5;
	v1 =	vld.idx.msk [tilespmem:v2+s18+$0x0], $0xffff  }
0xed: {  	v17 =	vmul.f32 v17, v10;
	[tilespmem:s14+$0xFFFFFF30] =	vst v6;
	v6 =	vunpack.i.l.bf16.f32 v8;
	v2 =	vld.idx.msk [tilespmem:v13+s18+$0x0], $0xffff;
	v8 =	vadd.f32 v21, v9  }
0xee: {  	s1 =	simm.s32 $0x7300;
	v7 =	vunpack.i.l.bf16.f32 v7;
	[tilespmem:s14+$0xFFFFFFB0] =	vst v15;
	v9 =	vld [tilespmem:s4+$0xFFFFFF40];
	v6 =	vadd.f32 v14, v6  }
0xef: {  	v7 =	vadd.f32 v17, v7;
	v13 =	vunpack.i.u.bf16.f32 v16;
	v14 =	vld [tilespmem:s4+$0xFFFFFFC0];
	[tilespmem:s1+$0x0] =	vst v8  }
0xf0: {  	v8 =	vunpack.i.u.bf16.f32 v18;
	[tilespmem:s14+$0x40] =	vst v6;
	v6 =	vmul.f32 v13, v3;
	v13 =	vld [tilespmem:s24+$0x10]  }
0xf1: {  	v15 =	vunpack.i.u.bf16.f32 v20;
	[tilespmem:s14+$0xB0] =	vst v7;
	v7 =	vunpack.i.l.bf16.f32 v16;
	v16 =	vld [tilespmem:s4+$0x50];
	v8 =	vmul.f32 v8, v1  }
0xf2: {  	v17 =	vunpack.i.l.bf16.f32 v18;
	v6 =	vadd.f32 v6, v7;
	v7 =	vmul.f32 v15, v2  }
0xf3: {  	v15 =	vunpack.i.l.bf16.f32 v20;
	v8 =	vadd.f32 v8, v17  }
0xf4: {  	v18 =	vld [tilespmem:s4+$0xC0];
	v17 =	vunpack.i.u.bf16.f32 v9;
	[tilespmem:s1+$0xFFFFFF00] =	vst v6;
	v6 =	vadd.f32 v7, v15  }
0xf5: {  	v19 =	vunpack.i.u.bf16.f32 v14;
	v7 =	vmul.f32 v17, v12;
	[tilespmem:s1+$0xFFFFFF80] =	vst v8;
	v8 =	vunpack.i.u.bf16.f32 v13  }
0xf6: {  	v15 =	vmul.f32 v19, v11;
	v17 =	vld [tilespmem:s24+$0xFFFFFF10];
	v19 =	vunpack.i.u.bf16.f32 v16;
	[tilespmem:s1+$0x80] =	vst v6;
	v6 =	vmul.f32 v8, v4  }
0xf7: {  	v13 =	vunpack.i.l.bf16.f32 v13;
	v20 =	vld [tilespmem:s24+$0xFFFFFF90];
	v8 =	vmul.f32 v19, v5  }
0xf8: {  	v16 =	vunpack.i.l.bf16.f32 v16;
	v21 =	vld [tilespmem:s24+$0x90];
	v6 =	vadd.f32 v6, v13  }
0xf9: {  	v9 =	vunpack.i.l.bf16.f32 v9;
	v19 =	vunpack.i.u.bf16.f32 v18;
	v8 =	vadd.f32 v8, v16  }
0xfa: {  	v7 =	vadd.f32 v7, v9;
	v19 =	vmul.f32 v19, v10;
	v13 =	vunpack.i.l.bf16.f32 v14;
	[tilespmem:s1+$0x10] =	vst v6  }
0xfb: {  	v9 =	vunpack.i.l.bf16.f32 v18;
	v13 =	vadd.f32 v15, v13;
	v14 =	vunpack.i.u.bf16.f32 v17;
	[tilespmem:s14+$0x50] =	vst v8;
	v15 =	vld [tilespmem:s24+$0x20]  }
0xfc: {  	[tilespmem:s14+$0xFFFFFF40] =	vst v7;
	v9 =	vadd.f32 v19, v9;
	v8 =	vmul.f32 v14, v3;
	v14 =	vunpack.i.u.bf16.f32 v20;
	v7 =	vld [tilespmem:s4+$0x60]  }
0xfd: {  	v6 =	vunpack.i.l.bf16.f32 v17;
	v14 =	vmul.f32 v14, v1;
	v16 =	vunpack.i.u.bf16.f32 v21  }
0xfe: {  	v18 =	vld [tilespmem:s4+$0xFFFFFF50];
	v17 =	vunpack.i.l.bf16.f32 v20;
	[tilespmem:s14+$0xFFFFFFC0] =	vst v13;
	v6 =	vadd.f32 v8, v6;
	v8 =	vmul.f32 v16, v2  }
0xff: {  	[tilespmem:s14+$0xC0] =	vst v9;
	v13 =	vunpack.i.l.bf16.f32 v21;
	v16 =	vld [tilespmem:s4+$0xFFFFFFD0];
	v9 =	vadd.f32 v14, v17  }
0x100: {  	v14 =	vld [tilespmem:s4+$0xD0];
	[tilespmem:s1+$0xFFFFFF10] =	vst v6;
	v6 =	vadd.f32 v8, v13  }
0x101: {  	v8 =	vld [tilespmem:s24+$0xFFFFFF20];
	[tilespmem:s1+$0xFFFFFF90] =	vst v9;
	v9 =	vunpack.i.u.bf16.f32 v15;
	v13 =	vunpack.i.u.bf16.f32 v7  }
0x102: {  	v15 =	vunpack.i.l.bf16.f32 v15;
	v7 =	vunpack.i.l.bf16.f32 v7;
	v17 =	vld [tilespmem:s24+$0xFFFFFFA0];
	[tilespmem:s1+$0x90] =	vst v6;
	v6 =	vmul.f32 v9, v4  }
0x103: {  	v9 =	vunpack.i.u.bf16.f32 v18;
	v13 =	vmul.f32 v13, v5;
	v18 =	vunpack.i.l.bf16.f32 v18;
	v19 =	vld [tilespmem:s24+$0xA0]  }
0x104: {  	v9 =	vmul.f32 v9, v12;
	v6 =	vadd.f32 v6, v15;
	v15 =	vunpack.i.u.bf16.f32 v16  }
0x105: {  	v7 =	vadd.f32 v13, v7;
	v13 =	vmul.f32 v15, v11;
	v15 =	vunpack.i.u.bf16.f32 v14  }
0x106: {  	v9 =	vadd.f32 v9, v18;
	v20 =	vunpack.i.u.bf16.f32 v8;
	[tilespmem:s1+$0x20] =	vst v6;
	v6 =	vunpack.i.l.bf16.f32 v16  }
0x107: {  	[tilespmem:s14+$0x60] =	vst v7;
	v8 =	vunpack.i.l.bf16.f32 v8;
	v7 =	vmul.f32 v20, v3;
	v16 =	vunpack.i.u.bf16.f32 v17;
	v20 =	vld [tilespmem:s24+$0x30]  }
0x108: {  	v6 =	vadd.f32 v13, v6;
	v16 =	vmul.f32 v16, v1;
	v22 =	vunpack.i.u.bf16.f32 v19  }
0x109: {  	v21 =	vld [tilespmem:s4+$0x70];
	v17 =	vunpack.i.l.bf16.f32 v17;
	[tilespmem:s14+$0xFFFFFF50] =	vst v9;
	v7 =	vadd.f32 v7, v8;
	v8 =	vmul.f32 v22, v2  }
0x10a: {  	s7 =	sadd.s32 $0x4, s11;
	v15 =	vmul.f32 v15, v10;
	v19 =	vunpack.i.l.bf16.f32 v19;
	[tilespmem:s14+$0xFFFFFFD0] =	vst v6;
	v16 =	vadd.f32 v16, v17  }
0x10b: {  	s25 =	sadd.s32 $0x6, s7;
	v14 =	vunpack.i.l.bf16.f32 v14;
	[tilespmem:s1+$0xFFFFFF20] =	vst v7;
	v7 =	vadd.f32 v8, v19  }
0x10c: {  	v13 =	vmov s25;
	v14 =	vadd.f32 v15, v14;
	v8 =	vld [tilespmem:s24+$0xFFFFFF30];
	[tilespmem:s1+$0xFFFFFFA0] =	vst v16;
	v16 =	vunpack.i.u.bf16.f32 v20  }
0x10d: {  	s8 =	sadd.s32 $0x7, s7;
	s30 =	sadd.s32 $0x4, s7;
	v9 =	vunpack.i.l.bf16.f32 v20;
	v20 =	vld [tilespmem:s4+$0xFFFFFFE0];
	[tilespmem:s1+$0xA0] =	vst v7;
	v7 =	vand.u32 $0xFFFFFFFE, v13;
	v13 =	vmul.f32 v16, v4  }
0x10e: {  	v15 =	vmov s30;
	[tilespmem:s14+$0xD0] =	vst v14;
	v14 =	vmov s8;
	v17 =	vunpack.i.u.bf16.f32 v21;
	v18 =	vld [tilespmem:s24+$0xFFFFFFB0]  }
0x10f: {  	s25 =	sadd.s32 $0x5, s7;
	v5 =	vmul.f32 v17, v5;
	v16 =	vld [tilespmem:s24+$0xB0];
	v7 =	vbroadcast v7, $0x0;
	v6 =	vadd.f32 v13, v9  }
0x110: {  	v19 =	vmov s25;
	v17 =	vld [tilespmem:s4+$0xFFFFFF60];
	v9 =	vunpack.i.l.bf16.f32 v21;
	v13 =	vand.u32 $0xFFFFFFFC, v15  }
0x111: {  	v15 =	vadd.f32 v5, v9;
	v5 =	vbroadcast v13, $0x0;
	v9 =	vand.u32 $0xFFFFFFFD, v19;
	v13 =	vld [tilespmem:s4+$0xE0];
	[tilespmem:s1+$0x30] =	vst v6  }
0x112: {  	s31 =	simm.s32 $0x2500;
	v6 =	vbroadcast v9, $0x0;
	v9 =	vunpack.i.u.bf16.f32 v8;
	v8 =	vunpack.i.l.bf16.f32 v8;
	v19 =	vld [tilespmem:s24+$0x40]  }
0x113: {  	v23 =	vld [tilespmem:s31+$0x0];
	v24 =	vunpack.i.u.bf16.f32 v20;
	v21 =	vunpack.i.u.bf16.f32 v18;
	v9 =	vmul.f32 v9, v3  }
0x114: {  	v25 =	vld [tilespmem:s31+$0x80];
	v18 =	vunpack.i.l.bf16.f32 v18;
	v22 =	vunpack.i.u.bf16.f32 v16;
	v21 =	vmul.f32 v21, v1  }
0x115: {  	v24 =	vmul.f32 v24, v11;
	v22 =	vmul.f32 v22, v2;
	v7 =	vld.idx.msk [tilespmem:v7+s18+$0x0], $0xffff;
	v8 =	vadd.f32 v9, v8  }
0x116: {  	v9 =	vunpack.i.l.bf16.f32 v16;
	v16 =	vld [tilespmem:s31+$0xFFFFFF00];
	v18 =	vadd.f32 v21, v18;
	v21 =	vunpack.i.u.bf16.f32 v17  }
0x117: {  	v27 =	vunpack.i.u.bf16.f32 v13;
	v9 =	vadd.f32 v22, v9;
	v22 =	vld [tilespmem:s31+$0xFFFFFF80];
	v26 =	vunpack.i.u.bf16.f32 v19  }
0x118: {  	v17 =	vunpack.i.l.bf16.f32 v17;
	v21 =	vmul.f32 v21, v12;
	v5 =	vld.idx.msk [tilespmem:v5+s18+$0x0], $0xffff;
	v26 =	vmul.f32 v26, v4  }
0x119: {  	[tilespmem:s1+$0xFFFFFF30] =	vst v8;
	v8 =	vunpack.i.u.bf16.f32 v23;
	v27 =	vmul.f32 v27, v10;
	v6 =	vld.idx.msk [tilespmem:v6+s18+$0x0], $0xffff;
	v19 =	vunpack.i.l.bf16.f32 v19  }
0x11a: {  	v13 =	vunpack.i.l.bf16.f32 v13;
	[tilespmem:s1+$0xFFFFFFB0] =	vst v18;
	v28 =	vmul.f32 v8, v7;
	v8 =	vld.idx.msk [tilespmem:v14+s18+$0x0], $0xffff;
	v14 =	vadd.f32 v26, v19  }
0x11b: {  	v18 =	vunpack.i.l.bf16.f32 v20;
	v20 =	vld [tilespmem:s24+$0xFFFFFF40];
	v17 =	vadd.f32 v21, v17;
	[tilespmem:s1+$0xB0] =	vst v9;
	v19 =	vunpack.i.l.bf16.f32 v23  }
0x11c: {  	v21 =	vunpack.i.u.bf16.f32 v16;
	v9 =	vunpack.i.l.bf16.f32 v16;
	v23 =	vld [tilespmem:s24+$0xFFFFFFC0];
	v19 =	vadd.f32 v28, v19;
	[tilespmem:s1+$0x40] =	vst v14  }
0x11d: {  	s8 =	simm.s32 $0x7500;
	v16 =	vunpack.i.l.bf16.f32 v22;
	v21 =	vmul.f32 v21, v5;
	v14 =	vunpack.i.u.bf16.f32 v22;
	v22 =	vld [tilespmem:s24+$0x50]  }
0x11e: {  	v18 =	vadd.f32 v24, v18;
	v24 =	vadd.f32 v27, v13;
	[tilespmem:s8+$0x0] =	vst v19;
	v19 =	vld [tilespmem:s24+$0xC0]  }
0x11f: {  	v26 =	vunpack.i.u.bf16.f32 v25;
	v13 =	vmul.f32 v14, v6;
	v9 =	vadd.f32 v21, v9;
	v27 =	vld [tilespmem:s31+$0x10]  }
0x120: {  	v25 =	vunpack.i.l.bf16.f32 v25;
	[tilespmem:s14+$0xFFFFFF60] =	vst v17;
	v21 =	vunpack.i.u.bf16.f32 v20;
	v14 =	vmul.f32 v26, v8  }
0x121: {  	v17 =	vmul.f32 v21, v3;
	v16 =	vadd.f32 v13, v16;
	v21 =	vunpack.i.u.bf16.f32 v23;
	[tilespmem:s8+$0xFFFFFF00] =	vst v9  }
0x122: {  	v23 =	vunpack.i.l.bf16.f32 v23;
	v9 =	vadd.f32 v14, v25;
	v25 =	vld [tilespmem:s31+$0xFFFFFF10];
	v14 =	vunpack.i.u.bf16.f32 v22  }
0x123: {  	v13 =	vld [tilespmem:s4+$0xFFFFFF70];
	v21 =	vmul.f32 v21, v1;
	[tilespmem:s8+$0xFFFFFF80] =	vst v16;
	v16 =	vunpack.i.l.bf16.f32 v20;
	v14 =	vmul.f32 v14, v4  }
0x124: {  	v20 =	vunpack.i.u.bf16.f32 v19;
	v26 =	vld [tilespmem:s31+$0xFFFFFF90];
	[tilespmem:s8+$0x80] =	vst v9;
	v9 =	vunpack.i.l.bf16.f32 v22;
	v61 =	vunpack.i.u.bf16.f32 v27  }
0x125: {  	[tilespmem:s14+$0xFFFFFFE0] =	vst v18;
	v16 =	vadd.f32 v17, v16;
	v22 =	vld [tilespmem:s31+$0x90];
	v18 =	vmul.f32 v61, v7;
	v62 =	vadd.f32 v14, v9  }
0x126: {  	[tilespmem:s14+$0xE0] =	vst v24;
	v17 =	vunpack.i.l.bf16.f32 v19;
	v20 =	vmul.f32 v20, v2;
	v24 =	vunpack.i.l.bf16.f32 v27;
	v14 =	vld [tilespmem:s4+$0xFFFFFFF0]  }
0x127: {  	v19 =	vadd.f32 v21, v23;
	v9 =	vld [tilespmem:s4+$0xF0];
	v23 =	vunpack.i.u.bf16.f32 v25;
	v18 =	vadd.f32 v18, v24;
	[tilespmem:s1+$0x50] =	vst v62  }
0x128: {  	v21 =	vunpack.i.u.bf16.f32 v13;
	[tilespmem:s1+$0xFFFFFF40] =	vst v16;
	v17 =	vadd.f32 v20, v17;
	v20 =	vmul.f32 v23, v5;
	v16 =	vld [tilespmem:s24+$0x60]  }
0x129: {  	v24 =	vunpack.i.l.bf16.f32 v25;
	v23 =	vunpack.i.u.bf16.f32 v26;
	v25 =	vunpack.i.l.bf16.f32 v26;
	[tilespmem:s8+$0x10] =	vst v18;
	v18 =	vld [tilespmem:s24+$0xFFFFFF50]  }
0x12a: {  	[tilespmem:s1+$0xFFFFFFC0] =	vst v19;
	v23 =	vmul.f32 v23, v6;
	v27 =	vunpack.i.u.bf16.f32 v22;
	v19 =	vadd.f32 v20, v24;
	v26 =	vld [tilespmem:s31+$0x20]  }
0x12b: {  	v12 =	vmul.f32 v21, v12;
	[tilespmem:s1+$0xC0] =	vst v17;
	v22 =	vunpack.i.l.bf16.f32 v22;
	v20 =	vmul.f32 v27, v8  }
0x12c: {  	v24 =	vld [tilespmem:s24+$0xFFFFFFD0];
	v17 =	vunpack.i.u.bf16.f32 v14;
	v23 =	vadd.f32 v23, v25;
	v27 =	vunpack.i.u.bf16.f32 v9;
	[tilespmem:s8+$0xFFFFFF10] =	vst v19  }
0x12d: {  	v19 =	vadd.f32 v20, v22;
	v11 =	vmul.f32 v17, v11;
	v21 =	vld [tilespmem:s31+$0xFFFFFF20];
	v20 =	vunpack.i.u.bf16.f32 v16  }
0x12e: {  	v25 =	vld [tilespmem:s24+$0xD0];
	v10 =	vmul.f32 v27, v10;
	[tilespmem:s8+$0xFFFFFF90] =	vst v23;
	v17 =	vunpack.i.u.bf16.f32 v18;
	v20 =	vmul.f32 v20, v4  }
0x12f: {  	v18 =	vunpack.i.l.bf16.f32 v18;
	v22 =	vld [tilespmem:s31+$0xFFFFFFA0];
	[tilespmem:s8+$0x90] =	vst v19;
	v16 =	vunpack.i.l.bf16.f32 v16;
	v23 =	vunpack.i.u.bf16.f32 v26  }
0x130: {  	v63 =	vmul.f32 v17, v3;
	v17 =	vmul.f32 v23, v7;
	v23 =	vld [tilespmem:s31+$0xA0];
	v16 =	vadd.f32 v20, v16  }
0x131: {  	v19 =	vunpack.i.u.bf16.f32 v24;
	v29 =	vunpack.i.l.bf16.f32 v24;
	v20 =	vunpack.i.l.bf16.f32 v26  }
0x132: {  	v26 =	vmul.f32 v19, v1;
	v24 =	vunpack.i.u.bf16.f32 v21;
	v20 =	vadd.f32 v17, v20;
	[tilespmem:s1+$0x60] =	vst v16  }
0x133: {  	v19 =	vunpack.i.u.bf16.f32 v25;
	v21 =	vunpack.i.l.bf16.f32 v21;
	v24 =	vmul.f32 v24, v5;
	v16 =	vld [tilespmem:s24+$0x70]  }
0x134: {  	v17 =	vmul.f32 v19, v2;
	v19 =	vunpack.i.l.bf16.f32 v25;
	v25 =	vunpack.i.u.bf16.f32 v22;
	[tilespmem:s8+$0x20] =	vst v20  }
0x135: {  	v31 =	vmul.f32 v25, v6;
	v24 =	vadd.f32 v24, v21;
	v25 =	vunpack.i.u.bf16.f32 v23;
	v21 =	vld [tilespmem:s31+$0x30]  }
0x136: {  	v30 =	vunpack.i.l.bf16.f32 v22;
	v20 =	vadd.f32 v63, v18;
	v25 =	vmul.f32 v25, v8  }
0x137: {  	s17 =	simm.s32 $0x8;
	s25 =	simm.s32 $0x7500;
	[tilespmem:s14+$0x70] =	vst v15;
	s4 =	simm.s32 $0x2500;
	v18 =	vadd.f32 v26, v29;
	v22 =	vunpack.i.l.bf16.f32 v23;
	v23 =	vadd.f32 v31, v30  }
.LBB2_8:
0x138: {  	s30 =	sadd.s32 s17, s11;
	s17 =	sadd.s32 $0x4, s17;
	[tilespmem:s8+$0xFFFFFF20] =	vst v24;
	v22 =	vadd.f32 v25, v22;
	v24 =	vunpack.i.u.bf16.f32 v16;
	v17 =	vadd.f32 v17, v19;
	v15 =	vmovc v8  }
0x139: {  	v13 =	vunpack.i.l.bf16.f32 v13;
	v14 =	vunpack.i.l.bf16.f32 v14;
	s5 =	sadd.s32 $0x4, s30;
	s6 =	sadd.s32 $0x6, s30;
	p2 =	slt.u32 s17, $0x4C;
	v8 =	vld [tilespmem:s31+$0xFFFFFF30];
	[tilespmem:s8+$0xFFFFFFA0] =	vst v23;
	v19 =	vmul.f32 v24, v4;
	v4 =	vmovc v7  }
0x13a: {  	v16 =	vunpack.i.l.bf16.f32 v16;
	s7 =	sadd.s32 $0x5, s30;
	v7 =	vmov s6;
	s6 =	sadd.s32 $0x7, s30;
	v23 =	vld [tilespmem:s31+$0xFFFFFFB0];
	v24 =	vunpack.i.u.bf16.f32 v21;
	[tilespmem:s8+$0xA0] =	vst v22  }
0x13b: {  	v7 =	vand.u32 $0xFFFFFFFE, v7;
	v22 =	vmul.f32 v24, v4;
	v24 =	vld [tilespmem:s31+$0xB0];
	[tilespmem:s1+$0xFFFFFF50] =	vst v20;
	v16 =	vadd.f32 v19, v16  }
0x13c: {  	v19 =	vmov s5;
	v20 =	vunpack.i.l.bf16.f32 v21;
	v7 =	vbroadcast v7, $0x0;
	v21 =	vld [tilespmem:s24+$0xFFFFFF60];
	[tilespmem:s1+$0xFFFFFFD0] =	vst v18  }
0x13d: {  	v18 =	vand.u32 $0xFFFFFFFC, v19;
	v19 =	vmov s7;
	v20 =	vadd.f32 v22, v20;
	v22 =	vld [tilespmem:s24+$0xFFFFFFE0];
	[tilespmem:s1+$0x70] =	vst v16  }
0x13e: {  	v16 =	vbroadcast v18, $0x0;
	v18 =	vand.u32 $0xFFFFFFFD, v19;
	v19 =	vmov s6;
	[tilespmem:s1+$0xD0] =	vst v17  }
0x13f: {  	v17 =	vbroadcast v18, $0x0;
	v18 =	vunpack.i.u.bf16.f32 v8;
	v25 =	vunpack.i.u.bf16.f32 v23;
	[tilespmem:s8+$0x30] =	vst v20;
	v20 =	vld [tilespmem:s24+$0xE0]  }
0x140: {  	s31 =	sadd.s32 $0x200, s31;
	v18 =	vmul.f32 v18, v5;
	v25 =	vmul.f32 v25, v6;
	v26 =	vld [tilespmem:s4+$0x40];
	v27 =	vunpack.i.u.bf16.f32 v24  }
0x141: {  	v8 =	vunpack.i.l.bf16.f32 v8;
	v23 =	vunpack.i.l.bf16.f32 v23;
	v28 =	vld [tilespmem:s31+$0x0];
	v27 =	vmul.f32 v27, v15  }
0x142: {  	v8 =	vadd.f32 v18, v8;
	v7 =	vld.idx.msk [tilespmem:v7+s18+$0x0], $0xffff;
	v18 =	vadd.f32 v25, v23;
	v23 =	vunpack.i.l.bf16.f32 v24  }
0x143: {  	v25 =	vunpack.i.u.bf16.f32 v21;
	v24 =	vld [tilespmem:s31+$0xFFFFFF00];
	v23 =	vadd.f32 v27, v23;
	v27 =	vunpack.i.u.bf16.f32 v22  }
0x144: {  	v29 =	vld [tilespmem:s31+$0xFFFFFF80];
	[tilespmem:s8+$0xFFFFFF30] =	vst v8;
	v8 =	vmul.f32 v25, v3;
	v25 =	vmul.f32 v27, v1;
	v27 =	vunpack.i.u.bf16.f32 v20  }
0x145: {  	v21 =	vunpack.i.l.bf16.f32 v21;
	v30 =	vld [tilespmem:s31+$0x80];
	[tilespmem:s8+$0xFFFFFFB0] =	vst v18;
	v18 =	vunpack.i.u.bf16.f32 v26;
	v27 =	vmul.f32 v27, v2  }
0x146: {  	v22 =	vunpack.i.l.bf16.f32 v22;
	v20 =	vunpack.i.l.bf16.f32 v20;
	v31 =	vld.idx.msk [tilespmem:v16+s18+$0x0], $0xffff;
	v18 =	vmul.f32 v18, v4;
	[tilespmem:s8+$0xB0] =	vst v23  }
0x147: {  	v23 =	vunpack.i.l.bf16.f32 v26;
	v21 =	vadd.f32 v8, v21;
	v16 =	vld.idx.msk [tilespmem:v17+s18+$0x0], $0xffff;
	v17 =	vunpack.i.u.bf16.f32 v28  }
0x148: {  	v26 =	vunpack.i.u.bf16.f32 v24;
	v17 =	vmul.f32 v17, v7;
	v8 =	vld.idx.msk [tilespmem:v19+s18+$0x0], $0xffff;
	v18 =	vadd.f32 v18, v23  }
0x149: {  	v19 =	vunpack.i.l.bf16.f32 v24;
	v24 =	vunpack.i.l.bf16.f32 v28;
	v23 =	vunpack.i.u.bf16.f32 v29;
	v28 =	vld [tilespmem:s4+$0xFFFFFF40];
	[tilespmem:s1+$0xFFFFFF60] =	vst v21  }
0x14a: {  	v21 =	vunpack.i.l.bf16.f32 v29;
	v17 =	vadd.f32 v17, v24;
	v24 =	vunpack.i.u.bf16.f32 v30;
	v29 =	vld [tilespmem:s4+$0xFFFFFFC0];
	[tilespmem:s8+$0x40] =	vst v18  }
0x14b: {  	v22 =	vadd.f32 v25, v22;
	v20 =	vadd.f32 v27, v20;
	v18 =	vunpack.i.l.bf16.f32 v30;
	s8 =	sadd.s32 $0x200, s8;
	v30 =	vld [tilespmem:s4+$0x50]  }
0x14c: {  	v9 =	vunpack.i.l.bf16.f32 v9;
	v12 =	vadd.f32 v12, v13;
	v25 =	vmul.f32 v26, v31;
	[tilespmem:s8+$0x0] =	vst v17;
	v17 =	vld [tilespmem:s4+$0xC0]  }
0x14d: {  	v11 =	vadd.f32 v11, v14;
	v10 =	vadd.f32 v10, v9;
	v23 =	vmul.f32 v23, v16;
	v26 =	vld [tilespmem:s31+$0x10];
	[tilespmem:s1+$0xFFFFFFE0] =	vst v22  }
0x14e: {  	v9 =	vadd.f32 v25, v19;
	v19 =	vmul.f32 v24, v8;
	v14 =	vunpack.i.u.bf16.f32 v28;
	v13 =	vld [tilespmem:s24+$0xFFFFFF70];
	[tilespmem:s1+$0xE0] =	vst v20  }
0x14f: {  	v20 =	vadd.f32 v23, v21;
	v21 =	vmul.f32 v14, v5;
	v22 =	vunpack.i.u.bf16.f32 v29;
	v14 =	vld [tilespmem:s24+$0xFFFFFFF0];
	[tilespmem:s14+$0xFFFFFF70] =	vst v12  }
0x150: {  	v12 =	vadd.f32 v19, v18;
	[tilespmem:s8+$0xFFFFFF00] =	vst v9;
	v18 =	vmul.f32 v22, v6;
	v19 =	vunpack.i.u.bf16.f32 v30;
	v9 =	vld [tilespmem:s24+$0xF0];
	s24 =	smov.u32 s4;
	s4 =	smov.u32 s31  }
0x151: {  	v22 =	vld [tilespmem:s31+$0xFFFFFF10];
	[tilespmem:s8+$0xFFFFFF80] =	vst v20;
	v20 =	vunpack.i.l.bf16.f32 v28;
	v19 =	vmul.f32 v19, v4;
	v23 =	vunpack.i.u.bf16.f32 v17  }
0x152: {  	v24 =	vld [tilespmem:s31+$0xFFFFFF90];
	v25 =	vunpack.i.u.bf16.f32 v26;
	[tilespmem:s8+$0x80] =	vst v12;
	v12 =	vunpack.i.l.bf16.f32 v30;
	v23 =	vmul.f32 v23, v15  }
0x153: {  	v28 =	vunpack.i.l.bf16.f32 v29;
	v25 =	vmul.f32 v25, v7;
	v27 =	vld [tilespmem:s31+$0x90];
	v12 =	vadd.f32 v19, v12;
	[tilespmem:s14+$0xFFFFFFF0] =	vst v11  }
0x154: {  	v17 =	vunpack.i.l.bf16.f32 v17;
	v11 =	vunpack.i.l.bf16.f32 v26;
	v19 =	vadd.f32 v21, v20;
	[tilespmem:s14+$0xF0] =	vst v10;
	s14 =	smov.u32 s1;
	s1 =	smov.u32 s25;
	s25 =	smov.u32 s8  }
0x155: {  	v10 =	vadd.f32 v25, v11;
	v11 =	vadd.f32 v18, v28;
	[tilespmem:s1+$0x50] =	vst v12;
	v12 =	vunpack.i.u.bf16.f32 v13  }
0x156: {  	v17 =	vadd.f32 v23, v17;
	v18 =	vunpack.i.u.bf16.f32 v22;
	v20 =	vunpack.i.l.bf16.f32 v22;
	[tilespmem:s1+$0xFFFFFF40] =	vst v19;
	v19 =	vld [tilespmem:s24+$0x60]  }
0x157: {  	v18 =	vmul.f32 v18, v31;
	v21 =	vunpack.i.u.bf16.f32 v24;
	v22 =	vunpack.i.l.bf16.f32 v24;
	[tilespmem:s8+$0x10] =	vst v10;
	v10 =	vld [tilespmem:s24+$0xFFFFFF50]  }
0x158: {  	v21 =	vmul.f32 v21, v16;
	v23 =	vld [tilespmem:s31+$0x20];
	v24 =	vunpack.i.u.bf16.f32 v27;
	v25 =	vunpack.i.l.bf16.f32 v27;
	[tilespmem:s1+$0xFFFFFFC0] =	vst v11  }
0x159: {  	v11 =	vadd.f32 v18, v20;
	v18 =	vmul.f32 v24, v8;
	v20 =	vld [tilespmem:s24+$0xFFFFFFD0];
	[tilespmem:s1+$0xC0] =	vst v17;
	v17 =	vunpack.i.u.bf16.f32 v14  }
0x15a: {  	v26 =	vunpack.i.u.bf16.f32 v9;
	v12 =	vmul.f32 v12, v3;
	v3 =	vmovc v5;
	v5 =	vmovc v31;
	v21 =	vadd.f32 v21, v22;
	v22 =	vld [tilespmem:s24+$0xD0]  }
0x15b: {  	[tilespmem:s8+$0xFFFFFF10] =	vst v11;
	v18 =	vadd.f32 v18, v25;
	v24 =	vunpack.i.u.bf16.f32 v19;
	v11 =	vmul.f32 v17, v1;
	v1 =	vmovc v6  }
0x15c: {  	v6 =	vmovc v16;
	v25 =	vld [tilespmem:s31+$0xFFFFFF20];
	[tilespmem:s8+$0xFFFFFF90] =	vst v21;
	v17 =	vunpack.i.u.bf16.f32 v10;
	v10 =	vunpack.i.l.bf16.f32 v10;
	v21 =	vmul.f32 v24, v4  }
0x15d: {  	v24 =	vld [tilespmem:s31+$0xFFFFFFA0];
	v16 =	vunpack.i.u.bf16.f32 v23;
	[tilespmem:s8+$0x90] =	vst v18;
	v18 =	vmul.f32 v17, v3;
	v17 =	vunpack.i.l.bf16.f32 v19  }
0x15e: {  	v16 =	vmul.f32 v16, v7;
	v27 =	vld [tilespmem:s31+$0xA0];
	v19 =	vunpack.i.u.bf16.f32 v20;
	v17 =	vadd.f32 v21, v17  }
0x15f: {  	v21 =	vunpack.i.l.bf16.f32 v23;
	v28 =	vmul.f32 v19, v1;
	v19 =	vunpack.i.u.bf16.f32 v22  }
0x160: {  	v29 =	vunpack.i.l.bf16.f32 v20;
	v21 =	vadd.f32 v16, v21;
	[tilespmem:s1+$0x60] =	vst v17;
	v17 =	vmul.f32 v19, v15  }
.Ltmp2:
0x161: {  	v19 =	vunpack.i.l.bf16.f32 v22;
	v20 =	vunpack.i.u.bf16.f32 v25;
	v23 =	vunpack.i.l.bf16.f32 v25;
	v16 =	vld [tilespmem:s24+$0x70];
	(pc) =	sbr.rel @p2 .LBB2_8-.Ltmp2, $4  }
0x162: {  	v20 =	vmul.f32 v20, v5;
	v22 =	vunpack.i.u.bf16.f32 v24;
	v30 =	vunpack.i.l.bf16.f32 v24;
	[tilespmem:s8+$0x20] =	vst v21  }
0x163: {  	v31 =	vmul.f32 v22, v6;
	v21 =	vld [tilespmem:s31+$0x30];
	v25 =	vunpack.i.u.bf16.f32 v27;
	v22 =	vunpack.i.l.bf16.f32 v27  }
0x164: {  	v24 =	vadd.f32 v20, v23;
	v25 =	vmul.f32 v25, v8;
	v20 =	vadd.f32 v18, v10  }
0x165: {  	v18 =	vadd.f32 v28, v29;
	v10 =	vmul.f32 v26, v2;
	v2 =	vmovc v15;
	v23 =	vadd.f32 v31, v30  }
0x166: {  	[tilespmem:s8+$0xFFFFFF20] =	vst v24;
	v15 =	vadd.f32 v25, v22  }
0x167: {  	v22 =	vld [tilespmem:s31+$0xFFFFFF30];
	[tilespmem:s8+$0xFFFFFFA0] =	vst v23  }
0x168: {  	v23 =	vld [tilespmem:s31+$0xFFFFFFB0];
	v24 =	vunpack.i.u.bf16.f32 v21;
	[tilespmem:s8+$0xA0] =	vst v15  }
0x169: {  	v15 =	vmul.f32 v24, v7;
	v24 =	vld [tilespmem:s31+$0xB0]  }
0x16a: {  	v21 =	vunpack.i.l.bf16.f32 v21  }
0x16b: {  	v15 =	vadd.f32 v15, v21  }
0x16c: {  	v21 =	vunpack.i.u.bf16.f32 v22  }
0x16d: {  	v25 =	vunpack.i.u.bf16.f32 v23;
	[tilespmem:s8+$0x30] =	vst v15;
	v15 =	vmul.f32 v21, v5  }
0x16e: {  	v22 =	vunpack.i.l.bf16.f32 v22;
	v21 =	vmul.f32 v25, v6;
	v25 =	vld [tilespmem:s4+$0x40];
	v26 =	vunpack.i.u.bf16.f32 v24  }
0x16f: {  	v23 =	vunpack.i.l.bf16.f32 v23;
	v26 =	vmul.f32 v26, v8;
	v15 =	vadd.f32 v15, v22  }
0x170: {  	v22 =	vunpack.i.l.bf16.f32 v24;
	v21 =	vadd.f32 v21, v23  }
0x171: {  	v22 =	vadd.f32 v26, v22;
	[tilespmem:s8+$0xFFFFFF30] =	vst v15  }
0x172: {  	[tilespmem:s8+$0xFFFFFFB0] =	vst v21;
	v15 =	vld [tilespmem:s4+$0xFFFFFF40]  }
0x173: {  	v21 =	vunpack.i.u.bf16.f32 v25;
	[tilespmem:s8+$0xB0] =	vst v22;
	v22 =	vld [tilespmem:s4+$0xFFFFFFC0]  }
0x174: {  	v21 =	vmul.f32 v21, v7;
	v23 =	vld [tilespmem:s4+$0xC0]  }
0x175: {  	v24 =	vunpack.i.l.bf16.f32 v25  }
0x176: {  	v21 =	vadd.f32 v21, v24  }
0x177: {  	v24 =	vunpack.i.u.bf16.f32 v15  }
0x178: {  	[tilespmem:s8+$0x40] =	vst v21;
	v21 =	vmul.f32 v24, v5;
	v24 =	vunpack.i.u.bf16.f32 v22  }
0x179: {  	v15 =	vunpack.i.l.bf16.f32 v15;
	v25 =	vld [tilespmem:s4+$0x50];
	v24 =	vmul.f32 v24, v6;
	v26 =	vunpack.i.u.bf16.f32 v23  }
0x17a: {  	v22 =	vunpack.i.l.bf16.f32 v22;
	v26 =	vmul.f32 v26, v8;
	v15 =	vadd.f32 v21, v15  }
0x17b: {  	v21 =	vunpack.i.l.bf16.f32 v23;
	v22 =	vadd.f32 v24, v22  }
0x17c: {  	[tilespmem:s25+$0xFFFFFF40] =	vst v15;
	v15 =	vadd.f32 v26, v21  }
0x17d: {  	v21 =	vld [tilespmem:s4+$0xFFFFFF50];
	[tilespmem:s25+$0xFFFFFFC0] =	vst v22  }
0x17e: {  	v22 =	vunpack.i.u.bf16.f32 v25;
	v23 =	vld [tilespmem:s4+$0xFFFFFFD0];
	[tilespmem:s25+$0xC0] =	vst v15  }
0x17f: {  	v15 =	vmul.f32 v22, v7;
	v22 =	vld [tilespmem:s4+$0xD0]  }
0x180: {  	v17 =	vadd.f32 v17, v19;
	[tilespmem:s1+$0xFFFFFF50] =	vst v20;
	v19 =	vunpack.i.l.bf16.f32 v25  }
0x181: {  	v20 =	vld [tilespmem:s24+$0xFFFFFF60];
	[tilespmem:s1+$0xFFFFFFD0] =	vst v18;
	v15 =	vadd.f32 v15, v19  }
0x182: {  	v18 =	vld [tilespmem:s24+$0xFFFFFFE0];
	[tilespmem:s1+$0xD0] =	vst v17;
	v17 =	vunpack.i.u.bf16.f32 v21  }
0x183: {  	v19 =	vunpack.i.u.bf16.f32 v16;
	[tilespmem:s25+$0x50] =	vst v15;
	v15 =	vmul.f32 v17, v5;
	v17 =	vunpack.i.u.bf16.f32 v23  }
0x184: {  	v21 =	vunpack.i.l.bf16.f32 v21;
	v25 =	vld [tilespmem:s4+$0x60];
	v17 =	vmul.f32 v17, v6;
	v26 =	vunpack.i.u.bf16.f32 v22  }
0x185: {  	v24 =	vld [tilespmem:s24+$0xE0];
	v23 =	vunpack.i.l.bf16.f32 v23;
	v26 =	vmul.f32 v26, v8;
	v15 =	vadd.f32 v15, v21  }
0x186: {  	v4 =	vmul.f32 v19, v4;
	v19 =	vunpack.i.l.bf16.f32 v22;
	v17 =	vadd.f32 v17, v23  }
0x187: {  	v22 =	vunpack.i.u.bf16.f32 v18;
	v21 =	vunpack.i.u.bf16.f32 v20;
	v19 =	vadd.f32 v26, v19;
	[tilespmem:s25+$0xFFFFFF50] =	vst v15  }
0x188: {  	v13 =	vunpack.i.l.bf16.f32 v13;
	v15 =	vmul.f32 v21, v3;
	v21 =	vmul.f32 v22, v1;
	v22 =	vld [tilespmem:s4+$0xFFFFFF60];
	[tilespmem:s25+$0xFFFFFFD0] =	vst v17  }
0x189: {  	v18 =	vunpack.i.l.bf16.f32 v18;
	v20 =	vunpack.i.l.bf16.f32 v20;
	v23 =	vunpack.i.u.bf16.f32 v25;
	v26 =	vld [tilespmem:s4+$0xFFFFFFE0];
	[tilespmem:s25+$0xD0] =	vst v19  }
0x18a: {  	v17 =	vunpack.i.u.bf16.f32 v24;
	v15 =	vadd.f32 v15, v20;
	v19 =	vmul.f32 v23, v7;
	v20 =	vld [tilespmem:s4+$0xE0]  }
0x18b: {  	v17 =	vmul.f32 v17, v2;
	v18 =	vadd.f32 v21, v18;
	v21 =	vunpack.i.l.bf16.f32 v25  }
0x18c: {  	v14 =	vunpack.i.l.bf16.f32 v14;
	v23 =	vunpack.i.l.bf16.f32 v24;
	[tilespmem:s1+$0xFFFFFF60] =	vst v15;
	v15 =	vadd.f32 v19, v21  }
0x18d: {  	v11 =	vadd.f32 v11, v14;
	v17 =	vadd.f32 v17, v23;
	[tilespmem:s1+$0xFFFFFFE0] =	vst v18;
	v18 =	vld [tilespmem:s24+$0xFFFFFF70];
	v19 =	vunpack.i.u.bf16.f32 v22  }
0x18e: {  	v16 =	vunpack.i.l.bf16.f32 v16;
	v21 =	vld [tilespmem:s24+$0xFFFFFFF0];
	[tilespmem:s25+$0x60] =	vst v15;
	v15 =	vunpack.i.u.bf16.f32 v26;
	v19 =	vmul.f32 v19, v5  }
0x18f: {  	[tilespmem:s1+$0xE0] =	vst v17;
	v22 =	vunpack.i.l.bf16.f32 v22;
	v17 =	vld [tilespmem:s4+$0x70];
	v15 =	vmul.f32 v15, v6;
	v23 =	vunpack.i.u.bf16.f32 v20  }
0x190: {  	v24 =	vld [tilespmem:s24+$0xF0];
	v25 =	vunpack.i.l.bf16.f32 v26;
	v23 =	vmul.f32 v23, v8;
	v19 =	vadd.f32 v19, v22  }
0x191: {  	[tilespmem:s14+$0xFFFFFFF0] =	vst v11;
	v4 =	vadd.f32 v4, v16;
	v16 =	vunpack.i.l.bf16.f32 v20;
	v15 =	vadd.f32 v15, v25  }
0x192: {  	v9 =	vunpack.i.l.bf16.f32 v9;
	v12 =	vadd.f32 v12, v13;
	[tilespmem:s25+$0xFFFFFF60] =	vst v19;
	v13 =	vadd.f32 v23, v16  }
0x193: {  	v9 =	vadd.f32 v10, v9;
	v10 =	vunpack.i.u.bf16.f32 v18;
	[tilespmem:s25+$0xFFFFFFE0] =	vst v15;
	v14 =	vld [tilespmem:s4+$0xFFFFFF70]  }
0x194: {  	v11 =	vunpack.i.l.bf16.f32 v21;
	v3 =	vmul.f32 v10, v3;
	v10 =	vunpack.i.u.bf16.f32 v17;
	[tilespmem:s25+$0xE0] =	vst v13;
	v13 =	vld [tilespmem:s4+$0xFFFFFFF0]  }
0x195: {  	[tilespmem:s1+$0x70] =	vst v4;
	v15 =	vunpack.i.u.bf16.f32 v21;
	v4 =	vunpack.i.u.bf16.f32 v24;
	v7 =	vmul.f32 v10, v7;
	v10 =	vld [tilespmem:s4+$0xF0]  }
0x196: {  	v1 =	vmul.f32 v15, v1;
	v2 =	vmul.f32 v4, v2;
	v4 =	vunpack.i.l.bf16.f32 v18  }
0x197: {  	[tilespmem:s14+$0xFFFFFF70] =	vst v12;
	v12 =	vunpack.i.l.bf16.f32 v17;
	v3 =	vadd.f32 v3, v4;
	v4 =	vunpack.i.l.bf16.f32 v24  }
0x198: {  	[tilespmem:s14+$0xF0] =	vst v9;
	v1 =	vadd.f32 v1, v11;
	v2 =	vadd.f32 v2, v4;
	v9 =	vunpack.i.u.bf16.f32 v14  }
0x199: {  	v7 =	vadd.f32 v7, v12;
	[tilespmem:s1+$0xFFFFFF70] =	vst v3;
	v4 =	vunpack.i.u.bf16.f32 v13;
	v5 =	vmul.f32 v9, v5  }
0x19a: {  	[tilespmem:s1+$0xFFFFFFF0] =	vst v1;
	v3 =	vunpack.i.u.bf16.f32 v10;
	v4 =	vmul.f32 v4, v6;
	v6 =	vunpack.i.l.bf16.f32 v14  }
0x19b: {  	[tilespmem:s1+$0xF0] =	vst v2;
	v1 =	vmul.f32 v3, v8;
	v3 =	vunpack.i.l.bf16.f32 v13;
	v5 =	vadd.f32 v5, v6  }
0x19c: {  	[tilespmem:s25+$0x70] =	vst v7;
	v2 =	vunpack.i.l.bf16.f32 v10;
	v3 =	vadd.f32 v4, v3  }
0x19d: {  	s7 =	sshll.u32 s12, $0x8;
	s8 =	smul.u32 $0x280, s12;
	v1 =	vadd.f32 v1, v2;
	[tilespmem:s25+$0xFFFFFF70] =	vst v5  }
0x19e: {  	s1 =	sand.u32 $0x3FFFFF00, s7;
	[tilespmem:s25+$0xFFFFFFF0] =	vst v3  }
0x19f: {  	s5 =	sadd.s32 $0xFFFFFFFC, s11;
	s14 =	sshra.s32 s8, $0x2;
	s1 =	sadd.s32 $0x800, s1;
	[tilespmem:s25+$0xF0] =	vst v1  }
0x1a0: {  	[spmem:s3] =	stream.indirect.scatter.add.f32 [tilespmem:s15], [sflag:$0x3], $0x80, s1, s19, $0xb8;
	[tilespmem:$0x1F880] =	vst v63  }
0x1a1: {  	s17 =	sadd.s32 $0x56, s5;
	s1 =	sadd.s32 $0xA0, s14  }
0x1a2: {  	v1 =	vmov s17;
	[tilespmem:s20], [sflag:$0x1] =	stream.indirect.gather [hbm4b:s2+s19], $0x80, s1, s19, $0xb8;
	[tilespmem:$0x1F880] =	vst v63  }
0x1a3: {  	v1 =	vand.u32 $0xFFFFFFFE, v1;
	_ =	swait.ge [sflag:s26], $0x2800  }
0x1a4: {  	v1 =	vbroadcast v1, $0x0;
	[sflag:s26] =	ssyncset.done $0x0  }
0x1a5: {  	s1 =	simm.s32 @!p1 $0x4;
	[sflag:s26] =	ssyncadd.s32 $0xFFFFD800  }
0x1a6: {  	_ =	swait.ge @!p1 [sflag:s1], $0x2800  }
0x1a7: {  	[sflag:s1] =	ssyncset.done @!p1 $0x0  }
0x1a8: {  	s24 =	sadd.s32 $0x54, s5;
	s4 =	simm.s32 $0x4900;
	[sflag:s1] =	ssyncadd.s32 @!p1 $0xFFFFD800  }
0x1a9: {  	s6 =	sadd.s32 $0x55, s5;
	v2 =	vmov s24;
	v3 =	vld [tilespmem:s4+$0x0]  }
0x1aa: {  	v4 =	vmov s6;
	v2 =	vand.u32 $0xFFFFFFFC, v2;
	v5 =	vld.idx.msk [tilespmem:v1+s18+$0x0], $0xffff  }
0x1ab: {  	v1 =	vbroadcast v2, $0x0;
	v2 =	vand.u32 $0xFFFFFFFD, v4  }
0x1ac: {  	v2 =	vbroadcast v2, $0x0  }
0x1ad: {  	s25 =	sadd.s32 $0x57, s5  }
0x1ae: {  	v4 =	vmov s25;
	v6 =	vld [tilespmem:s4+$0xFFFFFF00];
	v7 =	vunpack.i.u.bf16.f32 v3  }
0x1af: {  	v8 =	vld [tilespmem:s4+$0xFFFFFF80];
	v7 =	vmul.f32 v7, v5  }
0x1b0: {  	v9 =	vld [tilespmem:s4+$0x80];
	v3 =	vunpack.i.l.bf16.f32 v3  }
0x1b1: {  	v12 =	vld.idx.msk [tilespmem:v1+s18+$0x0], $0xffff;
	v1 =	vadd.f32 v7, v3  }
0x1b2: {  	s14 =	simm.s32 $0x9900;
	v11 =	vld.idx.msk [tilespmem:v2+s18+$0x0], $0xffff  }
0x1b3: {  	v10 =	vld.idx.msk [tilespmem:v4+s18+$0x0], $0xffff;
	[tilespmem:s14+$0x0] =	vst v1  }
0x1b4: {  	v1 =	vld [tilespmem:s4+$0x10]  }
0x1b5: {  	v2 =	vunpack.i.u.bf16.f32 v6  }
0x1b6: {  	v3 =	vunpack.i.u.bf16.f32 v8;
	v2 =	vmul.f32 v2, v12  }
0x1b7: {  	v4 =	vunpack.i.l.bf16.f32 v6;
	v7 =	vunpack.i.u.bf16.f32 v9;
	v3 =	vmul.f32 v3, v11  }
0x1b8: {  	v6 =	vunpack.i.l.bf16.f32 v8;
	v2 =	vadd.f32 v2, v4;
	v4 =	vmul.f32 v7, v10  }
0x1b9: {  	v7 =	vunpack.i.l.bf16.f32 v9;
	v3 =	vadd.f32 v3, v6;
	v6 =	vunpack.i.u.bf16.f32 v1  }
0x1ba: {  	[tilespmem:s14+$0xFFFFFF00] =	vst v2;
	v4 =	vadd.f32 v4, v7;
	v2 =	vmul.f32 v6, v5  }
0x1bb: {  	[tilespmem:s14+$0xFFFFFF80] =	vst v3;
	v1 =	vunpack.i.l.bf16.f32 v1;
	v6 =	vld [tilespmem:s4+$0xFFFFFF10]  }
0x1bc: {  	v3 =	vld [tilespmem:s4+$0xFFFFFF90];
	[tilespmem:s14+$0x80] =	vst v4;
	v1 =	vadd.f32 v2, v1  }
0x1bd: {  	v2 =	vld [tilespmem:s4+$0x90]  }
0x1be: {  	[tilespmem:s14+$0x10] =	vst v1  }
0x1bf: {  	v1 =	vld [tilespmem:s4+$0x20]  }
0x1c0: {  	v4 =	vunpack.i.u.bf16.f32 v6  }
0x1c1: {  	v7 =	vunpack.i.u.bf16.f32 v3;
	v4 =	vmul.f32 v4, v12  }
0x1c2: {  	v6 =	vunpack.i.l.bf16.f32 v6;
	v7 =	vmul.f32 v7, v11;
	v8 =	vunpack.i.u.bf16.f32 v2  }
0x1c3: {  	v3 =	vunpack.i.l.bf16.f32 v3;
	v4 =	vadd.f32 v4, v6;
	v6 =	vmul.f32 v8, v10  }
0x1c4: {  	v2 =	vunpack.i.l.bf16.f32 v2;
	v3 =	vadd.f32 v7, v3;
	v7 =	vunpack.i.u.bf16.f32 v1  }
0x1c5: {  	[tilespmem:s14+$0xFFFFFF10] =	vst v4;
	v2 =	vadd.f32 v6, v2;
	v4 =	vmul.f32 v7, v5  }
0x1c6: {  	[tilespmem:s14+$0xFFFFFF90] =	vst v3;
	v1 =	vunpack.i.l.bf16.f32 v1;
	v6 =	vld [tilespmem:s4+$0xFFFFFF20]  }
0x1c7: {  	v3 =	vld [tilespmem:s4+$0xFFFFFFA0];
	[tilespmem:s14+$0x90] =	vst v2;
	v1 =	vadd.f32 v4, v1  }
0x1c8: {  	v2 =	vld [tilespmem:s4+$0xA0]  }
0x1c9: {  	[tilespmem:s14+$0x20] =	vst v1  }
0x1ca: {  	v1 =	vld [tilespmem:s4+$0x30]  }
0x1cb: {  	v4 =	vunpack.i.u.bf16.f32 v6  }
0x1cc: {  	s30 =	sadd.s32 $0x0, s11;
	v7 =	vunpack.i.u.bf16.f32 v3;
	v6 =	vunpack.i.l.bf16.f32 v6;
	v4 =	vmul.f32 v4, v12  }
0x1cd: {  	s6 =	sadd.s32 $0x56, s30;
	v3 =	vunpack.i.l.bf16.f32 v3;
	v7 =	vmul.f32 v7, v11;
	v8 =	vunpack.i.u.bf16.f32 v2  }
0x1ce: {  	v4 =	vadd.f32 v4, v6;
	v6 =	vmul.f32 v8, v10;
	v8 =	vmov s6  }
0x1cf: {  	v3 =	vadd.f32 v7, v3;
	v7 =	vand.u32 $0xFFFFFFFE, v8;
	v9 =	vunpack.i.u.bf16.f32 v1  }
0x1d0: {  	v2 =	vunpack.i.l.bf16.f32 v2;
	[tilespmem:s14+$0xFFFFFF20] =	vst v4;
	v4 =	vbroadcast v7, $0x0;
	v8 =	vmul.f32 v9, v5  }
0x1d1: {  	v2 =	vadd.f32 v6, v2;
	v1 =	vunpack.i.l.bf16.f32 v1  }
0x1d2: {  	s7 =	sadd.s32 $0x54, s30;
	[tilespmem:s14+$0xFFFFFFA0] =	vst v3;
	v6 =	vld [tilespmem:s4+$0xFFFFFF30];
	v1 =	vadd.f32 v8, v1  }
0x1d3: {  	s8 =	sadd.s32 $0x55, s30;
	s24 =	simm.s32 $0x4B00;
	v3 =	vld [tilespmem:s4+$0xFFFFFFB0];
	[tilespmem:s14+$0xA0] =	vst v2;
	v2 =	vmov s7  }
0x1d4: {  	v9 =	vld [tilespmem:s24+$0x0];
	[tilespmem:s14+$0x30] =	vst v1;
	v1 =	vand.u32 $0xFFFFFFFC, v2;
	v2 =	vmov s8  }
0x1d5: {  	v8 =	vld [tilespmem:s4+$0x40];
	v1 =	vbroadcast v1, $0x0;
	v2 =	vand.u32 $0xFFFFFFFD, v2  }
0x1d6: {  	v4 =	vld.idx.msk [tilespmem:v4+s18+$0x0], $0xffff;
	v2 =	vbroadcast v2, $0x0  }
0x1d7: {  	s1 =	sadd.s32 $0x57, s30;
	v7 =	vld [tilespmem:s4+$0xB0]  }
0x1d8: {  	v13 =	vmov s1;
	v16 =	vld [tilespmem:s24+$0xFFFFFF00];
	v14 =	vunpack.i.u.bf16.f32 v6;
	v15 =	vunpack.i.u.bf16.f32 v3  }
0x1d9: {  	v18 =	vld [tilespmem:s24+$0xFFFFFF80];
	v6 =	vunpack.i.l.bf16.f32 v6;
	v19 =	vunpack.i.l.bf16.f32 v3;
	v14 =	vmul.f32 v14, v12  }
0x1da: {  	v20 =	vld [tilespmem:s24+$0x80];
	v21 =	vunpack.i.u.bf16.f32 v9;
	v9 =	vunpack.i.l.bf16.f32 v9;
	v15 =	vmul.f32 v15, v11  }
0x1db: {  	v6 =	vadd.f32 v14, v6;
	v14 =	vunpack.i.u.bf16.f32 v8;
	v21 =	vmul.f32 v21, v4;
	v3 =	vld.idx.msk [tilespmem:v1+s18+$0x0], $0xffff  }
0x1dc: {  	v17 =	vunpack.i.u.bf16.f32 v7;
	v15 =	vadd.f32 v15, v19;
	v14 =	vmul.f32 v14, v5;
	v1 =	vld.idx.msk [tilespmem:v2+s18+$0x0], $0xffff  }
0x1dd: {  	v17 =	vmul.f32 v17, v10;
	[tilespmem:s14+$0xFFFFFF30] =	vst v6;
	v6 =	vunpack.i.l.bf16.f32 v8;
	v2 =	vld.idx.msk [tilespmem:v13+s18+$0x0], $0xffff;
	v8 =	vadd.f32 v21, v9  }
0x1de: {  	s1 =	simm.s32 $0x9B00;
	v7 =	vunpack.i.l.bf16.f32 v7;
	[tilespmem:s14+$0xFFFFFFB0] =	vst v15;
	v9 =	vld [tilespmem:s4+$0xFFFFFF40];
	v6 =	vadd.f32 v14, v6  }
0x1df: {  	v7 =	vadd.f32 v17, v7;
	v13 =	vunpack.i.u.bf16.f32 v16;
	v14 =	vld [tilespmem:s4+$0xFFFFFFC0];
	[tilespmem:s1+$0x0] =	vst v8  }
0x1e0: {  	v8 =	vunpack.i.u.bf16.f32 v18;
	[tilespmem:s14+$0x40] =	vst v6;
	v6 =	vmul.f32 v13, v3;
	v13 =	vld [tilespmem:s24+$0x10]  }
0x1e1: {  	v15 =	vunpack.i.u.bf16.f32 v20;
	[tilespmem:s14+$0xB0] =	vst v7;
	v7 =	vunpack.i.l.bf16.f32 v16;
	v16 =	vld [tilespmem:s4+$0x50];
	v8 =	vmul.f32 v8, v1  }
0x1e2: {  	v17 =	vunpack.i.l.bf16.f32 v18;
	v6 =	vadd.f32 v6, v7;
	v7 =	vmul.f32 v15, v2  }
0x1e3: {  	v15 =	vunpack.i.l.bf16.f32 v20;
	v8 =	vadd.f32 v8, v17  }
0x1e4: {  	v18 =	vld [tilespmem:s4+$0xC0];
	v17 =	vunpack.i.u.bf16.f32 v9;
	[tilespmem:s1+$0xFFFFFF00] =	vst v6;
	v6 =	vadd.f32 v7, v15  }
0x1e5: {  	v19 =	vunpack.i.u.bf16.f32 v14;
	v7 =	vmul.f32 v17, v12;
	[tilespmem:s1+$0xFFFFFF80] =	vst v8;
	v8 =	vunpack.i.u.bf16.f32 v13  }
0x1e6: {  	v15 =	vmul.f32 v19, v11;
	v17 =	vld [tilespmem:s24+$0xFFFFFF10];
	v19 =	vunpack.i.u.bf16.f32 v16;
	[tilespmem:s1+$0x80] =	vst v6;
	v6 =	vmul.f32 v8, v4  }
0x1e7: {  	v13 =	vunpack.i.l.bf16.f32 v13;
	v20 =	vld [tilespmem:s24+$0xFFFFFF90];
	v8 =	vmul.f32 v19, v5  }
0x1e8: {  	v16 =	vunpack.i.l.bf16.f32 v16;
	v21 =	vld [tilespmem:s24+$0x90];
	v6 =	vadd.f32 v6, v13  }
0x1e9: {  	v9 =	vunpack.i.l.bf16.f32 v9;
	v19 =	vunpack.i.u.bf16.f32 v18;
	v8 =	vadd.f32 v8, v16  }
0x1ea: {  	v7 =	vadd.f32 v7, v9;
	v19 =	vmul.f32 v19, v10;
	v13 =	vunpack.i.l.bf16.f32 v14;
	[tilespmem:s1+$0x10] =	vst v6  }
0x1eb: {  	v9 =	vunpack.i.l.bf16.f32 v18;
	v13 =	vadd.f32 v15, v13;
	v14 =	vunpack.i.u.bf16.f32 v17;
	[tilespmem:s14+$0x50] =	vst v8;
	v15 =	vld [tilespmem:s24+$0x20]  }
0x1ec: {  	[tilespmem:s14+$0xFFFFFF40] =	vst v7;
	v9 =	vadd.f32 v19, v9;
	v8 =	vmul.f32 v14, v3;
	v14 =	vunpack.i.u.bf16.f32 v20;
	v7 =	vld [tilespmem:s4+$0x60]  }
0x1ed: {  	v6 =	vunpack.i.l.bf16.f32 v17;
	v14 =	vmul.f32 v14, v1;
	v16 =	vunpack.i.u.bf16.f32 v21  }
0x1ee: {  	v18 =	vld [tilespmem:s4+$0xFFFFFF50];
	v17 =	vunpack.i.l.bf16.f32 v20;
	[tilespmem:s14+$0xFFFFFFC0] =	vst v13;
	v6 =	vadd.f32 v8, v6;
	v8 =	vmul.f32 v16, v2  }
0x1ef: {  	[tilespmem:s14+$0xC0] =	vst v9;
	v13 =	vunpack.i.l.bf16.f32 v21;
	v16 =	vld [tilespmem:s4+$0xFFFFFFD0];
	v9 =	vadd.f32 v14, v17  }
0x1f0: {  	v14 =	vld [tilespmem:s4+$0xD0];
	[tilespmem:s1+$0xFFFFFF10] =	vst v6;
	v6 =	vadd.f32 v8, v13  }
0x1f1: {  	v8 =	vld [tilespmem:s24+$0xFFFFFF20];
	[tilespmem:s1+$0xFFFFFF90] =	vst v9;
	v9 =	vunpack.i.u.bf16.f32 v15;
	v13 =	vunpack.i.u.bf16.f32 v7  }
0x1f2: {  	v15 =	vunpack.i.l.bf16.f32 v15;
	v7 =	vunpack.i.l.bf16.f32 v7;
	v17 =	vld [tilespmem:s24+$0xFFFFFFA0];
	[tilespmem:s1+$0x90] =	vst v6;
	v6 =	vmul.f32 v9, v4  }
0x1f3: {  	v9 =	vunpack.i.u.bf16.f32 v18;
	v13 =	vmul.f32 v13, v5;
	v18 =	vunpack.i.l.bf16.f32 v18;
	v19 =	vld [tilespmem:s24+$0xA0]  }
0x1f4: {  	v9 =	vmul.f32 v9, v12;
	v6 =	vadd.f32 v6, v15;
	v15 =	vunpack.i.u.bf16.f32 v16  }
0x1f5: {  	v7 =	vadd.f32 v13, v7;
	v13 =	vmul.f32 v15, v11;
	v15 =	vunpack.i.u.bf16.f32 v14  }
0x1f6: {  	v9 =	vadd.f32 v9, v18;
	v20 =	vunpack.i.u.bf16.f32 v8;
	[tilespmem:s1+$0x20] =	vst v6;
	v6 =	vunpack.i.l.bf16.f32 v16  }
0x1f7: {  	[tilespmem:s14+$0x60] =	vst v7;
	v8 =	vunpack.i.l.bf16.f32 v8;
	v7 =	vmul.f32 v20, v3;
	v16 =	vunpack.i.u.bf16.f32 v17;
	v20 =	vld [tilespmem:s24+$0x30]  }
0x1f8: {  	v6 =	vadd.f32 v13, v6;
	v16 =	vmul.f32 v16, v1;
	v22 =	vunpack.i.u.bf16.f32 v19  }
0x1f9: {  	v21 =	vld [tilespmem:s4+$0x70];
	v17 =	vunpack.i.l.bf16.f32 v17;
	[tilespmem:s14+$0xFFFFFF50] =	vst v9;
	v7 =	vadd.f32 v7, v8;
	v8 =	vmul.f32 v22, v2  }
0x1fa: {  	s17 =	sadd.s32 $0x4, s11;
	v15 =	vmul.f32 v15, v10;
	v19 =	vunpack.i.l.bf16.f32 v19;
	[tilespmem:s14+$0xFFFFFFD0] =	vst v6;
	v16 =	vadd.f32 v16, v17  }
0x1fb: {  	s25 =	sadd.s32 $0x56, s17;
	v14 =	vunpack.i.l.bf16.f32 v14;
	[tilespmem:s1+$0xFFFFFF20] =	vst v7;
	v7 =	vadd.f32 v8, v19  }
0x1fc: {  	v13 =	vmov s25;
	v14 =	vadd.f32 v15, v14;
	v8 =	vld [tilespmem:s24+$0xFFFFFF30];
	[tilespmem:s1+$0xFFFFFFA0] =	vst v16;
	v16 =	vunpack.i.u.bf16.f32 v20  }
0x1fd: {  	s5 =	sadd.s32 $0x57, s17;
	s30 =	sadd.s32 $0x54, s17;
	v9 =	vunpack.i.l.bf16.f32 v20;
	v20 =	vld [tilespmem:s4+$0xFFFFFFE0];
	[tilespmem:s1+$0xA0] =	vst v7;
	v7 =	vand.u32 $0xFFFFFFFE, v13;
	v13 =	vmul.f32 v16, v4  }
0x1fe: {  	v15 =	vmov s30;
	[tilespmem:s14+$0xD0] =	vst v14;
	v14 =	vmov s5;
	v17 =	vunpack.i.u.bf16.f32 v21;
	v18 =	vld [tilespmem:s24+$0xFFFFFFB0]  }
0x1ff: {  	s7 =	sadd.s32 $0x55, s17;
	v5 =	vmul.f32 v17, v5;
	v16 =	vld [tilespmem:s24+$0xB0];
	v7 =	vbroadcast v7, $0x0;
	v6 =	vadd.f32 v13, v9  }
0x200: {  	v19 =	vmov s7;
	v17 =	vld [tilespmem:s4+$0xFFFFFF60];
	v9 =	vunpack.i.l.bf16.f32 v21;
	v13 =	vand.u32 $0xFFFFFFFC, v15  }
0x201: {  	v15 =	vadd.f32 v5, v9;
	v5 =	vbroadcast v13, $0x0;
	v9 =	vand.u32 $0xFFFFFFFD, v19;
	v13 =	vld [tilespmem:s4+$0xE0];
	[tilespmem:s1+$0x30] =	vst v6  }
0x202: {  	s31 =	simm.s32 $0x4D00;
	v6 =	vbroadcast v9, $0x0;
	v9 =	vunpack.i.u.bf16.f32 v8;
	v8 =	vunpack.i.l.bf16.f32 v8;
	v19 =	vld [tilespmem:s24+$0x40]  }
0x203: {  	v23 =	vld [tilespmem:s31+$0x0];
	v24 =	vunpack.i.u.bf16.f32 v20;
	v21 =	vunpack.i.u.bf16.f32 v18;
	v9 =	vmul.f32 v9, v3  }
0x204: {  	v25 =	vld [tilespmem:s31+$0x80];
	v18 =	vunpack.i.l.bf16.f32 v18;
	v22 =	vunpack.i.u.bf16.f32 v16;
	v21 =	vmul.f32 v21, v1  }
0x205: {  	v24 =	vmul.f32 v24, v11;
	v22 =	vmul.f32 v22, v2;
	v7 =	vld.idx.msk [tilespmem:v7+s18+$0x0], $0xffff;
	v8 =	vadd.f32 v9, v8  }
0x206: {  	v9 =	vunpack.i.l.bf16.f32 v16;
	v16 =	vld [tilespmem:s31+$0xFFFFFF00];
	v18 =	vadd.f32 v21, v18;
	v21 =	vunpack.i.u.bf16.f32 v17  }
0x207: {  	v27 =	vunpack.i.u.bf16.f32 v13;
	v9 =	vadd.f32 v22, v9;
	v22 =	vld [tilespmem:s31+$0xFFFFFF80];
	v26 =	vunpack.i.u.bf16.f32 v19  }
0x208: {  	v17 =	vunpack.i.l.bf16.f32 v17;
	v21 =	vmul.f32 v21, v12;
	v5 =	vld.idx.msk [tilespmem:v5+s18+$0x0], $0xffff;
	v26 =	vmul.f32 v26, v4  }
0x209: {  	[tilespmem:s1+$0xFFFFFF30] =	vst v8;
	v8 =	vunpack.i.u.bf16.f32 v23;
	v27 =	vmul.f32 v27, v10;
	v6 =	vld.idx.msk [tilespmem:v6+s18+$0x0], $0xffff;
	v19 =	vunpack.i.l.bf16.f32 v19  }
0x20a: {  	v13 =	vunpack.i.l.bf16.f32 v13;
	[tilespmem:s1+$0xFFFFFFB0] =	vst v18;
	v28 =	vmul.f32 v8, v7;
	v8 =	vld.idx.msk [tilespmem:v14+s18+$0x0], $0xffff;
	v14 =	vadd.f32 v26, v19  }
0x20b: {  	v18 =	vunpack.i.l.bf16.f32 v20;
	v20 =	vld [tilespmem:s24+$0xFFFFFF40];
	v17 =	vadd.f32 v21, v17;
	[tilespmem:s1+$0xB0] =	vst v9;
	v19 =	vunpack.i.l.bf16.f32 v23  }
0x20c: {  	v21 =	vunpack.i.u.bf16.f32 v16;
	v9 =	vunpack.i.l.bf16.f32 v16;
	v23 =	vld [tilespmem:s24+$0xFFFFFFC0];
	v19 =	vadd.f32 v28, v19;
	[tilespmem:s1+$0x40] =	vst v14  }
0x20d: {  	s8 =	simm.s32 $0x9D00;
	v16 =	vunpack.i.l.bf16.f32 v22;
	v21 =	vmul.f32 v21, v5;
	v14 =	vunpack.i.u.bf16.f32 v22;
	v22 =	vld [tilespmem:s24+$0x50]  }
0x20e: {  	v18 =	vadd.f32 v24, v18;
	v24 =	vadd.f32 v27, v13;
	[tilespmem:s8+$0x0] =	vst v19;
	v19 =	vld [tilespmem:s24+$0xC0]  }
0x20f: {  	v26 =	vunpack.i.u.bf16.f32 v25;
	v13 =	vmul.f32 v14, v6;
	v9 =	vadd.f32 v21, v9;
	v27 =	vld [tilespmem:s31+$0x10]  }
0x210: {  	v25 =	vunpack.i.l.bf16.f32 v25;
	[tilespmem:s14+$0xFFFFFF60] =	vst v17;
	v21 =	vunpack.i.u.bf16.f32 v20;
	v14 =	vmul.f32 v26, v8  }
0x211: {  	v17 =	vmul.f32 v21, v3;
	v16 =	vadd.f32 v13, v16;
	v21 =	vunpack.i.u.bf16.f32 v23;
	[tilespmem:s8+$0xFFFFFF00] =	vst v9  }
0x212: {  	v23 =	vunpack.i.l.bf16.f32 v23;
	v9 =	vadd.f32 v14, v25;
	v25 =	vld [tilespmem:s31+$0xFFFFFF10];
	v14 =	vunpack.i.u.bf16.f32 v22  }
0x213: {  	v13 =	vld [tilespmem:s4+$0xFFFFFF70];
	v21 =	vmul.f32 v21, v1;
	[tilespmem:s8+$0xFFFFFF80] =	vst v16;
	v16 =	vunpack.i.l.bf16.f32 v20;
	v14 =	vmul.f32 v14, v4  }
0x214: {  	v20 =	vunpack.i.u.bf16.f32 v19;
	v26 =	vld [tilespmem:s31+$0xFFFFFF90];
	[tilespmem:s8+$0x80] =	vst v9;
	v9 =	vunpack.i.l.bf16.f32 v22;
	v61 =	vunpack.i.u.bf16.f32 v27  }
0x215: {  	[tilespmem:s14+$0xFFFFFFE0] =	vst v18;
	v16 =	vadd.f32 v17, v16;
	v22 =	vld [tilespmem:s31+$0x90];
	v18 =	vmul.f32 v61, v7;
	v62 =	vadd.f32 v14, v9  }
0x216: {  	[tilespmem:s14+$0xE0] =	vst v24;
	v17 =	vunpack.i.l.bf16.f32 v19;
	v20 =	vmul.f32 v20, v2;
	v24 =	vunpack.i.l.bf16.f32 v27;
	v14 =	vld [tilespmem:s4+$0xFFFFFFF0]  }
0x217: {  	v19 =	vadd.f32 v21, v23;
	v9 =	vld [tilespmem:s4+$0xF0];
	v23 =	vunpack.i.u.bf16.f32 v25;
	v18 =	vadd.f32 v18, v24;
	[tilespmem:s1+$0x50] =	vst v62  }
0x218: {  	v21 =	vunpack.i.u.bf16.f32 v13;
	[tilespmem:s1+$0xFFFFFF40] =	vst v16;
	v17 =	vadd.f32 v20, v17;
	v20 =	vmul.f32 v23, v5;
	v16 =	vld [tilespmem:s24+$0x60]  }
0x219: {  	v24 =	vunpack.i.l.bf16.f32 v25;
	v23 =	vunpack.i.u.bf16.f32 v26;
	v25 =	vunpack.i.l.bf16.f32 v26;
	[tilespmem:s8+$0x10] =	vst v18;
	v18 =	vld [tilespmem:s24+$0xFFFFFF50]  }
0x21a: {  	[tilespmem:s1+$0xFFFFFFC0] =	vst v19;
	v23 =	vmul.f32 v23, v6;
	v27 =	vunpack.i.u.bf16.f32 v22;
	v19 =	vadd.f32 v20, v24;
	v26 =	vld [tilespmem:s31+$0x20]  }
0x21b: {  	v12 =	vmul.f32 v21, v12;
	[tilespmem:s1+$0xC0] =	vst v17;
	v22 =	vunpack.i.l.bf16.f32 v22;
	v20 =	vmul.f32 v27, v8  }
0x21c: {  	v24 =	vld [tilespmem:s24+$0xFFFFFFD0];
	v17 =	vunpack.i.u.bf16.f32 v14;
	v23 =	vadd.f32 v23, v25;
	v27 =	vunpack.i.u.bf16.f32 v9;
	[tilespmem:s8+$0xFFFFFF10] =	vst v19  }
0x21d: {  	v19 =	vadd.f32 v20, v22;
	v11 =	vmul.f32 v17, v11;
	v21 =	vld [tilespmem:s31+$0xFFFFFF20];
	v20 =	vunpack.i.u.bf16.f32 v16  }
0x21e: {  	v25 =	vld [tilespmem:s24+$0xD0];
	v10 =	vmul.f32 v27, v10;
	[tilespmem:s8+$0xFFFFFF90] =	vst v23;
	v17 =	vunpack.i.u.bf16.f32 v18;
	v20 =	vmul.f32 v20, v4  }
0x21f: {  	v18 =	vunpack.i.l.bf16.f32 v18;
	v22 =	vld [tilespmem:s31+$0xFFFFFFA0];
	[tilespmem:s8+$0x90] =	vst v19;
	v16 =	vunpack.i.l.bf16.f32 v16;
	v23 =	vunpack.i.u.bf16.f32 v26  }
0x220: {  	v63 =	vmul.f32 v17, v3;
	v17 =	vmul.f32 v23, v7;
	v23 =	vld [tilespmem:s31+$0xA0];
	v16 =	vadd.f32 v20, v16  }
0x221: {  	v19 =	vunpack.i.u.bf16.f32 v24;
	v29 =	vunpack.i.l.bf16.f32 v24;
	v20 =	vunpack.i.l.bf16.f32 v26  }
0x222: {  	v26 =	vmul.f32 v19, v1;
	v24 =	vunpack.i.u.bf16.f32 v21;
	v20 =	vadd.f32 v17, v20;
	[tilespmem:s1+$0x60] =	vst v16  }
0x223: {  	v19 =	vunpack.i.u.bf16.f32 v25;
	v21 =	vunpack.i.l.bf16.f32 v21;
	v24 =	vmul.f32 v24, v5;
	v16 =	vld [tilespmem:s24+$0x70]  }
0x224: {  	v17 =	vmul.f32 v19, v2;
	v19 =	vunpack.i.l.bf16.f32 v25;
	v25 =	vunpack.i.u.bf16.f32 v22;
	[tilespmem:s8+$0x20] =	vst v20  }
0x225: {  	v31 =	vmul.f32 v25, v6;
	v24 =	vadd.f32 v24, v21;
	v25 =	vunpack.i.u.bf16.f32 v23;
	v21 =	vld [tilespmem:s31+$0x30]  }
0x226: {  	v30 =	vunpack.i.l.bf16.f32 v22;
	v20 =	vadd.f32 v63, v18;
	v25 =	vmul.f32 v25, v8  }
0x227: {  	s17 =	simm.s32 $0x8;
	s25 =	simm.s32 $0x9D00;
	[tilespmem:s14+$0x70] =	vst v15;
	s4 =	simm.s32 $0x4D00;
	v18 =	vadd.f32 v26, v29;
	v22 =	vunpack.i.l.bf16.f32 v23;
	v23 =	vadd.f32 v31, v30  }
.LBB2_10:
0x228: {  	s5 =	sadd.s32 s17, s11;
	s17 =	sadd.s32 $0x4, s17;
	[tilespmem:s8+$0xFFFFFF20] =	vst v24;
	v22 =	vadd.f32 v25, v22;
	v24 =	vunpack.i.u.bf16.f32 v16;
	v17 =	vadd.f32 v17, v19;
	v15 =	vmovc v8  }
0x229: {  	v13 =	vunpack.i.l.bf16.f32 v13;
	v14 =	vunpack.i.l.bf16.f32 v14;
	s6 =	sadd.s32 $0x54, s5;
	s7 =	sadd.s32 $0x56, s5;
	p1 =	slt.u32 s17, $0x4C;
	v8 =	vld [tilespmem:s31+$0xFFFFFF30];
	[tilespmem:s8+$0xFFFFFFA0] =	vst v23;
	v19 =	vmul.f32 v24, v4;
	v4 =	vmovc v7  }
0x22a: {  	v16 =	vunpack.i.l.bf16.f32 v16;
	s30 =	sadd.s32 $0x55, s5;
	s5 =	sadd.s32 $0x57, s5;
	v7 =	vmov s7;
	v23 =	vld [tilespmem:s31+$0xFFFFFFB0];
	v24 =	vunpack.i.u.bf16.f32 v21;
	[tilespmem:s8+$0xA0] =	vst v22  }
0x22b: {  	v7 =	vand.u32 $0xFFFFFFFE, v7;
	v22 =	vmul.f32 v24, v4;
	v24 =	vld [tilespmem:s31+$0xB0];
	[tilespmem:s1+$0xFFFFFF50] =	vst v20;
	v16 =	vadd.f32 v19, v16  }
0x22c: {  	v19 =	vmov s6;
	v20 =	vunpack.i.l.bf16.f32 v21;
	v7 =	vbroadcast v7, $0x0;
	v21 =	vld [tilespmem:s24+$0xFFFFFF60];
	[tilespmem:s1+$0xFFFFFFD0] =	vst v18  }
0x22d: {  	v18 =	vand.u32 $0xFFFFFFFC, v19;
	v19 =	vmov s30;
	v20 =	vadd.f32 v22, v20;
	v22 =	vld [tilespmem:s24+$0xFFFFFFE0];
	[tilespmem:s1+$0x70] =	vst v16  }
0x22e: {  	v16 =	vbroadcast v18, $0x0;
	v18 =	vand.u32 $0xFFFFFFFD, v19;
	v19 =	vmov s5;
	[tilespmem:s1+$0xD0] =	vst v17  }
0x22f: {  	v17 =	vbroadcast v18, $0x0;
	v18 =	vunpack.i.u.bf16.f32 v8;
	v25 =	vunpack.i.u.bf16.f32 v23;
	[tilespmem:s8+$0x30] =	vst v20;
	v20 =	vld [tilespmem:s24+$0xE0]  }
0x230: {  	s31 =	sadd.s32 $0x200, s31;
	v18 =	vmul.f32 v18, v5;
	v25 =	vmul.f32 v25, v6;
	v26 =	vld [tilespmem:s4+$0x40];
	v27 =	vunpack.i.u.bf16.f32 v24  }
0x231: {  	v8 =	vunpack.i.l.bf16.f32 v8;
	v23 =	vunpack.i.l.bf16.f32 v23;
	v28 =	vld [tilespmem:s31+$0x0];
	v27 =	vmul.f32 v27, v15  }
0x232: {  	v8 =	vadd.f32 v18, v8;
	v7 =	vld.idx.msk [tilespmem:v7+s18+$0x0], $0xffff;
	v18 =	vadd.f32 v25, v23;
	v23 =	vunpack.i.l.bf16.f32 v24  }
0x233: {  	v25 =	vunpack.i.u.bf16.f32 v21;
	v24 =	vld [tilespmem:s31+$0xFFFFFF00];
	v23 =	vadd.f32 v27, v23;
	v27 =	vunpack.i.u.bf16.f32 v22  }
0x234: {  	v29 =	vld [tilespmem:s31+$0xFFFFFF80];
	[tilespmem:s8+$0xFFFFFF30] =	vst v8;
	v8 =	vmul.f32 v25, v3;
	v25 =	vmul.f32 v27, v1;
	v27 =	vunpack.i.u.bf16.f32 v20  }
0x235: {  	v21 =	vunpack.i.l.bf16.f32 v21;
	v30 =	vld [tilespmem:s31+$0x80];
	[tilespmem:s8+$0xFFFFFFB0] =	vst v18;
	v18 =	vunpack.i.u.bf16.f32 v26;
	v27 =	vmul.f32 v27, v2  }
0x236: {  	v22 =	vunpack.i.l.bf16.f32 v22;
	v20 =	vunpack.i.l.bf16.f32 v20;
	v31 =	vld.idx.msk [tilespmem:v16+s18+$0x0], $0xffff;
	v18 =	vmul.f32 v18, v4;
	[tilespmem:s8+$0xB0] =	vst v23  }
0x237: {  	v23 =	vunpack.i.l.bf16.f32 v26;
	v21 =	vadd.f32 v8, v21;
	v16 =	vld.idx.msk [tilespmem:v17+s18+$0x0], $0xffff;
	v17 =	vunpack.i.u.bf16.f32 v28  }
0x238: {  	v26 =	vunpack.i.u.bf16.f32 v24;
	v17 =	vmul.f32 v17, v7;
	v8 =	vld.idx.msk [tilespmem:v19+s18+$0x0], $0xffff;
	v18 =	vadd.f32 v18, v23  }
0x239: {  	v19 =	vunpack.i.l.bf16.f32 v24;
	v24 =	vunpack.i.l.bf16.f32 v28;
	v23 =	vunpack.i.u.bf16.f32 v29;
	v28 =	vld [tilespmem:s4+$0xFFFFFF40];
	[tilespmem:s1+$0xFFFFFF60] =	vst v21  }
0x23a: {  	v21 =	vunpack.i.l.bf16.f32 v29;
	v17 =	vadd.f32 v17, v24;
	v24 =	vunpack.i.u.bf16.f32 v30;
	v29 =	vld [tilespmem:s4+$0xFFFFFFC0];
	[tilespmem:s8+$0x40] =	vst v18  }
0x23b: {  	v22 =	vadd.f32 v25, v22;
	v20 =	vadd.f32 v27, v20;
	v18 =	vunpack.i.l.bf16.f32 v30;
	s8 =	sadd.s32 $0x200, s8;
	v30 =	vld [tilespmem:s4+$0x50]  }
0x23c: {  	v9 =	vunpack.i.l.bf16.f32 v9;
	v12 =	vadd.f32 v12, v13;
	v25 =	vmul.f32 v26, v31;
	[tilespmem:s8+$0x0] =	vst v17;
	v17 =	vld [tilespmem:s4+$0xC0]  }
0x23d: {  	v11 =	vadd.f32 v11, v14;
	v10 =	vadd.f32 v10, v9;
	v23 =	vmul.f32 v23, v16;
	v26 =	vld [tilespmem:s31+$0x10];
	[tilespmem:s1+$0xFFFFFFE0] =	vst v22  }
0x23e: {  	v9 =	vadd.f32 v25, v19;
	v19 =	vmul.f32 v24, v8;
	v14 =	vunpack.i.u.bf16.f32 v28;
	v13 =	vld [tilespmem:s24+$0xFFFFFF70];
	[tilespmem:s1+$0xE0] =	vst v20  }
0x23f: {  	v20 =	vadd.f32 v23, v21;
	v21 =	vmul.f32 v14, v5;
	v22 =	vunpack.i.u.bf16.f32 v29;
	v14 =	vld [tilespmem:s24+$0xFFFFFFF0];
	[tilespmem:s14+$0xFFFFFF70] =	vst v12  }
0x240: {  	v12 =	vadd.f32 v19, v18;
	[tilespmem:s8+$0xFFFFFF00] =	vst v9;
	v18 =	vmul.f32 v22, v6;
	v19 =	vunpack.i.u.bf16.f32 v30;
	v9 =	vld [tilespmem:s24+$0xF0];
	s24 =	smov.u32 s4;
	s4 =	smov.u32 s31  }
0x241: {  	v22 =	vld [tilespmem:s31+$0xFFFFFF10];
	[tilespmem:s8+$0xFFFFFF80] =	vst v20;
	v20 =	vunpack.i.l.bf16.f32 v28;
	v19 =	vmul.f32 v19, v4;
	v23 =	vunpack.i.u.bf16.f32 v17  }
0x242: {  	v24 =	vld [tilespmem:s31+$0xFFFFFF90];
	v25 =	vunpack.i.u.bf16.f32 v26;
	[tilespmem:s8+$0x80] =	vst v12;
	v12 =	vunpack.i.l.bf16.f32 v30;
	v23 =	vmul.f32 v23, v15  }
0x243: {  	v28 =	vunpack.i.l.bf16.f32 v29;
	v25 =	vmul.f32 v25, v7;
	v27 =	vld [tilespmem:s31+$0x90];
	v12 =	vadd.f32 v19, v12;
	[tilespmem:s14+$0xFFFFFFF0] =	vst v11  }
0x244: {  	v17 =	vunpack.i.l.bf16.f32 v17;
	v11 =	vunpack.i.l.bf16.f32 v26;
	v19 =	vadd.f32 v21, v20;
	[tilespmem:s14+$0xF0] =	vst v10;
	s14 =	smov.u32 s1;
	s1 =	smov.u32 s25;
	s25 =	smov.u32 s8  }
0x245: {  	v10 =	vadd.f32 v25, v11;
	v11 =	vadd.f32 v18, v28;
	[tilespmem:s1+$0x50] =	vst v12;
	v12 =	vunpack.i.u.bf16.f32 v13  }
0x246: {  	v17 =	vadd.f32 v23, v17;
	v18 =	vunpack.i.u.bf16.f32 v22;
	v20 =	vunpack.i.l.bf16.f32 v22;
	[tilespmem:s1+$0xFFFFFF40] =	vst v19;
	v19 =	vld [tilespmem:s24+$0x60]  }
0x247: {  	v18 =	vmul.f32 v18, v31;
	v21 =	vunpack.i.u.bf16.f32 v24;
	v22 =	vunpack.i.l.bf16.f32 v24;
	[tilespmem:s8+$0x10] =	vst v10;
	v10 =	vld [tilespmem:s24+$0xFFFFFF50]  }
0x248: {  	v21 =	vmul.f32 v21, v16;
	v23 =	vld [tilespmem:s31+$0x20];
	v24 =	vunpack.i.u.bf16.f32 v27;
	v25 =	vunpack.i.l.bf16.f32 v27;
	[tilespmem:s1+$0xFFFFFFC0] =	vst v11  }
0x249: {  	v11 =	vadd.f32 v18, v20;
	v18 =	vmul.f32 v24, v8;
	v20 =	vld [tilespmem:s24+$0xFFFFFFD0];
	[tilespmem:s1+$0xC0] =	vst v17;
	v17 =	vunpack.i.u.bf16.f32 v14  }
0x24a: {  	v26 =	vunpack.i.u.bf16.f32 v9;
	v12 =	vmul.f32 v12, v3;
	v3 =	vmovc v5;
	v5 =	vmovc v31;
	v21 =	vadd.f32 v21, v22;
	v22 =	vld [tilespmem:s24+$0xD0]  }
0x24b: {  	[tilespmem:s8+$0xFFFFFF10] =	vst v11;
	v18 =	vadd.f32 v18, v25;
	v24 =	vunpack.i.u.bf16.f32 v19;
	v11 =	vmul.f32 v17, v1;
	v1 =	vmovc v6  }
0x24c: {  	v6 =	vmovc v16;
	v25 =	vld [tilespmem:s31+$0xFFFFFF20];
	[tilespmem:s8+$0xFFFFFF90] =	vst v21;
	v17 =	vunpack.i.u.bf16.f32 v10;
	v10 =	vunpack.i.l.bf16.f32 v10;
	v21 =	vmul.f32 v24, v4  }
0x24d: {  	v24 =	vld [tilespmem:s31+$0xFFFFFFA0];
	v16 =	vunpack.i.u.bf16.f32 v23;
	[tilespmem:s8+$0x90] =	vst v18;
	v18 =	vmul.f32 v17, v3;
	v17 =	vunpack.i.l.bf16.f32 v19  }
0x24e: {  	v16 =	vmul.f32 v16, v7;
	v27 =	vld [tilespmem:s31+$0xA0];
	v19 =	vunpack.i.u.bf16.f32 v20;
	v17 =	vadd.f32 v21, v17  }
0x24f: {  	v21 =	vunpack.i.l.bf16.f32 v23;
	v28 =	vmul.f32 v19, v1;
	v19 =	vunpack.i.u.bf16.f32 v22  }
0x250: {  	v29 =	vunpack.i.l.bf16.f32 v20;
	v21 =	vadd.f32 v16, v21;
	[tilespmem:s1+$0x60] =	vst v17;
	v17 =	vmul.f32 v19, v15  }
.Ltmp3:
0x251: {  	v19 =	vunpack.i.l.bf16.f32 v22;
	v20 =	vunpack.i.u.bf16.f32 v25;
	v23 =	vunpack.i.l.bf16.f32 v25;
	v16 =	vld [tilespmem:s24+$0x70];
	(pc) =	sbr.rel @p1 .LBB2_10-.Ltmp3, $4  }
0x252: {  	v20 =	vmul.f32 v20, v5;
	v22 =	vunpack.i.u.bf16.f32 v24;
	v30 =	vunpack.i.l.bf16.f32 v24;
	[tilespmem:s8+$0x20] =	vst v21  }
0x253: {  	v31 =	vmul.f32 v22, v6;
	v21 =	vld [tilespmem:s31+$0x30];
	v25 =	vunpack.i.u.bf16.f32 v27;
	v22 =	vunpack.i.l.bf16.f32 v27  }
0x254: {  	v24 =	vadd.f32 v20, v23;
	v25 =	vmul.f32 v25, v8;
	v20 =	vadd.f32 v18, v10  }
0x255: {  	v18 =	vadd.f32 v28, v29;
	v10 =	vmul.f32 v26, v2;
	v2 =	vmovc v15;
	v23 =	vadd.f32 v31, v30  }
0x256: {  	[tilespmem:s8+$0xFFFFFF20] =	vst v24;
	v15 =	vadd.f32 v25, v22  }
0x257: {  	v62 =	vld [tilespmem:s31+$0xFFFFFF30];
	[tilespmem:s8+$0xFFFFFFA0] =	vst v23  }
0x258: {  	v23 =	vld [tilespmem:s31+$0xFFFFFFB0];
	[tilespmem:s8+$0xA0] =	vst v15  }
0x259: {  	v63 =	vunpack.i.u.bf16.f32 v21;
	v29 =	vld [tilespmem:s31+$0xB0]  }
0x25a: {  	v28 =	vmul.f32 v63, v7  }
0x25b: {  	v30 =	vunpack.i.l.bf16.f32 v21  }
0x25c: {  	v15 =	vadd.f32 v28, v30;
	v31 =	vunpack.i.u.bf16.f32 v62  }
0x25d: {  	v21 =	vmul.f32 v31, v5;
	v32 =	vunpack.i.u.bf16.f32 v23  }
0x25e: {  	v33 =	vunpack.i.l.bf16.f32 v62;
	[tilespmem:s8+$0x30] =	vst v15;
	v34 =	vmul.f32 v32, v6;
	v36 =	vunpack.i.u.bf16.f32 v29  }
0x25f: {  	v23 =	vunpack.i.l.bf16.f32 v23;
	v35 =	vld [tilespmem:s4+$0x40];
	v15 =	vadd.f32 v21, v33;
	v21 =	vmul.f32 v36, v8  }
0x260: {  	v37 =	vunpack.i.l.bf16.f32 v29;
	v22 =	vadd.f32 v34, v23  }
0x261: {  	[tilespmem:s8+$0xFFFFFF30] =	vst v15;
	v38 =	vadd.f32 v21, v37  }
0x262: {  	v39 =	vld [tilespmem:s4+$0xFFFFFF40];
	[tilespmem:s8+$0xFFFFFFB0] =	vst v22  }
0x263: {  	[tilespmem:s8+$0xB0] =	vst v38;
	v41 =	vld [tilespmem:s4+$0xFFFFFFC0]  }
0x264: {  	v40 =	vunpack.i.u.bf16.f32 v35;
	v42 =	vld [tilespmem:s4+$0xC0]  }
0x265: {  	v22 =	vmul.f32 v40, v7  }
0x266: {  	v43 =	vunpack.i.l.bf16.f32 v35  }
0x267: {  	v22 =	vadd.f32 v22, v43;
	v44 =	vunpack.i.u.bf16.f32 v39  }
0x268: {  	v24 =	vmul.f32 v44, v5;
	v45 =	vunpack.i.u.bf16.f32 v41  }
0x269: {  	v21 =	vunpack.i.l.bf16.f32 v39;
	[tilespmem:s8+$0x40] =	vst v22;
	v22 =	vmul.f32 v45, v6;
	v47 =	vunpack.i.u.bf16.f32 v42  }
0x26a: {  	v15 =	vunpack.i.l.bf16.f32 v41;
	v21 =	vadd.f32 v24, v21;
	v24 =	vmul.f32 v47, v8  }
0x26b: {  	v46 =	vld [tilespmem:s4+$0x50];
	v23 =	vunpack.i.l.bf16.f32 v42;
	v15 =	vadd.f32 v22, v15  }
0x26c: {  	[tilespmem:s25+$0xFFFFFF40] =	vst v21;
	v48 =	vadd.f32 v24, v23  }
0x26d: {  	v49 =	vld [tilespmem:s4+$0xFFFFFF50];
	[tilespmem:s25+$0xFFFFFFC0] =	vst v15  }
0x26e: {  	v51 =	vld [tilespmem:s4+$0xFFFFFFD0];
	[tilespmem:s25+$0xC0] =	vst v48  }
0x26f: {  	v21 =	vld [tilespmem:s4+$0xD0]  }
0x270: {  	v50 =	vunpack.i.u.bf16.f32 v46  }
0x271: {  	v17 =	vadd.f32 v17, v19;
	[tilespmem:s1+$0xFFFFFFD0] =	vst v18;
	v15 =	vmul.f32 v50, v7  }
0x272: {  	v54 =	vld [tilespmem:s24+$0xFFFFFFE0];
	v52 =	vunpack.i.l.bf16.f32 v46;
	v53 =	vunpack.i.u.bf16.f32 v49  }
0x273: {  	[tilespmem:s1+$0xD0] =	vst v17;
	v15 =	vadd.f32 v15, v52;
	v55 =	vmul.f32 v53, v5;
	v58 =	vunpack.i.u.bf16.f32 v51  }
0x274: {  	[tilespmem:s1+$0xFFFFFF50] =	vst v20;
	v56 =	vld [tilespmem:s24+$0xE0];
	v57 =	vunpack.i.l.bf16.f32 v49;
	v22 =	vmul.f32 v58, v6;
	v60 =	vunpack.i.u.bf16.f32 v21  }
0x275: {  	v20 =	vld [tilespmem:s24+$0xFFFFFF60];
	[tilespmem:s25+$0x50] =	vst v15;
	v23 =	vunpack.i.l.bf16.f32 v51;
	v15 =	vadd.f32 v55, v57;
	v25 =	vmul.f32 v60, v8  }
0x276: {  	v61 =	vunpack.i.u.bf16.f32 v16;
	v59 =	vld [tilespmem:s4+$0x60];
	v62 =	vunpack.i.l.bf16.f32 v21;
	v63 =	vadd.f32 v22, v23  }
0x277: {  	v13 =	vunpack.i.l.bf16.f32 v13;
	v27 =	vunpack.i.u.bf16.f32 v54;
	v17 =	vadd.f32 v25, v62;
	[tilespmem:s25+$0xFFFFFF50] =	vst v15  }
0x278: {  	v14 =	vunpack.i.l.bf16.f32 v14;
	v9 =	vunpack.i.l.bf16.f32 v9;
	v29 =	vmul.f32 v27, v1;
	v30 =	vld [tilespmem:s4+$0xFFFFFF60];
	[tilespmem:s25+$0xFFFFFFD0] =	vst v63  }
0x279: {  	v4 =	vmul.f32 v61, v4;
	v19 =	vunpack.i.l.bf16.f32 v54;
	v31 =	vunpack.i.u.bf16.f32 v56;
	[tilespmem:s25+$0xD0] =	vst v17;
	v33 =	vld [tilespmem:s4+$0xFFFFFFE0]  }
0x27a: {  	v26 =	vunpack.i.u.bf16.f32 v20;
	v19 =	vadd.f32 v29, v19;
	v21 =	vmul.f32 v31, v2;
	v35 =	vld [tilespmem:s4+$0xE0]  }
0x27b: {  	v28 =	vmul.f32 v26, v3;
	v18 =	vunpack.i.l.bf16.f32 v56;
	v32 =	vunpack.i.u.bf16.f32 v59  }
0x27c: {  	v20 =	vunpack.i.l.bf16.f32 v20;
	[tilespmem:s1+$0xFFFFFFE0] =	vst v19;
	v18 =	vadd.f32 v21, v18;
	v34 =	vmul.f32 v32, v7  }
0x27d: {  	v41 =	vld [tilespmem:s24+$0xFFFFFFF0];
	v15 =	vadd.f32 v28, v20;
	v36 =	vunpack.i.l.bf16.f32 v59;
	v39 =	vunpack.i.u.bf16.f32 v30  }
0x27e: {  	[tilespmem:s1+$0xE0] =	vst v18;
	v37 =	vadd.f32 v34, v36;
	v42 =	vunpack.i.u.bf16.f32 v33;
	v20 =	vmul.f32 v39, v5  }
0x27f: {  	[tilespmem:s1+$0xFFFFFF60] =	vst v15;
	v45 =	vld [tilespmem:s24+$0xF0];
	v23 =	vunpack.i.l.bf16.f32 v30;
	v15 =	vmul.f32 v42, v6;
	v44 =	vunpack.i.u.bf16.f32 v35  }
0x280: {  	v38 =	vld [tilespmem:s24+$0xFFFFFF70];
	[tilespmem:s25+$0x60] =	vst v37;
	v17 =	vunpack.i.l.bf16.f32 v33;
	v20 =	vadd.f32 v20, v23;
	v22 =	vmul.f32 v44, v8  }
0x281: {  	v12 =	vadd.f32 v12, v13;
	v43 =	vld [tilespmem:s4+$0x70];
	v46 =	vunpack.i.l.bf16.f32 v35;
	v15 =	vadd.f32 v15, v17  }
0x282: {  	v11 =	vadd.f32 v11, v14;
	v50 =	vunpack.i.u.bf16.f32 v41;
	[tilespmem:s25+$0xFFFFFF60] =	vst v20;
	v47 =	vadd.f32 v22, v46  }
0x283: {  	v9 =	vadd.f32 v10, v9;
	v40 =	vunpack.i.l.bf16.f32 v16;
	v1 =	vmul.f32 v50, v1;
	[tilespmem:s25+$0xFFFFFFE0] =	vst v15;
	v49 =	vld [tilespmem:s4+$0xFFFFFF70]  }
0x284: {  	v4 =	vadd.f32 v4, v40;
	v58 =	vunpack.i.l.bf16.f32 v41;
	v53 =	vunpack.i.u.bf16.f32 v45;
	[tilespmem:s25+$0xE0] =	vst v47;
	v52 =	vld [tilespmem:s4+$0xFFFFFFF0]  }
0x285: {  	[tilespmem:s14+$0xFFFFFF70] =	vst v12;
	v1 =	vadd.f32 v1, v58;
	v48 =	vunpack.i.u.bf16.f32 v38;
	v2 =	vmul.f32 v53, v2;
	v55 =	vld [tilespmem:s4+$0xF0]  }
0x286: {  	[tilespmem:s14+$0xFFFFFFF0] =	vst v11;
	v59 =	vunpack.i.l.bf16.f32 v45;
	v3 =	vmul.f32 v48, v3;
	v51 =	vunpack.i.u.bf16.f32 v43  }
0x287: {  	[tilespmem:s14+$0xF0] =	vst v9;
	v56 =	vunpack.i.l.bf16.f32 v38;
	v2 =	vadd.f32 v2, v59;
	v54 =	vmul.f32 v51, v7  }
0x288: {  	[tilespmem:s1+$0x70] =	vst v4;
	v3 =	vadd.f32 v3, v56;
	v57 =	vunpack.i.l.bf16.f32 v43;
	v60 =	vunpack.i.u.bf16.f32 v49  }
0x289: {  	[tilespmem:s1+$0xFFFFFFF0] =	vst v1;
	v7 =	vadd.f32 v54, v57;
	v61 =	vunpack.i.u.bf16.f32 v52;
	v62 =	vmul.f32 v60, v5  }
0x28a: {  	s12 =	sadd.s32 $0x1, s12;
	[tilespmem:s1+$0xFFFFFF70] =	vst v3;
	v63 =	vunpack.i.l.bf16.f32 v49;
	v3 =	vunpack.i.u.bf16.f32 v55;
	v4 =	vmul.f32 v61, v6  }
0x28b: {  	p1 =	sne.s32 s12, $0xC;
	[tilespmem:s1+$0xF0] =	vst v2;
	v1 =	vmul.f32 v3, v8;
	v3 =	vunpack.i.l.bf16.f32 v52;
	v5 =	vadd.f32 v62, v63  }
.Ltmp4:
0x28c: {  	[tilespmem:s25+$0x70] =	vst v7;
	v2 =	vunpack.i.l.bf16.f32 v55;
	v3 =	vadd.f32 v4, v3;
	(pc) =	sbr.rel @p1 .LBB2_7-.Ltmp4, $4  }
0x28d: {  	s31 =	sshll.u32 s13, $0x7;
	v1 =	vadd.f32 v1, v2;
	[tilespmem:s25+$0xFFFFFF70] =	vst v5  }
0x28e: {  	s1 =	sand.u32 $0x3FFFFF80, s31;
	[tilespmem:s25+$0xFFFFFFF0] =	vst v3  }
0x28f: {  	s11 =	sadd.s32 $0xA0, s11;
	s1 =	sadd.s32 $0x800, s1;
	[tilespmem:s25+$0xF0] =	vst v1  }
0x290: {  	[spmem:s3] =	stream.indirect.scatter.add.f32 [tilespmem:s28], [sflag:$0x4], $0x80, s1, s19, $0xb8;
	[tilespmem:$0x1F880] =	vst v63  }
0x291: {  	s1 =	simm.s32 $0x782  }
0x292: {  	v1 =	vmov s1  }
0x293: {  	_ =	swait.ge [sflag:s22], $0x2800;
	v1 =	vand.u32 $0xFFFFFFFE, v1  }
0x294: {  	s31 =	simm.s32 $0x780;
	[sflag:s22] =	ssyncset.done $0x0;
	v1 =	vbroadcast v1, $0x0  }
0x295: {  	s4 =	simm.s32 $0x781;
	v2 =	vmov s31;
	[sflag:s22] =	ssyncadd.s32 $0xFFFFD800  }
0x296: {  	v3 =	vmov s4;
	v2 =	vand.u32 $0xFFFFFFFC, v2;
	_ =	swait.ge [sflag:s29], $0x2800  }
0x297: {  	v3 =	vand.u32 $0xFFFFFFFD, v3;
	v2 =	vbroadcast v2, $0x0;
	[sflag:s29] =	ssyncset.done $0x0  }
0x298: {  	s4 =	simm.s32 $0x2100;
	v3 =	vbroadcast v3, $0x0;
	[sflag:s29] =	ssyncadd.s32 $0xFFFFD800  }
0x299: {  	v5 =	vld [tilespmem:s4+$0x0]  }
0x29a: {  	v4 =	vld.idx.msk [tilespmem:v1+s18+$0x0], $0xffff;
	_ =	sdelay $0x1  }
0x29b: {  	s5 =	simm.s32 $0x783  }
0x29c: {  	v1 =	vmov s5;
	v9 =	vld.idx.msk [tilespmem:v2+s18+$0x0], $0xffff  }
0x29d: {  	v10 =	vld.idx.msk [tilespmem:v3+s18+$0x0], $0xffff;
	v2 =	vunpack.i.u.bf16.f32 v5  }
0x29e: {  	v3 =	vld [tilespmem:s4+$0xFFFFFF00];
	v2 =	vmul.f32 v2, v4  }
0x29f: {  	v6 =	vld [tilespmem:s4+$0xFFFFFF80];
	v5 =	vunpack.i.l.bf16.f32 v5  }
0x2a0: {  	v7 =	vld [tilespmem:s4+$0x80];
	v2 =	vadd.f32 v2, v5  }
0x2a1: {  	s11 =	simm.s32 $0x7100;
	v8 =	vld.idx.msk [tilespmem:v1+s18+$0x0], $0xffff  }
0x2a2: {  	[tilespmem:s11+$0x0] =	vst v2  }
0x2a3: {  	v1 =	vunpack.i.u.bf16.f32 v3;
	v2 =	vld [tilespmem:s4+$0x10]  }
0x2a4: {  	v1 =	vmul.f32 v1, v9;
	v5 =	vunpack.i.u.bf16.f32 v6  }
0x2a5: {  	v11 =	vunpack.i.u.bf16.f32 v7;
	v3 =	vunpack.i.l.bf16.f32 v3;
	v5 =	vmul.f32 v5, v10  }
0x2a6: {  	v6 =	vunpack.i.l.bf16.f32 v6;
	v1 =	vadd.f32 v1, v3;
	v11 =	vmul.f32 v11, v8  }
0x2a7: {  	v3 =	vadd.f32 v5, v6;
	v5 =	vunpack.i.l.bf16.f32 v7  }
0x2a8: {  	[tilespmem:s11+$0xFFFFFF00] =	vst v1;
	v5 =	vadd.f32 v11, v5;
	v1 =	vunpack.i.u.bf16.f32 v2  }
0x2a9: {  	v6 =	vld [tilespmem:s4+$0xFFFFFF10];
	[tilespmem:s11+$0xFFFFFF80] =	vst v3;
	v1 =	vmul.f32 v1, v4  }
0x2aa: {  	v3 =	vld [tilespmem:s4+$0xFFFFFF90];
	[tilespmem:s11+$0x80] =	vst v5;
	v2 =	vunpack.i.l.bf16.f32 v2  }
0x2ab: {  	v5 =	vld [tilespmem:s4+$0x90];
	v1 =	vadd.f32 v1, v2;
	_ =	sdelay $0x1  }
0x2ac: {  	[tilespmem:s11+$0x10] =	vst v1  }
0x2ad: {  	v1 =	vunpack.i.u.bf16.f32 v6;
	v2 =	vld [tilespmem:s4+$0x20]  }
0x2ae: {  	v7 =	vunpack.i.u.bf16.f32 v3;
	v1 =	vmul.f32 v1, v9  }
0x2af: {  	v7 =	vmul.f32 v7, v10;
	v6 =	vunpack.i.l.bf16.f32 v6;
	v11 =	vunpack.i.u.bf16.f32 v5  }
0x2b0: {  	v3 =	vunpack.i.l.bf16.f32 v3;
	v1 =	vadd.f32 v1, v6;
	v6 =	vmul.f32 v11, v8  }
0x2b1: {  	v5 =	vunpack.i.l.bf16.f32 v5;
	v3 =	vadd.f32 v7, v3  }
0x2b2: {  	[tilespmem:s11+$0xFFFFFF10] =	vst v1;
	v1 =	vadd.f32 v6, v5;
	v5 =	vunpack.i.u.bf16.f32 v2  }
0x2b3: {  	[tilespmem:s11+$0xFFFFFF90] =	vst v3;
	v6 =	vld [tilespmem:s4+$0xFFFFFF20];
	v3 =	vmul.f32 v5, v4  }
0x2b4: {  	v5 =	vld [tilespmem:s4+$0xFFFFFFA0];
	[tilespmem:s11+$0x90] =	vst v1;
	v1 =	vunpack.i.l.bf16.f32 v2  }
0x2b5: {  	v2 =	vld [tilespmem:s4+$0xA0];
	v1 =	vadd.f32 v3, v1  }
0x2b6: {  	s6 =	simm.s32 $0x784  }
0x2b7: {  	s7 =	simm.s32 $0x785;
	v3 =	vmov s6;
	[tilespmem:s11+$0x20] =	vst v1  }
0x2b8: {  	v3 =	vand.u32 $0xFFFFFFFC, v3;
	v1 =	vmov s7;
	v7 =	vunpack.i.u.bf16.f32 v6;
	v11 =	vld [tilespmem:s4+$0x30]  }
0x2b9: {  	v3 =	vbroadcast v3, $0x0;
	v7 =	vmul.f32 v7, v9;
	v12 =	vunpack.i.u.bf16.f32 v5  }
0x2ba: {  	v6 =	vunpack.i.l.bf16.f32 v6;
	v12 =	vmul.f32 v12, v10;
	v13 =	vunpack.i.u.bf16.f32 v2  }
0x2bb: {  	v5 =	vunpack.i.l.bf16.f32 v5;
	v6 =	vadd.f32 v7, v6;
	v7 =	vmul.f32 v13, v8  }
0x2bc: {  	s8 =	simm.s32 $0x786;
	v1 =	vand.u32 $0xFFFFFFFD, v1;
	v2 =	vunpack.i.l.bf16.f32 v2;
	v5 =	vadd.f32 v12, v5  }
0x2bd: {  	s13 =	simm.s32 $0x2300;
	[tilespmem:s11+$0xFFFFFF20] =	vst v6;
	v2 =	vadd.f32 v7, v2;
	v6 =	vmov s8;
	v7 =	vunpack.i.u.bf16.f32 v11  }
0x2be: {  	v14 =	vld [tilespmem:s13+$0x0];
	v1 =	vbroadcast v1, $0x0;
	[tilespmem:s11+$0xFFFFFFA0] =	vst v5;
	v5 =	vand.u32 $0xFFFFFFFE, v6;
	v6 =	vmul.f32 v7, v4  }
0x2bf: {  	v12 =	vld [tilespmem:s4+$0xFFFFFF30];
	[tilespmem:s11+$0xA0] =	vst v2;
	v5 =	vbroadcast v5, $0x0;
	v2 =	vunpack.i.l.bf16.f32 v11  }
0x2c0: {  	v7 =	vld [tilespmem:s4+$0xFFFFFFB0];
	v6 =	vadd.f32 v6, v2  }
0x2c1: {  	v13 =	vld [tilespmem:s4+$0xB0]  }
0x2c2: {  	v2 =	vld.idx.msk [tilespmem:v3+s18+$0x0], $0xffff;
	[tilespmem:s11+$0x30] =	vst v6  }
0x2c3: {  	s12 =	simm.s32 $0x787;
	v6 =	vld [tilespmem:s4+$0x40]  }
0x2c4: {  	v3 =	vld.idx.msk [tilespmem:v1+s18+$0x0], $0xffff;
	v1 =	vmov s12;
	v11 =	vunpack.i.u.bf16.f32 v12  }
0x2c5: {  	v15 =	vmul.f32 v11, v9;
	v16 =	vunpack.i.u.bf16.f32 v7;
	v11 =	vld.idx.msk [tilespmem:v5+s18+$0x0], $0xffff  }
0x2c6: {  	v17 =	vld [tilespmem:s13+$0xFFFFFF00];
	v5 =	vunpack.i.l.bf16.f32 v12;
	v12 =	vmul.f32 v16, v10;
	v16 =	vunpack.i.u.bf16.f32 v13  }
0x2c7: {  	v7 =	vunpack.i.l.bf16.f32 v7;
	v16 =	vmul.f32 v16, v8;
	v5 =	vadd.f32 v15, v5;
	v15 =	vld [tilespmem:s13+$0xFFFFFF80]  }
0x2c8: {  	v13 =	vunpack.i.l.bf16.f32 v13;
	v7 =	vadd.f32 v12, v7;
	v12 =	vld [tilespmem:s13+$0x80];
	v18 =	vunpack.i.u.bf16.f32 v6  }
0x2c9: {  	v1 =	vld.idx.msk [tilespmem:v1+s18+$0x0], $0xffff;
	v13 =	vadd.f32 v16, v13;
	[tilespmem:s11+$0xFFFFFF30] =	vst v5;
	v16 =	vunpack.i.u.bf16.f32 v14;
	v5 =	vmul.f32 v18, v4  }
0x2ca: {  	[tilespmem:s11+$0xFFFFFFB0] =	vst v7;
	v7 =	vld [tilespmem:s4+$0xFFFFFF40];
	v6 =	vunpack.i.l.bf16.f32 v6;
	v16 =	vmul.f32 v16, v11  }
0x2cb: {  	[tilespmem:s11+$0xB0] =	vst v13;
	v13 =	vld [tilespmem:s4+$0xFFFFFFC0];
	v5 =	vadd.f32 v5, v6;
	v6 =	vunpack.i.l.bf16.f32 v14;
	v14 =	vunpack.i.u.bf16.f32 v17  }
0x2cc: {  	v18 =	vld [tilespmem:s4+$0xC0];
	v19 =	vunpack.i.u.bf16.f32 v15;
	v6 =	vadd.f32 v16, v6;
	v14 =	vmul.f32 v14, v2  }
0x2cd: {  	s12 =	simm.s32 $0x7300;
	v16 =	vmul.f32 v19, v3;
	v19 =	vunpack.i.u.bf16.f32 v12;
	[tilespmem:s11+$0x40] =	vst v5;
	v5 =	vunpack.i.l.bf16.f32 v17  }
0x2ce: {  	v15 =	vunpack.i.l.bf16.f32 v15;
	v17 =	vmul.f32 v19, v1;
	v19 =	vld [tilespmem:s4+$0x50];
	[tilespmem:s12+$0x0] =	vst v6;
	v5 =	vadd.f32 v14, v5  }
0x2cf: {  	v12 =	vunpack.i.l.bf16.f32 v12;
	v6 =	vadd.f32 v16, v15;
	v14 =	vld [tilespmem:s13+$0x10]  }
0x2d0: {  	v15 =	vunpack.i.u.bf16.f32 v7;
	v16 =	vunpack.i.u.bf16.f32 v13;
	v12 =	vadd.f32 v17, v12;
	[tilespmem:s12+$0xFFFFFF00] =	vst v5  }
0x2d1: {  	v5 =	vmul.f32 v15, v9;
	v15 =	vmul.f32 v16, v10;
	v16 =	vunpack.i.u.bf16.f32 v18;
	[tilespmem:s12+$0xFFFFFF80] =	vst v6;
	v17 =	vld [tilespmem:s13+$0xFFFFFF10]  }
0x2d2: {  	v6 =	vunpack.i.l.bf16.f32 v7;
	v7 =	vunpack.i.l.bf16.f32 v13;
	v13 =	vmul.f32 v16, v8;
	v16 =	vld [tilespmem:s13+$0xFFFFFF90];
	[tilespmem:s12+$0x80] =	vst v12  }
0x2d3: {  	v12 =	vunpack.i.l.bf16.f32 v18;
	v5 =	vadd.f32 v5, v6;
	v18 =	vld [tilespmem:s13+$0x90];
	v6 =	vunpack.i.u.bf16.f32 v19  }
0x2d4: {  	v7 =	vadd.f32 v15, v7;
	v6 =	vmul.f32 v6, v4;
	v15 =	vunpack.i.u.bf16.f32 v14  }
0x2d5: {  	v12 =	vadd.f32 v13, v12;
	[tilespmem:s11+$0xFFFFFF40] =	vst v5;
	v5 =	vunpack.i.l.bf16.f32 v19;
	v13 =	vmul.f32 v15, v11  }
0x2d6: {  	[tilespmem:s11+$0xFFFFFFC0] =	vst v7;
	v15 =	vld [tilespmem:s4+$0xFFFFFF50];
	v5 =	vadd.f32 v6, v5;
	v6 =	vunpack.i.l.bf16.f32 v14;
	v7 =	vunpack.i.u.bf16.f32 v17  }
0x2d7: {  	[tilespmem:s11+$0xC0] =	vst v12;
	v14 =	vld [tilespmem:s4+$0xFFFFFFD0];
	v6 =	vadd.f32 v13, v6;
	v7 =	vmul.f32 v7, v2;
	v13 =	vunpack.i.u.bf16.f32 v16  }
0x2d8: {  	v17 =	vunpack.i.l.bf16.f32 v17;
	v19 =	vunpack.i.u.bf16.f32 v18;
	[tilespmem:s11+$0x50] =	vst v5;
	v5 =	vld [tilespmem:s4+$0xD0];
	v13 =	vmul.f32 v13, v3  }
0x2d9: {  	v20 =	vld [tilespmem:s4+$0x60];
	[tilespmem:s12+$0x10] =	vst v6;
	v6 =	vunpack.i.l.bf16.f32 v16;
	v7 =	vadd.f32 v7, v17;
	v16 =	vmul.f32 v19, v1  }
0x2da: {  	v18 =	vunpack.i.l.bf16.f32 v18;
	v17 =	vld [tilespmem:s13+$0x20];
	v6 =	vadd.f32 v13, v6  }
0x2db: {  	v13 =	vunpack.i.u.bf16.f32 v15;
	v15 =	vunpack.i.l.bf16.f32 v15;
	[tilespmem:s12+$0xFFFFFF10] =	vst v7;
	v7 =	vadd.f32 v16, v18  }
0x2dc: {  	v13 =	vmul.f32 v13, v9;
	v16 =	vunpack.i.u.bf16.f32 v14;
	v18 =	vld [tilespmem:s13+$0xFFFFFF20];
	[tilespmem:s12+$0xFFFFFF90] =	vst v6;
	v6 =	vunpack.i.l.bf16.f32 v14  }
0x2dd: {  	v14 =	vmul.f32 v16, v10;
	v16 =	vunpack.i.u.bf16.f32 v5;
	v21 =	vld [tilespmem:s13+$0xFFFFFFA0];
	[tilespmem:s12+$0x90] =	vst v7;
	v5 =	vunpack.i.l.bf16.f32 v5  }
0x2de: {  	v13 =	vadd.f32 v13, v15;
	v7 =	vunpack.i.u.bf16.f32 v20;
	v16 =	vmul.f32 v16, v8;
	v22 =	vld [tilespmem:s13+$0xA0]  }
0x2df: {  	v6 =	vadd.f32 v14, v6;
	v23 =	vunpack.i.u.bf16.f32 v17;
	v7 =	vmul.f32 v7, v4  }
0x2e0: {  	v15 =	vunpack.i.l.bf16.f32 v20;
	v17 =	vunpack.i.l.bf16.f32 v17;
	v14 =	vmul.f32 v23, v11  }
0x2e1: {  	[tilespmem:s11+$0xFFFFFF50] =	vst v13;
	v5 =	vadd.f32 v16, v5;
	v13 =	vunpack.i.u.bf16.f32 v18;
	v7 =	vadd.f32 v7, v15  }
0x2e2: {  	[tilespmem:s11+$0xFFFFFFD0] =	vst v6;
	v14 =	vadd.f32 v14, v17;
	v6 =	vmul.f32 v13, v2;
	v13 =	vunpack.i.u.bf16.f32 v21  }
0x2e3: {  	v15 =	vld [tilespmem:s4+$0xFFFFFF60];
	v16 =	vunpack.i.l.bf16.f32 v18;
	v13 =	vmul.f32 v13, v3;
	v18 =	vunpack.i.u.bf16.f32 v22;
	[tilespmem:s11+$0x60] =	vst v7  }
0x2e4: {  	s14 =	simm.s32 $0x788;
	v7 =	vunpack.i.l.bf16.f32 v21;
	[tilespmem:s12+$0x20] =	vst v14;
	v6 =	vadd.f32 v6, v16;
	v14 =	vmul.f32 v18, v1;
	v20 =	vld [tilespmem:s4+$0x70]  }
0x2e5: {  	s24 =	simm.s32 $0x789;
	v12 =	vmov s14;
	[tilespmem:s11+$0xD0] =	vst v5;
	v5 =	vunpack.i.l.bf16.f32 v22;
	v16 =	vld [tilespmem:s13+$0x30];
	v7 =	vadd.f32 v13, v7  }
0x2e6: {  	v12 =	vand.u32 $0xFFFFFFFC, v12;
	v17 =	vld [tilespmem:s4+$0xFFFFFFE0];
	v18 =	vmov s24;
	[tilespmem:s12+$0xFFFFFF20] =	vst v6;
	v5 =	vadd.f32 v14, v5  }
0x2e7: {  	s17 =	simm.s32 $0x78B;
	v13 =	vand.u32 $0xFFFFFFFD, v18;
	v6 =	vbroadcast v12, $0x0;
	v14 =	vld [tilespmem:s13+$0xFFFFFF30];
	[tilespmem:s12+$0xFFFFFFA0] =	vst v7  }
0x2e8: {  	s25 =	simm.s32 $0x78A;
	v19 =	vmov s17;
	v12 =	vbroadcast v13, $0x0;
	v13 =	vunpack.i.u.bf16.f32 v15;
	v21 =	vld [tilespmem:s13+$0xFFFFFFB0];
	[tilespmem:s12+$0xA0] =	vst v5  }
0x2e9: {  	v13 =	vmul.f32 v13, v9;
	v5 =	vmov s25;
	v22 =	vld [tilespmem:s13+$0xB0];
	v24 =	vunpack.i.u.bf16.f32 v20  }
0x2ea: {  	v5 =	vand.u32 $0xFFFFFFFE, v5;
	v23 =	vunpack.i.u.bf16.f32 v16;
	v4 =	vmul.f32 v24, v4  }
0x2eb: {  	v7 =	vunpack.i.u.bf16.f32 v17;
	v24 =	vbroadcast v5, $0x0;
	v23 =	vmul.f32 v23, v11  }
0x2ec: {  	v18 =	vld [tilespmem:s4+$0xE0];
	v25 =	vmul.f32 v7, v10;
	v7 =	vunpack.i.l.bf16.f32 v20;
	v5 =	vunpack.i.l.bf16.f32 v16  }
0x2ed: {  	v16 =	vadd.f32 v4, v7;
	v4 =	vunpack.i.u.bf16.f32 v14;
	v20 =	vadd.f32 v23, v5;
	v5 =	vld.idx.msk [tilespmem:v6+s18+$0x0], $0xffff  }
0x2ee: {  	s1 =	simm.s32 $0x2500;
	v6 =	vmul.f32 v4, v2;
	v7 =	vunpack.i.u.bf16.f32 v21;
	v4 =	vld.idx.msk [tilespmem:v12+s18+$0x0], $0xffff;
	v26 =	vunpack.i.u.bf16.f32 v22  }
0x2ef: {  	v12 =	vunpack.i.l.bf16.f32 v14;
	v7 =	vmul.f32 v7, v3;
	[tilespmem:s12+$0x30] =	vst v20;
	v14 =	vmul.f32 v26, v1;
	v26 =	vld [tilespmem:s1+$0x0]  }
0x2f0: {  	v15 =	vunpack.i.l.bf16.f32 v15;
	v17 =	vunpack.i.l.bf16.f32 v17;
	v21 =	vunpack.i.l.bf16.f32 v21;
	v20 =	vld [tilespmem:s13+$0x40]  }
0x2f1: {  	v13 =	vadd.f32 v13, v15;
	v23 =	vunpack.i.u.bf16.f32 v18;
	v21 =	vadd.f32 v7, v21;
	v7 =	vld.idx.msk [tilespmem:v24+s18+$0x0], $0xffff  }
0x2f2: {  	v22 =	vunpack.i.l.bf16.f32 v22;
	v12 =	vadd.f32 v6, v12;
	v6 =	vmul.f32 v23, v8;
	v24 =	vld [tilespmem:s1+$0xFFFFFF80]  }
0x2f3: {  	s30 =	simm.s32 $0x78D;
	s5 =	simm.s32 $0x78C;
	v15 =	vadd.f32 v25, v17;
	v18 =	vunpack.i.l.bf16.f32 v18;
	v14 =	vadd.f32 v14, v22;
	v22 =	vld [tilespmem:s1+$0xFFFFFF00]  }
0x2f4: {  	v25 =	vmov s30;
	v23 =	vadd.f32 v6, v18;
	v6 =	vmov s5  }
0x2f5: {  	v27 =	vld [tilespmem:s1+$0x80];
	[tilespmem:s12+$0xFFFFFF30] =	vst v12;
	v12 =	vand.u32 $0xFFFFFFFD, v25;
	v18 =	vand.u32 $0xFFFFFFFC, v6  }
0x2f6: {  	v6 =	vld.idx.msk [tilespmem:v19+s18+$0x0], $0xffff;
	v19 =	vbroadcast v12, $0x0;
	v12 =	vunpack.i.u.bf16.f32 v26;
	v26 =	vunpack.i.l.bf16.f32 v26  }
0x2f7: {  	[tilespmem:s11+$0xFFFFFF60] =	vst v13;
	v28 =	vunpack.i.u.bf16.f32 v20;
	v20 =	vunpack.i.l.bf16.f32 v20;
	v12 =	vmul.f32 v12, v7  }
0x2f8: {  	[tilespmem:s12+$0xFFFFFFB0] =	vst v21;
	v45 =	vld [tilespmem:s13+$0xFFFFFF40];
	v29 =	vunpack.i.u.bf16.f32 v24;
	v25 =	vmul.f32 v28, v11;
	v21 =	vunpack.i.u.bf16.f32 v22  }
0x2f9: {  	[tilespmem:s12+$0xB0] =	vst v14;
	v14 =	vld [tilespmem:s13+$0xFFFFFFC0];
	v29 =	vmul.f32 v29, v4;
	v21 =	vmul.f32 v21, v5;
	v12 =	vadd.f32 v12, v26  }
0x2fa: {  	s14 =	simm.s32 $0x7500;
	[tilespmem:s11+$0xFFFFFFE0] =	vst v15;
	v13 =	vunpack.i.l.bf16.f32 v22;
	v26 =	vunpack.i.u.bf16.f32 v27;
	v20 =	vadd.f32 v25, v20  }
0x2fb: {  	v22 =	vunpack.i.l.bf16.f32 v24;
	v25 =	vld [tilespmem:s13+$0xC0];
	v24 =	vmul.f32 v26, v6;
	v13 =	vadd.f32 v21, v13;
	[tilespmem:s14+$0x0] =	vst v12  }
0x2fc: {  	v12 =	vunpack.i.l.bf16.f32 v27;
	[tilespmem:s12+$0x40] =	vst v20;
	v15 =	vld [tilespmem:s1+$0x10]  }
0x2fd: {  	s6 =	simm.s32 $0x78F;
	v22 =	vadd.f32 v29, v22;
	v12 =	vadd.f32 v24, v12;
	v24 =	vunpack.i.u.bf16.f32 v45;
	v26 =	vld [tilespmem:s13+$0x50];
	[tilespmem:s14+$0xFFFFFF00] =	vst v13  }
0x2fe: {  	v17 =	vmov s6;
	v27 =	vunpack.i.u.bf16.f32 v14;
	v13 =	vmul.f32 v24, v2;
	v46 =	vld [tilespmem:s1+$0xFFFFFF10]  }
0x2ff: {  	v14 =	vunpack.i.l.bf16.f32 v14;
	[tilespmem:s14+$0xFFFFFF80] =	vst v22;
	v22 =	vunpack.i.l.bf16.f32 v45;
	v24 =	vmul.f32 v27, v3  }
0x300: {  	v47 =	vld [tilespmem:s1+$0xFFFFFF90];
	[tilespmem:s14+$0x80] =	vst v12;
	v27 =	vunpack.i.u.bf16.f32 v25;
	v12 =	vadd.f32 v13, v22;
	v22 =	vunpack.i.l.bf16.f32 v25  }
0x301: {  	v25 =	vld [tilespmem:s1+$0x90];
	v14 =	vadd.f32 v24, v14;
	v27 =	vmul.f32 v27, v1;
	v24 =	vunpack.i.u.bf16.f32 v15  }
0x302: {  	[tilespmem:s12+$0xFFFFFF40] =	vst v12;
	v15 =	vunpack.i.l.bf16.f32 v15;
	v13 =	vunpack.i.u.bf16.f32 v26;
	v24 =	vmul.f32 v24, v7  }
0x303: {  	[tilespmem:s12+$0xFFFFFFC0] =	vst v14;
	v22 =	vadd.f32 v27, v22;
	v27 =	vld [tilespmem:s13+$0xFFFFFF50];
	v13 =	vmul.f32 v13, v11;
	v14 =	vunpack.i.u.bf16.f32 v46  }
0x304: {  	[tilespmem:s11+$0xE0] =	vst v23;
	v12 =	vunpack.i.l.bf16.f32 v26;
	v30 =	vld [tilespmem:s13+$0xFFFFFFD0];
	v14 =	vmul.f32 v14, v5;
	v15 =	vadd.f32 v24, v15  }
0x305: {  	v20 =	vld [tilespmem:s4+$0xFFFFFF70];
	v29 =	vunpack.i.l.bf16.f32 v46;
	[tilespmem:s12+$0xC0] =	vst v22;
	v22 =	vunpack.i.u.bf16.f32 v47;
	v12 =	vadd.f32 v13, v12  }
0x306: {  	v48 =	vunpack.i.u.bf16.f32 v25;
	v24 =	vld [tilespmem:s13+$0xD0];
	v22 =	vmul.f32 v22, v4;
	v14 =	vadd.f32 v14, v29;
	[tilespmem:s14+$0x10] =	vst v15  }
0x307: {  	v15 =	vunpack.i.l.bf16.f32 v25;
	v25 =	vmul.f32 v48, v6;
	[tilespmem:s12+$0x50] =	vst v12;
	v12 =	vunpack.i.l.bf16.f32 v47;
	v23 =	vld [tilespmem:s1+$0x20]  }
0x308: {  	v18 =	vbroadcast v18, $0x0;
	v49 =	vunpack.i.u.bf16.f32 v27;
	v31 =	vld [tilespmem:s13+$0x60];
	v22 =	vadd.f32 v22, v12  }
0x309: {  	v21 =	vld [tilespmem:s4+$0xFFFFFFF0];
	[tilespmem:s14+$0xFFFFFF10] =	vst v14;
	v14 =	vadd.f32 v25, v15;
	v15 =	vmul.f32 v49, v2;
	v25 =	vunpack.i.u.bf16.f32 v30  }
0x30a: {  	v26 =	vunpack.i.u.bf16.f32 v20;
	v27 =	vunpack.i.l.bf16.f32 v27;
	v50 =	vld [tilespmem:s1+$0xFFFFFF20];
	v25 =	vmul.f32 v25, v3  }
0x30b: {  	v12 =	vld [tilespmem:s4+$0xF0];
	[tilespmem:s14+$0xFFFFFF90] =	vst v22;
	v22 =	vunpack.i.l.bf16.f32 v30;
	v51 =	vunpack.i.u.bf16.f32 v24;
	v15 =	vadd.f32 v15, v27  }
0x30c: {  	[tilespmem:s14+$0x90] =	vst v14;
	v52 =	vld [tilespmem:s1+$0xFFFFFFA0];
	v29 =	vmul.f32 v51, v1;
	v22 =	vadd.f32 v25, v22;
	v25 =	vunpack.i.u.bf16.f32 v23  }
0x30d: {  	v24 =	vunpack.i.l.bf16.f32 v24;
	v32 =	vld [tilespmem:s1+$0xA0];
	v14 =	vunpack.i.u.bf16.f32 v31;
	v25 =	vmul.f32 v25, v7  }
0x30e: {  	[tilespmem:s12+$0xFFFFFF50] =	vst v15;
	v23 =	vunpack.i.l.bf16.f32 v23;
	v24 =	vadd.f32 v29, v24;
	v14 =	vmul.f32 v14, v11  }
0x30f: {  	v27 =	vunpack.i.l.bf16.f32 v31;
	v53 =	vld [tilespmem:s13+$0xFFFFFF60];
	[tilespmem:s12+$0xFFFFFFD0] =	vst v22;
	v15 =	vunpack.i.u.bf16.f32 v50;
	v23 =	vadd.f32 v25, v23  }
0x310: {  	v13 =	vunpack.i.u.bf16.f32 v21;
	v15 =	vmul.f32 v15, v5;
	v25 =	vld [tilespmem:s13+$0xFFFFFFE0];
	[tilespmem:s12+$0xD0] =	vst v24;
	v14 =	vadd.f32 v14, v27  }
0x311: {  	v28 =	vunpack.i.l.bf16.f32 v50;
	v27 =	vunpack.i.u.bf16.f32 v12;
	v22 =	vunpack.i.u.bf16.f32 v52;
	v57 =	vld [tilespmem:s13+$0xE0];
	[tilespmem:s14+$0x20] =	vst v23  }
0x312: {  	v54 =	vunpack.i.u.bf16.f32 v32;
	v22 =	vmul.f32 v22, v4;
	v24 =	vadd.f32 v15, v28;
	[tilespmem:s12+$0x60] =	vst v14;
	v58 =	vld [tilespmem:s1+$0x30]  }
0x313: {  	v23 =	vunpack.i.l.bf16.f32 v32;
	v56 =	vmul.f32 v54, v6;
	v14 =	vunpack.i.l.bf16.f32 v52;
	v55 =	vld [tilespmem:s13+$0x70]  }
0x314: {  	v15 =	vmul.f32 v26, v9;
	v22 =	vadd.f32 v22, v14;
	v14 =	vmul.f32 v13, v10  }
0x315: {  	[tilespmem:s14+$0xFFFFFF20] =	vst v24;
	v9 =	vadd.f32 v56, v23;
	v10 =	vunpack.i.u.bf16.f32 v53;
	v24 =	vunpack.i.l.bf16.f32 v53  }
0x316: {  	v13 =	vmul.f32 v27, v8;
	v23 =	vld [tilespmem:s1+$0xFFFFFF30];
	v26 =	vmul.f32 v10, v2;
	v10 =	vunpack.i.u.bf16.f32 v25;
	[tilespmem:s14+$0xFFFFFFA0] =	vst v22  }
0x317: {  	v59 =	vunpack.i.l.bf16.f32 v25;
	[tilespmem:s14+$0xA0] =	vst v9;
	v60 =	vmul.f32 v10, v3;
	v27 =	vunpack.i.l.bf16.f32 v57;
	v22 =	vld [tilespmem:s1+$0xFFFFFFB0]  }
0x318: {  	s31 =	simm.s32 $0x78E;
	v25 =	vld [tilespmem:s1+$0xB0];
	v10 =	vunpack.i.u.bf16.f32 v58;
	v32 =	vunpack.i.l.bf16.f32 v58;
	v9 =	vunpack.i.u.bf16.f32 v55  }
0x319: {  	v10 =	vmul.f32 v10, v7;
	v8 =	vmul.f32 v9, v11;
	v9 =	vmov s31  }
0x31a: {  	v61 =	vunpack.i.l.bf16.f32 v55;
	v11 =	vunpack.i.u.bf16.f32 v57;
	v9 =	vand.u32 $0xFFFFFFFE, v9  }
0x31b: {  	v32 =	vadd.f32 v10, v32;
	v10 =	vld.idx.msk [tilespmem:v18+s18+$0x0], $0xffff;
	v18 =	vunpack.i.l.bf16.f32 v23;
	v62 =	vbroadcast v9, $0x0  }
0x31c: {  	v34 =	vmul.f32 v11, v1;
	v30 =	vadd.f32 v8, v61;
	v9 =	vunpack.i.u.bf16.f32 v23  }
0x31d: {  	v8 =	vld.idx.msk [tilespmem:v17+s18+$0x0], $0xffff;
	v33 =	vunpack.i.u.bf16.f32 v25;
	v17 =	vmul.f32 v9, v5;
	v9 =	vunpack.i.u.bf16.f32 v22  }
0x31e: {  	v63 =	vunpack.i.l.bf16.f32 v25;
	[tilespmem:s14+$0x30] =	vst v32;
	v33 =	vmul.f32 v33, v6;
	v23 =	vmul.f32 v9, v4;
	v9 =	vld.idx.msk [tilespmem:v19+s18+$0x0], $0xffff  }
0x31f: {  	s24 =	simm.s32 $0x2700;
	[tilespmem:s11+$0x70] =	vst v16;
	v19 =	vunpack.i.l.bf16.f32 v22;
	v22 =	vld [tilespmem:s1+$0x40];
	v18 =	vadd.f32 v17, v18;
	v17 =	vadd.f32 v26, v24  }
0x320: {  	v25 =	vld [tilespmem:s24+$0x0];
	[tilespmem:s12+$0x70] =	vst v30;
	v24 =	vunpack.i.l.bf16.f32 v20;
	v16 =	vadd.f32 v23, v19;
	v23 =	vadd.f32 v33, v63  }
0x321: {  	s4 =	simm.s32 $0xC;
	v20 =	vunpack.i.l.bf16.f32 v21;
	v19 =	vadd.f32 v60, v59;
	[tilespmem:s14+$0xFFFFFF30] =	vst v18;
	v18 =	vadd.f32 v34, v27;
	v11 =	vld.idx.msk [tilespmem:v62+s18+$0x0], $0xffff  }
.LBB2_13:
0x322: {  	s5 =	sadd.s32 $0x784, s4;
	s6 =	sadd.s32 $0x787, s4;
	v21 =	vld [tilespmem:s24+$0xFFFFFF00];
	[tilespmem:s14+$0xFFFFFFB0] =	vst v16;
	v15 =	vadd.f32 v15, v24;
	v14 =	vadd.f32 v14, v20;
	v12 =	vunpack.i.l.bf16.f32 v12  }
0x323: {  	v20 =	vmov s5;
	s5 =	sadd.s32 $0x785, s4;
	v16 =	vmov s6;
	v24 =	vld [tilespmem:s24+$0xFFFFFF80];
	[tilespmem:s14+$0xB0] =	vst v23;
	v12 =	vadd.f32 v13, v12  }
0x324: {  	v13 =	vand.u32 $0xFFFFFFFC, v20;
	v20 =	vmov s5;
	v23 =	vld [tilespmem:s24+$0x80];
	v26 =	vunpack.i.u.bf16.f32 v22;
	[tilespmem:s12+$0xFFFFFF60] =	vst v17  }
0x325: {  	v17 =	vbroadcast v13, $0x0;
	v13 =	vand.u32 $0xFFFFFFFD, v20;
	v27 =	vld [tilespmem:s1+$0xFFFFFF40];
	v20 =	vmul.f32 v26, v7;
	[tilespmem:s12+$0xFFFFFFE0] =	vst v19  }
0x326: {  	v22 =	vunpack.i.l.bf16.f32 v22;
	v19 =	vbroadcast v13, $0x0;
	v13 =	vunpack.i.u.bf16.f32 v25;
	v26 =	vld [tilespmem:s1+$0xFFFFFFC0];
	[tilespmem:s12+$0xE0] =	vst v18  }
0x327: {  	v18 =	vunpack.i.u.bf16.f32 v21;
	v13 =	vmul.f32 v13, v11;
	v20 =	vadd.f32 v20, v22;
	v22 =	vld [tilespmem:s1+$0xC0];
	[tilespmem:s11+$0xFFFFFF70] =	vst v15  }
0x328: {  	v25 =	vunpack.i.l.bf16.f32 v25;
	v15 =	vmul.f32 v18, v10;
	v28 =	vunpack.i.u.bf16.f32 v24;
	v18 =	vld [tilespmem:s13+$0xFFFFFF70];
	[tilespmem:s11+$0xFFFFFFF0] =	vst v14  }
0x329: {  	v14 =	vmul.f32 v28, v9;
	v13 =	vadd.f32 v13, v25;
	v25 =	vunpack.i.u.bf16.f32 v23;
	[tilespmem:s14+$0x40] =	vst v20;
	v20 =	vld [tilespmem:s13+$0xFFFFFFF0]  }
0x32a: {  	v21 =	vunpack.i.l.bf16.f32 v21;
	v24 =	vunpack.i.l.bf16.f32 v24;
	v25 =	vmul.f32 v25, v8;
	v28 =	vld [tilespmem:s1+$0x50];
	[tilespmem:s11+$0xF0] =	vst v12;
	s11 =	smov.u32 s12;
	s12 =	smov.u32 s14;
	s14 =	sadd.s32 $0x200, s14  }
0x32b: {  	v15 =	vadd.f32 v15, v21;
	v14 =	vadd.f32 v14, v24;
	[tilespmem:s14+$0x0] =	vst v13;
	v13 =	vunpack.i.l.bf16.f32 v23;
	v12 =	vld [tilespmem:s13+$0xF0];
	s13 =	smov.u32 s1;
	s1 =	smov.u32 s24  }
0x32c: {  	v23 =	vunpack.i.u.bf16.f32 v27;
	v24 =	vunpack.i.u.bf16.f32 v26;
	v21 =	vld [tilespmem:s24+$0x10];
	v13 =	vadd.f32 v25, v13  }
0x32d: {  	[tilespmem:s14+$0xFFFFFF00] =	vst v15;
	v15 =	vmul.f32 v23, v5;
	v23 =	vmul.f32 v24, v4;
	v24 =	vunpack.i.u.bf16.f32 v22  }
0x32e: {  	v26 =	vunpack.i.l.bf16.f32 v26;
	v25 =	vld [tilespmem:s24+$0xFFFFFF10];
	[tilespmem:s14+$0xFFFFFF80] =	vst v14;
	v14 =	vunpack.i.l.bf16.f32 v27;
	v24 =	vmul.f32 v24, v6  }
0x32f: {  	v27 =	vld [tilespmem:s24+$0xFFFFFF90];
	[tilespmem:s14+$0x80] =	vst v13;
	v13 =	vadd.f32 v15, v14;
	v14 =	vunpack.i.u.bf16.f32 v28;
	v15 =	vunpack.i.l.bf16.f32 v22  }
0x330: {  	v23 =	vadd.f32 v23, v26;
	v22 =	vld [tilespmem:s24+$0x90];
	v14 =	vmul.f32 v14, v7;
	v15 =	vadd.f32 v24, v15  }
0x331: {  	v26 =	vunpack.i.u.bf16.f32 v18;
	v24 =	vunpack.i.u.bf16.f32 v21;
	[tilespmem:s12+$0xFFFFFF40] =	vst v13;
	v13 =	vunpack.i.l.bf16.f32 v28  }
0x332: {  	v24 =	vmul.f32 v24, v11;
	v28 =	vld [tilespmem:s13+$0xFFFFFF50];
	[tilespmem:s12+$0xFFFFFFC0] =	vst v23;
	v13 =	vadd.f32 v14, v13;
	v14 =	vunpack.i.u.bf16.f32 v20  }
0x333: {  	v21 =	vunpack.i.l.bf16.f32 v21;
	v23 =	vunpack.i.u.bf16.f32 v25;
	v25 =	vunpack.i.l.bf16.f32 v25;
	v29 =	vld [tilespmem:s13+$0xFFFFFFD0];
	[tilespmem:s12+$0xC0] =	vst v15  }
0x334: {  	v15 =	vmul.f32 v23, v10;
	v23 =	vunpack.i.u.bf16.f32 v27;
	v21 =	vadd.f32 v24, v21;
	[tilespmem:s12+$0x50] =	vst v13;
	v13 =	vld [tilespmem:s13+$0xD0]  }
0x335: {  	v24 =	vunpack.i.l.bf16.f32 v27;
	v23 =	vmul.f32 v23, v9;
	v27 =	vunpack.i.u.bf16.f32 v22;
	v30 =	vld [tilespmem:s13+$0x60]  }
0x336: {  	v15 =	vadd.f32 v15, v25;
	[tilespmem:s14+$0x10] =	vst v21;
	v21 =	vunpack.i.l.bf16.f32 v22;
	v22 =	vmul.f32 v27, v8  }
0x337: {  	v23 =	vadd.f32 v23, v24;
	v24 =	vld [tilespmem:s24+$0x20];
	v25 =	vunpack.i.u.bf16.f32 v28;
	v27 =	vunpack.i.l.bf16.f32 v28  }
0x338: {  	[tilespmem:s14+$0xFFFFFF10] =	vst v15;
	v15 =	vadd.f32 v22, v21;
	v21 =	vmul.f32 v25, v5;
	v22 =	vunpack.i.u.bf16.f32 v29  }
0x339: {  	v25 =	vld [tilespmem:s24+$0xFFFFFF20];
	[tilespmem:s14+$0xFFFFFF90] =	vst v23;
	v23 =	vunpack.i.l.bf16.f32 v29;
	v22 =	vmul.f32 v22, v4;
	v28 =	vunpack.i.u.bf16.f32 v13  }
0x33a: {  	v13 =	vunpack.i.l.bf16.f32 v13;
	v29 =	vld [tilespmem:s24+$0xFFFFFFA0];
	[tilespmem:s14+$0x90] =	vst v15;
	v15 =	vunpack.i.u.bf16.f32 v30;
	v28 =	vmul.f32 v28, v6  }
0x33b: {  	v21 =	vadd.f32 v21, v27;
	v31 =	vld [tilespmem:s24+$0xA0];
	v22 =	vadd.f32 v22, v23;
	v15 =	vmul.f32 v15, v7  }
0x33c: {  	v27 =	vunpack.i.l.bf16.f32 v30;
	v23 =	vunpack.i.u.bf16.f32 v24;
	v13 =	vadd.f32 v28, v13  }
0x33d: {  	v23 =	vmul.f32 v23, v11;
	[tilespmem:s12+$0xFFFFFF50] =	vst v21;
	v15 =	vadd.f32 v15, v27;
	v21 =	vunpack.i.u.bf16.f32 v12  }
0x33e: {  	v24 =	vunpack.i.l.bf16.f32 v24;
	v27 =	vunpack.i.u.bf16.f32 v25;
	v25 =	vunpack.i.l.bf16.f32 v25;
	v28 =	vld [tilespmem:s13+$0xFFFFFF60];
	[tilespmem:s12+$0xFFFFFFD0] =	vst v22  }
0x33f: {  	v22 =	vmul.f32 v27, v10;
	v27 =	vunpack.i.u.bf16.f32 v29;
	v23 =	vadd.f32 v23, v24;
	v24 =	vld [tilespmem:s13+$0xFFFFFFE0];
	[tilespmem:s12+$0x60] =	vst v15  }
0x340: {  	v15 =	vunpack.i.l.bf16.f32 v29;
	v27 =	vmul.f32 v27, v9;
	v29 =	vunpack.i.u.bf16.f32 v31;
	v30 =	vld [tilespmem:s13+$0x70];
	[tilespmem:s12+$0xD0] =	vst v13  }
0x341: {  	v13 =	vadd.f32 v22, v25;
	[tilespmem:s14+$0x20] =	vst v23;
	v22 =	vunpack.i.l.bf16.f32 v31;
	v23 =	vmul.f32 v29, v8;
	v25 =	vld [tilespmem:s13+$0xE0]  }
0x342: {  	v14 =	vmul.f32 v14, v3;
	v27 =	vadd.f32 v27, v15;
	v29 =	vld [tilespmem:s24+$0x30];
	v15 =	vmul.f32 v26, v2;
	v2 =	vmovc v5  }
0x343: {  	v3 =	vmovc v4;
	v5 =	vmovc v10;
	[tilespmem:s14+$0xFFFFFF20] =	vst v13;
	v13 =	vadd.f32 v23, v22;
	v22 =	vunpack.i.u.bf16.f32 v28;
	v26 =	vunpack.i.l.bf16.f32 v28  }
0x344: {  	v4 =	vmovc v9;
	v23 =	vld [tilespmem:s24+$0xFFFFFF30];
	[tilespmem:s14+$0xFFFFFFA0] =	vst v27;
	v27 =	vmul.f32 v22, v2;
	v10 =	vunpack.i.u.bf16.f32 v24;
	v28 =	vunpack.i.l.bf16.f32 v24  }
0x345: {  	v22 =	vld [tilespmem:s24+$0xFFFFFFB0];
	[tilespmem:s14+$0xA0] =	vst v13;
	v31 =	vmul.f32 v10, v3;
	v9 =	vunpack.i.u.bf16.f32 v30;
	v13 =	vmul.f32 v21, v1;
	v1 =	vmovc v6  }
0x346: {  	s5 =	sadd.s32 $0x786, s4;
	s4 =	sadd.s32 $0x4, s4;
	v6 =	vmovc v8;
	v21 =	vld [tilespmem:s24+$0xB0];
	v9 =	vmul.f32 v9, v7;
	v24 =	vunpack.i.u.bf16.f32 v25;
	v32 =	vunpack.i.l.bf16.f32 v25;
	v7 =	vmovc v11  }
0x347: {  	p1 =	slt.u32 s4, $0x4C;
	v8 =	vmov s5;
	v11 =	vunpack.i.l.bf16.f32 v30;
	v10 =	vunpack.i.u.bf16.f32 v29  }
0x348: {  	v8 =	vand.u32 $0xFFFFFFFE, v8;
	v10 =	vmul.f32 v10, v7;
	v9 =	vadd.f32 v9, v11  }
0x349: {  	v29 =	vunpack.i.l.bf16.f32 v29;
	v11 =	vbroadcast v8, $0x0;
	v25 =	vunpack.i.u.bf16.f32 v23  }
0x34a: {  	v8 =	vld.idx.msk [tilespmem:v16+s18+$0x0], $0xffff;
	v16 =	vmul.f32 v25, v5;
	v25 =	vunpack.i.u.bf16.f32 v22;
	v29 =	vadd.f32 v10, v29;
	[tilespmem:s12+$0x70] =	vst v9  }
.Ltmp5:
0x34b: {  	v10 =	vld.idx.msk [tilespmem:v17+s18+$0x0], $0xffff;
	v17 =	vunpack.i.l.bf16.f32 v23;
	v23 =	vmul.f32 v25, v4;
	v25 =	vunpack.i.u.bf16.f32 v21;
	(pc) =	sbr.rel @p1 .LBB2_13-.Ltmp5, $4  }
0x34c: {  	v21 =	vunpack.i.l.bf16.f32 v21;
	v9 =	vld.idx.msk [tilespmem:v19+s18+$0x0], $0xffff;
	v19 =	vunpack.i.l.bf16.f32 v22;
	[tilespmem:s14+$0x30] =	vst v29;
	v29 =	vmul.f32 v25, v6  }
0x34d: {  	s24 =	sadd.s32 $0x200, s24;
	v33 =	vmul.f32 v24, v1;
	v30 =	vadd.f32 v16, v17;
	v16 =	vadd.f32 v23, v19;
	v22 =	vld [tilespmem:s1+$0x40]  }
0x34e: {  	v24 =	vunpack.i.l.bf16.f32 v18;
	v17 =	vadd.f32 v27, v26;
	v25 =	vld [tilespmem:s24+$0x0];
	v23 =	vadd.f32 v29, v21  }
0x34f: {  	v20 =	vunpack.i.l.bf16.f32 v20;
	v18 =	vadd.f32 v33, v32;
	v19 =	vadd.f32 v31, v28;
	v11 =	vld.idx.msk [tilespmem:v11+s18+$0x0], $0xffff;
	[tilespmem:s14+$0xFFFFFF30] =	vst v30  }
0x350: {  	_ =	sdelay $0x1  }
0x351: {  	v21 =	vld [tilespmem:s24+$0xFFFFFF00]  }
0x352: {  	v26 =	vld [tilespmem:s24+$0xFFFFFF80];
	v27 =	vunpack.i.u.bf16.f32 v25  }
0x353: {  	v28 =	vld [tilespmem:s24+$0x80];
	v27 =	vmul.f32 v27, v11  }
0x354: {  	v61 =	vunpack.i.l.bf16.f32 v25  }
0x355: {  	v25 =	vadd.f32 v27, v61  }
0x356: {  	s4 =	sadd.s32 $0x200, s14;
	v29 =	vunpack.i.u.bf16.f32 v21  }
0x357: {  	v63 =	vunpack.i.u.bf16.f32 v26;
	v62 =	vmul.f32 v29, v10;
	[tilespmem:s4+$0x0] =	vst v25  }
0x358: {  	v21 =	vunpack.i.l.bf16.f32 v21;
	v32 =	vunpack.i.u.bf16.f32 v28;
	v29 =	vmul.f32 v63, v9;
	v33 =	vld [tilespmem:s24+$0x10]  }
0x359: {  	v26 =	vunpack.i.l.bf16.f32 v26;
	v21 =	vadd.f32 v62, v21;
	v25 =	vmul.f32 v32, v8  }
0x35a: {  	v28 =	vunpack.i.l.bf16.f32 v28;
	v26 =	vadd.f32 v29, v26  }
0x35b: {  	[tilespmem:s4+$0xFFFFFF00] =	vst v21;
	v34 =	vadd.f32 v25, v28  }
0x35c: {  	[tilespmem:s4+$0xFFFFFF80] =	vst v26;
	v35 =	vld [tilespmem:s24+$0xFFFFFF10]  }
0x35d: {  	v26 =	vld [tilespmem:s24+$0xFFFFFF90];
	[tilespmem:s4+$0x80] =	vst v34;
	v36 =	vunpack.i.u.bf16.f32 v33  }
0x35e: {  	v37 =	vld [tilespmem:s24+$0x90];
	v21 =	vmul.f32 v36, v11  }
0x35f: {  	v27 =	vunpack.i.l.bf16.f32 v33  }
0x360: {  	v21 =	vadd.f32 v21, v27  }
0x361: {  	v38 =	vunpack.i.u.bf16.f32 v35  }
0x362: {  	v40 =	vunpack.i.u.bf16.f32 v26;
	v39 =	vmul.f32 v38, v10;
	[tilespmem:s4+$0x10] =	vst v21  }
0x363: {  	v25 =	vunpack.i.l.bf16.f32 v35;
	v29 =	vmul.f32 v40, v9;
	v42 =	vunpack.i.u.bf16.f32 v37;
	v43 =	vld [tilespmem:s24+$0x20]  }
0x364: {  	v41 =	vunpack.i.l.bf16.f32 v26;
	v25 =	vadd.f32 v39, v25;
	v26 =	vmul.f32 v42, v8  }
0x365: {  	v28 =	vunpack.i.l.bf16.f32 v37;
	v21 =	vadd.f32 v29, v41  }
0x366: {  	[tilespmem:s4+$0xFFFFFF10] =	vst v25;
	v44 =	vadd.f32 v26, v28  }
0x367: {  	[tilespmem:s4+$0xFFFFFF90] =	vst v21;
	v45 =	vld [tilespmem:s24+$0xFFFFFF20]  }
0x368: {  	v21 =	vld [tilespmem:s24+$0xFFFFFFA0];
	[tilespmem:s4+$0x90] =	vst v44;
	v46 =	vunpack.i.u.bf16.f32 v43  }
0x369: {  	v47 =	vld [tilespmem:s24+$0xA0];
	v25 =	vmul.f32 v46, v11  }
0x36a: {  	v27 =	vunpack.i.l.bf16.f32 v43  }
0x36b: {  	v25 =	vadd.f32 v25, v27  }
0x36c: {  	v48 =	vunpack.i.u.bf16.f32 v45  }
0x36d: {  	v50 =	vunpack.i.u.bf16.f32 v21;
	v49 =	vmul.f32 v48, v10;
	[tilespmem:s4+$0x20] =	vst v25  }
0x36e: {  	[tilespmem:s14+$0xFFFFFFB0] =	vst v16;
	v26 =	vunpack.i.l.bf16.f32 v45;
	v29 =	vmul.f32 v50, v9;
	v51 =	vunpack.i.u.bf16.f32 v47;
	v52 =	vld [tilespmem:s24+$0x30]  }
0x36f: {  	v63 =	vld [tilespmem:s1+$0xFFFFFFC0];
	v21 =	vunpack.i.l.bf16.f32 v21;
	v26 =	vadd.f32 v49, v26;
	v25 =	vmul.f32 v51, v8  }
0x370: {  	v53 =	vld [tilespmem:s1+$0xFFFFFF40];
	v28 =	vunpack.i.l.bf16.f32 v47;
	v21 =	vadd.f32 v29, v21  }
0x371: {  	v54 =	vunpack.i.u.bf16.f32 v22;
	[tilespmem:s4+$0xFFFFFF20] =	vst v26;
	v25 =	vadd.f32 v25, v28  }
0x372: {  	v15 =	vadd.f32 v15, v24;
	v56 =	vmul.f32 v54, v7;
	[tilespmem:s4+$0xFFFFFFA0] =	vst v21;
	v55 =	vld [tilespmem:s24+$0xFFFFFF30]  }
0x373: {  	v14 =	vadd.f32 v14, v20;
	v58 =	vunpack.i.l.bf16.f32 v22;
	v57 =	vld [tilespmem:s24+$0xFFFFFFB0];
	[tilespmem:s4+$0xA0] =	vst v25;
	v59 =	vunpack.i.u.bf16.f32 v52  }
0x374: {  	v60 =	vadd.f32 v56, v58;
	v44 =	vunpack.i.u.bf16.f32 v63;
	v61 =	vld [tilespmem:s24+$0xB0];
	v62 =	vmul.f32 v59, v11  }
0x375: {  	v32 =	vunpack.i.u.bf16.f32 v53;
	v45 =	vmul.f32 v44, v4;
	v33 =	vunpack.i.l.bf16.f32 v52  }
0x376: {  	[tilespmem:s12+$0xFFFFFF60] =	vst v17;
	v20 =	vunpack.i.l.bf16.f32 v63;
	v34 =	vmul.f32 v32, v5;
	v22 =	vadd.f32 v62, v33  }
0x377: {  	v16 =	vld [tilespmem:s13+$0xFFFFFF70];
	[tilespmem:s14+$0x40] =	vst v60;
	v37 =	vunpack.i.l.bf16.f32 v53;
	v20 =	vadd.f32 v45, v20;
	v35 =	vunpack.i.u.bf16.f32 v55  }
0x378: {  	v36 =	vld [tilespmem:s1+$0x50];
	v25 =	vadd.f32 v34, v37;
	v38 =	vunpack.i.u.bf16.f32 v57;
	v24 =	vmul.f32 v35, v10;
	[tilespmem:s4+$0x30] =	vst v22  }
0x379: {  	[tilespmem:s14+$0xB0] =	vst v23;
	v40 =	vunpack.i.l.bf16.f32 v55;
	v27 =	vmul.f32 v38, v9;
	v41 =	vunpack.i.u.bf16.f32 v61;
	v43 =	vld [tilespmem:s24+$0x40]  }
0x37a: {  	v39 =	vld [tilespmem:s1+$0xC0];
	[tilespmem:s14+$0xFFFFFFC0] =	vst v20;
	v42 =	vunpack.i.l.bf16.f32 v57;
	v24 =	vadd.f32 v24, v40;
	v17 =	vmul.f32 v41, v8  }
0x37b: {  	v56 =	vld [tilespmem:s1+$0xFFFFFFD0];
	[tilespmem:s14+$0xFFFFFF40] =	vst v25;
	v21 =	vunpack.i.l.bf16.f32 v61;
	v22 =	vadd.f32 v27, v42  }
0x37c: {  	v12 =	vunpack.i.l.bf16.f32 v12;
	v46 =	vld [tilespmem:s1+$0xFFFFFF50];
	[tilespmem:s4+$0xFFFFFF30] =	vst v24;
	v17 =	vadd.f32 v17, v21  }
0x37d: {  	v12 =	vadd.f32 v13, v12;
	v58 =	vunpack.i.u.bf16.f32 v16;
	v47 =	vunpack.i.u.bf16.f32 v36;
	[tilespmem:s4+$0xFFFFFFB0] =	vst v22;
	v48 =	vld [tilespmem:s24+$0xFFFFFF40]  }
0x37e: {  	v16 =	vunpack.i.l.bf16.f32 v16;
	v24 =	vmul.f32 v47, v7;
	v50 =	vld [tilespmem:s24+$0xFFFFFFC0];
	[tilespmem:s4+$0xB0] =	vst v17;
	v51 =	vunpack.i.u.bf16.f32 v43  }
0x37f: {  	v23 =	vunpack.i.l.bf16.f32 v36;
	v49 =	vunpack.i.u.bf16.f32 v39;
	v54 =	vld [tilespmem:s24+$0xC0];
	v17 =	vmul.f32 v51, v11  }
0x380: {  	v22 =	vmul.f32 v49, v6;
	v53 =	vadd.f32 v24, v23;
	v57 =	vunpack.i.l.bf16.f32 v43  }
0x381: {  	v52 =	vunpack.i.l.bf16.f32 v39;
	v35 =	vunpack.i.u.bf16.f32 v56;
	v17 =	vadd.f32 v17, v57  }
0x382: {  	v61 =	vunpack.i.u.bf16.f32 v46;
	v55 =	vadd.f32 v22, v52;
	[tilespmem:s14+$0x50] =	vst v53;
	v59 =	vunpack.i.u.bf16.f32 v48  }
0x383: {  	v24 =	vmul.f32 v61, v5;
	v60 =	vld [tilespmem:s1+$0x60];
	v62 =	vunpack.i.u.bf16.f32 v50;
	v20 =	vmul.f32 v59, v10;
	[tilespmem:s4+$0x40] =	vst v17  }
0x384: {  	[tilespmem:s12+$0xFFFFFFE0] =	vst v19;
	v21 =	vunpack.i.l.bf16.f32 v48;
	v32 =	vmul.f32 v62, v9;
	v34 =	vunpack.i.u.bf16.f32 v54;
	v33 =	vld [tilespmem:s24+$0x50]  }
0x385: {  	[tilespmem:s14+$0xC0] =	vst v55;
	v25 =	vunpack.i.l.bf16.f32 v50;
	v20 =	vadd.f32 v20, v21;
	v21 =	vmul.f32 v34, v8  }
0x386: {  	[tilespmem:s12+$0xE0] =	vst v18;
	v27 =	vunpack.i.l.bf16.f32 v46;
	v63 =	vld [tilespmem:s1+$0xD0];
	v23 =	vunpack.i.l.bf16.f32 v54;
	v17 =	vadd.f32 v32, v25  }
0x387: {  	v19 =	vmul.f32 v35, v4;
	v38 =	vadd.f32 v24, v27;
	v24 =	vld [tilespmem:s13+$0xF0];
	[tilespmem:s4+$0xFFFFFF40] =	vst v20;
	v21 =	vadd.f32 v21, v23  }
0x388: {  	v2 =	vmul.f32 v58, v2;
	v22 =	vunpack.i.l.bf16.f32 v56;
	v36 =	vunpack.i.u.bf16.f32 v60;
	[tilespmem:s4+$0xFFFFFFC0] =	vst v17;
	v37 =	vld [tilespmem:s24+$0xFFFFFF50]  }
0x389: {  	v19 =	vadd.f32 v19, v22;
	v39 =	vmul.f32 v36, v7;
	v40 =	vld [tilespmem:s24+$0xFFFFFFD0];
	[tilespmem:s4+$0xC0] =	vst v21;
	v42 =	vunpack.i.u.bf16.f32 v33  }
0x38a: {  	v2 =	vadd.f32 v2, v16;
	v13 =	vunpack.i.l.bf16.f32 v60;
	v43 =	vld [tilespmem:s24+$0xD0];
	v21 =	vmul.f32 v42, v11  }
0x38b: {  	[tilespmem:s14+$0xFFFFFFD0] =	vst v19;
	v41 =	vunpack.i.u.bf16.f32 v63;
	v13 =	vadd.f32 v39, v13;
	v28 =	vunpack.i.l.bf16.f32 v33  }
0x38c: {  	[tilespmem:s14+$0xFFFFFF50] =	vst v38;
	v48 =	vld [tilespmem:s1+$0xFFFFFFE0];
	v51 =	vunpack.i.u.bf16.f32 v24;
	v25 =	vmul.f32 v41, v6;
	v47 =	vadd.f32 v21, v28  }
0x38d: {  	v46 =	vld [tilespmem:s1+$0xFFFFFF60];
	v45 =	vunpack.i.l.bf16.f32 v63;
	v1 =	vmul.f32 v51, v1;
	[tilespmem:s14+$0x60] =	vst v13;
	v49 =	vunpack.i.u.bf16.f32 v37  }
0x38e: {  	v20 =	vld [tilespmem:s13+$0xFFFFFFF0];
	v25 =	vadd.f32 v25, v45;
	v50 =	vunpack.i.u.bf16.f32 v40;
	v13 =	vmul.f32 v49, v10;
	[tilespmem:s4+$0x50] =	vst v47  }
0x38f: {  	v17 =	vunpack.i.l.bf16.f32 v37;
	v18 =	vmul.f32 v50, v9;
	v53 =	vunpack.i.u.bf16.f32 v43;
	v19 =	vld [tilespmem:s24+$0x60]  }
0x390: {  	[tilespmem:s14+$0xD0] =	vst v25;
	v23 =	vunpack.i.l.bf16.f32 v40;
	v13 =	vadd.f32 v13, v17;
	v25 =	vmul.f32 v53, v8  }
0x391: {  	v56 =	vunpack.i.u.bf16.f32 v48;
	v54 =	vld [tilespmem:s1+$0xE0];
	v22 =	vunpack.i.l.bf16.f32 v43;
	v18 =	vadd.f32 v18, v23  }
0x392: {  	v57 =	vunpack.i.l.bf16.f32 v48;
	v55 =	vunpack.i.u.bf16.f32 v46;
	v52 =	vld [tilespmem:s1+$0x70];
	v22 =	vadd.f32 v25, v22;
	[tilespmem:s4+$0xFFFFFF50] =	vst v13  }
0x393: {  	v27 =	vunpack.i.l.bf16.f32 v46;
	v58 =	vmul.f32 v56, v4;
	v23 =	vmul.f32 v55, v5;
	[tilespmem:s4+$0xFFFFFFD0] =	vst v18;
	v60 =	vld [tilespmem:s24+$0xFFFFFF60]  }
0x394: {  	v44 =	vunpack.i.u.bf16.f32 v20;
	v42 =	vunpack.i.l.bf16.f32 v20;
	v63 =	vld [tilespmem:s24+$0xFFFFFFE0];
	[tilespmem:s4+$0xD0] =	vst v22;
	v62 =	vunpack.i.u.bf16.f32 v19  }
0x395: {  	v3 =	vmul.f32 v44, v3;
	v23 =	vadd.f32 v23, v27;
	v31 =	vld [tilespmem:s24+$0xE0];
	v25 =	vmul.f32 v62, v11  }
0x396: {  	[tilespmem:s11+$0xFFFFFF70] =	vst v15;
	v30 =	vunpack.i.u.bf16.f32 v54;
	v13 =	vadd.f32 v58, v57;
	v19 =	vunpack.i.l.bf16.f32 v19  }
0x397: {  	v44 =	vunpack.i.l.bf16.f32 v24;
	v32 =	vmul.f32 v30, v6;
	[tilespmem:s14+$0xFFFFFF60] =	vst v23;
	v19 =	vadd.f32 v25, v19  }
0x398: {  	v59 =	vunpack.i.u.bf16.f32 v52;
	v17 =	vunpack.i.l.bf16.f32 v54;
	[tilespmem:s14+$0xFFFFFFE0] =	vst v13;
	v34 =	vld [tilespmem:s1+$0xFFFFFF70];
	v35 =	vunpack.i.u.bf16.f32 v60  }
0x399: {  	v15 =	vadd.f32 v32, v17;
	v36 =	vld [tilespmem:s1+$0xFFFFFFF0];
	v37 =	vunpack.i.u.bf16.f32 v63;
	v17 =	vmul.f32 v35, v10;
	[tilespmem:s4+$0x60] =	vst v19  }
0x39a: {  	[tilespmem:s11+$0xFFFFFFF0] =	vst v14;
	v18 =	vunpack.i.l.bf16.f32 v60;
	v39 =	vunpack.i.u.bf16.f32 v31;
	v19 =	vmul.f32 v37, v9;
	v38 =	vld [tilespmem:s24+$0x70]  }
0x39b: {  	[tilespmem:s14+$0xE0] =	vst v15;
	v41 =	vunpack.i.l.bf16.f32 v63;
	v22 =	vmul.f32 v39, v8;
	v17 =	vadd.f32 v17, v18  }
0x39c: {  	[tilespmem:s11+$0xF0] =	vst v12;
	v61 =	vmul.f32 v59, v7;
	v40 =	vld [tilespmem:s1+$0xF0];
	v43 =	vunpack.i.l.bf16.f32 v31;
	v19 =	vadd.f32 v19, v41  }
0x39d: {  	v1 =	vadd.f32 v1, v44;
	v33 =	vunpack.i.l.bf16.f32 v52;
	v18 =	vadd.f32 v22, v43;
	[tilespmem:s4+$0xFFFFFF60] =	vst v17  }
0x39e: {  	v3 =	vadd.f32 v3, v42;
	v7 =	vadd.f32 v61, v33;
	v45 =	vunpack.i.u.bf16.f32 v34;
	v46 =	vld [tilespmem:s24+$0xFFFFFF70];
	[tilespmem:s4+$0xFFFFFFE0] =	vst v19  }
0x39f: {  	v47 =	vunpack.i.u.bf16.f32 v36;
	v56 =	vunpack.i.l.bf16.f32 v34;
	[tilespmem:s4+$0xE0] =	vst v18;
	v50 =	vld [tilespmem:s24+$0xFFFFFFF0];
	v49 =	vunpack.i.u.bf16.f32 v38  }
0x3a0: {  	[tilespmem:s12+$0xFFFFFF70] =	vst v2;
	v57 =	vunpack.i.l.bf16.f32 v36;
	v48 =	vmul.f32 v45, v5;
	v54 =	vld [tilespmem:s24+$0xF0];
	v53 =	vmul.f32 v49, v11  }
0x3a1: {  	[tilespmem:s12+$0xF0] =	vst v1;
	v52 =	vmul.f32 v47, v4;
	v51 =	vunpack.i.u.bf16.f32 v40;
	v55 =	vunpack.i.l.bf16.f32 v38  }
0x3a2: {  	[tilespmem:s12+$0xFFFFFFF0] =	vst v3;
	v58 =	vunpack.i.l.bf16.f32 v40;
	v2 =	vmul.f32 v51, v6;
	v3 =	vadd.f32 v53, v55  }
0x3a3: {  	[tilespmem:s14+$0x70] =	vst v7;
	v5 =	vadd.f32 v48, v56;
	v1 =	vadd.f32 v52, v57;
	v59 =	vunpack.i.u.bf16.f32 v46  }
0x3a4: {  	v2 =	vadd.f32 v2, v58;
	v60 =	vmul.f32 v59, v10;
	[tilespmem:s4+$0x70] =	vst v3;
	v3 =	vunpack.i.u.bf16.f32 v50  }
0x3a5: {  	s10 =	sadd.s32 $0x1, s10;
	[tilespmem:s14+$0xFFFFFF70] =	vst v5;
	v62 =	vunpack.i.l.bf16.f32 v46;
	v61 =	vunpack.i.u.bf16.f32 v54;
	v3 =	vmul.f32 v3, v9  }
0x3a6: {  	p1 =	sne.s32 s10, $0x5;
	[tilespmem:s14+$0xFFFFFFF0] =	vst v1;
	v63 =	vunpack.i.l.bf16.f32 v50;
	v1 =	vmul.f32 v61, v8;
	v4 =	vadd.f32 v60, v62  }
.Ltmp6:
0x3a7: {  	[tilespmem:s14+$0xF0] =	vst v2;
	v2 =	vadd.f32 v3, v63;
	v3 =	vunpack.i.l.bf16.f32 v54;
	(pc) =	sbr.rel @p1 .LBB2_6-.Ltmp6, $4  }
0x3a8: {  	[tilespmem:s4+$0xFFFFFF70] =	vst v4;
	v1 =	vadd.f32 v1, v3  }
0x3a9: {  	[tilespmem:s4+$0xFFFFFFF0] =	vst v2  }
0x3aa: {  	s31 =	simm.s32 $0x1400;
	[tilespmem:s4+$0xF0] =	vst v1  }
0x3ab: {  	[spmem:s3] =	stream.indirect.scatter.add.f32 [tilespmem:s15], [sflag:$0x3], $0x80, s31, s19, $0xb8;
	[tilespmem:$0x1F880] =	vst v63  }
0x3ac: {  	_ =	swait.ge [sflag:s29], $0x2800  }
0x3ad: {  	[sflag:s29] =	ssyncset.done $0x0  }
0x3ae: {  	s0 =	simm.s32 $0x4;
	[sflag:s29] =	ssyncadd.s32 $0xFFFFD800  }
0x3af: {  	_ =	swait.ge [sflag:s0], $0x2800  }
0x3b0: {  	[sflag:s0] =	ssyncset.done $0x0  }
0x3b1: {  	[sflag:s0] =	ssyncadd.s32 $0xFFFFD800  }
0x3b2: {  	s0 =	stileid.u32;
	[bflag:$0x0] =	sbarrier.arrive $0xFFFF  }
0x3b3: {  	s0 =	sshll.u32 @!p0 s0, $0x6;
	s1 =	rddreg [dreg:$0x8]  }
0x3b4: {  	s0 =	sor.u32 @!p0 $0x1C05, s0;
	s4 =	rddreg [dreg:$0x16];
	s1 =	sshrl.u32 @!p0 s1, $0x3  }
0x3b5: {  	[hbm:s4], [sflag:s0] =	dma.local @!p0 [spmem:s1], $0x3E80  }
0x3b6: {  	s0 =	simm.s32 @!p0 $0x5  }
0x3b7: {  	_ =	swait.ge @!p0 [sflag:s0], $0x3E80  }
0x3b8: {  	s7 =	rddreg [dreg:$0x4]  }
0x3b9: {  	s31 =	rddreg [dreg:$0x17];
	s7 =	sadd.s32 $0x1, s7  }
0x3ba: {  	p1 =	sne.s32 s7, s31  }
.Ltmp7:
0x3bb: {  	_ = 	snop;
	(pc) =	sbr.rel @p1 .LBB2_1-.Ltmp7, $3  }
0x3bc: {  	_ =	sdelay $0x1  }
0x3bd: {  	[sflag:s0] =	ssyncset.done @!p0 $0x0  }
0x3be: {  	[sflag:s0] =	ssyncadd.s32 @!p0 $0xFFFFC180  }
0x3bf: {  	_ =	sfence.sel $0x180000  }
0x3c0: {  	[bflag:$0x0] =	sbarrier.arrive $0xFFFF  }
0x3c1: {  	_ =	strace $0x90000050  }
0x3c2: {  	s0 =	stileid.u32;
	[bflag:$0x2] =	sbarrier.arrive $0xFFFF  }
0x3c3: {  	p0 =	sne.s32 s0, $0x0;
	s0 =	rddreg [dreg:$0x3]  }
0x3c4: {  	s0 =	sadd.s32 @!p0 $0x100000, s0  }
0x3c5: {  	[sflag:s0] =	ssyncadd.tile.s32 @!p0 $0x1;
	_ =	shalt  }
.Lfunc_end2:
_tile_overlayer_lowered:
.L_overlay_start_2:
0x3c6: {  	(tag) =	ssettag $0x2  }
0x3c7: {  	s0 =	rddreg [dreg:$0x0];
	s2 =	stileid.u32  }
0x3c8: {  	s1 =	rddreg [dreg:$0x1];
	p0 =	sne.s32 s2, $0x0  }
0x3c9: {  	s3 =	rddreg [dreg:$0x2];
	[bflag:$0x3] =	sbarrier.arrive $0xFFFF;
	s2 =	simm.s32 @!p0 $0x1C05  }
0x3ca: {  	[timem:s3], [sflag:s2] =	dma.local @!p0 [hbm:s0], s1  }
0x3cb: {  	s0 =	simm.s32 @!p0 $0x5  }
0x3cc: {  	_ =	swait.ge @!p0 [sflag:s0], s1  }
0x3cd: {  	s1 =	ssub.s32 @!p0 $0x0, s1;
	[sflag:s0] =	ssyncset.done @!p0 $0x0  }
0x3ce: {  	[sflag:s0] =	ssyncadd.s32 @!p0 s1  }
0x3cf: {  	[bflag:$0x3] =	sbarrier.arrive $0xFFFF  }
0x3d0: {  	_ =	shalt  }

</sc_bundles>
